<compile_context>
chip_gen: v7x
topology: tpu7x:2x2x1
jax: 0.10.2.dev20260603
libtpu: 0.0.44.dev20260713+nightly
codegen_flags: <defaults>
</compile_context>

<pallas_src>
import functools

import jax
import jax.numpy as jnp
from jax import lax
from jax.experimental import pallas as pl
from jax.experimental.pallas import tpu as pltpu
from jax.experimental.pallas import tpu_sc as plsc

B = 4
N = 16384
M = 1024
K = 32
C_FEAT = 64
NSUB = 128
NLANE = 128
QBLK = 128

_BIG = 1e10



def _fps_body(xyzt_ref, idx_ref, lct_ref, dist_ref):
    x0 = xyzt_ref[0]
    x1 = xyzt_ref[1]
    x2 = xyzt_ref[2]
    ii = (lax.broadcasted_iota(jnp.int32, (B, NSUB, NLANE), 1) * NLANE
          + lax.broadcasted_iota(jnp.int32, (B, NSUB, NLANE), 2))
    im = lax.broadcasted_iota(jnp.int32, (B, M), 1)
    dist_ref[...] = jnp.full((B, NSUB, NLANE), _BIG, jnp.float32)

    def _rmin(a):
        return jnp.min(jnp.min(a, axis=2, keepdims=True), axis=1, keepdims=True)

    def _rmax(a):
        return jnp.max(jnp.max(a, axis=2, keepdims=True), axis=1, keepdims=True)

    def _rsum(a):
        return jnp.sum(jnp.sum(a, axis=2, keepdims=True), axis=1, keepdims=True)

    def body(i, far):
        sel = im == i
        idx_ref[...] = jnp.where(sel, far[:, :, 0], idx_ref[...])
        onehot = ii == far
        zero = jnp.float32(0.0)
        cx = _rsum(jnp.where(onehot, x0, zero))
        cy = _rsum(jnp.where(onehot, x1, zero))
        cz = _rsum(jnp.where(onehot, x2, zero))
        lct_ref[0] = jnp.where(sel, cx[:, :, 0], lct_ref[0])
        lct_ref[1] = jnp.where(sel, cy[:, :, 0], lct_ref[1])
        lct_ref[2] = jnp.where(sel, cz[:, :, 0], lct_ref[2])
        dx = x0 - cx
        dy = x1 - cy
        dz = x2 - cz
        d = dx * dx + dy * dy + dz * dz
        dist = jnp.minimum(dist_ref[...], d)
        dist_ref[...] = dist
        m = _rmax(dist)
        far_new = _rmin(jnp.where(dist == m, ii, jnp.int32(N)))
        return far_new

    lax.fori_loop(0, M, body, jnp.zeros((B, 1, 1), jnp.int32))


def _run_fps(xyz):
    xyzt = xyz.transpose(2, 0, 1).reshape(3, B, NSUB, NLANE)
    return pl.pallas_call(
        _fps_body,
        out_shape=[
            jax.ShapeDtypeStruct((B, M), jnp.int32),
            jax.ShapeDtypeStruct((3, B, M), jnp.float32),
        ],
        scratch_shapes=[pltpu.VMEM((B, NSUB, NLANE), jnp.float32)],
    )(xyzt)



NCH = 128
NEH = 16
NEL = 8
TPC = 6
_SH4 = (QBLK, NEH, NEL, NCH)


def _knn_body(lc_ref, xyzr_ref, idx_ref, dist_ref, cv_ref, ci_ref):
    q = lc_ref[0]
    qx = q[:, 0:1].reshape(QBLK, 1, 1, 1)
    qy = q[:, 1:2].reshape(QBLK, 1, 1, 1)
    qz = q[:, 2:3].reshape(QBLK, 1, 1, 1)
    px = xyzr_ref[0:1]
    py = xyzr_ref[1:2]
    pz = xyzr_ref[2:3]

    def _b(v):
        return v.astype(jnp.bfloat16).astype(jnp.float32)

    dot = _b(qx) * _b(px) + _b(qy) * _b(py) + _b(qz) * _b(pz)
    d = jnp.float32(-2.0) * dot
    d = d + (qx * qx + qy * qy + qz * qz)
    d = d + (px * px + py * py + pz * pz)
    dist_ref[...] = d

    sh3 = (QBLK, NEL, NCH)
    iel3 = lax.broadcasted_iota(jnp.int32, sh3, 1)
    ic3 = lax.broadcasted_iota(jnp.int32, sh3, 2)
    ik = lax.broadcasted_iota(jnp.int32, (QBLK, K), 1)
    iiN = jnp.int32(N)

    def _ii(eh):
        return ic3 * (NEH * NEL) + (eh * NEL) + iel3

    acc = dist_ref[:, 0]
    for eh in range(1, NEH):
        acc = jnp.minimum(acc, dist_ref[:, eh])
    mt = jnp.min(acc, axis=1, keepdims=True)
    for t in range(TPC):
        iacc = jnp.where(dist_ref[:, 0] == mt, _ii(0), iiN)
        for eh in range(1, NEH):
            iacc = jnp.minimum(
                iacc, jnp.where(dist_ref[:, eh] == mt, _ii(eh), iiN))
        it = jnp.min(iacc, axis=1, keepdims=True)
        cv_ref[:, t * NCH:(t + 1) * NCH] = mt[:, 0, :]
        ci_ref[:, t * NCH:(t + 1) * NCH] = it[:, 0, :]
        if t + 1 < TPC:
            dn = jnp.where(_ii(0) == it, _BIG, dist_ref[:, 0])
            dist_ref[:, 0] = dn
            acc = dn
            for eh in range(1, NEH):
                dn = jnp.where(_ii(eh) == it, _BIG, dist_ref[:, eh])
                dist_ref[:, eh] = dn
                acc = jnp.minimum(acc, dn)
            mt = jnp.min(acc, axis=1, keepdims=True)

    c6v = cv_ref[:, (TPC - 1) * NCH:TPC * NCH]
    c6i = ci_ref[:, (TPC - 1) * NCH:TPC * NCH]

    def body(j, _):
        cv = cv_ref[...]
        civ = ci_ref[...]
        m = jnp.min(cv, axis=1, keepdims=True)
        sel = jnp.where(cv == m, civ, iiN)
        idxj = jnp.min(sel, axis=1, keepdims=True)
        idx_ref[0] = jnp.where(ik == j, idxj, idx_ref[0])
        cv_ref[...] = jnp.where(civ == idxj, _BIG, cv)
        return (m, idxj)

    z2 = jnp.zeros((QBLK, 1), jnp.float32), jnp.zeros((QBLK, 1), jnp.int32)
    v32, i32v = lax.fori_loop(0, K, body, z2)

    viol = (c6v < v32) | ((c6v == v32) & (c6i <= i32v))
    nviol = jnp.sum(jnp.sum(viol.astype(jnp.int32), axis=1, keepdims=True),
                    axis=0, keepdims=True)

    @pl.when(nviol[0, 0] > 0)
    def _fallback():
        dist_ref[...] = d
        ic = lax.broadcasted_iota(jnp.int32, _SH4, 3)
        ieh = lax.broadcasted_iota(jnp.int32, _SH4, 1)
        iel = lax.broadcasted_iota(jnp.int32, _SH4, 2)
        ii4 = ic * (NEH * NEL) + ieh * NEL + iel

        def _vmin(a):
            return jnp.min(jnp.min(a, axis=2, keepdims=True), axis=1,
                           keepdims=True)

        def fbody(j, m):
            dc = dist_ref[...]
            sel = jnp.where(dc == m, ii4, iiN)
            idxj = jnp.min(jnp.min(jnp.min(
                sel, axis=2, keepdims=True), axis=1, keepdims=True),
                axis=3, keepdims=True)
            idx_ref[0] = jnp.where(ik == j, idxj[:, :, 0, 0], idx_ref[0])
            dn = jnp.where(ii4 == idxj, _BIG, dc)
            dist_ref[...] = dn
            return jnp.min(_vmin(dn), axis=3, keepdims=True)

        m0 = jnp.min(_vmin(d), axis=3, keepdims=True)
        lax.fori_loop(0, K, fbody, m0)


def _run_knn(lc_xyz, xyz):
    xyzr = xyz.reshape(B, NCH, NEH, NEL, 3).transpose(0, 4, 2, 3, 1)
    xyzr = xyzr.reshape(B * 3, NEH, NEL, NCH)
    return pl.pallas_call(
        _knn_body,
        grid=(B, M // QBLK),
        in_specs=[
            pl.BlockSpec((1, QBLK, 3), lambda b, s: (b, s, 0)),
            pl.BlockSpec((3, NEH, NEL, NCH), lambda b, s: (b, 0, 0, 0)),
        ],
        out_specs=pl.BlockSpec((1, QBLK, K), lambda b, s: (b, s, 0)),
        out_shape=jax.ShapeDtypeStruct((B, M, K), jnp.int32),
        scratch_shapes=[
            pltpu.VMEM(_SH4, jnp.float32),
            pltpu.VMEM((QBLK, TPC * NCH), jnp.float32),
            pltpu.VMEM((QBLK, TPC * NCH), jnp.int32),
        ],
    )(lc_xyz, xyzr)



_NC = 2
_NS = 16
_NW = _NC * _NS
_CHUNK = 128
_LC_PER_W = (B * M) // _NW
_KNN_PER_W = (B * M * K) // _NW
_KNN_CHUNKS = _KNN_PER_W // _CHUNK


def _sc_gather_body(xf_hbm, xyzp_hbm, fps_hbm, knn_hbm,
                    lcx_out, kxyz_out, kx_out,
                    lci_v, lcr_v, ki_v, kxyzr_v, kxr_v, sem1, sem2):
    wid = lax.axis_index("s") * _NC + lax.axis_index("c")
    pltpu.sync_copy(fps_hbm.at[pl.ds(wid * _LC_PER_W, _LC_PER_W)], lci_v)
    pltpu.async_copy(xf_hbm.at[lci_v], lcr_v, sem1).wait()
    pltpu.sync_copy(lcr_v, lcx_out.at[pl.ds(wid * _LC_PER_W, _LC_PER_W)])
    pltpu.sync_copy(knn_hbm.at[pl.ds(wid * _KNN_CHUNKS, _KNN_CHUNKS)], ki_v)

    def chunk(j, _):
        row = ki_v.at[j]
        cp1 = pltpu.async_copy(xyzp_hbm.at[row], kxyzr_v, sem1)
        cp2 = pltpu.async_copy(xf_hbm.at[row], kxr_v, sem2)
        cp1.wait()
        cp2.wait()
        base = wid * _KNN_PER_W + j * _CHUNK
        pltpu.sync_copy(kxyzr_v, kxyz_out.at[pl.ds(base, _CHUNK)])
        pltpu.sync_copy(kxr_v, kx_out.at[pl.ds(base, _CHUNK)])
        return 0

    lax.fori_loop(0, _KNN_CHUNKS, chunk, 0)


@functools.cache
def _make_sc_gather():
    return functools.partial(
        pl.kernel,
        mesh=plsc.VectorSubcoreMesh(core_axis_name="c", subcore_axis_name="s",
                                    num_cores=_NC, num_subcores=_NS),
        out_type=[
            jax.ShapeDtypeStruct((B * M, C_FEAT), jnp.float32),
            jax.ShapeDtypeStruct((B * M * K, 16), jnp.float32),
            jax.ShapeDtypeStruct((B * M * K, C_FEAT), jnp.float32),
        ],
        scratch_types=[
            pltpu.VMEM((_LC_PER_W,), jnp.int32),
            pltpu.VMEM((_LC_PER_W, C_FEAT), jnp.float32),
            pltpu.VMEM((_KNN_CHUNKS, _CHUNK), jnp.int32),
            pltpu.VMEM((_CHUNK, 16), jnp.float32),
            pltpu.VMEM((_CHUNK, C_FEAT), jnp.float32),
            pltpu.SemaphoreType.DMA,
            pltpu.SemaphoreType.DMA,
        ],
        compiler_params=pltpu.CompilerParams(use_tc_tiling_on_sc=False),
    )(_sc_gather_body)



def kernel(xyz, x):
    fps_idx, lct = _run_fps(xyz)
    lc_xyz = lct.transpose(1, 2, 0)
    knn_idx = _run_knn(lc_xyz, xyz)

    xf = x.reshape(B * N, C_FEAT)
    xyzp = jnp.pad(xyz, ((0, 0), (0, 0), (0, 13))).reshape(B * N, 16)
    base = jnp.arange(B, dtype=jnp.int32) * N
    fps_flat = (fps_idx + base[:, None]).reshape(-1)
    knn_flat = (knn_idx + base[:, None, None]).reshape(B * M * K // _CHUNK,
                                                       _CHUNK)
    lcx_rows, kxyz_rows, kx_rows = _make_sc_gather()(xf, xyzp, fps_flat,
                                                     knn_flat)

    lc_x = lcx_rows.reshape(B, M, C_FEAT)
    knn_xyz = kxyz_rows.reshape(B, M, K, 16)[..., :3]
    knn_x = kx_rows.reshape(B, M, K, C_FEAT)
    return lc_xyz, lc_x, knn_xyz, knn_x

# --- scband reference (transcript-rebuilt; emitter-appended) ---
"""Pipeline reference for scband-fps-k-nn-49331994362179 (READ-ONLY COPY).

The authoritative reference and input builder live on the scoring server;
editing this copy changes nothing except your own understanding.
"""

import jax, jax.numpy as jnp
import numpy as np

GROUP_NUM = 1024
K_NEIGHBORS = 32


def index_points(points, idx):
    # points: [B, N, C]; idx: [B, ...] int -> [B, ..., C]
    B = points.shape[0]
    flat = idx.reshape(B, -1)
    out = jnp.take_along_axis(points, flat[..., None], axis=1)
    return out.reshape(idx.shape + (points.shape[-1],))


def furthest_point_sample(xyz, m):
    # xyz: [B, N, 3] -> [B, m] int32 indices
    B, N, _ = xyz.shape

    def body(i, state):
        dist, farthest, idxs = state
        idxs = idxs.at[:, i].set(farthest)
        centroid = jnp.take_along_axis(xyz, farthest[:, None, None], axis=1)  # [B,1,3]
        d = jnp.sum((xyz - centroid) ** 2, axis=-1)  # [B,N]
        dist = jnp.minimum(dist, d)
        farthest = jnp.argmax(dist, axis=-1).astype(jnp.int32)
        return (dist, farthest, idxs)

    dist0 = jnp.full((B, N), 1e10, dtype=xyz.dtype)
    far0 = jnp.zeros((B,), dtype=jnp.int32)
    idxs0 = jnp.zeros((B, m), dtype=jnp.int32)
    _, _, idxs = jax.lax.fori_loop(0, m, body, (dist0, far0, idxs0))
    return idxs


def square_distance(src, dst):
    # src: [B, S, 3], dst: [B, N, 3] -> [B, S, N]
    d = -2.0 * jnp.einsum('bsc,bnc->bsn', src, dst)
    d = d + jnp.sum(src ** 2, axis=-1)[:, :, None]
    d = d + jnp.sum(dst ** 2, axis=-1)[:, None, :]
    return d


def knn_point(k, xyz, new_xyz):
    # neighbors of new_xyz among xyz -> [B, S, k] indices
    sqrdists = square_distance(new_xyz, xyz)
    _, idx = jax.lax.top_k(-sqrdists, k)
    return idx


def setup_inputs(seed: int = 0) -> dict:
    key = jax.random.key(seed)
    k1, k2 = jax.random.split(key)
    xyz = jax.random.uniform(k1, (4, 16384, 3), dtype=jnp.float32)
    x = jax.random.normal(k2, (4, 16384, 64), dtype=jnp.float32)
    return {"xyz": xyz, "x": x}


def reference(xyz, x):
    fps_idx = furthest_point_sample(xyz, GROUP_NUM)
    lc_xyz = index_points(xyz, fps_idx)
    lc_x = index_points(x, fps_idx)
    knn_idx = knn_point(K_NEIGHBORS, xyz, lc_xyz)
    knn_xyz = index_points(xyz, knn_idx)
    knn_x = index_points(x, knn_idx)
    return (lc_xyz, lc_x, knn_xyz, knn_x)

if __name__ == "__main__":
    import jax
    _d = setup_inputs()
    print(jax.jit(kernel)(*tuple(_d.values())))

</pallas_src>

<mosaic_0001>
#map = affine_map<(d0, d1) -> (0, 0)>
#map1 = affine_map<(d0, d1) -> (0)>
module attributes {stable_mosaic.version = 14 : i64} {
  func.func @_sc_gather_body(%arg0: i32, %arg1: i32, %arg2: memref<65536x64xf32, #tpu.memory_space<hbm>>, %arg3: memref<65536x16xf32, #tpu.memory_space<hbm>>, %arg4: memref<4096xi32, #tpu.memory_space<hbm>>, %arg5: memref<1024x128xi32, #tpu.memory_space<hbm>>, %arg6: memref<4096x64xf32, #tpu.memory_space<hbm>>, %arg7: memref<131072x16xf32, #tpu.memory_space<hbm>>, %arg8: memref<131072x64xf32, #tpu.memory_space<hbm>>, %arg9: memref<128xi32, #tpu.memory_space<vmem>>, %arg10: memref<128x64xf32, #tpu.memory_space<vmem>>, %arg11: memref<32x128xi32, #tpu.memory_space<vmem>>, %arg12: memref<128x16xf32, #tpu.memory_space<vmem>>, %arg13: memref<128x64xf32, #tpu.memory_space<vmem>>, %arg14: memref<!tpu.dma_semaphore, #tpu.memory_space<semaphore_mem>>, %arg15: memref<!tpu.dma_semaphore, #tpu.memory_space<semaphore_mem>>) attributes {dimension_semantics = [#tpu.dimension_semantics<core_parallel>, #tpu.dimension_semantics<subcore_parallel>], iteration_bounds = array<i64: 2, 16>, scalar_prefetch = 0 : i64, scratch_operands = 7 : i64, tpu.core_type = #tpu.core_type<sc_vector_subcore>, window_params = [{transform_indices = #map}, {transform_indices = #map}, {transform_indices = #map1}, {transform_indices = #map}, {transform_indices = #map}, {transform_indices = #map}, {transform_indices = #map}]} {
    %mul3A = arith.constant 2 : i32
    %mul3A_0 = arith.muli %arg1, %mul3A : i32
    %add3A = arith.addi %mul3A_0, %arg0 : i32
    %mul3A_1 = arith.constant 128 : i32
    %mul3A_2 = arith.muli %add3A, %mul3A_1 : i32
    "tpu.region"() ({
      %run_scoped3A = tpu.sem_alloc : memref<!tpu.dma_semaphore, #tpu.memory_space<semaphore_mem>>
      %dma_start3A_17 = tpu.memref_slice %arg4[%mul3A_2] : memref<4096xi32, #tpu.memory_space<hbm>> -> memref<128xi32, #tpu.memory_space<hbm>>
      %dma_start3A_18 = tpu.memref_slice %arg4[%mul3A_2] : memref<4096xi32, #tpu.memory_space<hbm>> -> memref<128xi32, #tpu.memory_space<hbm>>
      tpu.enqueue_dma source(%dma_start3A_18 : memref<128xi32, #tpu.memory_space<hbm>>) target(%arg9 : memref<128xi32, #tpu.memory_space<vmem>>) target_semaphore(%run_scoped3A : memref<!tpu.dma_semaphore, #tpu.memory_space<semaphore_mem>>)
      %dma_wait3A_19 = tpu.memref_slice %arg4[%mul3A_2] : memref<4096xi32, #tpu.memory_space<hbm>> -> memref<128xi32, #tpu.memory_space<hbm>>
      %dma_wait3A_20 = tpu.memref_slice %arg4[%mul3A_2] : memref<4096xi32, #tpu.memory_space<hbm>> -> memref<128xi32, #tpu.memory_space<hbm>>
      tpu.wait_dma2 semaphore(%run_scoped3A : memref<!tpu.dma_semaphore, #tpu.memory_space<semaphore_mem>>) src(%dma_wait3A_20 : memref<128xi32, #tpu.memory_space<hbm>>) dst(%arg9 : memref<128xi32, #tpu.memory_space<vmem>>)
      tpu.yield
    }) : () -> ()
    %dma_start3A = arith.constant 0 : i32
    %dma_start3A_3 = arith.constant 0 : i32
    %dma_start3A_4 = tpu.memref_slice %arg2[%dma_start3A, %dma_start3A_3] : memref<65536x64xf32, #tpu.memory_space<hbm>> -> memref<65536x64xf32, #tpu.memory_space<hbm>>
    tpu.enqueue_indirect_dma source(%dma_start3A_4 : memref<65536x64xf32, #tpu.memory_space<hbm>>) target(%arg10 : memref<128x64xf32, #tpu.memory_space<vmem>>) offsets(%arg9 : memref<128xi32, #tpu.memory_space<vmem>>) semaphore(%arg14 : memref<!tpu.dma_semaphore, #tpu.memory_space<semaphore_mem>>)
    %dma_wait3A = arith.constant 0 : i32
    %dma_wait3A_5 = arith.constant 0 : i32
    %dma_wait3A_6 = tpu.memref_slice %arg2[%dma_wait3A, %dma_wait3A_5] : memref<65536x64xf32, #tpu.memory_space<hbm>> -> memref<65536x64xf32, #tpu.memory_space<hbm>>
    tpu.wait_indirect_dma semaphore(%arg14 : memref<!tpu.dma_semaphore, #tpu.memory_space<semaphore_mem>>) src(%dma_wait3A_6 : memref<65536x64xf32, #tpu.memory_space<hbm>>) dst(%arg10 : memref<128x64xf32, #tpu.memory_space<vmem>>)
    %mul3A_7 = arith.constant 128 : i32
    %mul3A_8 = arith.muli %add3A, %mul3A_7 : i32
    "tpu.region"() ({
      %run_scoped3A = tpu.sem_alloc : memref<!tpu.dma_semaphore, #tpu.memory_space<semaphore_mem>>
      %dma_start3A_17 = arith.constant 0 : i32
      %dma_start3A_18 = tpu.memref_slice %arg6[%mul3A_8, %dma_start3A_17] : memref<4096x64xf32, #tpu.memory_space<hbm>> -> memref<128x64xf32, #tpu.memory_space<hbm>>
      %dma_start3A_19 = arith.constant 0 : i32
      %dma_start3A_20 = tpu.memref_slice %arg6[%mul3A_8, %dma_start3A_19] : memref<4096x64xf32, #tpu.memory_space<hbm>> -> memref<128x64xf32, #tpu.memory_space<hbm>>
      tpu.enqueue_dma source(%arg10 : memref<128x64xf32, #tpu.memory_space<vmem>>) target(%dma_start3A_20 : memref<128x64xf32, #tpu.memory_space<hbm>>) target_semaphore(%run_scoped3A : memref<!tpu.dma_semaphore, #tpu.memory_space<semaphore_mem>>)
      %dma_wait3A_21 = arith.constant 0 : i32
      %dma_wait3A_22 = tpu.memref_slice %arg6[%mul3A_8, %dma_wait3A_21] : memref<4096x64xf32, #tpu.memory_space<hbm>> -> memref<128x64xf32, #tpu.memory_space<hbm>>
      %dma_wait3A_23 = arith.constant 0 : i32
      %dma_wait3A_24 = tpu.memref_slice %arg6[%mul3A_8, %dma_wait3A_23] : memref<4096x64xf32, #tpu.memory_space<hbm>> -> memref<128x64xf32, #tpu.memory_space<hbm>>
      tpu.wait_dma2 semaphore(%run_scoped3A : memref<!tpu.dma_semaphore, #tpu.memory_space<semaphore_mem>>) src(%arg10 : memref<128x64xf32, #tpu.memory_space<vmem>>) dst(%dma_wait3A_24 : memref<128x64xf32, #tpu.memory_space<hbm>>)
      tpu.yield
    }) : () -> ()
    %mul3A_9 = arith.constant 32 : i32
    %mul3A_10 = arith.muli %add3A, %mul3A_9 : i32
    "tpu.region"() ({
      %run_scoped3A = tpu.sem_alloc : memref<!tpu.dma_semaphore, #tpu.memory_space<semaphore_mem>>
      %dma_start3A_17 = arith.constant 0 : i32
      %dma_start3A_18 = tpu.memref_slice %arg5[%mul3A_10, %dma_start3A_17] : memref<1024x128xi32, #tpu.memory_space<hbm>> -> memref<32x128xi32, #tpu.memory_space<hbm>>
      %dma_start3A_19 = arith.constant 0 : i32
      %dma_start3A_20 = tpu.memref_slice %arg5[%mul3A_10, %dma_start3A_19] : memref<1024x128xi32, #tpu.memory_space<hbm>> -> memref<32x128xi32, #tpu.memory_space<hbm>>
      tpu.enqueue_dma source(%dma_start3A_20 : memref<32x128xi32, #tpu.memory_space<hbm>>) target(%arg11 : memref<32x128xi32, #tpu.memory_space<vmem>>) target_semaphore(%run_scoped3A : memref<!tpu.dma_semaphore, #tpu.memory_space<semaphore_mem>>)
      %dma_wait3A_21 = arith.constant 0 : i32
      %dma_wait3A_22 = tpu.memref_slice %arg5[%mul3A_10, %dma_wait3A_21] : memref<1024x128xi32, #tpu.memory_space<hbm>> -> memref<32x128xi32, #tpu.memory_space<hbm>>
      %dma_wait3A_23 = arith.constant 0 : i32
      %dma_wait3A_24 = tpu.memref_slice %arg5[%mul3A_10, %dma_wait3A_23] : memref<1024x128xi32, #tpu.memory_space<hbm>> -> memref<32x128xi32, #tpu.memory_space<hbm>>
      tpu.wait_dma2 semaphore(%run_scoped3A : memref<!tpu.dma_semaphore, #tpu.memory_space<semaphore_mem>>) src(%dma_wait3A_24 : memref<32x128xi32, #tpu.memory_space<hbm>>) dst(%arg11 : memref<32x128xi32, #tpu.memory_space<vmem>>)
      tpu.yield
    }) : () -> ()
    %scan3A = arith.constant 0 : i32
    %scan3A_11 = arith.constant 0 : i32
    %scan3A_12 = arith.constant 32 : i32
    %scan3A_13 = arith.addi %scan3A_11, %scan3A_12 : i32
    %scan3A_14 = arith.constant 1 : i32
    %scan3A_15 = scf.for %scan3A_17 = %scan3A_11 to %scan3A_13 step %scan3A_14 iter_args(%scan3A_18 = %scan3A) -> (i32)  : i32 {
      %dma_start3A_19 = arith.constant 0 : i32
      %dma_start3A_20 = tpu.memref_slice %arg11[%scan3A_17, %dma_start3A_19] : memref<32x128xi32, #tpu.memory_space<vmem>> -> memref<1x128xi32, #tpu.memory_space<vmem>>
      %dma_start3A_21 = tpu.memref_squeeze %dma_start3A_20 : memref<1x128xi32, #tpu.memory_space<vmem>> -> memref<128xi32, #tpu.memory_space<vmem>>
      %dma_start3A_22 = arith.constant 0 : i32
      %dma_start3A_23 = arith.constant 0 : i32
      %dma_start3A_24 = tpu.memref_slice %arg3[%dma_start3A_22, %dma_start3A_23] : memref<65536x16xf32, #tpu.memory_space<hbm>> -> memref<65536x16xf32, #tpu.memory_space<hbm>>
      tpu.enqueue_indirect_dma source(%dma_start3A_24 : memref<65536x16xf32, #tpu.memory_space<hbm>>) target(%arg12 : memref<128x16xf32, #tpu.memory_space<vmem>>) offsets(%dma_start3A_21 : memref<128xi32, #tpu.memory_space<vmem>>) semaphore(%arg14 : memref<!tpu.dma_semaphore, #tpu.memory_space<semaphore_mem>>)
      %dma_start3A_25 = arith.constant 0 : i32
      %dma_start3A_26 = tpu.memref_slice %arg11[%scan3A_17, %dma_start3A_25] : memref<32x128xi32, #tpu.memory_space<vmem>> -> memref<1x128xi32, #tpu.memory_space<vmem>>
      %dma_start3A_27 = tpu.memref_squeeze %dma_start3A_26 : memref<1x128xi32, #tpu.memory_space<vmem>> -> memref<128xi32, #tpu.memory_space<vmem>>
      %dma_start3A_28 = arith.constant 0 : i32
      %dma_start3A_29 = arith.constant 0 : i32
      %dma_start3A_30 = tpu.memref_slice %arg2[%dma_start3A_28, %dma_start3A_29] : memref<65536x64xf32, #tpu.memory_space<hbm>> -> memref<65536x64xf32, #tpu.memory_space<hbm>>
      tpu.enqueue_indirect_dma source(%dma_start3A_30 : memref<65536x64xf32, #tpu.memory_space<hbm>>) target(%arg13 : memref<128x64xf32, #tpu.memory_space<vmem>>) offsets(%dma_start3A_27 : memref<128xi32, #tpu.memory_space<vmem>>) semaphore(%arg15 : memref<!tpu.dma_semaphore, #tpu.memory_space<semaphore_mem>>)
      %dma_wait3A_31 = arith.constant 0 : i32
      %dma_wait3A_32 = tpu.memref_slice %arg11[%scan3A_17, %dma_wait3A_31] : memref<32x128xi32, #tpu.memory_space<vmem>> -> memref<1x128xi32, #tpu.memory_space<vmem>>
      %dma_wait3A_33 = tpu.memref_squeeze %dma_wait3A_32 : memref<1x128xi32, #tpu.memory_space<vmem>> -> memref<128xi32, #tpu.memory_space<vmem>>
      %dma_wait3A_34 = arith.constant 0 : i32
      %dma_wait3A_35 = arith.constant 0 : i32
      %dma_wait3A_36 = tpu.memref_slice %arg3[%dma_wait3A_34, %dma_wait3A_35] : memref<65536x16xf32, #tpu.memory_space<hbm>> -> memref<65536x16xf32, #tpu.memory_space<hbm>>
      tpu.wait_indirect_dma semaphore(%arg14 : memref<!tpu.dma_semaphore, #tpu.memory_space<semaphore_mem>>) src(%dma_wait3A_36 : memref<65536x16xf32, #tpu.memory_space<hbm>>) dst(%arg12 : memref<128x16xf32, #tpu.memory_space<vmem>>)
      %dma_wait3A_37 = arith.constant 0 : i32
      %dma_wait3A_38 = tpu.memref_slice %arg11[%scan3A_17, %dma_wait3A_37] : memref<32x128xi32, #tpu.memory_space<vmem>> -> memref<1x128xi32, #tpu.memory_space<vmem>>
      %dma_wait3A_39 = tpu.memref_squeeze %dma_wait3A_38 : memref<1x128xi32, #tpu.memory_space<vmem>> -> memref<128xi32, #tpu.memory_space<vmem>>
      %dma_wait3A_40 = arith.constant 0 : i32
      %dma_wait3A_41 = arith.constant 0 : i32
      %dma_wait3A_42 = tpu.memref_slice %arg2[%dma_wait3A_40, %dma_wait3A_41] : memref<65536x64xf32, #tpu.memory_space<hbm>> -> memref<65536x64xf32, #tpu.memory_space<hbm>>
      tpu.wait_indirect_dma semaphore(%arg15 : memref<!tpu.dma_semaphore, #tpu.memory_space<semaphore_mem>>) src(%dma_wait3A_42 : memref<65536x64xf32, #tpu.memory_space<hbm>>) dst(%arg13 : memref<128x64xf32, #tpu.memory_space<vmem>>)
      %mul3A_43 = arith.constant 4096 : i32
      %mul3A_44 = arith.muli %add3A, %mul3A_43 : i32
      %mul3A_45 = arith.constant 128 : i32
      %mul3A_46 = arith.muli %scan3A_17, %mul3A_45 : i32
      %add3A_47 = arith.addi %mul3A_44, %mul3A_46 : i32
      "tpu.region"() ({
        %run_scoped3A = tpu.sem_alloc : memref<!tpu.dma_semaphore, #tpu.memory_space<semaphore_mem>>
        %dma_start3A_49 = arith.constant 0 : i32
        %dma_start3A_50 = tpu.memref_slice %arg7[%add3A_47, %dma_start3A_49] : memref<131072x16xf32, #tpu.memory_space<hbm>> -> memref<128x16xf32, #tpu.memory_space<hbm>>
        %dma_start3A_51 = arith.constant 0 : i32
        %dma_start3A_52 = tpu.memref_slice %arg7[%add3A_47, %dma_start3A_51] : memref<131072x16xf32, #tpu.memory_space<hbm>> -> memref<128x16xf32, #tpu.memory_space<hbm>>
        tpu.enqueue_dma source(%arg12 : memref<128x16xf32, #tpu.memory_space<vmem>>) target(%dma_start3A_52 : memref<128x16xf32, #tpu.memory_space<hbm>>) target_semaphore(%run_scoped3A : memref<!tpu.dma_semaphore, #tpu.memory_space<semaphore_mem>>)
        %dma_wait3A_53 = arith.constant 0 : i32
        %dma_wait3A_54 = tpu.memref_slice %arg7[%add3A_47, %dma_wait3A_53] : memref<131072x16xf32, #tpu.memory_space<hbm>> -> memref<128x16xf32, #tpu.memory_space<hbm>>
        %dma_wait3A_55 = arith.constant 0 : i32
        %dma_wait3A_56 = tpu.memref_slice %arg7[%add3A_47, %dma_wait3A_55] : memref<131072x16xf32, #tpu.memory_space<hbm>> -> memref<128x16xf32, #tpu.memory_space<hbm>>
        tpu.wait_dma2 semaphore(%run_scoped3A : memref<!tpu.dma_semaphore, #tpu.memory_space<semaphore_mem>>) src(%arg12 : memref<128x16xf32, #tpu.memory_space<vmem>>) dst(%dma_wait3A_56 : memref<128x16xf32, #tpu.memory_space<hbm>>)
        tpu.yield
      }) : () -> ()
      "tpu.region"() ({
        %run_scoped3A = tpu.sem_alloc : memref<!tpu.dma_semaphore, #tpu.memory_space<semaphore_mem>>
        %dma_start3A_49 = arith.constant 0 : i32
        %dma_start3A_50 = tpu.memref_slice %arg8[%add3A_47, %dma_start3A_49] : memref<131072x64xf32, #tpu.memory_space<hbm>> -> memref<128x64xf32, #tpu.memory_space<hbm>>
        %dma_start3A_51 = arith.constant 0 : i32
        %dma_start3A_52 = tpu.memref_slice %arg8[%add3A_47, %dma_start3A_51] : memref<131072x64xf32, #tpu.memory_space<hbm>> -> memref<128x64xf32, #tpu.memory_space<hbm>>
        tpu.enqueue_dma source(%arg13 : memref<128x64xf32, #tpu.memory_space<vmem>>) target(%dma_start3A_52 : memref<128x64xf32, #tpu.memory_space<hbm>>) target_semaphore(%run_scoped3A : memref<!tpu.dma_semaphore, #tpu.memory_space<semaphore_mem>>)
        %dma_wait3A_53 = arith.constant 0 : i32
        %dma_wait3A_54 = tpu.memref_slice %arg8[%add3A_47, %dma_wait3A_53] : memref<131072x64xf32, #tpu.memory_space<hbm>> -> memref<128x64xf32, #tpu.memory_space<hbm>>
        %dma_wait3A_55 = arith.constant 0 : i32
        %dma_wait3A_56 = tpu.memref_slice %arg8[%add3A_47, %dma_wait3A_55] : memref<131072x64xf32, #tpu.memory_space<hbm>> -> memref<128x64xf32, #tpu.memory_space<hbm>>
        tpu.wait_dma2 semaphore(%run_scoped3A : memref<!tpu.dma_semaphore, #tpu.memory_space<semaphore_mem>>) src(%arg13 : memref<128x64xf32, #tpu.memory_space<vmem>>) dst(%dma_wait3A_56 : memref<128x64xf32, #tpu.memory_space<hbm>>)
        tpu.yield
      }) : () -> ()
      %scan3A_48 = arith.constant 0 : i32
      scf.yield %scan3A_48 : i32
    }
    %scan3A_16 = arith.constant 32 : i32
    return
  }
}

module attributes {stable_mosaic.version = 14 : i64} {
  func.func @_fps_body(%arg0: memref<3x4x128x128xf32, #tpu.memory_space<vmem>>, %arg1: memref<4x1024xi32, #tpu.memory_space<vmem>>, %arg2: memref<3x4x1024xf32, #tpu.memory_space<vmem>>, %arg3: memref<4x128x128xf32, #tpu.memory_space<vmem>>) attributes {dimension_semantics = [], scalar_prefetch = 0 : i64, scratch_operands = 1 : i64, tpu.core_type = #tpu.core_type<tc>} {
    %get3A = arith.constant 0 : index
    %get3A_0 = arith.constant 0 : index
    %get3A_1 = arith.constant 0 : index
    %get3A_2 = arith.constant 0 : index
    %get3A_3 = vector.load %arg0[%get3A, %get3A_0, %get3A_1, %get3A_2] : memref<3x4x128x128xf32, #tpu.memory_space<vmem>>, vector<1x4x128x128xf32>
    %get3A_4 = vector.shape_cast %get3A_3 : vector<1x4x128x128xf32> to vector<4x128x128xf32>
    %get3A_5 = arith.constant 1 : index
    %get3A_6 = arith.constant 0 : index
    %get3A_7 = arith.constant 0 : index
    %get3A_8 = arith.constant 0 : index
    %get3A_9 = vector.load %arg0[%get3A_5, %get3A_6, %get3A_7, %get3A_8] : memref<3x4x128x128xf32, #tpu.memory_space<vmem>>, vector<1x4x128x128xf32>
    %get3A_10 = vector.shape_cast %get3A_9 : vector<1x4x128x128xf32> to vector<4x128x128xf32>
    %get3A_11 = arith.constant 2 : index
    %get3A_12 = arith.constant 0 : index
    %get3A_13 = arith.constant 0 : index
    %get3A_14 = arith.constant 0 : index
    %get3A_15 = vector.load %arg0[%get3A_11, %get3A_12, %get3A_13, %get3A_14] : memref<3x4x128x128xf32, #tpu.memory_space<vmem>>, vector<1x4x128x128xf32>
    %get3A_16 = vector.shape_cast %get3A_15 : vector<1x4x128x128xf32> to vector<4x128x128xf32>
    %iota3A = tpu.iota {dimensions = array<i32: 1>} : vector<4x128x128xi32>
    %mul3A = arith.constant 128 : i32
    %mul3A_17 = vector.broadcast %mul3A : i32 to vector<4x128x128xi32>
    %mul3A_18 = arith.muli %iota3A, %mul3A_17 : vector<4x128x128xi32>
    %iota3A_19 = tpu.iota {dimensions = array<i32: 2>} : vector<4x128x128xi32>
    %add3A = arith.addi %mul3A_18, %iota3A_19 : vector<4x128x128xi32>
    %iota3A_20 = tpu.iota {dimensions = array<i32: 1>} : vector<4x1024xi32>
    %broadcast_in_dim3A = arith.constant 1.000000e+10 : f32
    %broadcast_in_dim3A_21 = vector.broadcast %broadcast_in_dim3A : f32 to vector<4x128x128xf32>
    %swap3A = arith.constant 0 : index
    %swap3A_22 = arith.constant 0 : index
    %swap3A_23 = arith.constant 0 : index
    %swap3A_24 = vector.load %arg3[%swap3A, %swap3A_22, %swap3A_23] : memref<4x128x128xf32, #tpu.memory_space<vmem>>, vector<4x128x128xf32>
    tpu.vector_store %arg3[%swap3A, %swap3A_22, %swap3A_23], %broadcast_in_dim3A_21 {strides = array<i32>} : memref<4x128x128xf32, #tpu.memory_space<vmem>>, vector<4x128x128xf32>,
    %broadcast_in_dim3A_25 = arith.constant 0 : i32
    %broadcast_in_dim3A_26 = vector.broadcast %broadcast_in_dim3A_25 : i32 to vector<4x1x1xi32>
    %scan3A = arith.constant 0 : i32
    %scan3A_27 = arith.constant 1024 : i32
    %scan3A_28 = arith.addi %scan3A, %scan3A_27 : i32
    %scan3A_29 = arith.constant 1 : i32
    %scan3A_30 = scf.for %scan3A_32 = %scan3A to %scan3A_28 step %scan3A_29 iter_args(%scan3A_33 = %broadcast_in_dim3A_26) -> (vector<4x1x1xi32>)  : i32 {
      %eq3A = vector.broadcast %scan3A_32 : i32 to vector<4x1024xi32>
      %eq3A_34 = arith.cmpi eq, %iota3A_20, %eq3A : vector<4x1024xi32>
      %squeeze3A = vector.shape_cast %scan3A_33 : vector<4x1x1xi32> to vector<4x1xi32>
      %get3A_35 = arith.constant 0 : index
      %get3A_36 = arith.constant 0 : index
      %get3A_37 = vector.load %arg1[%get3A_35, %get3A_36] : memref<4x1024xi32, #tpu.memory_space<vmem>>, vector<4x1024xi32>
      %broadcast_in_dim3A_38 = vector.shape_cast %squeeze3A : vector<4x1xi32> to vector<4x1xi32>
      %broadcast_in_dim3A_39 = vector.broadcast %broadcast_in_dim3A_38 : vector<4x1xi32> to vector<4x1024xi32>
      %select_n3A = arith.select %eq3A_34, %broadcast_in_dim3A_39, %get3A_37 : vector<4x1024xi1>, vector<4x1024xi32>
      %swap3A_40 = arith.constant 0 : index
      %swap3A_41 = arith.constant 0 : index
      %swap3A_42 = vector.load %arg1[%swap3A_40, %swap3A_41] : memref<4x1024xi32, #tpu.memory_space<vmem>>, vector<4x1024xi32>
      tpu.vector_store %arg1[%swap3A_40, %swap3A_41], %select_n3A {strides = array<i32>} : memref<4x1024xi32, #tpu.memory_space<vmem>>, vector<4x1024xi32>,
      %eq3A_43 = vector.broadcast %scan3A_33 : vector<4x1x1xi32> to vector<4x128x128xi32>
      %eq3A_44 = arith.cmpi eq, %add3A, %eq3A_43 : vector<4x128x128xi32>
      %jit3A = arith.constant 0.000000e+00 : f32
      %broadcast_in_dim3A_45 = vector.broadcast %jit3A : f32 to vector<4x128x128xf32>
      %select_n3A_46 = arith.select %eq3A_44, %get3A_4, %broadcast_in_dim3A_45 : vector<4x128x128xi1>, vector<4x128x128xf32>
      %reduce_sum3A = arith.constant dense<0.000000e+00> : vector<4x128xf32>
      %reduce_sum3A_47 = vector.multi_reduction <add>, %select_n3A_46, %reduce_sum3A [2] : vector<4x128x128xf32> to vector<4x128xf32>
      %broadcast_in_dim3A_48 = vector.shape_cast %reduce_sum3A_47 : vector<4x128xf32> to vector<4x128x1xf32>
      %reduce_sum3A_49 = arith.constant dense<0.000000e+00> : vector<4x1xf32>
      %reduce_sum3A_50 = vector.multi_reduction <add>, %broadcast_in_dim3A_48, %reduce_sum3A_49 [1] : vector<4x128x1xf32> to vector<4x1xf32>
      %broadcast_in_dim3A_51 = vector.shape_cast %reduce_sum3A_50 : vector<4x1xf32> to vector<4x1x1xf32>
      %jit3A_52 = arith.constant 0.000000e+00 : f32
      %broadcast_in_dim3A_53 = vector.broadcast %jit3A_52 : f32 to vector<4x128x128xf32>
      %select_n3A_54 = arith.select %eq3A_44, %get3A_10, %broadcast_in_dim3A_53 : vector<4x128x128xi1>, vector<4x128x128xf32>
      %reduce_sum3A_55 = arith.constant dense<0.000000e+00> : vector<4x128xf32>
      %reduce_sum3A_56 = vector.multi_reduction <add>, %select_n3A_54, %reduce_sum3A_55 [2] : vector<4x128x128xf32> to vector<4x128xf32>
      %broadcast_in_dim3A_57 = vector.shape_cast %reduce_sum3A_56 : vector<4x128xf32> to vector<4x128x1xf32>
      %reduce_sum3A_58 = arith.constant dense<0.000000e+00> : vector<4x1xf32>
      %reduce_sum3A_59 = vector.multi_reduction <add>, %broadcast_in_dim3A_57, %reduce_sum3A_58 [1] : vector<4x128x1xf32> to vector<4x1xf32>
      %broadcast_in_dim3A_60 = vector.shape_cast %reduce_sum3A_59 : vector<4x1xf32> to vector<4x1x1xf32>
      %jit3A_61 = arith.constant 0.000000e+00 : f32
      %broadcast_in_dim3A_62 = vector.broadcast %jit3A_61 : f32 to vector<4x128x128xf32>
      %select_n3A_63 = arith.select %eq3A_44, %get3A_16, %broadcast_in_dim3A_62 : vector<4x128x128xi1>, vector<4x128x128xf32>
      %reduce_sum3A_64 = arith.constant dense<0.000000e+00> : vector<4x128xf32>
      %reduce_sum3A_65 = vector.multi_reduction <add>, %select_n3A_63, %reduce_sum3A_64 [2] : vector<4x128x128xf32> to vector<4x128xf32>
      %broadcast_in_dim3A_66 = vector.shape_cast %reduce_sum3A_65 : vector<4x128xf32> to vector<4x128x1xf32>
      %reduce_sum3A_67 = arith.constant dense<0.000000e+00> : vector<4x1xf32>
      %reduce_sum3A_68 = vector.multi_reduction <add>, %broadcast_in_dim3A_66, %reduce_sum3A_67 [1] : vector<4x128x1xf32> to vector<4x1xf32>
      %broadcast_in_dim3A_69 = vector.shape_cast %reduce_sum3A_68 : vector<4x1xf32> to vector<4x1x1xf32>
      %squeeze3A_70 = vector.shape_cast %broadcast_in_dim3A_51 : vector<4x1x1xf32> to vector<4x1xf32>
      %get3A_71 = arith.constant 0 : index
      %get3A_72 = arith.constant 0 : index
      %get3A_73 = arith.constant 0 : index
      %get3A_74 = vector.load %arg2[%get3A_71, %get3A_72, %get3A_73] : memref<3x4x1024xf32, #tpu.memory_space<vmem>>, vector<1x4x1024xf32>
      %get3A_75 = vector.shape_cast %get3A_74 : vector<1x4x1024xf32> to vector<4x1024xf32>
      %broadcast_in_dim3A_76 = vector.shape_cast %squeeze3A_70 : vector<4x1xf32> to vector<4x1xf32>
      %broadcast_in_dim3A_77 = vector.broadcast %broadcast_in_dim3A_76 : vector<4x1xf32> to vector<4x1024xf32>
      %select_n3A_78 = arith.select %eq3A_34, %broadcast_in_dim3A_77, %get3A_75 : vector<4x1024xi1>, vector<4x1024xf32>
      %swap3A_79 = arith.constant 0 : index
      %swap3A_80 = arith.constant 0 : index
      %swap3A_81 = arith.constant 0 : index
      %swap3A_82 = vector.load %arg2[%swap3A_79, %swap3A_80, %swap3A_81] : memref<3x4x1024xf32, #tpu.memory_space<vmem>>, vector<1x4x1024xf32>
      %swap3A_83 = vector.shape_cast %swap3A_82 : vector<1x4x1024xf32> to vector<4x1024xf32>
      %swap3A_84 = vector.shape_cast %select_n3A_78 : vector<4x1024xf32> to vector<1x4x1024xf32>
      tpu.vector_store %arg2[%swap3A_79, %swap3A_80, %swap3A_81], %swap3A_84 {strides = array<i32>} : memref<3x4x1024xf32, #tpu.memory_space<vmem>>, vector<1x4x1024xf32>,
      %squeeze3A_85 = vector.shape_cast %broadcast_in_dim3A_60 : vector<4x1x1xf32> to vector<4x1xf32>
      %get3A_86 = arith.constant 1 : index
      %get3A_87 = arith.constant 0 : index
      %get3A_88 = arith.constant 0 : index
      %get3A_89 = vector.load %arg2[%get3A_86, %get3A_87, %get3A_88] : memref<3x4x1024xf32, #tpu.memory_space<vmem>>, vector<1x4x1024xf32>
      %get3A_90 = vector.shape_cast %get3A_89 : vector<1x4x1024xf32> to vector<4x1024xf32>
      %broadcast_in_dim3A_91 = vector.shape_cast %squeeze3A_85 : vector<4x1xf32> to vector<4x1xf32>
      %broadcast_in_dim3A_92 = vector.broadcast %broadcast_in_dim3A_91 : vector<4x1xf32> to vector<4x1024xf32>
      %select_n3A_93 = arith.select %eq3A_34, %broadcast_in_dim3A_92, %get3A_90 : vector<4x1024xi1>, vector<4x1024xf32>
      %swap3A_94 = arith.constant 1 : index
      %swap3A_95 = arith.constant 0 : index
      %swap3A_96 = arith.constant 0 : index
      %swap3A_97 = vector.load %arg2[%swap3A_94, %swap3A_95, %swap3A_96] : memref<3x4x1024xf32, #tpu.memory_space<vmem>>, vector<1x4x1024xf32>
      %swap3A_98 = vector.shape_cast %swap3A_97 : vector<1x4x1024xf32> to vector<4x1024xf32>
      %swap3A_99 = vector.shape_cast %select_n3A_93 : vector<4x1024xf32> to vector<1x4x1024xf32>
      tpu.vector_store %arg2[%swap3A_94, %swap3A_95, %swap3A_96], %swap3A_99 {strides = array<i32>} : memref<3x4x1024xf32, #tpu.memory_space<vmem>>, vector<1x4x1024xf32>,
      %squeeze3A_100 = vector.shape_cast %broadcast_in_dim3A_69 : vector<4x1x1xf32> to vector<4x1xf32>
      %get3A_101 = arith.constant 2 : index
      %get3A_102 = arith.constant 0 : index
      %get3A_103 = arith.constant 0 : index
      %get3A_104 = vector.load %arg2[%get3A_101, %get3A_102, %get3A_103] : memref<3x4x1024xf32, #tpu.memory_space<vmem>>, vector<1x4x1024xf32>
      %get3A_105 = vector.shape_cast %get3A_104 : vector<1x4x1024xf32> to vector<4x1024xf32>
      %broadcast_in_dim3A_106 = vector.shape_cast %squeeze3A_100 : vector<4x1xf32> to vector<4x1xf32>
      %broadcast_in_dim3A_107 = vector.broadcast %broadcast_in_dim3A_106 : vector<4x1xf32> to vector<4x1024xf32>
      %select_n3A_108 = arith.select %eq3A_34, %broadcast_in_dim3A_107, %get3A_105 : vector<4x1024xi1>, vector<4x1024xf32>
      %swap3A_109 = arith.constant 2 : index
      %swap3A_110 = arith.constant 0 : index
      %swap3A_111 = arith.constant 0 : index
      %swap3A_112 = vector.load %arg2[%swap3A_109, %swap3A_110, %swap3A_111] : memref<3x4x1024xf32, #tpu.memory_space<vmem>>, vector<1x4x1024xf32>
      %swap3A_113 = vector.shape_cast %swap3A_112 : vector<1x4x1024xf32> to vector<4x1024xf32>
      %swap3A_114 = vector.shape_cast %select_n3A_108 : vector<4x1024xf32> to vector<1x4x1024xf32>
      tpu.vector_store %arg2[%swap3A_109, %swap3A_110, %swap3A_111], %swap3A_114 {strides = array<i32>} : memref<3x4x1024xf32, #tpu.memory_space<vmem>>, vector<1x4x1024xf32>,
      %sub3A = vector.broadcast %broadcast_in_dim3A_51 : vector<4x1x1xf32> to vector<4x128x128xf32>
      %sub3A_115 = arith.subf %get3A_4, %sub3A : vector<4x128x128xf32>
      %sub3A_116 = vector.broadcast %broadcast_in_dim3A_60 : vector<4x1x1xf32> to vector<4x128x128xf32>
      %sub3A_117 = arith.subf %get3A_10, %sub3A_116 : vector<4x128x128xf32>
      %sub3A_118 = vector.broadcast %broadcast_in_dim3A_69 : vector<4x1x1xf32> to vector<4x128x128xf32>
      %sub3A_119 = arith.subf %get3A_16, %sub3A_118 : vector<4x128x128xf32>
      %mul3A_120 = arith.mulf %sub3A_115, %sub3A_115 : vector<4x128x128xf32>
      %mul3A_121 = arith.mulf %sub3A_117, %sub3A_117 : vector<4x128x128xf32>
      %add3A_122 = arith.addf %mul3A_120, %mul3A_121 : vector<4x128x128xf32>
      %mul3A_123 = arith.mulf %sub3A_119, %sub3A_119 : vector<4x128x128xf32>
      %add3A_124 = arith.addf %add3A_122, %mul3A_123 : vector<4x128x128xf32>
      %get3A_125 = arith.constant 0 : index
      %get3A_126 = arith.constant 0 : index
      %get3A_127 = arith.constant 0 : index
      %get3A_128 = vector.load %arg3[%get3A_125, %get3A_126, %get3A_127] : memref<4x128x128xf32, #tpu.memory_space<vmem>>, vector<4x128x128xf32>
      %min3A = arith.minimumf %get3A_128, %add3A_124 : vector<4x128x128xf32>
      %swap3A_129 = arith.constant 0 : index
      %swap3A_130 = arith.constant 0 : index
      %swap3A_131 = arith.constant 0 : index
      %swap3A_132 = vector.load %arg3[%swap3A_129, %swap3A_130, %swap3A_131] : memref<4x128x128xf32, #tpu.memory_space<vmem>>, vector<4x128x128xf32>
      tpu.vector_store %arg3[%swap3A_129, %swap3A_130, %swap3A_131], %min3A {strides = array<i32>} : memref<4x128x128xf32, #tpu.memory_space<vmem>>, vector<4x128x128xf32>,
      %reduce_max3A = arith.constant dense<0xFF800000> : vector<4x128xf32>
      %reduce_max3A_133 = vector.multi_reduction <maximumf>, %min3A, %reduce_max3A [2] : vector<4x128x128xf32> to vector<4x128xf32>
      %broadcast_in_dim3A_134 = vector.shape_cast %reduce_max3A_133 : vector<4x128xf32> to vector<4x128x1xf32>
      %reduce_max3A_135 = arith.constant dense<0xFF800000> : vector<4x1xf32>
      %reduce_max3A_136 = vector.multi_reduction <maximumf>, %broadcast_in_dim3A_134, %reduce_max3A_135 [1] : vector<4x128x1xf32> to vector<4x1xf32>
      %broadcast_in_dim3A_137 = vector.shape_cast %reduce_max3A_136 : vector<4x1xf32> to vector<4x1x1xf32>
      %eq3A_138 = vector.broadcast %broadcast_in_dim3A_137 : vector<4x1x1xf32> to vector<4x128x128xf32>
      %eq3A_139 = arith.cmpf oeq, %min3A, %eq3A_138 : vector<4x128x128xf32>
      %jit3A_140 = arith.constant 16384 : i32
      %broadcast_in_dim3A_141 = vector.broadcast %jit3A_140 : i32 to vector<4x128x128xi32>
      %select_n3A_142 = arith.select %eq3A_139, %add3A, %broadcast_in_dim3A_141 : vector<4x128x128xi1>, vector<4x128x128xi32>
      %reduce_min3A = arith.constant dense<2147483647> : vector<4x128xi32>
      %reduce_min3A_143 = vector.multi_reduction <minsi>, %select_n3A_142, %reduce_min3A [2] : vector<4x128x128xi32> to vector<4x128xi32>
      %broadcast_in_dim3A_144 = vector.shape_cast %reduce_min3A_143 : vector<4x128xi32> to vector<4x128x1xi32>
      %reduce_min3A_145 = arith.constant dense<2147483647> : vector<4x1xi32>
      %reduce_min3A_146 = vector.multi_reduction <minsi>, %broadcast_in_dim3A_144, %reduce_min3A_145 [1] : vector<4x128x1xi32> to vector<4x1xi32>
      %broadcast_in_dim3A_147 = vector.shape_cast %reduce_min3A_146 : vector<4x1xi32> to vector<4x1x1xi32>
      scf.yield %broadcast_in_dim3A_147 : vector<4x1x1xi32>
    }
    %scan3A_31 = arith.constant 1024 : i32
    return
  }
}

module attributes {stable_mosaic.version = 14 : i64} {
  func.func @_knn_body(%arg0: i32, %arg1: i32, %arg2: memref<1x128x3xf32, #tpu.memory_space<vmem>>, %arg3: memref<3x16x8x128xf32, #tpu.memory_space<vmem>>, %arg4: memref<1x128x32xi32, #tpu.memory_space<vmem>>, %arg5: memref<128x16x8x128xf32, #tpu.memory_space<vmem>>, %arg6: memref<128x768xf32, #tpu.memory_space<vmem>>, %arg7: memref<128x768xi32, #tpu.memory_space<vmem>>) attributes {dimension_semantics = [#tpu.dimension_semantics<arbitrary>, #tpu.dimension_semantics<arbitrary>], iteration_bounds = array<i64: 4, 8>, scalar_prefetch = 0 : i64, scratch_operands = 3 : i64, tpu.core_type = #tpu.core_type<tc>, window_params = [{transform_indices = @transform_0, window_bounds = array<i64: 1, 128, 3>}, {transform_indices = @transform_1, window_bounds = array<i64: 3, 16, 8, 128>}, {transform_indices = @transform_2, window_bounds = array<i64: 1, 128, 32>}]} {
    %get3A = arith.constant 0 : index
    %get3A_0 = arith.constant 0 : index
    %get3A_1 = arith.constant 0 : index
    %get3A_2 = vector.load %arg2[%get3A, %get3A_0, %get3A_1] : memref<1x128x3xf32, #tpu.memory_space<vmem>>, vector<1x128x3xf32>
    %get3A_3 = vector.shape_cast %get3A_2 : vector<1x128x3xf32> to vector<128x3xf32>
    %slice3A = vector.extract_strided_slice %get3A_3 {offsets = [0, 0], sizes = [128, 1], strides = [1, 1]} : vector<128x3xf32> to vector<128x1xf32>
    %reshape3A = vector.shape_cast %slice3A : vector<128x1xf32> to vector<128x1x1x1xf32>
    %slice3A_4 = vector.extract_strided_slice %get3A_3 {offsets = [0, 1], sizes = [128, 1], strides = [1, 1]} : vector<128x3xf32> to vector<128x1xf32>
    %reshape3A_5 = vector.shape_cast %slice3A_4 : vector<128x1xf32> to vector<128x1x1x1xf32>
    %slice3A_6 = vector.extract_strided_slice %get3A_3 {offsets = [0, 2], sizes = [128, 1], strides = [1, 1]} : vector<128x3xf32> to vector<128x1xf32>
    %reshape3A_7 = vector.shape_cast %slice3A_6 : vector<128x1xf32> to vector<128x1x1x1xf32>
    %get3A_8 = arith.constant 0 : index
    %get3A_9 = arith.constant 0 : index
    %get3A_10 = arith.constant 0 : index
    %get3A_11 = arith.constant 0 : index
    %get3A_12 = vector.load %arg3[%get3A_8, %get3A_9, %get3A_10, %get3A_11] : memref<3x16x8x128xf32, #tpu.memory_space<vmem>>, vector<1x16x8x128xf32>
    %get3A_13 = arith.constant 1 : index
    %get3A_14 = arith.constant 0 : index
    %get3A_15 = arith.constant 0 : index
    %get3A_16 = arith.constant 0 : index
    %get3A_17 = vector.load %arg3[%get3A_13, %get3A_14, %get3A_15, %get3A_16] : memref<3x16x8x128xf32, #tpu.memory_space<vmem>>, vector<1x16x8x128xf32>
    %get3A_18 = arith.constant 2 : index
    %get3A_19 = arith.constant 0 : index
    %get3A_20 = arith.constant 0 : index
    %get3A_21 = arith.constant 0 : index
    %get3A_22 = vector.load %arg3[%get3A_18, %get3A_19, %get3A_20, %get3A_21] : memref<3x16x8x128xf32, #tpu.memory_space<vmem>>, vector<1x16x8x128xf32>
    %convert_element_type3A = arith.truncf %reshape3A : vector<128x1x1x1xf32> to vector<128x1x1x1xbf16>
    %convert_element_type3A_23 = arith.extf %convert_element_type3A : vector<128x1x1x1xbf16> to vector<128x1x1x1xf32>
    %convert_element_type3A_24 = arith.truncf %get3A_12 : vector<1x16x8x128xf32> to vector<1x16x8x128xbf16>
    %convert_element_type3A_25 = arith.extf %convert_element_type3A_24 : vector<1x16x8x128xbf16> to vector<1x16x8x128xf32>
    %mul3A = vector.broadcast %convert_element_type3A_23 : vector<128x1x1x1xf32> to vector<128x16x8x128xf32>
    %mul3A_26 = vector.broadcast %convert_element_type3A_25 : vector<1x16x8x128xf32> to vector<128x16x8x128xf32>
    %mul3A_27 = arith.mulf %mul3A, %mul3A_26 : vector<128x16x8x128xf32>
    %convert_element_type3A_28 = arith.truncf %reshape3A_5 : vector<128x1x1x1xf32> to vector<128x1x1x1xbf16>
    %convert_element_type3A_29 = arith.extf %convert_element_type3A_28 : vector<128x1x1x1xbf16> to vector<128x1x1x1xf32>
    %convert_element_type3A_30 = arith.truncf %get3A_17 : vector<1x16x8x128xf32> to vector<1x16x8x128xbf16>
    %convert_element_type3A_31 = arith.extf %convert_element_type3A_30 : vector<1x16x8x128xbf16> to vector<1x16x8x128xf32>
    %mul3A_32 = vector.broadcast %convert_element_type3A_29 : vector<128x1x1x1xf32> to vector<128x16x8x128xf32>
    %mul3A_33 = vector.broadcast %convert_element_type3A_31 : vector<1x16x8x128xf32> to vector<128x16x8x128xf32>
    %mul3A_34 = arith.mulf %mul3A_32, %mul3A_33 : vector<128x16x8x128xf32>
    %add3A = arith.addf %mul3A_27, %mul3A_34 : vector<128x16x8x128xf32>
    %convert_element_type3A_35 = arith.truncf %reshape3A_7 : vector<128x1x1x1xf32> to vector<128x1x1x1xbf16>
    %convert_element_type3A_36 = arith.extf %convert_element_type3A_35 : vector<128x1x1x1xbf16> to vector<128x1x1x1xf32>
    %convert_element_type3A_37 = arith.truncf %get3A_22 : vector<1x16x8x128xf32> to vector<1x16x8x128xbf16>
    %convert_element_type3A_38 = arith.extf %convert_element_type3A_37 : vector<1x16x8x128xbf16> to vector<1x16x8x128xf32>
    %mul3A_39 = vector.broadcast %convert_element_type3A_36 : vector<128x1x1x1xf32> to vector<128x16x8x128xf32>
    %mul3A_40 = vector.broadcast %convert_element_type3A_38 : vector<1x16x8x128xf32> to vector<128x16x8x128xf32>
    %mul3A_41 = arith.mulf %mul3A_39, %mul3A_40 : vector<128x16x8x128xf32>
    %add3A_42 = arith.addf %add3A, %mul3A_41 : vector<128x16x8x128xf32>
    %mul3A_43 = arith.constant -2.000000e+00 : f32
    %mul3A_44 = vector.broadcast %mul3A_43 : f32 to vector<128x16x8x128xf32>
    %mul3A_45 = arith.mulf %mul3A_44, %add3A_42 : vector<128x16x8x128xf32>
    %mul3A_46 = arith.mulf %reshape3A, %reshape3A : vector<128x1x1x1xf32>
    %mul3A_47 = arith.mulf %reshape3A_5, %reshape3A_5 : vector<128x1x1x1xf32>
    %add3A_48 = arith.addf %mul3A_46, %mul3A_47 : vector<128x1x1x1xf32>
    %mul3A_49 = arith.mulf %reshape3A_7, %reshape3A_7 : vector<128x1x1x1xf32>
    %add3A_50 = arith.addf %add3A_48, %mul3A_49 : vector<128x1x1x1xf32>
    %add3A_51 = vector.broadcast %add3A_50 : vector<128x1x1x1xf32> to vector<128x16x8x128xf32>
    %add3A_52 = arith.addf %mul3A_45, %add3A_51 : vector<128x16x8x128xf32>
    %mul3A_53 = arith.mulf %get3A_12, %get3A_12 : vector<1x16x8x128xf32>
    %mul3A_54 = arith.mulf %get3A_17, %get3A_17 : vector<1x16x8x128xf32>
    %add3A_55 = arith.addf %mul3A_53, %mul3A_54 : vector<1x16x8x128xf32>
    %mul3A_56 = arith.mulf %get3A_22, %get3A_22 : vector<1x16x8x128xf32>
    %add3A_57 = arith.addf %add3A_55, %mul3A_56 : vector<1x16x8x128xf32>
    %add3A_58 = vector.broadcast %add3A_57 : vector<1x16x8x128xf32> to vector<128x16x8x128xf32>
    %add3A_59 = arith.addf %add3A_52, %add3A_58 : vector<128x16x8x128xf32>
    %swap3A = arith.constant 0 : index
    %swap3A_60 = arith.constant 0 : index
    %swap3A_61 = arith.constant 0 : index
    %swap3A_62 = arith.constant 0 : index
    %swap3A_63 = vector.load %arg5[%swap3A, %swap3A_60, %swap3A_61, %swap3A_62] : memref<128x16x8x128xf32, #tpu.memory_space<vmem>>, vector<128x16x8x128xf32>
    tpu.vector_store %arg5[%swap3A, %swap3A_60, %swap3A_61, %swap3A_62], %add3A_59 {strides = array<i32>} : memref<128x16x8x128xf32, #tpu.memory_space<vmem>>, vector<128x16x8x128xf32>,
    %iota3A = tpu.iota {dimensions = array<i32: 1>} : vector<128x8x128xi32>
    %iota3A_64 = tpu.iota {dimensions = array<i32: 2>} : vector<128x8x128xi32>
    %iota3A_65 = tpu.iota {dimensions = array<i32: 1>} : vector<128x32xi32>
    %get3A_66 = arith.constant 0 : index
    %get3A_67 = arith.constant 0 : index
    %get3A_68 = arith.constant 0 : index
    %get3A_69 = arith.constant 0 : index
    %get3A_70 = vector.load %arg5[%get3A_66, %get3A_67, %get3A_68, %get3A_69] : memref<128x16x8x128xf32, #tpu.memory_space<vmem>>, vector<128x1x8x128xf32>
    %get3A_71 = vector.shape_cast %get3A_70 : vector<128x1x8x128xf32> to vector<128x8x128xf32>
    %get3A_72 = arith.constant 0 : index
    %get3A_73 = arith.constant 1 : index
    %get3A_74 = arith.constant 0 : index
    %get3A_75 = arith.constant 0 : index
    %get3A_76 = vector.load %arg5[%get3A_72, %get3A_73, %get3A_74, %get3A_75] : memref<128x16x8x128xf32, #tpu.memory_space<vmem>>, vector<128x1x8x128xf32>
    %get3A_77 = vector.shape_cast %get3A_76 : vector<128x1x8x128xf32> to vector<128x8x128xf32>
    %min3A = arith.minimumf %get3A_71, %get3A_77 : vector<128x8x128xf32>
    %get3A_78 = arith.constant 0 : index
    %get3A_79 = arith.constant 2 : index
    %get3A_80 = arith.constant 0 : index
    %get3A_81 = arith.constant 0 : index
    %get3A_82 = vector.load %arg5[%get3A_78, %get3A_79, %get3A_80, %get3A_81] : memref<128x16x8x128xf32, #tpu.memory_space<vmem>>, vector<128x1x8x128xf32>
    %get3A_83 = vector.shape_cast %get3A_82 : vector<128x1x8x128xf32> to vector<128x8x128xf32>
    %min3A_84 = arith.minimumf %min3A, %get3A_83 : vector<128x8x128xf32>
    %get3A_85 = arith.constant 0 : index
    %get3A_86 = arith.constant 3 : index
    %get3A_87 = arith.constant 0 : index
    %get3A_88 = arith.constant 0 : index
    %get3A_89 = vector.load %arg5[%get3A_85, %get3A_86, %get3A_87, %get3A_88] : memref<128x16x8x128xf32, #tpu.memory_space<vmem>>, vector<128x1x8x128xf32>
    %get3A_90 = vector.shape_cast %get3A_89 : vector<128x1x8x128xf32> to vector<128x8x128xf32>
    %min3A_91 = arith.minimumf %min3A_84, %get3A_90 : vector<128x8x128xf32>
    %get3A_92 = arith.constant 0 : index
    %get3A_93 = arith.constant 4 : index
    %get3A_94 = arith.constant 0 : index
    %get3A_95 = arith.constant 0 : index
    %get3A_96 = vector.load %arg5[%get3A_92, %get3A_93, %get3A_94, %get3A_95] : memref<128x16x8x128xf32, #tpu.memory_space<vmem>>, vector<128x1x8x128xf32>
    %get3A_97 = vector.shape_cast %get3A_96 : vector<128x1x8x128xf32> to vector<128x8x128xf32>
    %min3A_98 = arith.minimumf %min3A_91, %get3A_97 : vector<128x8x128xf32>
    %get3A_99 = arith.constant 0 : index
    %get3A_100 = arith.constant 5 : index
    %get3A_101 = arith.constant 0 : index
    %get3A_102 = arith.constant 0 : index
    %get3A_103 = vector.load %arg5[%get3A_99, %get3A_100, %get3A_101, %get3A_102] : memref<128x16x8x128xf32, #tpu.memory_space<vmem>>, vector<128x1x8x128xf32>
    %get3A_104 = vector.shape_cast %get3A_103 : vector<128x1x8x128xf32> to vector<128x8x128xf32>
    %min3A_105 = arith.minimumf %min3A_98, %get3A_104 : vector<128x8x128xf32>
    %get3A_106 = arith.constant 0 : index
    %get3A_107 = arith.constant 6 : index
    %get3A_108 = arith.constant 0 : index
    %get3A_109 = arith.constant 0 : index
    %get3A_110 = vector.load %arg5[%get3A_106, %get3A_107, %get3A_108, %get3A_109] : memref<128x16x8x128xf32, #tpu.memory_space<vmem>>, vector<128x1x8x128xf32>
    %get3A_111 = vector.shape_cast %get3A_110 : vector<128x1x8x128xf32> to vector<128x8x128xf32>
    %min3A_112 = arith.minimumf %min3A_105, %get3A_111 : vector<128x8x128xf32>
    %get3A_113 = arith.constant 0 : index
    %get3A_114 = arith.constant 7 : index
    %get3A_115 = arith.constant 0 : index
    %get3A_116 = arith.constant 0 : index
    %get3A_117 = vector.load %arg5[%get3A_113, %get3A_114, %get3A_115, %get3A_116] : memref<128x16x8x128xf32, #tpu.memory_space<vmem>>, vector<128x1x8x128xf32>
    %get3A_118 = vector.shape_cast %get3A_117 : vector<128x1x8x128xf32> to vector<128x8x128xf32>
    %min3A_119 = arith.minimumf %min3A_112, %get3A_118 : vector<128x8x128xf32>
    %get3A_120 = arith.constant 0 : index
    %get3A_121 = arith.constant 8 : index
    %get3A_122 = arith.constant 0 : index
    %get3A_123 = arith.constant 0 : index
    %get3A_124 = vector.load %arg5[%get3A_120, %get3A_121, %get3A_122, %get3A_123] : memref<128x16x8x128xf32, #tpu.memory_space<vmem>>, vector<128x1x8x128xf32>
    %get3A_125 = vector.shape_cast %get3A_124 : vector<128x1x8x128xf32> to vector<128x8x128xf32>
    %min3A_126 = arith.minimumf %min3A_119, %get3A_125 : vector<128x8x128xf32>
    %get3A_127 = arith.constant 0 : index
    %get3A_128 = arith.constant 9 : index
    %get3A_129 = arith.constant 0 : index
    %get3A_130 = arith.constant 0 : index
    %get3A_131 = vector.load %arg5[%get3A_127, %get3A_128, %get3A_129, %get3A_130] : memref<128x16x8x128xf32, #tpu.memory_space<vmem>>, vector<128x1x8x128xf32>
    %get3A_132 = vector.shape_cast %get3A_131 : vector<128x1x8x128xf32> to vector<128x8x128xf32>
    %min3A_133 = arith.minimumf %min3A_126, %get3A_132 : vector<128x8x128xf32>
    %get3A_134 = arith.constant 0 : index
    %get3A_135 = arith.constant 10 : index
    %get3A_136 = arith.constant 0 : index
    %get3A_137 = arith.constant 0 : index
    %get3A_138 = vector.load %arg5[%get3A_134, %get3A_135, %get3A_136, %get3A_137] : memref<128x16x8x128xf32, #tpu.memory_space<vmem>>, vector<128x1x8x128xf32>
    %get3A_139 = vector.shape_cast %get3A_138 : vector<128x1x8x128xf32> to vector<128x8x128xf32>
    %min3A_140 = arith.minimumf %min3A_133, %get3A_139 : vector<128x8x128xf32>
    %get3A_141 = arith.constant 0 : index
    %get3A_142 = arith.constant 11 : index
    %get3A_143 = arith.constant 0 : index
    %get3A_144 = arith.constant 0 : index
    %get3A_145 = vector.load %arg5[%get3A_141, %get3A_142, %get3A_143, %get3A_144] : memref<128x16x8x128xf32, #tpu.memory_space<vmem>>, vector<128x1x8x128xf32>
    %get3A_146 = vector.shape_cast %get3A_145 : vector<128x1x8x128xf32> to vector<128x8x128xf32>
    %min3A_147 = arith.minimumf %min3A_140, %get3A_146 : vector<128x8x128xf32>
    %get3A_148 = arith.constant 0 : index
    %get3A_149 = arith.constant 12 : index
    %get3A_150 = arith.constant 0 : index
    %get3A_151 = arith.constant 0 : index
    %get3A_152 = vector.load %arg5[%get3A_148, %get3A_149, %get3A_150, %get3A_151] : memref<128x16x8x128xf32, #tpu.memory_space<vmem>>, vector<128x1x8x128xf32>
    %get3A_153 = vector.shape_cast %get3A_152 : vector<128x1x8x128xf32> to vector<128x8x128xf32>
    %min3A_154 = arith.minimumf %min3A_147, %get3A_153 : vector<128x8x128xf32>
    %get3A_155 = arith.constant 0 : index
    %get3A_156 = arith.constant 13 : index
    %get3A_157 = arith.constant 0 : index
    %get3A_158 = arith.constant 0 : index
    %get3A_159 = vector.load %arg5[%get3A_155, %get3A_156, %get3A_157, %get3A_158] : memref<128x16x8x128xf32, #tpu.memory_space<vmem>>, vector<128x1x8x128xf32>
    %get3A_160 = vector.shape_cast %get3A_159 : vector<128x1x8x128xf32> to vector<128x8x128xf32>
    %min3A_161 = arith.minimumf %min3A_154, %get3A_160 : vector<128x8x128xf32>
    %get3A_162 = arith.constant 0 : index
    %get3A_163 = arith.constant 14 : index
    %get3A_164 = arith.constant 0 : index
    %get3A_165 = arith.constant 0 : index
    %get3A_166 = vector.load %arg5[%get3A_162, %get3A_163, %get3A_164, %get3A_165] : memref<128x16x8x128xf32, #tpu.memory_space<vmem>>, vector<128x1x8x128xf32>
    %get3A_167 = vector.shape_cast %get3A_166 : vector<128x1x8x128xf32> to vector<128x8x128xf32>
    %min3A_168 = arith.minimumf %min3A_161, %get3A_167 : vector<128x8x128xf32>
    %get3A_169 = arith.constant 0 : index
    %get3A_170 = arith.constant 15 : index
    %get3A_171 = arith.constant 0 : index
    %get3A_172 = arith.constant 0 : index
    %get3A_173 = vector.load %arg5[%get3A_169, %get3A_170, %get3A_171, %get3A_172] : memref<128x16x8x128xf32, #tpu.memory_space<vmem>>, vector<128x1x8x128xf32>
    %get3A_174 = vector.shape_cast %get3A_173 : vector<128x1x8x128xf32> to vector<128x8x128xf32>
    %min3A_175 = arith.minimumf %min3A_168, %get3A_174 : vector<128x8x128xf32>
    %reduce_min3A = arith.constant dense<0x7F800000> : vector<128x128xf32>
    %reduce_min3A_176 = vector.multi_reduction <minimumf>, %min3A_175, %reduce_min3A [1] : vector<128x8x128xf32> to vector<128x128xf32>
    %broadcast_in_dim3A = vector.shape_cast %reduce_min3A_176 : vector<128x128xf32> to vector<128x1x128xf32>
    %get3A_177 = arith.constant 0 : index
    %get3A_178 = arith.constant 0 : index
    %get3A_179 = arith.constant 0 : index
    %get3A_180 = arith.constant 0 : index
    %get3A_181 = vector.load %arg5[%get3A_177, %get3A_178, %get3A_179, %get3A_180] : memref<128x16x8x128xf32, #tpu.memory_space<vmem>>, vector<128x1x8x128xf32>
    %get3A_182 = vector.shape_cast %get3A_181 : vector<128x1x8x128xf32> to vector<128x8x128xf32>
    %eq3A = vector.broadcast %broadcast_in_dim3A : vector<128x1x128xf32> to vector<128x8x128xf32>
    %eq3A_183 = arith.cmpf oeq, %get3A_182, %eq3A : vector<128x8x128xf32>
    %mul3A_184 = arith.constant 128 : i32
    %mul3A_185 = vector.broadcast %mul3A_184 : i32 to vector<128x8x128xi32>
    %mul3A_186 = arith.muli %iota3A_64, %mul3A_185 : vector<128x8x128xi32>
    %add3A_187 = arith.constant 0 : i32
    %add3A_188 = vector.broadcast %add3A_187 : i32 to vector<128x8x128xi32>
    %add3A_189 = arith.addi %mul3A_186, %add3A_188 : vector<128x8x128xi32>
    %add3A_190 = arith.addi %add3A_189, %iota3A : vector<128x8x128xi32>
    %jit3A = arith.constant 16384 : i32
    %broadcast_in_dim3A_191 = vector.broadcast %jit3A : i32 to vector<128x8x128xi32>
    %select_n3A = arith.select %eq3A_183, %add3A_190, %broadcast_in_dim3A_191 : vector<128x8x128xi1>, vector<128x8x128xi32>
    %get3A_192 = arith.constant 0 : index
    %get3A_193 = arith.constant 1 : index
    %get3A_194 = arith.constant 0 : index
    %get3A_195 = arith.constant 0 : index
    %get3A_196 = vector.load %arg5[%get3A_192, %get3A_193, %get3A_194, %get3A_195] : memref<128x16x8x128xf32, #tpu.memory_space<vmem>>, vector<128x1x8x128xf32>
    %get3A_197 = vector.shape_cast %get3A_196 : vector<128x1x8x128xf32> to vector<128x8x128xf32>
    %eq3A_198 = vector.broadcast %broadcast_in_dim3A : vector<128x1x128xf32> to vector<128x8x128xf32>
    %eq3A_199 = arith.cmpf oeq, %get3A_197, %eq3A_198 : vector<128x8x128xf32>
    %mul3A_200 = arith.constant 128 : i32
    %mul3A_201 = vector.broadcast %mul3A_200 : i32 to vector<128x8x128xi32>
    %mul3A_202 = arith.muli %iota3A_64, %mul3A_201 : vector<128x8x128xi32>
    %add3A_203 = arith.constant 8 : i32
    %add3A_204 = vector.broadcast %add3A_203 : i32 to vector<128x8x128xi32>
    %add3A_205 = arith.addi %mul3A_202, %add3A_204 : vector<128x8x128xi32>
    %add3A_206 = arith.addi %add3A_205, %iota3A : vector<128x8x128xi32>
    %jit3A_207 = arith.constant 16384 : i32
    %broadcast_in_dim3A_208 = vector.broadcast %jit3A_207 : i32 to vector<128x8x128xi32>
    %select_n3A_209 = arith.select %eq3A_199, %add3A_206, %broadcast_in_dim3A_208 : vector<128x8x128xi1>, vector<128x8x128xi32>
    %min3A_210 = arith.minsi %select_n3A, %select_n3A_209 : vector<128x8x128xi32>
    %get3A_211 = arith.constant 0 : index
    %get3A_212 = arith.constant 2 : index
    %get3A_213 = arith.constant 0 : index
    %get3A_214 = arith.constant 0 : index
    %get3A_215 = vector.load %arg5[%get3A_211, %get3A_212, %get3A_213, %get3A_214] : memref<128x16x8x128xf32, #tpu.memory_space<vmem>>, vector<128x1x8x128xf32>
    %get3A_216 = vector.shape_cast %get3A_215 : vector<128x1x8x128xf32> to vector<128x8x128xf32>
    %eq3A_217 = vector.broadcast %broadcast_in_dim3A : vector<128x1x128xf32> to vector<128x8x128xf32>
    %eq3A_218 = arith.cmpf oeq, %get3A_216, %eq3A_217 : vector<128x8x128xf32>
    %mul3A_219 = arith.constant 128 : i32
    %mul3A_220 = vector.broadcast %mul3A_219 : i32 to vector<128x8x128xi32>
    %mul3A_221 = arith.muli %iota3A_64, %mul3A_220 : vector<128x8x128xi32>
    %add3A_222 = arith.constant 16 : i32
    %add3A_223 = vector.broadcast %add3A_222 : i32 to vector<128x8x128xi32>
    %add3A_224 = arith.addi %mul3A_221, %add3A_223 : vector<128x8x128xi32>
    %add3A_225 = arith.addi %add3A_224, %iota3A : vector<128x8x128xi32>
    %jit3A_226 = arith.constant 16384 : i32
    %broadcast_in_dim3A_227 = vector.broadcast %jit3A_226 : i32 to vector<128x8x128xi32>
    %select_n3A_228 = arith.select %eq3A_218, %add3A_225, %broadcast_in_dim3A_227 : vector<128x8x128xi1>, vector<128x8x128xi32>
    %min3A_229 = arith.minsi %min3A_210, %select_n3A_228 : vector<128x8x128xi32>
    %get3A_230 = arith.constant 0 : index
    %get3A_231 = arith.constant 3 : index
    %get3A_232 = arith.constant 0 : index
    %get3A_233 = arith.constant 0 : index
    %get3A_234 = vector.load %arg5[%get3A_230, %get3A_231, %get3A_232, %get3A_233] : memref<128x16x8x128xf32, #tpu.memory_space<vmem>>, vector<128x1x8x128xf32>
    %get3A_235 = vector.shape_cast %get3A_234 : vector<128x1x8x128xf32> to vector<128x8x128xf32>
    %eq3A_236 = vector.broadcast %broadcast_in_dim3A : vector<128x1x128xf32> to vector<128x8x128xf32>
    %eq3A_237 = arith.cmpf oeq, %get3A_235, %eq3A_236 : vector<128x8x128xf32>
    %mul3A_238 = arith.constant 128 : i32
    %mul3A_239 = vector.broadcast %mul3A_238 : i32 to vector<128x8x128xi32>
    %mul3A_240 = arith.muli %iota3A_64, %mul3A_239 : vector<128x8x128xi32>
    %add3A_241 = arith.constant 24 : i32
    %add3A_242 = vector.broadcast %add3A_241 : i32 to vector<128x8x128xi32>
    %add3A_243 = arith.addi %mul3A_240, %add3A_242 : vector<128x8x128xi32>
    %add3A_244 = arith.addi %add3A_243, %iota3A : vector<128x8x128xi32>
    %jit3A_245 = arith.constant 16384 : i32
    %broadcast_in_dim3A_246 = vector.broadcast %jit3A_245 : i32 to vector<128x8x128xi32>
    %select_n3A_247 = arith.select %eq3A_237, %add3A_244, %broadcast_in_dim3A_246 : vector<128x8x128xi1>, vector<128x8x128xi32>
    %min3A_248 = arith.minsi %min3A_229, %select_n3A_247 : vector<128x8x128xi32>
    %get3A_249 = arith.constant 0 : index
    %get3A_250 = arith.constant 4 : index
    %get3A_251 = arith.constant 0 : index
    %get3A_252 = arith.constant 0 : index
    %get3A_253 = vector.load %arg5[%get3A_249, %get3A_250, %get3A_251, %get3A_252] : memref<128x16x8x128xf32, #tpu.memory_space<vmem>>, vector<128x1x8x128xf32>
    %get3A_254 = vector.shape_cast %get3A_253 : vector<128x1x8x128xf32> to vector<128x8x128xf32>
    %eq3A_255 = vector.broadcast %broadcast_in_dim3A : vector<128x1x128xf32> to vector<128x8x128xf32>
    %eq3A_256 = arith.cmpf oeq, %get3A_254, %eq3A_255 : vector<128x8x128xf32>
    %mul3A_257 = arith.constant 128 : i32
    %mul3A_258 = vector.broadcast %mul3A_257 : i32 to vector<128x8x128xi32>
    %mul3A_259 = arith.muli %iota3A_64, %mul3A_258 : vector<128x8x128xi32>
    %add3A_260 = arith.constant 32 : i32
    %add3A_261 = vector.broadcast %add3A_260 : i32 to vector<128x8x128xi32>
    %add3A_262 = arith.addi %mul3A_259, %add3A_261 : vector<128x8x128xi32>
    %add3A_263 = arith.addi %add3A_262, %iota3A : vector<128x8x128xi32>
    %jit3A_264 = arith.constant 16384 : i32
    %broadcast_in_dim3A_265 = vector.broadcast %jit3A_264 : i32 to vector<128x8x128xi32>
    %select_n3A_266 = arith.select %eq3A_256, %add3A_263, %broadcast_in_dim3A_265 : vector<128x8x128xi1>, vector<128x8x128xi32>
    %min3A_267 = arith.minsi %min3A_248, %select_n3A_266 : vector<128x8x128xi32>
    %get3A_268 = arith.constant 0 : index
    %get3A_269 = arith.constant 5 : index
    %get3A_270 = arith.constant 0 : index
    %get3A_271 = arith.constant 0 : index
    %get3A_272 = vector.load %arg5[%get3A_268, %get3A_269, %get3A_270, %get3A_271] : memref<128x16x8x128xf32, #tpu.memory_space<vmem>>, vector<128x1x8x128xf32>
    %get3A_273 = vector.shape_cast %get3A_272 : vector<128x1x8x128xf32> to vector<128x8x128xf32>
    %eq3A_274 = vector.broadcast %broadcast_in_dim3A : vector<128x1x128xf32> to vector<128x8x128xf32>
    %eq3A_275 = arith.cmpf oeq, %get3A_273, %eq3A_274 : vector<128x8x128xf32>
    %mul3A_276 = arith.constant 128 : i32
    %mul3A_277 = vector.broadcast %mul3A_276 : i32 to vector<128x8x128xi32>
    %mul3A_278 = arith.muli %iota3A_64, %mul3A_277 : vector<128x8x128xi32>
    %add3A_279 = arith.constant 40 : i32
    %add3A_280 = vector.broadcast %add3A_279 : i32 to vector<128x8x128xi32>
    %add3A_281 = arith.addi %mul3A_278, %add3A_280 : vector<128x8x128xi32>
    %add3A_282 = arith.addi %add3A_281, %iota3A : vector<128x8x128xi32>
    %jit3A_283 = arith.constant 16384 : i32
    %broadcast_in_dim3A_284 = vector.broadcast %jit3A_283 : i32 to vector<128x8x128xi32>
    %select_n3A_285 = arith.select %eq3A_275, %add3A_282, %broadcast_in_dim3A_284 : vector<128x8x128xi1>, vector<128x8x128xi32>
    %min3A_286 = arith.minsi %min3A_267, %select_n3A_285 : vector<128x8x128xi32>
    %get3A_287 = arith.constant 0 : index
    %get3A_288 = arith.constant 6 : index
    %get3A_289 = arith.constant 0 : index
    %get3A_290 = arith.constant 0 : index
    %get3A_291 = vector.load %arg5[%get3A_287, %get3A_288, %get3A_289, %get3A_290] : memref<128x16x8x128xf32, #tpu.memory_space<vmem>>, vector<128x1x8x128xf32>
    %get3A_292 = vector.shape_cast %get3A_291 : vector<128x1x8x128xf32> to vector<128x8x128xf32>
    %eq3A_293 = vector.broadcast %broadcast_in_dim3A : vector<128x1x128xf32> to vector<128x8x128xf32>
    %eq3A_294 = arith.cmpf oeq, %get3A_292, %eq3A_293 : vector<128x8x128xf32>
    %mul3A_295 = arith.constant 128 : i32
    %mul3A_296 = vector.broadcast %mul3A_295 : i32 to vector<128x8x128xi32>
    %mul3A_297 = arith.muli %iota3A_64, %mul3A_296 : vector<128x8x128xi32>
    %add3A_298 = arith.constant 48 : i32
    %add3A_299 = vector.broadcast %add3A_298 : i32 to vector<128x8x128xi32>
    %add3A_300 = arith.addi %mul3A_297, %add3A_299 : vector<128x8x128xi32>
    %add3A_301 = arith.addi %add3A_300, %iota3A : vector<128x8x128xi32>
    %jit3A_302 = arith.constant 16384 : i32
    %broadcast_in_dim3A_303 = vector.broadcast %jit3A_302 : i32 to vector<128x8x128xi32>
    %select_n3A_304 = arith.select %eq3A_294, %add3A_301, %broadcast_in_dim3A_303 : vector<128x8x128xi1>, vector<128x8x128xi32>
    %min3A_305 = arith.minsi %min3A_286, %select_n3A_304 : vector<128x8x128xi32>
    %get3A_306 = arith.constant 0 : index
    %get3A_307 = arith.constant 7 : index
    %get3A_308 = arith.constant 0 : index
    %get3A_309 = arith.constant 0 : index
    %get3A_310 = vector.load %arg5[%get3A_306, %get3A_307, %get3A_308, %get3A_309] : memref<128x16x8x128xf32, #tpu.memory_space<vmem>>, vector<128x1x8x128xf32>
    %get3A_311 = vector.shape_cast %get3A_310 : vector<128x1x8x128xf32> to vector<128x8x128xf32>
    %eq3A_312 = vector.broadcast %broadcast_in_dim3A : vector<128x1x128xf32> to vector<128x8x128xf32>
    %eq3A_313 = arith.cmpf oeq, %get3A_311, %eq3A_312 : vector<128x8x128xf32>
    %mul3A_314 = arith.constant 128 : i32
    %mul3A_315 = vector.broadcast %mul3A_314 : i32 to vector<128x8x128xi32>
    %mul3A_316 = arith.muli %iota3A_64, %mul3A_315 : vector<128x8x128xi32>
    %add3A_317 = arith.constant 56 : i32
    %add3A_318 = vector.broadcast %add3A_317 : i32 to vector<128x8x128xi32>
    %add3A_319 = arith.addi %mul3A_316, %add3A_318 : vector<128x8x128xi32>
    %add3A_320 = arith.addi %add3A_319, %iota3A : vector<128x8x128xi32>
    %jit3A_321 = arith.constant 16384 : i32
    %broadcast_in_dim3A_322 = vector.broadcast %jit3A_321 : i32 to vector<128x8x128xi32>
    %select_n3A_323 = arith.select %eq3A_313, %add3A_320, %broadcast_in_dim3A_322 : vector<128x8x128xi1>, vector<128x8x128xi32>
    %min3A_324 = arith.minsi %min3A_305, %select_n3A_323 : vector<128x8x128xi32>
    %get3A_325 = arith.constant 0 : index
    %get3A_326 = arith.constant 8 : index
    %get3A_327 = arith.constant 0 : index
    %get3A_328 = arith.constant 0 : index
    %get3A_329 = vector.load %arg5[%get3A_325, %get3A_326, %get3A_327, %get3A_328] : memref<128x16x8x128xf32, #tpu.memory_space<vmem>>, vector<128x1x8x128xf32>
    %get3A_330 = vector.shape_cast %get3A_329 : vector<128x1x8x128xf32> to vector<128x8x128xf32>
    %eq3A_331 = vector.broadcast %broadcast_in_dim3A : vector<128x1x128xf32> to vector<128x8x128xf32>
    %eq3A_332 = arith.cmpf oeq, %get3A_330, %eq3A_331 : vector<128x8x128xf32>
    %mul3A_333 = arith.constant 128 : i32
    %mul3A_334 = vector.broadcast %mul3A_333 : i32 to vector<128x8x128xi32>
    %mul3A_335 = arith.muli %iota3A_64, %mul3A_334 : vector<128x8x128xi32>
    %add3A_336 = arith.constant 64 : i32
    %add3A_337 = vector.broadcast %add3A_336 : i32 to vector<128x8x128xi32>
    %add3A_338 = arith.addi %mul3A_335, %add3A_337 : vector<128x8x128xi32>
    %add3A_339 = arith.addi %add3A_338, %iota3A : vector<128x8x128xi32>
    %jit3A_340 = arith.constant 16384 : i32
    %broadcast_in_dim3A_341 = vector.broadcast %jit3A_340 : i32 to vector<128x8x128xi32>
    %select_n3A_342 = arith.select %eq3A_332, %add3A_339, %broadcast_in_dim3A_341 : vector<128x8x128xi1>, vector<128x8x128xi32>
    %min3A_343 = arith.minsi %min3A_324, %select_n3A_342 : vector<128x8x128xi32>
    %get3A_344 = arith.constant 0 : index
    %get3A_345 = arith.constant 9 : index
    %get3A_346 = arith.constant 0 : index
    %get3A_347 = arith.constant 0 : index
    %get3A_348 = vector.load %arg5[%get3A_344, %get3A_345, %get3A_346, %get3A_347] : memref<128x16x8x128xf32, #tpu.memory_space<vmem>>, vector<128x1x8x128xf32>
    %get3A_349 = vector.shape_cast %get3A_348 : vector<128x1x8x128xf32> to vector<128x8x128xf32>
    %eq3A_350 = vector.broadcast %broadcast_in_dim3A : vector<128x1x128xf32> to vector<128x8x128xf32>
    %eq3A_351 = arith.cmpf oeq, %get3A_349, %eq3A_350 : vector<128x8x128xf32>
    %mul3A_352 = arith.constant 128 : i32
    %mul3A_353 = vector.broadcast %mul3A_352 : i32 to vector<128x8x128xi32>
    %mul3A_354 = arith.muli %iota3A_64, %mul3A_353 : vector<128x8x128xi32>
    %add3A_355 = arith.constant 72 : i32
    %add3A_356 = vector.broadcast %add3A_355 : i32 to vector<128x8x128xi32>
    %add3A_357 = arith.addi %mul3A_354, %add3A_356 : vector<128x8x128xi32>
    %add3A_358 = arith.addi %add3A_357, %iota3A : vector<128x8x128xi32>
    %jit3A_359 = arith.constant 16384 : i32
    %broadcast_in_dim3A_360 = vector.broadcast %jit3A_359 : i32 to vector<128x8x128xi32>
    %select_n3A_361 = arith.select %eq3A_351, %add3A_358, %broadcast_in_dim3A_360 : vector<128x8x128xi1>, vector<128x8x128xi32>
    %min3A_362 = arith.minsi %min3A_343, %select_n3A_361 : vector<128x8x128xi32>
    %get3A_363 = arith.constant 0 : index
    %get3A_364 = arith.constant 10 : index
    %get3A_365 = arith.constant 0 : index
    %get3A_366 = arith.constant 0 : index
    %get3A_367 = vector.load %arg5[%get3A_363, %get3A_364, %get3A_365, %get3A_366] : memref<128x16x8x128xf32, #tpu.memory_space<vmem>>, vector<128x1x8x128xf32>
    %get3A_368 = vector.shape_cast %get3A_367 : vector<128x1x8x128xf32> to vector<128x8x128xf32>
    %eq3A_369 = vector.broadcast %broadcast_in_dim3A : vector<128x1x128xf32> to vector<128x8x128xf32>
    %eq3A_370 = arith.cmpf oeq, %get3A_368, %eq3A_369 : vector<128x8x128xf32>
    %mul3A_371 = arith.constant 128 : i32
    %mul3A_372 = vector.broadcast %mul3A_371 : i32 to vector<128x8x128xi32>
    %mul3A_373 = arith.muli %iota3A_64, %mul3A_372 : vector<128x8x128xi32>
    %add3A_374 = arith.constant 80 : i32
    %add3A_375 = vector.broadcast %add3A_374 : i32 to vector<128x8x128xi32>
    %add3A_376 = arith.addi %mul3A_373, %add3A_375 : vector<128x8x128xi32>
    %add3A_377 = arith.addi %add3A_376, %iota3A : vector<128x8x128xi32>
    %jit3A_378 = arith.constant 16384 : i32
    %broadcast_in_dim3A_379 = vector.broadcast %jit3A_378 : i32 to vector<128x8x128xi32>
    %select_n3A_380 = arith.select %eq3A_370, %add3A_377, %broadcast_in_dim3A_379 : vector<128x8x128xi1>, vector<128x8x128xi32>
    %min3A_381 = arith.minsi %min3A_362, %select_n3A_380 : vector<128x8x128xi32>
    %get3A_382 = arith.constant 0 : index
    %get3A_383 = arith.constant 11 : index
    %get3A_384 = arith.constant 0 : index
    %get3A_385 = arith.constant 0 : index
    %get3A_386 = vector.load %arg5[%get3A_382, %get3A_383, %get3A_384, %get3A_385] : memref<128x16x8x128xf32, #tpu.memory_space<vmem>>, vector<128x1x8x128xf32>
    %get3A_387 = vector.shape_cast %get3A_386 : vector<128x1x8x128xf32> to vector<128x8x128xf32>
    %eq3A_388 = vector.broadcast %broadcast_in_dim3A : vector<128x1x128xf32> to vector<128x8x128xf32>
    %eq3A_389 = arith.cmpf oeq, %get3A_387, %eq3A_388 : vector<128x8x128xf32>
    %mul3A_390 = arith.constant 128 : i32
    %mul3A_391 = vector.broadcast %mul3A_390 : i32 to vector<128x8x128xi32>
    %mul3A_392 = arith.muli %iota3A_64, %mul3A_391 : vector<128x8x128xi32>
    %add3A_393 = arith.constant 88 : i32
    %add3A_394 = vector.broadcast %add3A_393 : i32 to vector<128x8x128xi32>
    %add3A_395 = arith.addi %mul3A_392, %add3A_394 : vector<128x8x128xi32>
    %add3A_396 = arith.addi %add3A_395, %iota3A : vector<128x8x128xi32>
    %jit3A_397 = arith.constant 16384 : i32
    %broadcast_in_dim3A_398 = vector.broadcast %jit3A_397 : i32 to vector<128x8x128xi32>
    %select_n3A_399 = arith.select %eq3A_389, %add3A_396, %broadcast_in_dim3A_398 : vector<128x8x128xi1>, vector<128x8x128xi32>
    %min3A_400 = arith.minsi %min3A_381, %select_n3A_399 : vector<128x8x128xi32>
    %get3A_401 = arith.constant 0 : index
    %get3A_402 = arith.constant 12 : index
    %get3A_403 = arith.constant 0 : index
    %get3A_404 = arith.constant 0 : index
    %get3A_405 = vector.load %arg5[%get3A_401, %get3A_402, %get3A_403, %get3A_404] : memref<128x16x8x128xf32, #tpu.memory_space<vmem>>, vector<128x1x8x128xf32>
    %get3A_406 = vector.shape_cast %get3A_405 : vector<128x1x8x128xf32> to vector<128x8x128xf32>
    %eq3A_407 = vector.broadcast %broadcast_in_dim3A : vector<128x1x128xf32> to vector<128x8x128xf32>
    %eq3A_408 = arith.cmpf oeq, %get3A_406, %eq3A_407 : vector<128x8x128xf32>
    %mul3A_409 = arith.constant 128 : i32
    %mul3A_410 = vector.broadcast %mul3A_409 : i32 to vector<128x8x128xi32>
    %mul3A_411 = arith.muli %iota3A_64, %mul3A_410 : vector<128x8x128xi32>
    %add3A_412 = arith.constant 96 : i32
    %add3A_413 = vector.broadcast %add3A_412 : i32 to vector<128x8x128xi32>
    %add3A_414 = arith.addi %mul3A_411, %add3A_413 : vector<128x8x128xi32>
    %add3A_415 = arith.addi %add3A_414, %iota3A : vector<128x8x128xi32>
    %jit3A_416 = arith.constant 16384 : i32
    %broadcast_in_dim3A_417 = vector.broadcast %jit3A_416 : i32 to vector<128x8x128xi32>
    %select_n3A_418 = arith.select %eq3A_408, %add3A_415, %broadcast_in_dim3A_417 : vector<128x8x128xi1>, vector<128x8x128xi32>
    %min3A_419 = arith.minsi %min3A_400, %select_n3A_418 : vector<128x8x128xi32>
    %get3A_420 = arith.constant 0 : index
    %get3A_421 = arith.constant 13 : index
    %get3A_422 = arith.constant 0 : index
    %get3A_423 = arith.constant 0 : index
    %get3A_424 = vector.load %arg5[%get3A_420, %get3A_421, %get3A_422, %get3A_423] : memref<128x16x8x128xf32, #tpu.memory_space<vmem>>, vector<128x1x8x128xf32>
    %get3A_425 = vector.shape_cast %get3A_424 : vector<128x1x8x128xf32> to vector<128x8x128xf32>
    %eq3A_426 = vector.broadcast %broadcast_in_dim3A : vector<128x1x128xf32> to vector<128x8x128xf32>
    %eq3A_427 = arith.cmpf oeq, %get3A_425, %eq3A_426 : vector<128x8x128xf32>
    %mul3A_428 = arith.constant 128 : i32
    %mul3A_429 = vector.broadcast %mul3A_428 : i32 to vector<128x8x128xi32>
    %mul3A_430 = arith.muli %iota3A_64, %mul3A_429 : vector<128x8x128xi32>
    %add3A_431 = arith.constant 104 : i32
    %add3A_432 = vector.broadcast %add3A_431 : i32 to vector<128x8x128xi32>
    %add3A_433 = arith.addi %mul3A_430, %add3A_432 : vector<128x8x128xi32>
    %add3A_434 = arith.addi %add3A_433, %iota3A : vector<128x8x128xi32>
    %jit3A_435 = arith.constant 16384 : i32
    %broadcast_in_dim3A_436 = vector.broadcast %jit3A_435 : i32 to vector<128x8x128xi32>
    %select_n3A_437 = arith.select %eq3A_427, %add3A_434, %broadcast_in_dim3A_436 : vector<128x8x128xi1>, vector<128x8x128xi32>
    %min3A_438 = arith.minsi %min3A_419, %select_n3A_437 : vector<128x8x128xi32>
    %get3A_439 = arith.constant 0 : index
    %get3A_440 = arith.constant 14 : index
    %get3A_441 = arith.constant 0 : index
    %get3A_442 = arith.constant 0 : index
    %get3A_443 = vector.load %arg5[%get3A_439, %get3A_440, %get3A_441, %get3A_442] : memref<128x16x8x128xf32, #tpu.memory_space<vmem>>, vector<128x1x8x128xf32>
    %get3A_444 = vector.shape_cast %get3A_443 : vector<128x1x8x128xf32> to vector<128x8x128xf32>
    %eq3A_445 = vector.broadcast %broadcast_in_dim3A : vector<128x1x128xf32> to vector<128x8x128xf32>
    %eq3A_446 = arith.cmpf oeq, %get3A_444, %eq3A_445 : vector<128x8x128xf32>
    %mul3A_447 = arith.constant 128 : i32
    %mul3A_448 = vector.broadcast %mul3A_447 : i32 to vector<128x8x128xi32>
    %mul3A_449 = arith.muli %iota3A_64, %mul3A_448 : vector<128x8x128xi32>
    %add3A_450 = arith.constant 112 : i32
    %add3A_451 = vector.broadcast %add3A_450 : i32 to vector<128x8x128xi32>
    %add3A_452 = arith.addi %mul3A_449, %add3A_451 : vector<128x8x128xi32>
    %add3A_453 = arith.addi %add3A_452, %iota3A : vector<128x8x128xi32>
    %jit3A_454 = arith.constant 16384 : i32
    %broadcast_in_dim3A_455 = vector.broadcast %jit3A_454 : i32 to vector<128x8x128xi32>
    %select_n3A_456 = arith.select %eq3A_446, %add3A_453, %broadcast_in_dim3A_455 : vector<128x8x128xi1>, vector<128x8x128xi32>
    %min3A_457 = arith.minsi %min3A_438, %select_n3A_456 : vector<128x8x128xi32>
    %get3A_458 = arith.constant 0 : index
    %get3A_459 = arith.constant 15 : index
    %get3A_460 = arith.constant 0 : index
    %get3A_461 = arith.constant 0 : index
    %get3A_462 = vector.load %arg5[%get3A_458, %get3A_459, %get3A_460, %get3A_461] : memref<128x16x8x128xf32, #tpu.memory_space<vmem>>, vector<128x1x8x128xf32>
    %get3A_463 = vector.shape_cast %get3A_462 : vector<128x1x8x128xf32> to vector<128x8x128xf32>
    %eq3A_464 = vector.broadcast %broadcast_in_dim3A : vector<128x1x128xf32> to vector<128x8x128xf32>
    %eq3A_465 = arith.cmpf oeq, %get3A_463, %eq3A_464 : vector<128x8x128xf32>
    %mul3A_466 = arith.constant 128 : i32
    %mul3A_467 = vector.broadcast %mul3A_466 : i32 to vector<128x8x128xi32>
    %mul3A_468 = arith.muli %iota3A_64, %mul3A_467 : vector<128x8x128xi32>
    %add3A_469 = arith.constant 120 : i32
    %add3A_470 = vector.broadcast %add3A_469 : i32 to vector<128x8x128xi32>
    %add3A_471 = arith.addi %mul3A_468, %add3A_470 : vector<128x8x128xi32>
    %add3A_472 = arith.addi %add3A_471, %iota3A : vector<128x8x128xi32>
    %jit3A_473 = arith.constant 16384 : i32
    %broadcast_in_dim3A_474 = vector.broadcast %jit3A_473 : i32 to vector<128x8x128xi32>
    %select_n3A_475 = arith.select %eq3A_465, %add3A_472, %broadcast_in_dim3A_474 : vector<128x8x128xi1>, vector<128x8x128xi32>
    %min3A_476 = arith.minsi %min3A_457, %select_n3A_475 : vector<128x8x128xi32>
    %reduce_min3A_477 = arith.constant dense<2147483647> : vector<128x128xi32>
    %reduce_min3A_478 = vector.multi_reduction <minsi>, %min3A_476, %reduce_min3A_477 [1] : vector<128x8x128xi32> to vector<128x128xi32>
    %broadcast_in_dim3A_479 = vector.shape_cast %reduce_min3A_478 : vector<128x128xi32> to vector<128x1x128xi32>
    %squeeze3A = vector.shape_cast %broadcast_in_dim3A : vector<128x1x128xf32> to vector<128x128xf32>
    %swap3A_480 = arith.constant 0 : index
    %swap3A_481 = arith.constant 0 : index
    %swap3A_482 = vector.load %arg6[%swap3A_480, %swap3A_481] : memref<128x768xf32, #tpu.memory_space<vmem>>, vector<128x128xf32>
    tpu.vector_store %arg6[%swap3A_480, %swap3A_481], %squeeze3A {strides = array<i32>} : memref<128x768xf32, #tpu.memory_space<vmem>>, vector<128x128xf32>,
    %squeeze3A_483 = vector.shape_cast %broadcast_in_dim3A_479 : vector<128x1x128xi32> to vector<128x128xi32>
    %swap3A_484 = arith.constant 0 : index
    %swap3A_485 = arith.constant 0 : index
    %swap3A_486 = vector.load %arg7[%swap3A_484, %swap3A_485] : memref<128x768xi32, #tpu.memory_space<vmem>>, vector<128x128xi32>
    tpu.vector_store %arg7[%swap3A_484, %swap3A_485], %squeeze3A_483 {strides = array<i32>} : memref<128x768xi32, #tpu.memory_space<vmem>>, vector<128x128xi32>,
    %mul3A_487 = arith.constant 128 : i32
    %mul3A_488 = vector.broadcast %mul3A_487 : i32 to vector<128x8x128xi32>
    %mul3A_489 = arith.muli %iota3A_64, %mul3A_488 : vector<128x8x128xi32>
    %add3A_490 = arith.constant 0 : i32
    %add3A_491 = vector.broadcast %add3A_490 : i32 to vector<128x8x128xi32>
    %add3A_492 = arith.addi %mul3A_489, %add3A_491 : vector<128x8x128xi32>
    %add3A_493 = arith.addi %add3A_492, %iota3A : vector<128x8x128xi32>
    %eq3A_494 = vector.broadcast %broadcast_in_dim3A_479 : vector<128x1x128xi32> to vector<128x8x128xi32>
    %eq3A_495 = arith.cmpi eq, %add3A_493, %eq3A_494 : vector<128x8x128xi32>
    %get3A_496 = arith.constant 0 : index
    %get3A_497 = arith.constant 0 : index
    %get3A_498 = arith.constant 0 : index
    %get3A_499 = arith.constant 0 : index
    %get3A_500 = vector.load %arg5[%get3A_496, %get3A_497, %get3A_498, %get3A_499] : memref<128x16x8x128xf32, #tpu.memory_space<vmem>>, vector<128x1x8x128xf32>
    %get3A_501 = vector.shape_cast %get3A_500 : vector<128x1x8x128xf32> to vector<128x8x128xf32>
    %jit3A_502 = arith.constant 1.000000e+10 : f32
    %broadcast_in_dim3A_503 = vector.broadcast %jit3A_502 : f32 to vector<128x8x128xf32>
    %select_n3A_504 = arith.select %eq3A_495, %broadcast_in_dim3A_503, %get3A_501 : vector<128x8x128xi1>, vector<128x8x128xf32>
    %swap3A_505 = arith.constant 0 : index
    %swap3A_506 = arith.constant 0 : index
    %swap3A_507 = arith.constant 0 : index
    %swap3A_508 = arith.constant 0 : index
    %swap3A_509 = vector.load %arg5[%swap3A_505, %swap3A_506, %swap3A_507, %swap3A_508] : memref<128x16x8x128xf32, #tpu.memory_space<vmem>>, vector<128x1x8x128xf32>
    %swap3A_510 = vector.shape_cast %swap3A_509 : vector<128x1x8x128xf32> to vector<128x8x128xf32>
    %swap3A_511 = vector.shape_cast %select_n3A_504 : vector<128x8x128xf32> to vector<128x1x8x128xf32>
    tpu.vector_store %arg5[%swap3A_505, %swap3A_506, %swap3A_507, %swap3A_508], %swap3A_511 {strides = array<i32>} : memref<128x16x8x128xf32, #tpu.memory_space<vmem>>, vector<128x1x8x128xf32>,
    %mul3A_512 = arith.constant 128 : i32
    %mul3A_513 = vector.broadcast %mul3A_512 : i32 to vector<128x8x128xi32>
    %mul3A_514 = arith.muli %iota3A_64, %mul3A_513 : vector<128x8x128xi32>
    %add3A_515 = arith.constant 8 : i32
    %add3A_516 = vector.broadcast %add3A_515 : i32 to vector<128x8x128xi32>
    %add3A_517 = arith.addi %mul3A_514, %add3A_516 : vector<128x8x128xi32>
    %add3A_518 = arith.addi %add3A_517, %iota3A : vector<128x8x128xi32>
    %eq3A_519 = vector.broadcast %broadcast_in_dim3A_479 : vector<128x1x128xi32> to vector<128x8x128xi32>
    %eq3A_520 = arith.cmpi eq, %add3A_518, %eq3A_519 : vector<128x8x128xi32>
    %get3A_521 = arith.constant 0 : index
    %get3A_522 = arith.constant 1 : index
    %get3A_523 = arith.constant 0 : index
    %get3A_524 = arith.constant 0 : index
    %get3A_525 = vector.load %arg5[%get3A_521, %get3A_522, %get3A_523, %get3A_524] : memref<128x16x8x128xf32, #tpu.memory_space<vmem>>, vector<128x1x8x128xf32>
    %get3A_526 = vector.shape_cast %get3A_525 : vector<128x1x8x128xf32> to vector<128x8x128xf32>
    %jit3A_527 = arith.constant 1.000000e+10 : f32
    %broadcast_in_dim3A_528 = vector.broadcast %jit3A_527 : f32 to vector<128x8x128xf32>
    %select_n3A_529 = arith.select %eq3A_520, %broadcast_in_dim3A_528, %get3A_526 : vector<128x8x128xi1>, vector<128x8x128xf32>
    %swap3A_530 = arith.constant 0 : index
    %swap3A_531 = arith.constant 1 : index
    %swap3A_532 = arith.constant 0 : index
    %swap3A_533 = arith.constant 0 : index
    %swap3A_534 = vector.load %arg5[%swap3A_530, %swap3A_531, %swap3A_532, %swap3A_533] : memref<128x16x8x128xf32, #tpu.memory_space<vmem>>, vector<128x1x8x128xf32>
    %swap3A_535 = vector.shape_cast %swap3A_534 : vector<128x1x8x128xf32> to vector<128x8x128xf32>
    %swap3A_536 = vector.shape_cast %select_n3A_529 : vector<128x8x128xf32> to vector<128x1x8x128xf32>
    tpu.vector_store %arg5[%swap3A_530, %swap3A_531, %swap3A_532, %swap3A_533], %swap3A_536 {strides = array<i32>} : memref<128x16x8x128xf32, #tpu.memory_space<vmem>>, vector<128x1x8x128xf32>,
    %min3A_537 = arith.minimumf %select_n3A_504, %select_n3A_529 : vector<128x8x128xf32>
    %mul3A_538 = arith.constant 128 : i32
    %mul3A_539 = vector.broadcast %mul3A_538 : i32 to vector<128x8x128xi32>
    %mul3A_540 = arith.muli %iota3A_64, %mul3A_539 : vector<128x8x128xi32>
    %add3A_541 = arith.constant 16 : i32
    %add3A_542 = vector.broadcast %add3A_541 : i32 to vector<128x8x128xi32>
    %add3A_543 = arith.addi %mul3A_540, %add3A_542 : vector<128x8x128xi32>
    %add3A_544 = arith.addi %add3A_543, %iota3A : vector<128x8x128xi32>
    %eq3A_545 = vector.broadcast %broadcast_in_dim3A_479 : vector<128x1x128xi32> to vector<128x8x128xi32>
    %eq3A_546 = arith.cmpi eq, %add3A_544, %eq3A_545 : vector<128x8x128xi32>
    %get3A_547 = arith.constant 0 : index
    %get3A_548 = arith.constant 2 : index
    %get3A_549 = arith.constant 0 : index
    %get3A_550 = arith.constant 0 : index
    %get3A_551 = vector.load %arg5[%get3A_547, %get3A_548, %get3A_549, %get3A_550] : memref<128x16x8x128xf32, #tpu.memory_space<vmem>>, vector<128x1x8x128xf32>
    %get3A_552 = vector.shape_cast %get3A_551 : vector<128x1x8x128xf32> to vector<128x8x128xf32>
    %jit3A_553 = arith.constant 1.000000e+10 : f32
    %broadcast_in_dim3A_554 = vector.broadcast %jit3A_553 : f32 to vector<128x8x128xf32>
    %select_n3A_555 = arith.select %eq3A_546, %broadcast_in_dim3A_554, %get3A_552 : vector<128x8x128xi1>, vector<128x8x128xf32>
    %swap3A_556 = arith.constant 0 : index
    %swap3A_557 = arith.constant 2 : index
    %swap3A_558 = arith.constant 0 : index
    %swap3A_559 = arith.constant 0 : index
    %swap3A_560 = vector.load %arg5[%swap3A_556, %swap3A_557, %swap3A_558, %swap3A_559] : memref<128x16x8x128xf32, #tpu.memory_space<vmem>>, vector<128x1x8x128xf32>
    %swap3A_561 = vector.shape_cast %swap3A_560 : vector<128x1x8x128xf32> to vector<128x8x128xf32>
    %swap3A_562 = vector.shape_cast %select_n3A_555 : vector<128x8x128xf32> to vector<128x1x8x128xf32>
    tpu.vector_store %arg5[%swap3A_556, %swap3A_557, %swap3A_558, %swap3A_559], %swap3A_562 {strides = array<i32>} : memref<128x16x8x128xf32, #tpu.memory_space<vmem>>, vector<128x1x8x128xf32>,
    %min3A_563 = arith.minimumf %min3A_537, %select_n3A_555 : vector<128x8x128xf32>
    %mul3A_564 = arith.constant 128 : i32
    %mul3A_565 = vector.broadcast %mul3A_564 : i32 to vector<128x8x128xi32>
    %mul3A_566 = arith.muli %iota3A_64, %mul3A_565 : vector<128x8x128xi32>
    %add3A_567 = arith.constant 24 : i32
    %add3A_568 = vector.broadcast %add3A_567 : i32 to vector<128x8x128xi32>
    %add3A_569 = arith.addi %mul3A_566, %add3A_568 : vector<128x8x128xi32>
    %add3A_570 = arith.addi %add3A_569, %iota3A : vector<128x8x128xi32>
    %eq3A_571 = vector.broadcast %broadcast_in_dim3A_479 : vector<128x1x128xi32> to vector<128x8x128xi32>
    %eq3A_572 = arith.cmpi eq, %add3A_570, %eq3A_571 : vector<128x8x128xi32>
    %get3A_573 = arith.constant 0 : index
    %get3A_574 = arith.constant 3 : index
    %get3A_575 = arith.constant 0 : index
    %get3A_576 = arith.constant 0 : index
    %get3A_577 = vector.load %arg5[%get3A_573, %get3A_574, %get3A_575, %get3A_576] : memref<128x16x8x128xf32, #tpu.memory_space<vmem>>, vector<128x1x8x128xf32>
    %get3A_578 = vector.shape_cast %get3A_577 : vector<128x1x8x128xf32> to vector<128x8x128xf32>
    %jit3A_579 = arith.constant 1.000000e+10 : f32
    %broadcast_in_dim3A_580 = vector.broadcast %jit3A_579 : f32 to vector<128x8x128xf32>
    %select_n3A_581 = arith.select %eq3A_572, %broadcast_in_dim3A_580, %get3A_578 : vector<128x8x128xi1>, vector<128x8x128xf32>
    %swap3A_582 = arith.constant 0 : index
    %swap3A_583 = arith.constant 3 : index
    %swap3A_584 = arith.constant 0 : index
    %swap3A_585 = arith.constant 0 : index
    %swap3A_586 = vector.load %arg5[%swap3A_582, %swap3A_583, %swap3A_584, %swap3A_585] : memref<128x16x8x128xf32, #tpu.memory_space<vmem>>, vector<128x1x8x128xf32>
    %swap3A_587 = vector.shape_cast %swap3A_586 : vector<128x1x8x128xf32> to vector<128x8x128xf32>
    %swap3A_588 = vector.shape_cast %select_n3A_581 : vector<128x8x128xf32> to vector<128x1x8x128xf32>
    tpu.vector_store %arg5[%swap3A_582, %swap3A_583, %swap3A_584, %swap3A_585], %swap3A_588 {strides = array<i32>} : memref<128x16x8x128xf32, #tpu.memory_space<vmem>>, vector<128x1x8x128xf32>,
    %min3A_589 = arith.minimumf %min3A_563, %select_n3A_581 : vector<128x8x128xf32>
    %mul3A_590 = arith.constant 128 : i32
    %mul3A_591 = vector.broadcast %mul3A_590 : i32 to vector<128x8x128xi32>
    %mul3A_592 = arith.muli %iota3A_64, %mul3A_591 : vector<128x8x128xi32>
    %add3A_593 = arith.constant 32 : i32
    %add3A_594 = vector.broadcast %add3A_593 : i32 to vector<128x8x128xi32>
    %add3A_595 = arith.addi %mul3A_592, %add3A_594 : vector<128x8x128xi32>
    %add3A_596 = arith.addi %add3A_595, %iota3A : vector<128x8x128xi32>
    %eq3A_597 = vector.broadcast %broadcast_in_dim3A_479 : vector<128x1x128xi32> to vector<128x8x128xi32>
    %eq3A_598 = arith.cmpi eq, %add3A_596, %eq3A_597 : vector<128x8x128xi32>
    %get3A_599 = arith.constant 0 : index
    %get3A_600 = arith.constant 4 : index
    %get3A_601 = arith.constant 0 : index
    %get3A_602 = arith.constant 0 : index
    %get3A_603 = vector.load %arg5[%get3A_599, %get3A_600, %get3A_601, %get3A_602] : memref<128x16x8x128xf32, #tpu.memory_space<vmem>>, vector<128x1x8x128xf32>
    %get3A_604 = vector.shape_cast %get3A_603 : vector<128x1x8x128xf32> to vector<128x8x128xf32>
    %jit3A_605 = arith.constant 1.000000e+10 : f32
    %broadcast_in_dim3A_606 = vector.broadcast %jit3A_605 : f32 to vector<128x8x128xf32>
    %select_n3A_607 = arith.select %eq3A_598, %broadcast_in_dim3A_606, %get3A_604 : vector<128x8x128xi1>, vector<128x8x128xf32>
    %swap3A_608 = arith.constant 0 : index
    %swap3A_609 = arith.constant 4 : index
    %swap3A_610 = arith.constant 0 : index
    %swap3A_611 = arith.constant 0 : index
    %swap3A_612 = vector.load %arg5[%swap3A_608, %swap3A_609, %swap3A_610, %swap3A_611] : memref<128x16x8x128xf32, #tpu.memory_space<vmem>>, vector<128x1x8x128xf32>
    %swap3A_613 = vector.shape_cast %swap3A_612 : vector<128x1x8x128xf32> to vector<128x8x128xf32>
    %swap3A_614 = vector.shape_cast %select_n3A_607 : vector<128x8x128xf32> to vector<128x1x8x128xf32>
    tpu.vector_store %arg5[%swap3A_608, %swap3A_609, %swap3A_610, %swap3A_611], %swap3A_614 {strides = array<i32>} : memref<128x16x8x128xf32, #tpu.memory_space<vmem>>, vector<128x1x8x128xf32>,
    %min3A_615 = arith.minimumf %min3A_589, %select_n3A_607 : vector<128x8x128xf32>
    %mul3A_616 = arith.constant 128 : i32
    %mul3A_617 = vector.broadcast %mul3A_616 : i32 to vector<128x8x128xi32>
    %mul3A_618 = arith.muli %iota3A_64, %mul3A_617 : vector<128x8x128xi32>
    %add3A_619 = arith.constant 40 : i32
    %add3A_620 = vector.broadcast %add3A_619 : i32 to vector<128x8x128xi32>
    %add3A_621 = arith.addi %mul3A_618, %add3A_620 : vector<128x8x128xi32>
    %add3A_622 = arith.addi %add3A_621, %iota3A : vector<128x8x128xi32>
    %eq3A_623 = vector.broadcast %broadcast_in_dim3A_479 : vector<128x1x128xi32> to vector<128x8x128xi32>
    %eq3A_624 = arith.cmpi eq, %add3A_622, %eq3A_623 : vector<128x8x128xi32>
    %get3A_625 = arith.constant 0 : index
    %get3A_626 = arith.constant 5 : index
    %get3A_627 = arith.constant 0 : index
    %get3A_628 = arith.constant 0 : index
    %get3A_629 = vector.load %arg5[%get3A_625, %get3A_626, %get3A_627, %get3A_628] : memref<128x16x8x128xf32, #tpu.memory_space<vmem>>, vector<128x1x8x128xf32>
    %get3A_630 = vector.shape_cast %get3A_629 : vector<128x1x8x128xf32> to vector<128x8x128xf32>
    %jit3A_631 = arith.constant 1.000000e+10 : f32
    %broadcast_in_dim3A_632 = vector.broadcast %jit3A_631 : f32 to vector<128x8x128xf32>
    %select_n3A_633 = arith.select %eq3A_624, %broadcast_in_dim3A_632, %get3A_630 : vector<128x8x128xi1>, vector<128x8x128xf32>
    %swap3A_634 = arith.constant 0 : index
    %swap3A_635 = arith.constant 5 : index
    %swap3A_636 = arith.constant 0 : index
    %swap3A_637 = arith.constant 0 : index
    %swap3A_638 = vector.load %arg5[%swap3A_634, %swap3A_635, %swap3A_636, %swap3A_637] : memref<128x16x8x128xf32, #tpu.memory_space<vmem>>, vector<128x1x8x128xf32>
    %swap3A_639 = vector.shape_cast %swap3A_638 : vector<128x1x8x128xf32> to vector<128x8x128xf32>
    %swap3A_640 = vector.shape_cast %select_n3A_633 : vector<128x8x128xf32> to vector<128x1x8x128xf32>
    tpu.vector_store %arg5[%swap3A_634, %swap3A_635, %swap3A_636, %swap3A_637], %swap3A_640 {strides = array<i32>} : memref<128x16x8x128xf32, #tpu.memory_space<vmem>>, vector<128x1x8x128xf32>,
    %min3A_641 = arith.minimumf %min3A_615, %select_n3A_633 : vector<128x8x128xf32>
    %mul3A_642 = arith.constant 128 : i32
    %mul3A_643 = vector.broadcast %mul3A_642 : i32 to vector<128x8x128xi32>
    %mul3A_644 = arith.muli %iota3A_64, %mul3A_643 : vector<128x8x128xi32>
    %add3A_645 = arith.constant 48 : i32
    %add3A_646 = vector.broadcast %add3A_645 : i32 to vector<128x8x128xi32>
    %add3A_647 = arith.addi %mul3A_644, %add3A_646 : vector<128x8x128xi32>
    %add3A_648 = arith.addi %add3A_647, %iota3A : vector<128x8x128xi32>
    %eq3A_649 = vector.broadcast %broadcast_in_dim3A_479 : vector<128x1x128xi32> to vector<128x8x128xi32>
    %eq3A_650 = arith.cmpi eq, %add3A_648, %eq3A_649 : vector<128x8x128xi32>
    %get3A_651 = arith.constant 0 : index
    %get3A_652 = arith.constant 6 : index
    %get3A_653 = arith.constant 0 : index
    %get3A_654 = arith.constant 0 : index
    %get3A_655 = vector.load %arg5[%get3A_651, %get3A_652, %get3A_653, %get3A_654] : memref<128x16x8x128xf32, #tpu.memory_space<vmem>>, vector<128x1x8x128xf32>
    %get3A_656 = vector.shape_cast %get3A_655 : vector<128x1x8x128xf32> to vector<128x8x128xf32>
    %jit3A_657 = arith.constant 1.000000e+10 : f32
    %broadcast_in_dim3A_658 = vector.broadcast %jit3A_657 : f32 to vector<128x8x128xf32>
    %select_n3A_659 = arith.select %eq3A_650, %broadcast_in_dim3A_658, %get3A_656 : vector<128x8x128xi1>, vector<128x8x128xf32>
    %swap3A_660 = arith.constant 0 : index
    %swap3A_661 = arith.constant 6 : index
    %swap3A_662 = arith.constant 0 : index
    %swap3A_663 = arith.constant 0 : index
    %swap3A_664 = vector.load %arg5[%swap3A_660, %swap3A_661, %swap3A_662, %swap3A_663] : memref<128x16x8x128xf32, #tpu.memory_space<vmem>>, vector<128x1x8x128xf32>
    %swap3A_665 = vector.shape_cast %swap3A_664 : vector<128x1x8x128xf32> to vector<128x8x128xf32>
    %swap3A_666 = vector.shape_cast %select_n3A_659 : vector<128x8x128xf32> to vector<128x1x8x128xf32>
    tpu.vector_store %arg5[%swap3A_660, %swap3A_661, %swap3A_662, %swap3A_663], %swap3A_666 {strides = array<i32>} : memref<128x16x8x128xf32, #tpu.memory_space<vmem>>, vector<128x1x8x128xf32>,
    %min3A_667 = arith.minimumf %min3A_641, %select_n3A_659 : vector<128x8x128xf32>
    %mul3A_668 = arith.constant 128 : i32
    %mul3A_669 = vector.broadcast %mul3A_668 : i32 to vector<128x8x128xi32>
    %mul3A_670 = arith.muli %iota3A_64, %mul3A_669 : vector<128x8x128xi32>
    %add3A_671 = arith.constant 56 : i32
    %add3A_672 = vector.broadcast %add3A_671 : i32 to vector<128x8x128xi32>
    %add3A_673 = arith.addi %mul3A_670, %add3A_672 : vector<128x8x128xi32>
    %add3A_674 = arith.addi %add3A_673, %iota3A : vector<128x8x128xi32>
    %eq3A_675 = vector.broadcast %broadcast_in_dim3A_479 : vector<128x1x128xi32> to vector<128x8x128xi32>
    %eq3A_676 = arith.cmpi eq, %add3A_674, %eq3A_675 : vector<128x8x128xi32>
    %get3A_677 = arith.constant 0 : index
    %get3A_678 = arith.constant 7 : index
    %get3A_679 = arith.constant 0 : index
    %get3A_680 = arith.constant 0 : index
    %get3A_681 = vector.load %arg5[%get3A_677, %get3A_678, %get3A_679, %get3A_680] : memref<128x16x8x128xf32, #tpu.memory_space<vmem>>, vector<128x1x8x128xf32>
    %get3A_682 = vector.shape_cast %get3A_681 : vector<128x1x8x128xf32> to vector<128x8x128xf32>
    %jit3A_683 = arith.constant 1.000000e+10 : f32
    %broadcast_in_dim3A_684 = vector.broadcast %jit3A_683 : f32 to vector<128x8x128xf32>
    %select_n3A_685 = arith.select %eq3A_676, %broadcast_in_dim3A_684, %get3A_682 : vector<128x8x128xi1>, vector<128x8x128xf32>
    %swap3A_686 = arith.constant 0 : index
    %swap3A_687 = arith.constant 7 : index
    %swap3A_688 = arith.constant 0 : index
    %swap3A_689 = arith.constant 0 : index
    %swap3A_690 = vector.load %arg5[%swap3A_686, %swap3A_687, %swap3A_688, %swap3A_689] : memref<128x16x8x128xf32, #tpu.memory_space<vmem>>, vector<128x1x8x128xf32>
    %swap3A_691 = vector.shape_cast %swap3A_690 : vector<128x1x8x128xf32> to vector<128x8x128xf32>
    %swap3A_692 = vector.shape_cast %select_n3A_685 : vector<128x8x128xf32> to vector<128x1x8x128xf32>
    tpu.vector_store %arg5[%swap3A_686, %swap3A_687, %swap3A_688, %swap3A_689], %swap3A_692 {strides = array<i32>} : memref<128x16x8x128xf32, #tpu.memory_space<vmem>>, vector<128x1x8x128xf32>,
    %min3A_693 = arith.minimumf %min3A_667, %select_n3A_685 : vector<128x8x128xf32>
    %mul3A_694 = arith.constant 128 : i32
    %mul3A_695 = vector.broadcast %mul3A_694 : i32 to vector<128x8x128xi32>
    %mul3A_696 = arith.muli %iota3A_64, %mul3A_695 : vector<128x8x128xi32>
    %add3A_697 = arith.constant 64 : i32
    %add3A_698 = vector.broadcast %add3A_697 : i32 to vector<128x8x128xi32>
    %add3A_699 = arith.addi %mul3A_696, %add3A_698 : vector<128x8x128xi32>
    %add3A_700 = arith.addi %add3A_699, %iota3A : vector<128x8x128xi32>
    %eq3A_701 = vector.broadcast %broadcast_in_dim3A_479 : vector<128x1x128xi32> to vector<128x8x128xi32>
    %eq3A_702 = arith.cmpi eq, %add3A_700, %eq3A_701 : vector<128x8x128xi32>
    %get3A_703 = arith.constant 0 : index
    %get3A_704 = arith.constant 8 : index
    %get3A_705 = arith.constant 0 : index
    %get3A_706 = arith.constant 0 : index
    %get3A_707 = vector.load %arg5[%get3A_703, %get3A_704, %get3A_705, %get3A_706] : memref<128x16x8x128xf32, #tpu.memory_space<vmem>>, vector<128x1x8x128xf32>
    %get3A_708 = vector.shape_cast %get3A_707 : vector<128x1x8x128xf32> to vector<128x8x128xf32>
    %jit3A_709 = arith.constant 1.000000e+10 : f32
    %broadcast_in_dim3A_710 = vector.broadcast %jit3A_709 : f32 to vector<128x8x128xf32>
    %select_n3A_711 = arith.select %eq3A_702, %broadcast_in_dim3A_710, %get3A_708 : vector<128x8x128xi1>, vector<128x8x128xf32>
    %swap3A_712 = arith.constant 0 : index
    %swap3A_713 = arith.constant 8 : index
    %swap3A_714 = arith.constant 0 : index
    %swap3A_715 = arith.constant 0 : index
    %swap3A_716 = vector.load %arg5[%swap3A_712, %swap3A_713, %swap3A_714, %swap3A_715] : memref<128x16x8x128xf32, #tpu.memory_space<vmem>>, vector<128x1x8x128xf32>
    %swap3A_717 = vector.shape_cast %swap3A_716 : vector<128x1x8x128xf32> to vector<128x8x128xf32>
    %swap3A_718 = vector.shape_cast %select_n3A_711 : vector<128x8x128xf32> to vector<128x1x8x128xf32>
    tpu.vector_store %arg5[%swap3A_712, %swap3A_713, %swap3A_714, %swap3A_715], %swap3A_718 {strides = array<i32>} : memref<128x16x8x128xf32, #tpu.memory_space<vmem>>, vector<128x1x8x128xf32>,
    %min3A_719 = arith.minimumf %min3A_693, %select_n3A_711 : vector<128x8x128xf32>
    %mul3A_720 = arith.constant 128 : i32
    %mul3A_721 = vector.broadcast %mul3A_720 : i32 to vector<128x8x128xi32>
    %mul3A_722 = arith.muli %iota3A_64, %mul3A_721 : vector<128x8x128xi32>
    %add3A_723 = arith.constant 72 : i32
    %add3A_724 = vector.broadcast %add3A_723 : i32 to vector<128x8x128xi32>
    %add3A_725 = arith.addi %mul3A_722, %add3A_724 : vector<128x8x128xi32>
    %add3A_726 = arith.addi %add3A_725, %iota3A : vector<128x8x128xi32>
    %eq3A_727 = vector.broadcast %broadcast_in_dim3A_479 : vector<128x1x128xi32> to vector<128x8x128xi32>
    %eq3A_728 = arith.cmpi eq, %add3A_726, %eq3A_727 : vector<128x8x128xi32>
    %get3A_729 = arith.constant 0 : index
    %get3A_730 = arith.constant 9 : index
    %get3A_731 = arith.constant 0 : index
    %get3A_732 = arith.constant 0 : index
    %get3A_733 = vector.load %arg5[%get3A_729, %get3A_730, %get3A_731, %get3A_732] : memref<128x16x8x128xf32, #tpu.memory_space<vmem>>, vector<128x1x8x128xf32>
    %get3A_734 = vector.shape_cast %get3A_733 : vector<128x1x8x128xf32> to vector<128x8x128xf32>
    %jit3A_735 = arith.constant 1.000000e+10 : f32
    %broadcast_in_dim3A_736 = vector.broadcast %jit3A_735 : f32 to vector<128x8x128xf32>
    %select_n3A_737 = arith.select %eq3A_728, %broadcast_in_dim3A_736, %get3A_734 : vector<128x8x128xi1>, vector<128x8x128xf32>
    %swap3A_738 = arith.constant 0 : index
    %swap3A_739 = arith.constant 9 : index
    %swap3A_740 = arith.constant 0 : index
    %swap3A_741 = arith.constant 0 : index
    %swap3A_742 = vector.load %arg5[%swap3A_738, %swap3A_739, %swap3A_740, %swap3A_741] : memref<128x16x8x128xf32, #tpu.memory_space<vmem>>, vector<128x1x8x128xf32>
    %swap3A_743 = vector.shape_cast %swap3A_742 : vector<128x1x8x128xf32> to vector<128x8x128xf32>
    %swap3A_744 = vector.shape_cast %select_n3A_737 : vector<128x8x128xf32> to vector<128x1x8x128xf32>
    tpu.vector_store %arg5[%swap3A_738, %swap3A_739, %swap3A_740, %swap3A_741], %swap3A_744 {strides = array<i32>} : memref<128x16x8x128xf32, #tpu.memory_space<vmem>>, vector<128x1x8x128xf32>,
    %min3A_745 = arith.minimumf %min3A_719, %select_n3A_737 : vector<128x8x128xf32>
    %mul3A_746 = arith.constant 128 : i32
    %mul3A_747 = vector.broadcast %mul3A_746 : i32 to vector<128x8x128xi32>
    %mul3A_748 = arith.muli %iota3A_64, %mul3A_747 : vector<128x8x128xi32>
    %add3A_749 = arith.constant 80 : i32
    %add3A_750 = vector.broadcast %add3A_749 : i32 to vector<128x8x128xi32>
    %add3A_751 = arith.addi %mul3A_748, %add3A_750 : vector<128x8x128xi32>
    %add3A_752 = arith.addi %add3A_751, %iota3A : vector<128x8x128xi32>
    %eq3A_753 = vector.broadcast %broadcast_in_dim3A_479 : vector<128x1x128xi32> to vector<128x8x128xi32>
    %eq3A_754 = arith.cmpi eq, %add3A_752, %eq3A_753 : vector<128x8x128xi32>
    %get3A_755 = arith.constant 0 : index
    %get3A_756 = arith.constant 10 : index
    %get3A_757 = arith.constant 0 : index
    %get3A_758 = arith.constant 0 : index
    %get3A_759 = vector.load %arg5[%get3A_755, %get3A_756, %get3A_757, %get3A_758] : memref<128x16x8x128xf32, #tpu.memory_space<vmem>>, vector<128x1x8x128xf32>
    %get3A_760 = vector.shape_cast %get3A_759 : vector<128x1x8x128xf32> to vector<128x8x128xf32>
    %jit3A_761 = arith.constant 1.000000e+10 : f32
    %broadcast_in_dim3A_762 = vector.broadcast %jit3A_761 : f32 to vector<128x8x128xf32>
    %select_n3A_763 = arith.select %eq3A_754, %broadcast_in_dim3A_762, %get3A_760 : vector<128x8x128xi1>, vector<128x8x128xf32>
    %swap3A_764 = arith.constant 0 : index
    %swap3A_765 = arith.constant 10 : index
    %swap3A_766 = arith.constant 0 : index
    %swap3A_767 = arith.constant 0 : index
    %swap3A_768 = vector.load %arg5[%swap3A_764, %swap3A_765, %swap3A_766, %swap3A_767] : memref<128x16x8x128xf32, #tpu.memory_space<vmem>>, vector<128x1x8x128xf32>
    %swap3A_769 = vector.shape_cast %swap3A_768 : vector<128x1x8x128xf32> to vector<128x8x128xf32>
    %swap3A_770 = vector.shape_cast %select_n3A_763 : vector<128x8x128xf32> to vector<128x1x8x128xf32>
    tpu.vector_store %arg5[%swap3A_764, %swap3A_765, %swap3A_766, %swap3A_767], %swap3A_770 {strides = array<i32>} : memref<128x16x8x128xf32, #tpu.memory_space<vmem>>, vector<128x1x8x128xf32>,
    %min3A_771 = arith.minimumf %min3A_745, %select_n3A_763 : vector<128x8x128xf32>
    %mul3A_772 = arith.constant 128 : i32
    %mul3A_773 = vector.broadcast %mul3A_772 : i32 to vector<128x8x128xi32>
    %mul3A_774 = arith.muli %iota3A_64, %mul3A_773 : vector<128x8x128xi32>
    %add3A_775 = arith.constant 88 : i32
    %add3A_776 = vector.broadcast %add3A_775 : i32 to vector<128x8x128xi32>
    %add3A_777 = arith.addi %mul3A_774, %add3A_776 : vector<128x8x128xi32>
    %add3A_778 = arith.addi %add3A_777, %iota3A : vector<128x8x128xi32>
    %eq3A_779 = vector.broadcast %broadcast_in_dim3A_479 : vector<128x1x128xi32> to vector<128x8x128xi32>
    %eq3A_780 = arith.cmpi eq, %add3A_778, %eq3A_779 : vector<128x8x128xi32>
    %get3A_781 = arith.constant 0 : index
    %get3A_782 = arith.constant 11 : index
    %get3A_783 = arith.constant 0 : index
    %get3A_784 = arith.constant 0 : index
    %get3A_785 = vector.load %arg5[%get3A_781, %get3A_782, %get3A_783, %get3A_784] : memref<128x16x8x128xf32, #tpu.memory_space<vmem>>, vector<128x1x8x128xf32>
    %get3A_786 = vector.shape_cast %get3A_785 : vector<128x1x8x128xf32> to vector<128x8x128xf32>
    %jit3A_787 = arith.constant 1.000000e+10 : f32
    %broadcast_in_dim3A_788 = vector.broadcast %jit3A_787 : f32 to vector<128x8x128xf32>
    %select_n3A_789 = arith.select %eq3A_780, %broadcast_in_dim3A_788, %get3A_786 : vector<128x8x128xi1>, vector<128x8x128xf32>
    %swap3A_790 = arith.constant 0 : index
    %swap3A_791 = arith.constant 11 : index
    %swap3A_792 = arith.constant 0 : index
    %swap3A_793 = arith.constant 0 : index
    %swap3A_794 = vector.load %arg5[%swap3A_790, %swap3A_791, %swap3A_792, %swap3A_793] : memref<128x16x8x128xf32, #tpu.memory_space<vmem>>, vector<128x1x8x128xf32>
    %swap3A_795 = vector.shape_cast %swap3A_794 : vector<128x1x8x128xf32> to vector<128x8x128xf32>
    %swap3A_796 = vector.shape_cast %select_n3A_789 : vector<128x8x128xf32> to vector<128x1x8x128xf32>
    tpu.vector_store %arg5[%swap3A_790, %swap3A_791, %swap3A_792, %swap3A_793], %swap3A_796 {strides = array<i32>} : memref<128x16x8x128xf32, #tpu.memory_space<vmem>>, vector<128x1x8x128xf32>,
    %min3A_797 = arith.minimumf %min3A_771, %select_n3A_789 : vector<128x8x128xf32>
    %mul3A_798 = arith.constant 128 : i32
    %mul3A_799 = vector.broadcast %mul3A_798 : i32 to vector<128x8x128xi32>
    %mul3A_800 = arith.muli %iota3A_64, %mul3A_799 : vector<128x8x128xi32>
    %add3A_801 = arith.constant 96 : i32
    %add3A_802 = vector.broadcast %add3A_801 : i32 to vector<128x8x128xi32>
    %add3A_803 = arith.addi %mul3A_800, %add3A_802 : vector<128x8x128xi32>
    %add3A_804 = arith.addi %add3A_803, %iota3A : vector<128x8x128xi32>
    %eq3A_805 = vector.broadcast %broadcast_in_dim3A_479 : vector<128x1x128xi32> to vector<128x8x128xi32>
    %eq3A_806 = arith.cmpi eq, %add3A_804, %eq3A_805 : vector<128x8x128xi32>
    %get3A_807 = arith.constant 0 : index
    %get3A_808 = arith.constant 12 : index
    %get3A_809 = arith.constant 0 : index
    %get3A_810 = arith.constant 0 : index
    %get3A_811 = vector.load %arg5[%get3A_807, %get3A_808, %get3A_809, %get3A_810] : memref<128x16x8x128xf32, #tpu.memory_space<vmem>>, vector<128x1x8x128xf32>
    %get3A_812 = vector.shape_cast %get3A_811 : vector<128x1x8x128xf32> to vector<128x8x128xf32>
    %jit3A_813 = arith.constant 1.000000e+10 : f32
    %broadcast_in_dim3A_814 = vector.broadcast %jit3A_813 : f32 to vector<128x8x128xf32>
    %select_n3A_815 = arith.select %eq3A_806, %broadcast_in_dim3A_814, %get3A_812 : vector<128x8x128xi1>, vector<128x8x128xf32>
    %swap3A_816 = arith.constant 0 : index
    %swap3A_817 = arith.constant 12 : index
    %swap3A_818 = arith.constant 0 : index
    %swap3A_819 = arith.constant 0 : index
    %swap3A_820 = vector.load %arg5[%swap3A_816, %swap3A_817, %swap3A_818, %swap3A_819] : memref<128x16x8x128xf32, #tpu.memory_space<vmem>>, vector<128x1x8x128xf32>
    %swap3A_821 = vector.shape_cast %swap3A_820 : vector<128x1x8x128xf32> to vector<128x8x128xf32>
    %swap3A_822 = vector.shape_cast %select_n3A_815 : vector<128x8x128xf32> to vector<128x1x8x128xf32>
    tpu.vector_store %arg5[%swap3A_816, %swap3A_817, %swap3A_818, %swap3A_819], %swap3A_822 {strides = array<i32>} : memref<128x16x8x128xf32, #tpu.memory_space<vmem>>, vector<128x1x8x128xf32>,
    %min3A_823 = arith.minimumf %min3A_797, %select_n3A_815 : vector<128x8x128xf32>
    %mul3A_824 = arith.constant 128 : i32
    %mul3A_825 = vector.broadcast %mul3A_824 : i32 to vector<128x8x128xi32>
    %mul3A_826 = arith.muli %iota3A_64, %mul3A_825 : vector<128x8x128xi32>
    %add3A_827 = arith.constant 104 : i32
    %add3A_828 = vector.broadcast %add3A_827 : i32 to vector<128x8x128xi32>
    %add3A_829 = arith.addi %mul3A_826, %add3A_828 : vector<128x8x128xi32>
    %add3A_830 = arith.addi %add3A_829, %iota3A : vector<128x8x128xi32>
    %eq3A_831 = vector.broadcast %broadcast_in_dim3A_479 : vector<128x1x128xi32> to vector<128x8x128xi32>
    %eq3A_832 = arith.cmpi eq, %add3A_830, %eq3A_831 : vector<128x8x128xi32>
    %get3A_833 = arith.constant 0 : index
    %get3A_834 = arith.constant 13 : index
    %get3A_835 = arith.constant 0 : index
    %get3A_836 = arith.constant 0 : index
    %get3A_837 = vector.load %arg5[%get3A_833, %get3A_834, %get3A_835, %get3A_836] : memref<128x16x8x128xf32, #tpu.memory_space<vmem>>, vector<128x1x8x128xf32>
    %get3A_838 = vector.shape_cast %get3A_837 : vector<128x1x8x128xf32> to vector<128x8x128xf32>
    %jit3A_839 = arith.constant 1.000000e+10 : f32
    %broadcast_in_dim3A_840 = vector.broadcast %jit3A_839 : f32 to vector<128x8x128xf32>
    %select_n3A_841 = arith.select %eq3A_832, %broadcast_in_dim3A_840, %get3A_838 : vector<128x8x128xi1>, vector<128x8x128xf32>
    %swap3A_842 = arith.constant 0 : index
    %swap3A_843 = arith.constant 13 : index
    %swap3A_844 = arith.constant 0 : index
    %swap3A_845 = arith.constant 0 : index
    %swap3A_846 = vector.load %arg5[%swap3A_842, %swap3A_843, %swap3A_844, %swap3A_845] : memref<128x16x8x128xf32, #tpu.memory_space<vmem>>, vector<128x1x8x128xf32>
    %swap3A_847 = vector.shape_cast %swap3A_846 : vector<128x1x8x128xf32> to vector<128x8x128xf32>
    %swap3A_848 = vector.shape_cast %select_n3A_841 : vector<128x8x128xf32> to vector<128x1x8x128xf32>
    tpu.vector_store %arg5[%swap3A_842, %swap3A_843, %swap3A_844, %swap3A_845], %swap3A_848 {strides = array<i32>} : memref<128x16x8x128xf32, #tpu.memory_space<vmem>>, vector<128x1x8x128xf32>,
    %min3A_849 = arith.minimumf %min3A_823, %select_n3A_841 : vector<128x8x128xf32>
    %mul3A_850 = arith.constant 128 : i32
    %mul3A_851 = vector.broadcast %mul3A_850 : i32 to vector<128x8x128xi32>
    %mul3A_852 = arith.muli %iota3A_64, %mul3A_851 : vector<128x8x128xi32>
    %add3A_853 = arith.constant 112 : i32
    %add3A_854 = vector.broadcast %add3A_853 : i32 to vector<128x8x128xi32>
    %add3A_855 = arith.addi %mul3A_852, %add3A_854 : vector<128x8x128xi32>
    %add3A_856 = arith.addi %add3A_855, %iota3A : vector<128x8x128xi32>
    %eq3A_857 = vector.broadcast %broadcast_in_dim3A_479 : vector<128x1x128xi32> to vector<128x8x128xi32>
    %eq3A_858 = arith.cmpi eq, %add3A_856, %eq3A_857 : vector<128x8x128xi32>
    %get3A_859 = arith.constant 0 : index
    %get3A_860 = arith.constant 14 : index
    %get3A_861 = arith.constant 0 : index
    %get3A_862 = arith.constant 0 : index
    %get3A_863 = vector.load %arg5[%get3A_859, %get3A_860, %get3A_861, %get3A_862] : memref<128x16x8x128xf32, #tpu.memory_space<vmem>>, vector<128x1x8x128xf32>
    %get3A_864 = vector.shape_cast %get3A_863 : vector<128x1x8x128xf32> to vector<128x8x128xf32>
    %jit3A_865 = arith.constant 1.000000e+10 : f32
    %broadcast_in_dim3A_866 = vector.broadcast %jit3A_865 : f32 to vector<128x8x128xf32>
    %select_n3A_867 = arith.select %eq3A_858, %broadcast_in_dim3A_866, %get3A_864 : vector<128x8x128xi1>, vector<128x8x128xf32>
    %swap3A_868 = arith.constant 0 : index
    %swap3A_869 = arith.constant 14 : index
    %swap3A_870 = arith.constant 0 : index
    %swap3A_871 = arith.constant 0 : index
    %swap3A_872 = vector.load %arg5[%swap3A_868, %swap3A_869, %swap3A_870, %swap3A_871] : memref<128x16x8x128xf32, #tpu.memory_space<vmem>>, vector<128x1x8x128xf32>
    %swap3A_873 = vector.shape_cast %swap3A_872 : vector<128x1x8x128xf32> to vector<128x8x128xf32>
    %swap3A_874 = vector.shape_cast %select_n3A_867 : vector<128x8x128xf32> to vector<128x1x8x128xf32>
    tpu.vector_store %arg5[%swap3A_868, %swap3A_869, %swap3A_870, %swap3A_871], %swap3A_874 {strides = array<i32>} : memref<128x16x8x128xf32, #tpu.memory_space<vmem>>, vector<128x1x8x128xf32>,
    %min3A_875 = arith.minimumf %min3A_849, %select_n3A_867 : vector<128x8x128xf32>
    %mul3A_876 = arith.constant 128 : i32
    %mul3A_877 = vector.broadcast %mul3A_876 : i32 to vector<128x8x128xi32>
    %mul3A_878 = arith.muli %iota3A_64, %mul3A_877 : vector<128x8x128xi32>
    %add3A_879 = arith.constant 120 : i32
    %add3A_880 = vector.broadcast %add3A_879 : i32 to vector<128x8x128xi32>
    %add3A_881 = arith.addi %mul3A_878, %add3A_880 : vector<128x8x128xi32>
    %add3A_882 = arith.addi %add3A_881, %iota3A : vector<128x8x128xi32>
    %eq3A_883 = vector.broadcast %broadcast_in_dim3A_479 : vector<128x1x128xi32> to vector<128x8x128xi32>
    %eq3A_884 = arith.cmpi eq, %add3A_882, %eq3A_883 : vector<128x8x128xi32>
    %get3A_885 = arith.constant 0 : index
    %get3A_886 = arith.constant 15 : index
    %get3A_887 = arith.constant 0 : index
    %get3A_888 = arith.constant 0 : index
    %get3A_889 = vector.load %arg5[%get3A_885, %get3A_886, %get3A_887, %get3A_888] : memref<128x16x8x128xf32, #tpu.memory_space<vmem>>, vector<128x1x8x128xf32>
    %get3A_890 = vector.shape_cast %get3A_889 : vector<128x1x8x128xf32> to vector<128x8x128xf32>
    %jit3A_891 = arith.constant 1.000000e+10 : f32
    %broadcast_in_dim3A_892 = vector.broadcast %jit3A_891 : f32 to vector<128x8x128xf32>
    %select_n3A_893 = arith.select %eq3A_884, %broadcast_in_dim3A_892, %get3A_890 : vector<128x8x128xi1>, vector<128x8x128xf32>
    %swap3A_894 = arith.constant 0 : index
    %swap3A_895 = arith.constant 15 : index
    %swap3A_896 = arith.constant 0 : index
    %swap3A_897 = arith.constant 0 : index
    %swap3A_898 = vector.load %arg5[%swap3A_894, %swap3A_895, %swap3A_896, %swap3A_897] : memref<128x16x8x128xf32, #tpu.memory_space<vmem>>, vector<128x1x8x128xf32>
    %swap3A_899 = vector.shape_cast %swap3A_898 : vector<128x1x8x128xf32> to vector<128x8x128xf32>
    %swap3A_900 = vector.shape_cast %select_n3A_893 : vector<128x8x128xf32> to vector<128x1x8x128xf32>
    tpu.vector_store %arg5[%swap3A_894, %swap3A_895, %swap3A_896, %swap3A_897], %swap3A_900 {strides = array<i32>} : memref<128x16x8x128xf32, #tpu.memory_space<vmem>>, vector<128x1x8x128xf32>,
    %min3A_901 = arith.minimumf %min3A_875, %select_n3A_893 : vector<128x8x128xf32>
    %reduce_min3A_902 = arith.constant dense<0x7F800000> : vector<128x128xf32>
    %reduce_min3A_903 = vector.multi_reduction <minimumf>, %min3A_901, %reduce_min3A_902 [1] : vector<128x8x128xf32> to vector<128x128xf32>
    %broadcast_in_dim3A_904 = vector.shape_cast %reduce_min3A_903 : vector<128x128xf32> to vector<128x1x128xf32>
    %get3A_905 = arith.constant 0 : index
    %get3A_906 = arith.constant 0 : index
    %get3A_907 = arith.constant 0 : index
    %get3A_908 = arith.constant 0 : index
    %get3A_909 = vector.load %arg5[%get3A_905, %get3A_906, %get3A_907, %get3A_908] : memref<128x16x8x128xf32, #tpu.memory_space<vmem>>, vector<128x1x8x128xf32>
    %get3A_910 = vector.shape_cast %get3A_909 : vector<128x1x8x128xf32> to vector<128x8x128xf32>
    %eq3A_911 = vector.broadcast %broadcast_in_dim3A_904 : vector<128x1x128xf32> to vector<128x8x128xf32>
    %eq3A_912 = arith.cmpf oeq, %get3A_910, %eq3A_911 : vector<128x8x128xf32>
    %mul3A_913 = arith.constant 128 : i32
    %mul3A_914 = vector.broadcast %mul3A_913 : i32 to vector<128x8x128xi32>
    %mul3A_915 = arith.muli %iota3A_64, %mul3A_914 : vector<128x8x128xi32>
    %add3A_916 = arith.constant 0 : i32
    %add3A_917 = vector.broadcast %add3A_916 : i32 to vector<128x8x128xi32>
    %add3A_918 = arith.addi %mul3A_915, %add3A_917 : vector<128x8x128xi32>
    %add3A_919 = arith.addi %add3A_918, %iota3A : vector<128x8x128xi32>
    %jit3A_920 = arith.constant 16384 : i32
    %broadcast_in_dim3A_921 = vector.broadcast %jit3A_920 : i32 to vector<128x8x128xi32>
    %select_n3A_922 = arith.select %eq3A_912, %add3A_919, %broadcast_in_dim3A_921 : vector<128x8x128xi1>, vector<128x8x128xi32>
    %get3A_923 = arith.constant 0 : index
    %get3A_924 = arith.constant 1 : index
    %get3A_925 = arith.constant 0 : index
    %get3A_926 = arith.constant 0 : index
    %get3A_927 = vector.load %arg5[%get3A_923, %get3A_924, %get3A_925, %get3A_926] : memref<128x16x8x128xf32, #tpu.memory_space<vmem>>, vector<128x1x8x128xf32>
    %get3A_928 = vector.shape_cast %get3A_927 : vector<128x1x8x128xf32> to vector<128x8x128xf32>
    %eq3A_929 = vector.broadcast %broadcast_in_dim3A_904 : vector<128x1x128xf32> to vector<128x8x128xf32>
    %eq3A_930 = arith.cmpf oeq, %get3A_928, %eq3A_929 : vector<128x8x128xf32>
    %mul3A_931 = arith.constant 128 : i32
    %mul3A_932 = vector.broadcast %mul3A_931 : i32 to vector<128x8x128xi32>
    %mul3A_933 = arith.muli %iota3A_64, %mul3A_932 : vector<128x8x128xi32>
    %add3A_934 = arith.constant 8 : i32
    %add3A_935 = vector.broadcast %add3A_934 : i32 to vector<128x8x128xi32>
    %add3A_936 = arith.addi %mul3A_933, %add3A_935 : vector<128x8x128xi32>
    %add3A_937 = arith.addi %add3A_936, %iota3A : vector<128x8x128xi32>
    %jit3A_938 = arith.constant 16384 : i32
    %broadcast_in_dim3A_939 = vector.broadcast %jit3A_938 : i32 to vector<128x8x128xi32>
    %select_n3A_940 = arith.select %eq3A_930, %add3A_937, %broadcast_in_dim3A_939 : vector<128x8x128xi1>, vector<128x8x128xi32>
    %min3A_941 = arith.minsi %select_n3A_922, %select_n3A_940 : vector<128x8x128xi32>
    %get3A_942 = arith.constant 0 : index
    %get3A_943 = arith.constant 2 : index
    %get3A_944 = arith.constant 0 : index
    %get3A_945 = arith.constant 0 : index
    %get3A_946 = vector.load %arg5[%get3A_942, %get3A_943, %get3A_944, %get3A_945] : memref<128x16x8x128xf32, #tpu.memory_space<vmem>>, vector<128x1x8x128xf32>
    %get3A_947 = vector.shape_cast %get3A_946 : vector<128x1x8x128xf32> to vector<128x8x128xf32>
    %eq3A_948 = vector.broadcast %broadcast_in_dim3A_904 : vector<128x1x128xf32> to vector<128x8x128xf32>
    %eq3A_949 = arith.cmpf oeq, %get3A_947, %eq3A_948 : vector<128x8x128xf32>
    %mul3A_950 = arith.constant 128 : i32
    %mul3A_951 = vector.broadcast %mul3A_950 : i32 to vector<128x8x128xi32>
    %mul3A_952 = arith.muli %iota3A_64, %mul3A_951 : vector<128x8x128xi32>
    %add3A_953 = arith.constant 16 : i32
    %add3A_954 = vector.broadcast %add3A_953 : i32 to vector<128x8x128xi32>
    %add3A_955 = arith.addi %mul3A_952, %add3A_954 : vector<128x8x128xi32>
    %add3A_956 = arith.addi %add3A_955, %iota3A : vector<128x8x128xi32>
    %jit3A_957 = arith.constant 16384 : i32
    %broadcast_in_dim3A_958 = vector.broadcast %jit3A_957 : i32 to vector<128x8x128xi32>
    %select_n3A_959 = arith.select %eq3A_949, %add3A_956, %broadcast_in_dim3A_958 : vector<128x8x128xi1>, vector<128x8x128xi32>
    %min3A_960 = arith.minsi %min3A_941, %select_n3A_959 : vector<128x8x128xi32>
    %get3A_961 = arith.constant 0 : index
    %get3A_962 = arith.constant 3 : index
    %get3A_963 = arith.constant 0 : index
    %get3A_964 = arith.constant 0 : index
    %get3A_965 = vector.load %arg5[%get3A_961, %get3A_962, %get3A_963, %get3A_964] : memref<128x16x8x128xf32, #tpu.memory_space<vmem>>, vector<128x1x8x128xf32>
    %get3A_966 = vector.shape_cast %get3A_965 : vector<128x1x8x128xf32> to vector<128x8x128xf32>
    %eq3A_967 = vector.broadcast %broadcast_in_dim3A_904 : vector<128x1x128xf32> to vector<128x8x128xf32>
    %eq3A_968 = arith.cmpf oeq, %get3A_966, %eq3A_967 : vector<128x8x128xf32>
    %mul3A_969 = arith.constant 128 : i32
    %mul3A_970 = vector.broadcast %mul3A_969 : i32 to vector<128x8x128xi32>
    %mul3A_971 = arith.muli %iota3A_64, %mul3A_970 : vector<128x8x128xi32>
    %add3A_972 = arith.constant 24 : i32
    %add3A_973 = vector.broadcast %add3A_972 : i32 to vector<128x8x128xi32>
    %add3A_974 = arith.addi %mul3A_971, %add3A_973 : vector<128x8x128xi32>
    %add3A_975 = arith.addi %add3A_974, %iota3A : vector<128x8x128xi32>
    %jit3A_976 = arith.constant 16384 : i32
    %broadcast_in_dim3A_977 = vector.broadcast %jit3A_976 : i32 to vector<128x8x128xi32>
    %select_n3A_978 = arith.select %eq3A_968, %add3A_975, %broadcast_in_dim3A_977 : vector<128x8x128xi1>, vector<128x8x128xi32>
    %min3A_979 = arith.minsi %min3A_960, %select_n3A_978 : vector<128x8x128xi32>
    %get3A_980 = arith.constant 0 : index
    %get3A_981 = arith.constant 4 : index
    %get3A_982 = arith.constant 0 : index
    %get3A_983 = arith.constant 0 : index
    %get3A_984 = vector.load %arg5[%get3A_980, %get3A_981, %get3A_982, %get3A_983] : memref<128x16x8x128xf32, #tpu.memory_space<vmem>>, vector<128x1x8x128xf32>
    %get3A_985 = vector.shape_cast %get3A_984 : vector<128x1x8x128xf32> to vector<128x8x128xf32>
    %eq3A_986 = vector.broadcast %broadcast_in_dim3A_904 : vector<128x1x128xf32> to vector<128x8x128xf32>
    %eq3A_987 = arith.cmpf oeq, %get3A_985, %eq3A_986 : vector<128x8x128xf32>
    %mul3A_988 = arith.constant 128 : i32
    %mul3A_989 = vector.broadcast %mul3A_988 : i32 to vector<128x8x128xi32>
    %mul3A_990 = arith.muli %iota3A_64, %mul3A_989 : vector<128x8x128xi32>
    %add3A_991 = arith.constant 32 : i32
    %add3A_992 = vector.broadcast %add3A_991 : i32 to vector<128x8x128xi32>
    %add3A_993 = arith.addi %mul3A_990, %add3A_992 : vector<128x8x128xi32>
    %add3A_994 = arith.addi %add3A_993, %iota3A : vector<128x8x128xi32>
    %jit3A_995 = arith.constant 16384 : i32
    %broadcast_in_dim3A_996 = vector.broadcast %jit3A_995 : i32 to vector<128x8x128xi32>
    %select_n3A_997 = arith.select %eq3A_987, %add3A_994, %broadcast_in_dim3A_996 : vector<128x8x128xi1>, vector<128x8x128xi32>
    %min3A_998 = arith.minsi %min3A_979, %select_n3A_997 : vector<128x8x128xi32>
    %get3A_999 = arith.constant 0 : index
    %get3A_1000 = arith.constant 5 : index
    %get3A_1001 = arith.constant 0 : index
    %get3A_1002 = arith.constant 0 : index
    %get3A_1003 = vector.load %arg5[%get3A_999, %get3A_1000, %get3A_1001, %get3A_1002] : memref<128x16x8x128xf32, #tpu.memory_space<vmem>>, vector<128x1x8x128xf32>
    %get3A_1004 = vector.shape_cast %get3A_1003 : vector<128x1x8x128xf32> to vector<128x8x128xf32>
    %eq3A_1005 = vector.broadcast %broadcast_in_dim3A_904 : vector<128x1x128xf32> to vector<128x8x128xf32>
    %eq3A_1006 = arith.cmpf oeq, %get3A_1004, %eq3A_1005 : vector<128x8x128xf32>
    %mul3A_1007 = arith.constant 128 : i32
    %mul3A_1008 = vector.broadcast %mul3A_1007 : i32 to vector<128x8x128xi32>
    %mul3A_1009 = arith.muli %iota3A_64, %mul3A_1008 : vector<128x8x128xi32>
    %add3A_1010 = arith.constant 40 : i32
    %add3A_1011 = vector.broadcast %add3A_1010 : i32 to vector<128x8x128xi32>
    %add3A_1012 = arith.addi %mul3A_1009, %add3A_1011 : vector<128x8x128xi32>
    %add3A_1013 = arith.addi %add3A_1012, %iota3A : vector<128x8x128xi32>
    %jit3A_1014 = arith.constant 16384 : i32
    %broadcast_in_dim3A_1015 = vector.broadcast %jit3A_1014 : i32 to vector<128x8x128xi32>
    %select_n3A_1016 = arith.select %eq3A_1006, %add3A_1013, %broadcast_in_dim3A_1015 : vector<128x8x128xi1>, vector<128x8x128xi32>
    %min3A_1017 = arith.minsi %min3A_998, %select_n3A_1016 : vector<128x8x128xi32>
    %get3A_1018 = arith.constant 0 : index
    %get3A_1019 = arith.constant 6 : index
    %get3A_1020 = arith.constant 0 : index
    %get3A_1021 = arith.constant 0 : index
    %get3A_1022 = vector.load %arg5[%get3A_1018, %get3A_1019, %get3A_1020, %get3A_1021] : memref<128x16x8x128xf32, #tpu.memory_space<vmem>>, vector<128x1x8x128xf32>
    %get3A_1023 = vector.shape_cast %get3A_1022 : vector<128x1x8x128xf32> to vector<128x8x128xf32>
    %eq3A_1024 = vector.broadcast %broadcast_in_dim3A_904 : vector<128x1x128xf32> to vector<128x8x128xf32>
    %eq3A_1025 = arith.cmpf oeq, %get3A_1023, %eq3A_1024 : vector<128x8x128xf32>
    %mul3A_1026 = arith.constant 128 : i32
    %mul3A_1027 = vector.broadcast %mul3A_1026 : i32 to vector<128x8x128xi32>
    %mul3A_1028 = arith.muli %iota3A_64, %mul3A_1027 : vector<128x8x128xi32>
    %add3A_1029 = arith.constant 48 : i32
    %add3A_1030 = vector.broadcast %add3A_1029 : i32 to vector<128x8x128xi32>
    %add3A_1031 = arith.addi %mul3A_1028, %add3A_1030 : vector<128x8x128xi32>
    %add3A_1032 = arith.addi %add3A_1031, %iota3A : vector<128x8x128xi32>
    %jit3A_1033 = arith.constant 16384 : i32
    %broadcast_in_dim3A_1034 = vector.broadcast %jit3A_1033 : i32 to vector<128x8x128xi32>
    %select_n3A_1035 = arith.select %eq3A_1025, %add3A_1032, %broadcast_in_dim3A_1034 : vector<128x8x128xi1>, vector<128x8x128xi32>
    %min3A_1036 = arith.minsi %min3A_1017, %select_n3A_1035 : vector<128x8x128xi32>
    %get3A_1037 = arith.constant 0 : index
    %get3A_1038 = arith.constant 7 : index
    %get3A_1039 = arith.constant 0 : index
    %get3A_1040 = arith.constant 0 : index
    %get3A_1041 = vector.load %arg5[%get3A_1037, %get3A_1038, %get3A_1039, %get3A_1040] : memref<128x16x8x128xf32, #tpu.memory_space<vmem>>, vector<128x1x8x128xf32>
    %get3A_1042 = vector.shape_cast %get3A_1041 : vector<128x1x8x128xf32> to vector<128x8x128xf32>
    %eq3A_1043 = vector.broadcast %broadcast_in_dim3A_904 : vector<128x1x128xf32> to vector<128x8x128xf32>
    %eq3A_1044 = arith.cmpf oeq, %get3A_1042, %eq3A_1043 : vector<128x8x128xf32>
    %mul3A_1045 = arith.constant 128 : i32
    %mul3A_1046 = vector.broadcast %mul3A_1045 : i32 to vector<128x8x128xi32>
    %mul3A_1047 = arith.muli %iota3A_64, %mul3A_1046 : vector<128x8x128xi32>
    %add3A_1048 = arith.constant 56 : i32
    %add3A_1049 = vector.broadcast %add3A_1048 : i32 to vector<128x8x128xi32>
    %add3A_1050 = arith.addi %mul3A_1047, %add3A_1049 : vector<128x8x128xi32>
    %add3A_1051 = arith.addi %add3A_1050, %iota3A : vector<128x8x128xi32>
    %jit3A_1052 = arith.constant 16384 : i32
    %broadcast_in_dim3A_1053 = vector.broadcast %jit3A_1052 : i32 to vector<128x8x128xi32>
    %select_n3A_1054 = arith.select %eq3A_1044, %add3A_1051, %broadcast_in_dim3A_1053 : vector<128x8x128xi1>, vector<128x8x128xi32>
    %min3A_1055 = arith.minsi %min3A_1036, %select_n3A_1054 : vector<128x8x128xi32>
    %get3A_1056 = arith.constant 0 : index
    %get3A_1057 = arith.constant 8 : index
    %get3A_1058 = arith.constant 0 : index
    %get3A_1059 = arith.constant 0 : index
    %get3A_1060 = vector.load %arg5[%get3A_1056, %get3A_1057, %get3A_1058, %get3A_1059] : memref<128x16x8x128xf32, #tpu.memory_space<vmem>>, vector<128x1x8x128xf32>
    %get3A_1061 = vector.shape_cast %get3A_1060 : vector<128x1x8x128xf32> to vector<128x8x128xf32>
    %eq3A_1062 = vector.broadcast %broadcast_in_dim3A_904 : vector<128x1x128xf32> to vector<128x8x128xf32>
    %eq3A_1063 = arith.cmpf oeq, %get3A_1061, %eq3A_1062 : vector<128x8x128xf32>
    %mul3A_1064 = arith.constant 128 : i32
    %mul3A_1065 = vector.broadcast %mul3A_1064 : i32 to vector<128x8x128xi32>
    %mul3A_1066 = arith.muli %iota3A_64, %mul3A_1065 : vector<128x8x128xi32>
    %add3A_1067 = arith.constant 64 : i32
    %add3A_1068 = vector.broadcast %add3A_1067 : i32 to vector<128x8x128xi32>
    %add3A_1069 = arith.addi %mul3A_1066, %add3A_1068 : vector<128x8x128xi32>
    %add3A_1070 = arith.addi %add3A_1069, %iota3A : vector<128x8x128xi32>
    %jit3A_1071 = arith.constant 16384 : i32
    %broadcast_in_dim3A_1072 = vector.broadcast %jit3A_1071 : i32 to vector<128x8x128xi32>
    %select_n3A_1073 = arith.select %eq3A_1063, %add3A_1070, %broadcast_in_dim3A_1072 : vector<128x8x128xi1>, vector<128x8x128xi32>
    %min3A_1074 = arith.minsi %min3A_1055, %select_n3A_1073 : vector<128x8x128xi32>
    %get3A_1075 = arith.constant 0 : index
    %get3A_1076 = arith.constant 9 : index
    %get3A_1077 = arith.constant 0 : index
    %get3A_1078 = arith.constant 0 : index
    %get3A_1079 = vector.load %arg5[%get3A_1075, %get3A_1076, %get3A_1077, %get3A_1078] : memref<128x16x8x128xf32, #tpu.memory_space<vmem>>, vector<128x1x8x128xf32>
    %get3A_1080 = vector.shape_cast %get3A_1079 : vector<128x1x8x128xf32> to vector<128x8x128xf32>
    %eq3A_1081 = vector.broadcast %broadcast_in_dim3A_904 : vector<128x1x128xf32> to vector<128x8x128xf32>
    %eq3A_1082 = arith.cmpf oeq, %get3A_1080, %eq3A_1081 : vector<128x8x128xf32>
    %mul3A_1083 = arith.constant 128 : i32
    %mul3A_1084 = vector.broadcast %mul3A_1083 : i32 to vector<128x8x128xi32>
    %mul3A_1085 = arith.muli %iota3A_64, %mul3A_1084 : vector<128x8x128xi32>
    %add3A_1086 = arith.constant 72 : i32
    %add3A_1087 = vector.broadcast %add3A_1086 : i32 to vector<128x8x128xi32>
    %add3A_1088 = arith.addi %mul3A_1085, %add3A_1087 : vector<128x8x128xi32>
    %add3A_1089 = arith.addi %add3A_1088, %iota3A : vector<128x8x128xi32>
    %jit3A_1090 = arith.constant 16384 : i32
    %broadcast_in_dim3A_1091 = vector.broadcast %jit3A_1090 : i32 to vector<128x8x128xi32>
    %select_n3A_1092 = arith.select %eq3A_1082, %add3A_1089, %broadcast_in_dim3A_1091 : vector<128x8x128xi1>, vector<128x8x128xi32>
    %min3A_1093 = arith.minsi %min3A_1074, %select_n3A_1092 : vector<128x8x128xi32>
    %get3A_1094 = arith.constant 0 : index
    %get3A_1095 = arith.constant 10 : index
    %get3A_1096 = arith.constant 0 : index
    %get3A_1097 = arith.constant 0 : index
    %get3A_1098 = vector.load %arg5[%get3A_1094, %get3A_1095, %get3A_1096, %get3A_1097] : memref<128x16x8x128xf32, #tpu.memory_space<vmem>>, vector<128x1x8x128xf32>
    %get3A_1099 = vector.shape_cast %get3A_1098 : vector<128x1x8x128xf32> to vector<128x8x128xf32>
    %eq3A_1100 = vector.broadcast %broadcast_in_dim3A_904 : vector<128x1x128xf32> to vector<128x8x128xf32>
    %eq3A_1101 = arith.cmpf oeq, %get3A_1099, %eq3A_1100 : vector<128x8x128xf32>
    %mul3A_1102 = arith.constant 128 : i32
    %mul3A_1103 = vector.broadcast %mul3A_1102 : i32 to vector<128x8x128xi32>
    %mul3A_1104 = arith.muli %iota3A_64, %mul3A_1103 : vector<128x8x128xi32>
    %add3A_1105 = arith.constant 80 : i32
    %add3A_1106 = vector.broadcast %add3A_1105 : i32 to vector<128x8x128xi32>
    %add3A_1107 = arith.addi %mul3A_1104, %add3A_1106 : vector<128x8x128xi32>
    %add3A_1108 = arith.addi %add3A_1107, %iota3A : vector<128x8x128xi32>
    %jit3A_1109 = arith.constant 16384 : i32
    %broadcast_in_dim3A_1110 = vector.broadcast %jit3A_1109 : i32 to vector<128x8x128xi32>
    %select_n3A_1111 = arith.select %eq3A_1101, %add3A_1108, %broadcast_in_dim3A_1110 : vector<128x8x128xi1>, vector<128x8x128xi32>
    %min3A_1112 = arith.minsi %min3A_1093, %select_n3A_1111 : vector<128x8x128xi32>
    %get3A_1113 = arith.constant 0 : index
    %get3A_1114 = arith.constant 11 : index
    %get3A_1115 = arith.constant 0 : index
    %get3A_1116 = arith.constant 0 : index
    %get3A_1117 = vector.load %arg5[%get3A_1113, %get3A_1114, %get3A_1115, %get3A_1116] : memref<128x16x8x128xf32, #tpu.memory_space<vmem>>, vector<128x1x8x128xf32>
    %get3A_1118 = vector.shape_cast %get3A_1117 : vector<128x1x8x128xf32> to vector<128x8x128xf32>
    %eq3A_1119 = vector.broadcast %broadcast_in_dim3A_904 : vector<128x1x128xf32> to vector<128x8x128xf32>
    %eq3A_1120 = arith.cmpf oeq, %get3A_1118, %eq3A_1119 : vector<128x8x128xf32>
    %mul3A_1121 = arith.constant 128 : i32
    %mul3A_1122 = vector.broadcast %mul3A_1121 : i32 to vector<128x8x128xi32>
    %mul3A_1123 = arith.muli %iota3A_64, %mul3A_1122 : vector<128x8x128xi32>
    %add3A_1124 = arith.constant 88 : i32
    %add3A_1125 = vector.broadcast %add3A_1124 : i32 to vector<128x8x128xi32>
    %add3A_1126 = arith.addi %mul3A_1123, %add3A_1125 : vector<128x8x128xi32>
    %add3A_1127 = arith.addi %add3A_1126, %iota3A : vector<128x8x128xi32>
    %jit3A_1128 = arith.constant 16384 : i32
    %broadcast_in_dim3A_1129 = vector.broadcast %jit3A_1128 : i32 to vector<128x8x128xi32>
    %select_n3A_1130 = arith.select %eq3A_1120, %add3A_1127, %broadcast_in_dim3A_1129 : vector<128x8x128xi1>, vector<128x8x128xi32>
    %min3A_1131 = arith.minsi %min3A_1112, %select_n3A_1130 : vector<128x8x128xi32>
    %get3A_1132 = arith.constant 0 : index
    %get3A_1133 = arith.constant 12 : index
    %get3A_1134 = arith.constant 0 : index
    %get3A_1135 = arith.constant 0 : index
    %get3A_1136 = vector.load %arg5[%get3A_1132, %get3A_1133, %get3A_1134, %get3A_1135] : memref<128x16x8x128xf32, #tpu.memory_space<vmem>>, vector<128x1x8x128xf32>
    %get3A_1137 = vector.shape_cast %get3A_1136 : vector<128x1x8x128xf32> to vector<128x8x128xf32>
    %eq3A_1138 = vector.broadcast %broadcast_in_dim3A_904 : vector<128x1x128xf32> to vector<128x8x128xf32>
    %eq3A_1139 = arith.cmpf oeq, %get3A_1137, %eq3A_1138 : vector<128x8x128xf32>
    %mul3A_1140 = arith.constant 128 : i32
    %mul3A_1141 = vector.broadcast %mul3A_1140 : i32 to vector<128x8x128xi32>
    %mul3A_1142 = arith.muli %iota3A_64, %mul3A_1141 : vector<128x8x128xi32>
    %add3A_1143 = arith.constant 96 : i32
    %add3A_1144 = vector.broadcast %add3A_1143 : i32 to vector<128x8x128xi32>
    %add3A_1145 = arith.addi %mul3A_1142, %add3A_1144 : vector<128x8x128xi32>
    %add3A_1146 = arith.addi %add3A_1145, %iota3A : vector<128x8x128xi32>
    %jit3A_1147 = arith.constant 16384 : i32
    %broadcast_in_dim3A_1148 = vector.broadcast %jit3A_1147 : i32 to vector<128x8x128xi32>
    %select_n3A_1149 = arith.select %eq3A_1139, %add3A_1146, %broadcast_in_dim3A_1148 : vector<128x8x128xi1>, vector<128x8x128xi32>
    %min3A_1150 = arith.minsi %min3A_1131, %select_n3A_1149 : vector<128x8x128xi32>
    %get3A_1151 = arith.constant 0 : index
    %get3A_1152 = arith.constant 13 : index
    %get3A_1153 = arith.constant 0 : index
    %get3A_1154 = arith.constant 0 : index
    %get3A_1155 = vector.load %arg5[%get3A_1151, %get3A_1152, %get3A_1153, %get3A_1154] : memref<128x16x8x128xf32, #tpu.memory_space<vmem>>, vector<128x1x8x128xf32>
    %get3A_1156 = vector.shape_cast %get3A_1155 : vector<128x1x8x128xf32> to vector<128x8x128xf32>
    %eq3A_1157 = vector.broadcast %broadcast_in_dim3A_904 : vector<128x1x128xf32> to vector<128x8x128xf32>
    %eq3A_1158 = arith.cmpf oeq, %get3A_1156, %eq3A_1157 : vector<128x8x128xf32>
    %mul3A_1159 = arith.constant 128 : i32
    %mul3A_1160 = vector.broadcast %mul3A_1159 : i32 to vector<128x8x128xi32>
    %mul3A_1161 = arith.muli %iota3A_64, %mul3A_1160 : vector<128x8x128xi32>
    %add3A_1162 = arith.constant 104 : i32
    %add3A_1163 = vector.broadcast %add3A_1162 : i32 to vector<128x8x128xi32>
    %add3A_1164 = arith.addi %mul3A_1161, %add3A_1163 : vector<128x8x128xi32>
    %add3A_1165 = arith.addi %add3A_1164, %iota3A : vector<128x8x128xi32>
    %jit3A_1166 = arith.constant 16384 : i32
    %broadcast_in_dim3A_1167 = vector.broadcast %jit3A_1166 : i32 to vector<128x8x128xi32>
    %select_n3A_1168 = arith.select %eq3A_1158, %add3A_1165, %broadcast_in_dim3A_1167 : vector<128x8x128xi1>, vector<128x8x128xi32>
    %min3A_1169 = arith.minsi %min3A_1150, %select_n3A_1168 : vector<128x8x128xi32>
    %get3A_1170 = arith.constant 0 : index
    %get3A_1171 = arith.constant 14 : index
    %get3A_1172 = arith.constant 0 : index
    %get3A_1173 = arith.constant 0 : index
    %get3A_1174 = vector.load %arg5[%get3A_1170, %get3A_1171, %get3A_1172, %get3A_1173] : memref<128x16x8x128xf32, #tpu.memory_space<vmem>>, vector<128x1x8x128xf32>
    %get3A_1175 = vector.shape_cast %get3A_1174 : vector<128x1x8x128xf32> to vector<128x8x128xf32>
    %eq3A_1176 = vector.broadcast %broadcast_in_dim3A_904 : vector<128x1x128xf32> to vector<128x8x128xf32>
    %eq3A_1177 = arith.cmpf oeq, %get3A_1175, %eq3A_1176 : vector<128x8x128xf32>
    %mul3A_1178 = arith.constant 128 : i32
    %mul3A_1179 = vector.broadcast %mul3A_1178 : i32 to vector<128x8x128xi32>
    %mul3A_1180 = arith.muli %iota3A_64, %mul3A_1179 : vector<128x8x128xi32>
    %add3A_1181 = arith.constant 112 : i32
    %add3A_1182 = vector.broadcast %add3A_1181 : i32 to vector<128x8x128xi32>
    %add3A_1183 = arith.addi %mul3A_1180, %add3A_1182 : vector<128x8x128xi32>
    %add3A_1184 = arith.addi %add3A_1183, %iota3A : vector<128x8x128xi32>
    %jit3A_1185 = arith.constant 16384 : i32
    %broadcast_in_dim3A_1186 = vector.broadcast %jit3A_1185 : i32 to vector<128x8x128xi32>
    %select_n3A_1187 = arith.select %eq3A_1177, %add3A_1184, %broadcast_in_dim3A_1186 : vector<128x8x128xi1>, vector<128x8x128xi32>
    %min3A_1188 = arith.minsi %min3A_1169, %select_n3A_1187 : vector<128x8x128xi32>
    %get3A_1189 = arith.constant 0 : index
    %get3A_1190 = arith.constant 15 : index
    %get3A_1191 = arith.constant 0 : index
    %get3A_1192 = arith.constant 0 : index
    %get3A_1193 = vector.load %arg5[%get3A_1189, %get3A_1190, %get3A_1191, %get3A_1192] : memref<128x16x8x128xf32, #tpu.memory_space<vmem>>, vector<128x1x8x128xf32>
    %get3A_1194 = vector.shape_cast %get3A_1193 : vector<128x1x8x128xf32> to vector<128x8x128xf32>
    %eq3A_1195 = vector.broadcast %broadcast_in_dim3A_904 : vector<128x1x128xf32> to vector<128x8x128xf32>
    %eq3A_1196 = arith.cmpf oeq, %get3A_1194, %eq3A_1195 : vector<128x8x128xf32>
    %mul3A_1197 = arith.constant 128 : i32
    %mul3A_1198 = vector.broadcast %mul3A_1197 : i32 to vector<128x8x128xi32>
    %mul3A_1199 = arith.muli %iota3A_64, %mul3A_1198 : vector<128x8x128xi32>
    %add3A_1200 = arith.constant 120 : i32
    %add3A_1201 = vector.broadcast %add3A_1200 : i32 to vector<128x8x128xi32>
    %add3A_1202 = arith.addi %mul3A_1199, %add3A_1201 : vector<128x8x128xi32>
    %add3A_1203 = arith.addi %add3A_1202, %iota3A : vector<128x8x128xi32>
    %jit3A_1204 = arith.constant 16384 : i32
    %broadcast_in_dim3A_1205 = vector.broadcast %jit3A_1204 : i32 to vector<128x8x128xi32>
    %select_n3A_1206 = arith.select %eq3A_1196, %add3A_1203, %broadcast_in_dim3A_1205 : vector<128x8x128xi1>, vector<128x8x128xi32>
    %min3A_1207 = arith.minsi %min3A_1188, %select_n3A_1206 : vector<128x8x128xi32>
    %reduce_min3A_1208 = arith.constant dense<2147483647> : vector<128x128xi32>
    %reduce_min3A_1209 = vector.multi_reduction <minsi>, %min3A_1207, %reduce_min3A_1208 [1] : vector<128x8x128xi32> to vector<128x128xi32>
    %broadcast_in_dim3A_1210 = vector.shape_cast %reduce_min3A_1209 : vector<128x128xi32> to vector<128x1x128xi32>
    %squeeze3A_1211 = vector.shape_cast %broadcast_in_dim3A_904 : vector<128x1x128xf32> to vector<128x128xf32>
    %swap3A_1212 = arith.constant 0 : index
    %swap3A_1213 = arith.constant 128 : index
    %swap3A_1214 = vector.load %arg6[%swap3A_1212, %swap3A_1213] : memref<128x768xf32, #tpu.memory_space<vmem>>, vector<128x128xf32>
    tpu.vector_store %arg6[%swap3A_1212, %swap3A_1213], %squeeze3A_1211 {strides = array<i32>} : memref<128x768xf32, #tpu.memory_space<vmem>>, vector<128x128xf32>,
    %squeeze3A_1215 = vector.shape_cast %broadcast_in_dim3A_1210 : vector<128x1x128xi32> to vector<128x128xi32>
    %swap3A_1216 = arith.constant 0 : index
    %swap3A_1217 = arith.constant 128 : index
    %swap3A_1218 = vector.load %arg7[%swap3A_1216, %swap3A_1217] : memref<128x768xi32, #tpu.memory_space<vmem>>, vector<128x128xi32>
    tpu.vector_store %arg7[%swap3A_1216, %swap3A_1217], %squeeze3A_1215 {strides = array<i32>} : memref<128x768xi32, #tpu.memory_space<vmem>>, vector<128x128xi32>,
    %mul3A_1219 = arith.constant 128 : i32
    %mul3A_1220 = vector.broadcast %mul3A_1219 : i32 to vector<128x8x128xi32>
    %mul3A_1221 = arith.muli %iota3A_64, %mul3A_1220 : vector<128x8x128xi32>
    %add3A_1222 = arith.constant 0 : i32
    %add3A_1223 = vector.broadcast %add3A_1222 : i32 to vector<128x8x128xi32>
    %add3A_1224 = arith.addi %mul3A_1221, %add3A_1223 : vector<128x8x128xi32>
    %add3A_1225 = arith.addi %add3A_1224, %iota3A : vector<128x8x128xi32>
    %eq3A_1226 = vector.broadcast %broadcast_in_dim3A_1210 : vector<128x1x128xi32> to vector<128x8x128xi32>
    %eq3A_1227 = arith.cmpi eq, %add3A_1225, %eq3A_1226 : vector<128x8x128xi32>
    %get3A_1228 = arith.constant 0 : index
    %get3A_1229 = arith.constant 0 : index
    %get3A_1230 = arith.constant 0 : index
    %get3A_1231 = arith.constant 0 : index
    %get3A_1232 = vector.load %arg5[%get3A_1228, %get3A_1229, %get3A_1230, %get3A_1231] : memref<128x16x8x128xf32, #tpu.memory_space<vmem>>, vector<128x1x8x128xf32>
    %get3A_1233 = vector.shape_cast %get3A_1232 : vector<128x1x8x128xf32> to vector<128x8x128xf32>
    %jit3A_1234 = arith.constant 1.000000e+10 : f32
    %broadcast_in_dim3A_1235 = vector.broadcast %jit3A_1234 : f32 to vector<128x8x128xf32>
    %select_n3A_1236 = arith.select %eq3A_1227, %broadcast_in_dim3A_1235, %get3A_1233 : vector<128x8x128xi1>, vector<128x8x128xf32>
    %swap3A_1237 = arith.constant 0 : index
    %swap3A_1238 = arith.constant 0 : index
    %swap3A_1239 = arith.constant 0 : index
    %swap3A_1240 = arith.constant 0 : index
    %swap3A_1241 = vector.load %arg5[%swap3A_1237, %swap3A_1238, %swap3A_1239, %swap3A_1240] : memref<128x16x8x128xf32, #tpu.memory_space<vmem>>, vector<128x1x8x128xf32>
    %swap3A_1242 = vector.shape_cast %swap3A_1241 : vector<128x1x8x128xf32> to vector<128x8x128xf32>
    %swap3A_1243 = vector.shape_cast %select_n3A_1236 : vector<128x8x128xf32> to vector<128x1x8x128xf32>
    tpu.vector_store %arg5[%swap3A_1237, %swap3A_1238, %swap3A_1239, %swap3A_1240], %swap3A_1243 {strides = array<i32>} : memref<128x16x8x128xf32, #tpu.memory_space<vmem>>, vector<128x1x8x128xf32>,
    %mul3A_1244 = arith.constant 128 : i32
    %mul3A_1245 = vector.broadcast %mul3A_1244 : i32 to vector<128x8x128xi32>
    %mul3A_1246 = arith.muli %iota3A_64, %mul3A_1245 : vector<128x8x128xi32>
    %add3A_1247 = arith.constant 8 : i32
    %add3A_1248 = vector.broadcast %add3A_1247 : i32 to vector<128x8x128xi32>
    %add3A_1249 = arith.addi %mul3A_1246, %add3A_1248 : vector<128x8x128xi32>
    %add3A_1250 = arith.addi %add3A_1249, %iota3A : vector<128x8x128xi32>
    %eq3A_1251 = vector.broadcast %broadcast_in_dim3A_1210 : vector<128x1x128xi32> to vector<128x8x128xi32>
    %eq3A_1252 = arith.cmpi eq, %add3A_1250, %eq3A_1251 : vector<128x8x128xi32>
    %get3A_1253 = arith.constant 0 : index
    %get3A_1254 = arith.constant 1 : index
    %get3A_1255 = arith.constant 0 : index
    %get3A_1256 = arith.constant 0 : index
    %get3A_1257 = vector.load %arg5[%get3A_1253, %get3A_1254, %get3A_1255, %get3A_1256] : memref<128x16x8x128xf32, #tpu.memory_space<vmem>>, vector<128x1x8x128xf32>
    %get3A_1258 = vector.shape_cast %get3A_1257 : vector<128x1x8x128xf32> to vector<128x8x128xf32>
    %jit3A_1259 = arith.constant 1.000000e+10 : f32
    %broadcast_in_dim3A_1260 = vector.broadcast %jit3A_1259 : f32 to vector<128x8x128xf32>
    %select_n3A_1261 = arith.select %eq3A_1252, %broadcast_in_dim3A_1260, %get3A_1258 : vector<128x8x128xi1>, vector<128x8x128xf32>
    %swap3A_1262 = arith.constant 0 : index
    %swap3A_1263 = arith.constant 1 : index
    %swap3A_1264 = arith.constant 0 : index
    %swap3A_1265 = arith.constant 0 : index
    %swap3A_1266 = vector.load %arg5[%swap3A_1262, %swap3A_1263, %swap3A_1264, %swap3A_1265] : memref<128x16x8x128xf32, #tpu.memory_space<vmem>>, vector<128x1x8x128xf32>
    %swap3A_1267 = vector.shape_cast %swap3A_1266 : vector<128x1x8x128xf32> to vector<128x8x128xf32>
    %swap3A_1268 = vector.shape_cast %select_n3A_1261 : vector<128x8x128xf32> to vector<128x1x8x128xf32>
    tpu.vector_store %arg5[%swap3A_1262, %swap3A_1263, %swap3A_1264, %swap3A_1265], %swap3A_1268 {strides = array<i32>} : memref<128x16x8x128xf32, #tpu.memory_space<vmem>>, vector<128x1x8x128xf32>,
    %min3A_1269 = arith.minimumf %select_n3A_1236, %select_n3A_1261 : vector<128x8x128xf32>
    %mul3A_1270 = arith.constant 128 : i32
    %mul3A_1271 = vector.broadcast %mul3A_1270 : i32 to vector<128x8x128xi32>
    %mul3A_1272 = arith.muli %iota3A_64, %mul3A_1271 : vector<128x8x128xi32>
    %add3A_1273 = arith.constant 16 : i32
    %add3A_1274 = vector.broadcast %add3A_1273 : i32 to vector<128x8x128xi32>
    %add3A_1275 = arith.addi %mul3A_1272, %add3A_1274 : vector<128x8x128xi32>
    %add3A_1276 = arith.addi %add3A_1275, %iota3A : vector<128x8x128xi32>
    %eq3A_1277 = vector.broadcast %broadcast_in_dim3A_1210 : vector<128x1x128xi32> to vector<128x8x128xi32>
    %eq3A_1278 = arith.cmpi eq, %add3A_1276, %eq3A_1277 : vector<128x8x128xi32>
    %get3A_1279 = arith.constant 0 : index
    %get3A_1280 = arith.constant 2 : index
    %get3A_1281 = arith.constant 0 : index
    %get3A_1282 = arith.constant 0 : index
    %get3A_1283 = vector.load %arg5[%get3A_1279, %get3A_1280, %get3A_1281, %get3A_1282] : memref<128x16x8x128xf32, #tpu.memory_space<vmem>>, vector<128x1x8x128xf32>
    %get3A_1284 = vector.shape_cast %get3A_1283 : vector<128x1x8x128xf32> to vector<128x8x128xf32>
    %jit3A_1285 = arith.constant 1.000000e+10 : f32
    %broadcast_in_dim3A_1286 = vector.broadcast %jit3A_1285 : f32 to vector<128x8x128xf32>
    %select_n3A_1287 = arith.select %eq3A_1278, %broadcast_in_dim3A_1286, %get3A_1284 : vector<128x8x128xi1>, vector<128x8x128xf32>
    %swap3A_1288 = arith.constant 0 : index
    %swap3A_1289 = arith.constant 2 : index
    %swap3A_1290 = arith.constant 0 : index
    %swap3A_1291 = arith.constant 0 : index
    %swap3A_1292 = vector.load %arg5[%swap3A_1288, %swap3A_1289, %swap3A_1290, %swap3A_1291] : memref<128x16x8x128xf32, #tpu.memory_space<vmem>>, vector<128x1x8x128xf32>
    %swap3A_1293 = vector.shape_cast %swap3A_1292 : vector<128x1x8x128xf32> to vector<128x8x128xf32>
    %swap3A_1294 = vector.shape_cast %select_n3A_1287 : vector<128x8x128xf32> to vector<128x1x8x128xf32>
    tpu.vector_store %arg5[%swap3A_1288, %swap3A_1289, %swap3A_1290, %swap3A_1291], %swap3A_1294 {strides = array<i32>} : memref<128x16x8x128xf32, #tpu.memory_space<vmem>>, vector<128x1x8x128xf32>,
    %min3A_1295 = arith.minimumf %min3A_1269, %select_n3A_1287 : vector<128x8x128xf32>
    %mul3A_1296 = arith.constant 128 : i32
    %mul3A_1297 = vector.broadcast %mul3A_1296 : i32 to vector<128x8x128xi32>
    %mul3A_1298 = arith.muli %iota3A_64, %mul3A_1297 : vector<128x8x128xi32>
    %add3A_1299 = arith.constant 24 : i32
    %add3A_1300 = vector.broadcast %add3A_1299 : i32 to vector<128x8x128xi32>
    %add3A_1301 = arith.addi %mul3A_1298, %add3A_1300 : vector<128x8x128xi32>
    %add3A_1302 = arith.addi %add3A_1301, %iota3A : vector<128x8x128xi32>
    %eq3A_1303 = vector.broadcast %broadcast_in_dim3A_1210 : vector<128x1x128xi32> to vector<128x8x128xi32>
    %eq3A_1304 = arith.cmpi eq, %add3A_1302, %eq3A_1303 : vector<128x8x128xi32>
    %get3A_1305 = arith.constant 0 : index
    %get3A_1306 = arith.constant 3 : index
    %get3A_1307 = arith.constant 0 : index
    %get3A_1308 = arith.constant 0 : index
    %get3A_1309 = vector.load %arg5[%get3A_1305, %get3A_1306, %get3A_1307, %get3A_1308] : memref<128x16x8x128xf32, #tpu.memory_space<vmem>>, vector<128x1x8x128xf32>
    %get3A_1310 = vector.shape_cast %get3A_1309 : vector<128x1x8x128xf32> to vector<128x8x128xf32>
    %jit3A_1311 = arith.constant 1.000000e+10 : f32
    %broadcast_in_dim3A_1312 = vector.broadcast %jit3A_1311 : f32 to vector<128x8x128xf32>
    %select_n3A_1313 = arith.select %eq3A_1304, %broadcast_in_dim3A_1312, %get3A_1310 : vector<128x8x128xi1>, vector<128x8x128xf32>
    %swap3A_1314 = arith.constant 0 : index
    %swap3A_1315 = arith.constant 3 : index
    %swap3A_1316 = arith.constant 0 : index
    %swap3A_1317 = arith.constant 0 : index
    %swap3A_1318 = vector.load %arg5[%swap3A_1314, %swap3A_1315, %swap3A_1316, %swap3A_1317] : memref<128x16x8x128xf32, #tpu.memory_space<vmem>>, vector<128x1x8x128xf32>
    %swap3A_1319 = vector.shape_cast %swap3A_1318 : vector<128x1x8x128xf32> to vector<128x8x128xf32>
    %swap3A_1320 = vector.shape_cast %select_n3A_1313 : vector<128x8x128xf32> to vector<128x1x8x128xf32>
    tpu.vector_store %arg5[%swap3A_1314, %swap3A_1315, %swap3A_1316, %swap3A_1317], %swap3A_1320 {strides = array<i32>} : memref<128x16x8x128xf32, #tpu.memory_space<vmem>>, vector<128x1x8x128xf32>,
    %min3A_1321 = arith.minimumf %min3A_1295, %select_n3A_1313 : vector<128x8x128xf32>
    %mul3A_1322 = arith.constant 128 : i32
    %mul3A_1323 = vector.broadcast %mul3A_1322 : i32 to vector<128x8x128xi32>
    %mul3A_1324 = arith.muli %iota3A_64, %mul3A_1323 : vector<128x8x128xi32>
    %add3A_1325 = arith.constant 32 : i32
    %add3A_1326 = vector.broadcast %add3A_1325 : i32 to vector<128x8x128xi32>
    %add3A_1327 = arith.addi %mul3A_1324, %add3A_1326 : vector<128x8x128xi32>
    %add3A_1328 = arith.addi %add3A_1327, %iota3A : vector<128x8x128xi32>
    %eq3A_1329 = vector.broadcast %broadcast_in_dim3A_1210 : vector<128x1x128xi32> to vector<128x8x128xi32>
    %eq3A_1330 = arith.cmpi eq, %add3A_1328, %eq3A_1329 : vector<128x8x128xi32>
    %get3A_1331 = arith.constant 0 : index
    %get3A_1332 = arith.constant 4 : index
    %get3A_1333 = arith.constant 0 : index
    %get3A_1334 = arith.constant 0 : index
    %get3A_1335 = vector.load %arg5[%get3A_1331, %get3A_1332, %get3A_1333, %get3A_1334] : memref<128x16x8x128xf32, #tpu.memory_space<vmem>>, vector<128x1x8x128xf32>
    %get3A_1336 = vector.shape_cast %get3A_1335 : vector<128x1x8x128xf32> to vector<128x8x128xf32>
    %jit3A_1337 = arith.constant 1.000000e+10 : f32
    %broadcast_in_dim3A_1338 = vector.broadcast %jit3A_1337 : f32 to vector<128x8x128xf32>
    %select_n3A_1339 = arith.select %eq3A_1330, %broadcast_in_dim3A_1338, %get3A_1336 : vector<128x8x128xi1>, vector<128x8x128xf32>
    %swap3A_1340 = arith.constant 0 : index
    %swap3A_1341 = arith.constant 4 : index
    %swap3A_1342 = arith.constant 0 : index
    %swap3A_1343 = arith.constant 0 : index
    %swap3A_1344 = vector.load %arg5[%swap3A_1340, %swap3A_1341, %swap3A_1342, %swap3A_1343] : memref<128x16x8x128xf32, #tpu.memory_space<vmem>>, vector<128x1x8x128xf32>
    %swap3A_1345 = vector.shape_cast %swap3A_1344 : vector<128x1x8x128xf32> to vector<128x8x128xf32>
    %swap3A_1346 = vector.shape_cast %select_n3A_1339 : vector<128x8x128xf32> to vector<128x1x8x128xf32>
    tpu.vector_store %arg5[%swap3A_1340, %swap3A_1341, %swap3A_1342, %swap3A_1343], %swap3A_1346 {strides = array<i32>} : memref<128x16x8x128xf32, #tpu.memory_space<vmem>>, vector<128x1x8x128xf32>,
    %min3A_1347 = arith.minimumf %min3A_1321, %select_n3A_1339 : vector<128x8x128xf32>
    %mul3A_1348 = arith.constant 128 : i32
    %mul3A_1349 = vector.broadcast %mul3A_1348 : i32 to vector<128x8x128xi32>
    %mul3A_1350 = arith.muli %iota3A_64, %mul3A_1349 : vector<128x8x128xi32>
    %add3A_1351 = arith.constant 40 : i32
    %add3A_1352 = vector.broadcast %add3A_1351 : i32 to vector<128x8x128xi32>
    %add3A_1353 = arith.addi %mul3A_1350, %add3A_1352 : vector<128x8x128xi32>
    %add3A_1354 = arith.addi %add3A_1353, %iota3A : vector<128x8x128xi32>
    %eq3A_1355 = vector.broadcast %broadcast_in_dim3A_1210 : vector<128x1x128xi32> to vector<128x8x128xi32>
    %eq3A_1356 = arith.cmpi eq, %add3A_1354, %eq3A_1355 : vector<128x8x128xi32>
    %get3A_1357 = arith.constant 0 : index
    %get3A_1358 = arith.constant 5 : index
    %get3A_1359 = arith.constant 0 : index
    %get3A_1360 = arith.constant 0 : index
    %get3A_1361 = vector.load %arg5[%get3A_1357, %get3A_1358, %get3A_1359, %get3A_1360] : memref<128x16x8x128xf32, #tpu.memory_space<vmem>>, vector<128x1x8x128xf32>
    %get3A_1362 = vector.shape_cast %get3A_1361 : vector<128x1x8x128xf32> to vector<128x8x128xf32>
    %jit3A_1363 = arith.constant 1.000000e+10 : f32
    %broadcast_in_dim3A_1364 = vector.broadcast %jit3A_1363 : f32 to vector<128x8x128xf32>
    %select_n3A_1365 = arith.select %eq3A_1356, %broadcast_in_dim3A_1364, %get3A_1362 : vector<128x8x128xi1>, vector<128x8x128xf32>
    %swap3A_1366 = arith.constant 0 : index
    %swap3A_1367 = arith.constant 5 : index
    %swap3A_1368 = arith.constant 0 : index
    %swap3A_1369 = arith.constant 0 : index
    %swap3A_1370 = vector.load %arg5[%swap3A_1366, %swap3A_1367, %swap3A_1368, %swap3A_1369] : memref<128x16x8x128xf32, #tpu.memory_space<vmem>>, vector<128x1x8x128xf32>
    %swap3A_1371 = vector.shape_cast %swap3A_1370 : vector<128x1x8x128xf32> to vector<128x8x128xf32>
    %swap3A_1372 = vector.shape_cast %select_n3A_1365 : vector<128x8x128xf32> to vector<128x1x8x128xf32>
    tpu.vector_store %arg5[%swap3A_1366, %swap3A_1367, %swap3A_1368, %swap3A_1369], %swap3A_1372 {strides = array<i32>} : memref<128x16x8x128xf32, #tpu.memory_space<vmem>>, vector<128x1x8x128xf32>,
    %min3A_1373 = arith.minimumf %min3A_1347, %select_n3A_1365 : vector<128x8x128xf32>
    %mul3A_1374 = arith.constant 128 : i32
    %mul3A_1375 = vector.broadcast %mul3A_1374 : i32 to vector<128x8x128xi32>
    %mul3A_1376 = arith.muli %iota3A_64, %mul3A_1375 : vector<128x8x128xi32>
    %add3A_1377 = arith.constant 48 : i32
    %add3A_1378 = vector.broadcast %add3A_1377 : i32 to vector<128x8x128xi32>
    %add3A_1379 = arith.addi %mul3A_1376, %add3A_1378 : vector<128x8x128xi32>
    %add3A_1380 = arith.addi %add3A_1379, %iota3A : vector<128x8x128xi32>
    %eq3A_1381 = vector.broadcast %broadcast_in_dim3A_1210 : vector<128x1x128xi32> to vector<128x8x128xi32>
    %eq3A_1382 = arith.cmpi eq, %add3A_1380, %eq3A_1381 : vector<128x8x128xi32>
    %get3A_1383 = arith.constant 0 : index
    %get3A_1384 = arith.constant 6 : index
    %get3A_1385 = arith.constant 0 : index
    %get3A_1386 = arith.constant 0 : index
    %get3A_1387 = vector.load %arg5[%get3A_1383, %get3A_1384, %get3A_1385, %get3A_1386] : memref<128x16x8x128xf32, #tpu.memory_space<vmem>>, vector<128x1x8x128xf32>
    %get3A_1388 = vector.shape_cast %get3A_1387 : vector<128x1x8x128xf32> to vector<128x8x128xf32>
    %jit3A_1389 = arith.constant 1.000000e+10 : f32
    %broadcast_in_dim3A_1390 = vector.broadcast %jit3A_1389 : f32 to vector<128x8x128xf32>
    %select_n3A_1391 = arith.select %eq3A_1382, %broadcast_in_dim3A_1390, %get3A_1388 : vector<128x8x128xi1>, vector<128x8x128xf32>
    %swap3A_1392 = arith.constant 0 : index
    %swap3A_1393 = arith.constant 6 : index
    %swap3A_1394 = arith.constant 0 : index
    %swap3A_1395 = arith.constant 0 : index
    %swap3A_1396 = vector.load %arg5[%swap3A_1392, %swap3A_1393, %swap3A_1394, %swap3A_1395] : memref<128x16x8x128xf32, #tpu.memory_space<vmem>>, vector<128x1x8x128xf32>
    %swap3A_1397 = vector.shape_cast %swap3A_1396 : vector<128x1x8x128xf32> to vector<128x8x128xf32>
    %swap3A_1398 = vector.shape_cast %select_n3A_1391 : vector<128x8x128xf32> to vector<128x1x8x128xf32>
    tpu.vector_store %arg5[%swap3A_1392, %swap3A_1393, %swap3A_1394, %swap3A_1395], %swap3A_1398 {strides = array<i32>} : memref<128x16x8x128xf32, #tpu.memory_space<vmem>>, vector<128x1x8x128xf32>,
    %min3A_1399 = arith.minimumf %min3A_1373, %select_n3A_1391 : vector<128x8x128xf32>
    %mul3A_1400 = arith.constant 128 : i32
    %mul3A_1401 = vector.broadcast %mul3A_1400 : i32 to vector<128x8x128xi32>
    %mul3A_1402 = arith.muli %iota3A_64, %mul3A_1401 : vector<128x8x128xi32>
    %add3A_1403 = arith.constant 56 : i32
    %add3A_1404 = vector.broadcast %add3A_1403 : i32 to vector<128x8x128xi32>
    %add3A_1405 = arith.addi %mul3A_1402, %add3A_1404 : vector<128x8x128xi32>
    %add3A_1406 = arith.addi %add3A_1405, %iota3A : vector<128x8x128xi32>
    %eq3A_1407 = vector.broadcast %broadcast_in_dim3A_1210 : vector<128x1x128xi32> to vector<128x8x128xi32>
    %eq3A_1408 = arith.cmpi eq, %add3A_1406, %eq3A_1407 : vector<128x8x128xi32>
    %get3A_1409 = arith.constant 0 : index
    %get3A_1410 = arith.constant 7 : index
    %get3A_1411 = arith.constant 0 : index
    %get3A_1412 = arith.constant 0 : index
    %get3A_1413 = vector.load %arg5[%get3A_1409, %get3A_1410, %get3A_1411, %get3A_1412] : memref<128x16x8x128xf32, #tpu.memory_space<vmem>>, vector<128x1x8x128xf32>
    %get3A_1414 = vector.shape_cast %get3A_1413 : vector<128x1x8x128xf32> to vector<128x8x128xf32>
    %jit3A_1415 = arith.constant 1.000000e+10 : f32
    %broadcast_in_dim3A_1416 = vector.broadcast %jit3A_1415 : f32 to vector<128x8x128xf32>
    %select_n3A_1417 = arith.select %eq3A_1408, %broadcast_in_dim3A_1416, %get3A_1414 : vector<128x8x128xi1>, vector<128x8x128xf32>
    %swap3A_1418 = arith.constant 0 : index
    %swap3A_1419 = arith.constant 7 : index
    %swap3A_1420 = arith.constant 0 : index
    %swap3A_1421 = arith.constant 0 : index
    %swap3A_1422 = vector.load %arg5[%swap3A_1418, %swap3A_1419, %swap3A_1420, %swap3A_1421] : memref<128x16x8x128xf32, #tpu.memory_space<vmem>>, vector<128x1x8x128xf32>
    %swap3A_1423 = vector.shape_cast %swap3A_1422 : vector<128x1x8x128xf32> to vector<128x8x128xf32>
    %swap3A_1424 = vector.shape_cast %select_n3A_1417 : vector<128x8x128xf32> to vector<128x1x8x128xf32>
    tpu.vector_store %arg5[%swap3A_1418, %swap3A_1419, %swap3A_1420, %swap3A_1421], %swap3A_1424 {strides = array<i32>} : memref<128x16x8x128xf32, #tpu.memory_space<vmem>>, vector<128x1x8x128xf32>,
    %min3A_1425 = arith.minimumf %min3A_1399, %select_n3A_1417 : vector<128x8x128xf32>
    %mul3A_1426 = arith.constant 128 : i32
    %mul3A_1427 = vector.broadcast %mul3A_1426 : i32 to vector<128x8x128xi32>
    %mul3A_1428 = arith.muli %iota3A_64, %mul3A_1427 : vector<128x8x128xi32>
    %add3A_1429 = arith.constant 64 : i32
    %add3A_1430 = vector.broadcast %add3A_1429 : i32 to vector<128x8x128xi32>
    %add3A_1431 = arith.addi %mul3A_1428, %add3A_1430 : vector<128x8x128xi32>
    %add3A_1432 = arith.addi %add3A_1431, %iota3A : vector<128x8x128xi32>
    %eq3A_1433 = vector.broadcast %broadcast_in_dim3A_1210 : vector<128x1x128xi32> to vector<128x8x128xi32>
    %eq3A_1434 = arith.cmpi eq, %add3A_1432, %eq3A_1433 : vector<128x8x128xi32>
    %get3A_1435 = arith.constant 0 : index
    %get3A_1436 = arith.constant 8 : index
    %get3A_1437 = arith.constant 0 : index
    %get3A_1438 = arith.constant 0 : index
    %get3A_1439 = vector.load %arg5[%get3A_1435, %get3A_1436, %get3A_1437, %get3A_1438] : memref<128x16x8x128xf32, #tpu.memory_space<vmem>>, vector<128x1x8x128xf32>
    %get3A_1440 = vector.shape_cast %get3A_1439 : vector<128x1x8x128xf32> to vector<128x8x128xf32>
    %jit3A_1441 = arith.constant 1.000000e+10 : f32
    %broadcast_in_dim3A_1442 = vector.broadcast %jit3A_1441 : f32 to vector<128x8x128xf32>
    %select_n3A_1443 = arith.select %eq3A_1434, %broadcast_in_dim3A_1442, %get3A_1440 : vector<128x8x128xi1>, vector<128x8x128xf32>
    %swap3A_1444 = arith.constant 0 : index
    %swap3A_1445 = arith.constant 8 : index
    %swap3A_1446 = arith.constant 0 : index
    %swap3A_1447 = arith.constant 0 : index
    %swap3A_1448 = vector.load %arg5[%swap3A_1444, %swap3A_1445, %swap3A_1446, %swap3A_1447] : memref<128x16x8x128xf32, #tpu.memory_space<vmem>>, vector<128x1x8x128xf32>
    %swap3A_1449 = vector.shape_cast %swap3A_1448 : vector<128x1x8x128xf32> to vector<128x8x128xf32>
    %swap3A_1450 = vector.shape_cast %select_n3A_1443 : vector<128x8x128xf32> to vector<128x1x8x128xf32>
    tpu.vector_store %arg5[%swap3A_1444, %swap3A_1445, %swap3A_1446, %swap3A_1447], %swap3A_1450 {strides = array<i32>} : memref<128x16x8x128xf32, #tpu.memory_space<vmem>>, vector<128x1x8x128xf32>,
    %min3A_1451 = arith.minimumf %min3A_1425, %select_n3A_1443 : vector<128x8x128xf32>
    %mul3A_1452 = arith.constant 128 : i32
    %mul3A_1453 = vector.broadcast %mul3A_1452 : i32 to vector<128x8x128xi32>
    %mul3A_1454 = arith.muli %iota3A_64, %mul3A_1453 : vector<128x8x128xi32>
    %add3A_1455 = arith.constant 72 : i32
    %add3A_1456 = vector.broadcast %add3A_1455 : i32 to vector<128x8x128xi32>
    %add3A_1457 = arith.addi %mul3A_1454, %add3A_1456 : vector<128x8x128xi32>
    %add3A_1458 = arith.addi %add3A_1457, %iota3A : vector<128x8x128xi32>
    %eq3A_1459 = vector.broadcast %broadcast_in_dim3A_1210 : vector<128x1x128xi32> to vector<128x8x128xi32>
    %eq3A_1460 = arith.cmpi eq, %add3A_1458, %eq3A_1459 : vector<128x8x128xi32>
    %get3A_1461 = arith.constant 0 : index
    %get3A_1462 = arith.constant 9 : index
    %get3A_1463 = arith.constant 0 : index
    %get3A_1464 = arith.constant 0 : index
    %get3A_1465 = vector.load %arg5[%get3A_1461, %get3A_1462, %get3A_1463, %get3A_1464] : memref<128x16x8x128xf32, #tpu.memory_space<vmem>>, vector<128x1x8x128xf32>
    %get3A_1466 = vector.shape_cast %get3A_1465 : vector<128x1x8x128xf32> to vector<128x8x128xf32>
    %jit3A_1467 = arith.constant 1.000000e+10 : f32
    %broadcast_in_dim3A_1468 = vector.broadcast %jit3A_1467 : f32 to vector<128x8x128xf32>
    %select_n3A_1469 = arith.select %eq3A_1460, %broadcast_in_dim3A_1468, %get3A_1466 : vector<128x8x128xi1>, vector<128x8x128xf32>
    %swap3A_1470 = arith.constant 0 : index
    %swap3A_1471 = arith.constant 9 : index
    %swap3A_1472 = arith.constant 0 : index
    %swap3A_1473 = arith.constant 0 : index
    %swap3A_1474 = vector.load %arg5[%swap3A_1470, %swap3A_1471, %swap3A_1472, %swap3A_1473] : memref<128x16x8x128xf32, #tpu.memory_space<vmem>>, vector<128x1x8x128xf32>
    %swap3A_1475 = vector.shape_cast %swap3A_1474 : vector<128x1x8x128xf32> to vector<128x8x128xf32>
    %swap3A_1476 = vector.shape_cast %select_n3A_1469 : vector<128x8x128xf32> to vector<128x1x8x128xf32>
    tpu.vector_store %arg5[%swap3A_1470, %swap3A_1471, %swap3A_1472, %swap3A_1473], %swap3A_1476 {strides = array<i32>} : memref<128x16x8x128xf32, #tpu.memory_space<vmem>>, vector<128x1x8x128xf32>,
    %min3A_1477 = arith.minimumf %min3A_1451, %select_n3A_1469 : vector<128x8x128xf32>
    %mul3A_1478 = arith.constant 128 : i32
    %mul3A_1479 = vector.broadcast %mul3A_1478 : i32 to vector<128x8x128xi32>
    %mul3A_1480 = arith.muli %iota3A_64, %mul3A_1479 : vector<128x8x128xi32>
    %add3A_1481 = arith.constant 80 : i32
    %add3A_1482 = vector.broadcast %add3A_1481 : i32 to vector<128x8x128xi32>
    %add3A_1483 = arith.addi %mul3A_1480, %add3A_1482 : vector<128x8x128xi32>
    %add3A_1484 = arith.addi %add3A_1483, %iota3A : vector<128x8x128xi32>
    %eq3A_1485 = vector.broadcast %broadcast_in_dim3A_1210 : vector<128x1x128xi32> to vector<128x8x128xi32>
    %eq3A_1486 = arith.cmpi eq, %add3A_1484, %eq3A_1485 : vector<128x8x128xi32>
    %get3A_1487 = arith.constant 0 : index
    %get3A_1488 = arith.constant 10 : index
    %get3A_1489 = arith.constant 0 : index
    %get3A_1490 = arith.constant 0 : index
    %get3A_1491 = vector.load %arg5[%get3A_1487, %get3A_1488, %get3A_1489, %get3A_1490] : memref<128x16x8x128xf32, #tpu.memory_space<vmem>>, vector<128x1x8x128xf32>
    %get3A_1492 = vector.shape_cast %get3A_1491 : vector<128x1x8x128xf32> to vector<128x8x128xf32>
    %jit3A_1493 = arith.constant 1.000000e+10 : f32
    %broadcast_in_dim3A_1494 = vector.broadcast %jit3A_1493 : f32 to vector<128x8x128xf32>
    %select_n3A_1495 = arith.select %eq3A_1486, %broadcast_in_dim3A_1494, %get3A_1492 : vector<128x8x128xi1>, vector<128x8x128xf32>
    %swap3A_1496 = arith.constant 0 : index
    %swap3A_1497 = arith.constant 10 : index
    %swap3A_1498 = arith.constant 0 : index
    %swap3A_1499 = arith.constant 0 : index
    %swap3A_1500 = vector.load %arg5[%swap3A_1496, %swap3A_1497, %swap3A_1498, %swap3A_1499] : memref<128x16x8x128xf32, #tpu.memory_space<vmem>>, vector<128x1x8x128xf32>
    %swap3A_1501 = vector.shape_cast %swap3A_1500 : vector<128x1x8x128xf32> to vector<128x8x128xf32>
    %swap3A_1502 = vector.shape_cast %select_n3A_1495 : vector<128x8x128xf32> to vector<128x1x8x128xf32>
    tpu.vector_store %arg5[%swap3A_1496, %swap3A_1497, %swap3A_1498, %swap3A_1499], %swap3A_1502 {strides = array<i32>} : memref<128x16x8x128xf32, #tpu.memory_space<vmem>>, vector<128x1x8x128xf32>,
    %min3A_1503 = arith.minimumf %min3A_1477, %select_n3A_1495 : vector<128x8x128xf32>
    %mul3A_1504 = arith.constant 128 : i32
    %mul3A_1505 = vector.broadcast %mul3A_1504 : i32 to vector<128x8x128xi32>
    %mul3A_1506 = arith.muli %iota3A_64, %mul3A_1505 : vector<128x8x128xi32>
    %add3A_1507 = arith.constant 88 : i32
    %add3A_1508 = vector.broadcast %add3A_1507 : i32 to vector<128x8x128xi32>
    %add3A_1509 = arith.addi %mul3A_1506, %add3A_1508 : vector<128x8x128xi32>
    %add3A_1510 = arith.addi %add3A_1509, %iota3A : vector<128x8x128xi32>
    %eq3A_1511 = vector.broadcast %broadcast_in_dim3A_1210 : vector<128x1x128xi32> to vector<128x8x128xi32>
    %eq3A_1512 = arith.cmpi eq, %add3A_1510, %eq3A_1511 : vector<128x8x128xi32>
    %get3A_1513 = arith.constant 0 : index
    %get3A_1514 = arith.constant 11 : index
    %get3A_1515 = arith.constant 0 : index
    %get3A_1516 = arith.constant 0 : index
    %get3A_1517 = vector.load %arg5[%get3A_1513, %get3A_1514, %get3A_1515, %get3A_1516] : memref<128x16x8x128xf32, #tpu.memory_space<vmem>>, vector<128x1x8x128xf32>
    %get3A_1518 = vector.shape_cast %get3A_1517 : vector<128x1x8x128xf32> to vector<128x8x128xf32>
    %jit3A_1519 = arith.constant 1.000000e+10 : f32
    %broadcast_in_dim3A_1520 = vector.broadcast %jit3A_1519 : f32 to vector<128x8x128xf32>
    %select_n3A_1521 = arith.select %eq3A_1512, %broadcast_in_dim3A_1520, %get3A_1518 : vector<128x8x128xi1>, vector<128x8x128xf32>
    %swap3A_1522 = arith.constant 0 : index
    %swap3A_1523 = arith.constant 11 : index
    %swap3A_1524 = arith.constant 0 : index
    %swap3A_1525 = arith.constant 0 : index
    %swap3A_1526 = vector.load %arg5[%swap3A_1522, %swap3A_1523, %swap3A_1524, %swap3A_1525] : memref<128x16x8x128xf32, #tpu.memory_space<vmem>>, vector<128x1x8x128xf32>
    %swap3A_1527 = vector.shape_cast %swap3A_1526 : vector<128x1x8x128xf32> to vector<128x8x128xf32>
    %swap3A_1528 = vector.shape_cast %select_n3A_1521 : vector<128x8x128xf32> to vector<128x1x8x128xf32>
    tpu.vector_store %arg5[%swap3A_1522, %swap3A_1523, %swap3A_1524, %swap3A_1525], %swap3A_1528 {strides = array<i32>} : memref<128x16x8x128xf32, #tpu.memory_space<vmem>>, vector<128x1x8x128xf32>,
    %min3A_1529 = arith.minimumf %min3A_1503, %select_n3A_1521 : vector<128x8x128xf32>
    %mul3A_1530 = arith.constant 128 : i32
    %mul3A_1531 = vector.broadcast %mul3A_1530 : i32 to vector<128x8x128xi32>
    %mul3A_1532 = arith.muli %iota3A_64, %mul3A_1531 : vector<128x8x128xi32>
    %add3A_1533 = arith.constant 96 : i32
    %add3A_1534 = vector.broadcast %add3A_1533 : i32 to vector<128x8x128xi32>
    %add3A_1535 = arith.addi %mul3A_1532, %add3A_1534 : vector<128x8x128xi32>
    %add3A_1536 = arith.addi %add3A_1535, %iota3A : vector<128x8x128xi32>
    %eq3A_1537 = vector.broadcast %broadcast_in_dim3A_1210 : vector<128x1x128xi32> to vector<128x8x128xi32>
    %eq3A_1538 = arith.cmpi eq, %add3A_1536, %eq3A_1537 : vector<128x8x128xi32>
    %get3A_1539 = arith.constant 0 : index
    %get3A_1540 = arith.constant 12 : index
    %get3A_1541 = arith.constant 0 : index
    %get3A_1542 = arith.constant 0 : index
    %get3A_1543 = vector.load %arg5[%get3A_1539, %get3A_1540, %get3A_1541, %get3A_1542] : memref<128x16x8x128xf32, #tpu.memory_space<vmem>>, vector<128x1x8x128xf32>
    %get3A_1544 = vector.shape_cast %get3A_1543 : vector<128x1x8x128xf32> to vector<128x8x128xf32>
    %jit3A_1545 = arith.constant 1.000000e+10 : f32
    %broadcast_in_dim3A_1546 = vector.broadcast %jit3A_1545 : f32 to vector<128x8x128xf32>
    %select_n3A_1547 = arith.select %eq3A_1538, %broadcast_in_dim3A_1546, %get3A_1544 : vector<128x8x128xi1>, vector<128x8x128xf32>
    %swap3A_1548 = arith.constant 0 : index
    %swap3A_1549 = arith.constant 12 : index
    %swap3A_1550 = arith.constant 0 : index
    %swap3A_1551 = arith.constant 0 : index
    %swap3A_1552 = vector.load %arg5[%swap3A_1548, %swap3A_1549, %swap3A_1550, %swap3A_1551] : memref<128x16x8x128xf32, #tpu.memory_space<vmem>>, vector<128x1x8x128xf32>
    %swap3A_1553 = vector.shape_cast %swap3A_1552 : vector<128x1x8x128xf32> to vector<128x8x128xf32>
    %swap3A_1554 = vector.shape_cast %select_n3A_1547 : vector<128x8x128xf32> to vector<128x1x8x128xf32>
    tpu.vector_store %arg5[%swap3A_1548, %swap3A_1549, %swap3A_1550, %swap3A_1551], %swap3A_1554 {strides = array<i32>} : memref<128x16x8x128xf32, #tpu.memory_space<vmem>>, vector<128x1x8x128xf32>,
    %min3A_1555 = arith.minimumf %min3A_1529, %select_n3A_1547 : vector<128x8x128xf32>
    %mul3A_1556 = arith.constant 128 : i32
    %mul3A_1557 = vector.broadcast %mul3A_1556 : i32 to vector<128x8x128xi32>
    %mul3A_1558 = arith.muli %iota3A_64, %mul3A_1557 : vector<128x8x128xi32>
    %add3A_1559 = arith.constant 104 : i32
    %add3A_1560 = vector.broadcast %add3A_1559 : i32 to vector<128x8x128xi32>
    %add3A_1561 = arith.addi %mul3A_1558, %add3A_1560 : vector<128x8x128xi32>
    %add3A_1562 = arith.addi %add3A_1561, %iota3A : vector<128x8x128xi32>
    %eq3A_1563 = vector.broadcast %broadcast_in_dim3A_1210 : vector<128x1x128xi32> to vector<128x8x128xi32>
    %eq3A_1564 = arith.cmpi eq, %add3A_1562, %eq3A_1563 : vector<128x8x128xi32>
    %get3A_1565 = arith.constant 0 : index
    %get3A_1566 = arith.constant 13 : index
    %get3A_1567 = arith.constant 0 : index
    %get3A_1568 = arith.constant 0 : index
    %get3A_1569 = vector.load %arg5[%get3A_1565, %get3A_1566, %get3A_1567, %get3A_1568] : memref<128x16x8x128xf32, #tpu.memory_space<vmem>>, vector<128x1x8x128xf32>
    %get3A_1570 = vector.shape_cast %get3A_1569 : vector<128x1x8x128xf32> to vector<128x8x128xf32>
    %jit3A_1571 = arith.constant 1.000000e+10 : f32
    %broadcast_in_dim3A_1572 = vector.broadcast %jit3A_1571 : f32 to vector<128x8x128xf32>
    %select_n3A_1573 = arith.select %eq3A_1564, %broadcast_in_dim3A_1572, %get3A_1570 : vector<128x8x128xi1>, vector<128x8x128xf32>
    %swap3A_1574 = arith.constant 0 : index
    %swap3A_1575 = arith.constant 13 : index
    %swap3A_1576 = arith.constant 0 : index
    %swap3A_1577 = arith.constant 0 : index
    %swap3A_1578 = vector.load %arg5[%swap3A_1574, %swap3A_1575, %swap3A_1576, %swap3A_1577] : memref<128x16x8x128xf32, #tpu.memory_space<vmem>>, vector<128x1x8x128xf32>
    %swap3A_1579 = vector.shape_cast %swap3A_1578 : vector<128x1x8x128xf32> to vector<128x8x128xf32>
    %swap3A_1580 = vector.shape_cast %select_n3A_1573 : vector<128x8x128xf32> to vector<128x1x8x128xf32>
    tpu.vector_store %arg5[%swap3A_1574, %swap3A_1575, %swap3A_1576, %swap3A_1577], %swap3A_1580 {strides = array<i32>} : memref<128x16x8x128xf32, #tpu.memory_space<vmem>>, vector<128x1x8x128xf32>,
    %min3A_1581 = arith.minimumf %min3A_1555, %select_n3A_1573 : vector<128x8x128xf32>
    %mul3A_1582 = arith.constant 128 : i32
    %mul3A_1583 = vector.broadcast %mul3A_1582 : i32 to vector<128x8x128xi32>
    %mul3A_1584 = arith.muli %iota3A_64, %mul3A_1583 : vector<128x8x128xi32>
    %add3A_1585 = arith.constant 112 : i32
    %add3A_1586 = vector.broadcast %add3A_1585 : i32 to vector<128x8x128xi32>
    %add3A_1587 = arith.addi %mul3A_1584, %add3A_1586 : vector<128x8x128xi32>
    %add3A_1588 = arith.addi %add3A_1587, %iota3A : vector<128x8x128xi32>
    %eq3A_1589 = vector.broadcast %broadcast_in_dim3A_1210 : vector<128x1x128xi32> to vector<128x8x128xi32>
    %eq3A_1590 = arith.cmpi eq, %add3A_1588, %eq3A_1589 : vector<128x8x128xi32>
    %get3A_1591 = arith.constant 0 : index
    %get3A_1592 = arith.constant 14 : index
    %get3A_1593 = arith.constant 0 : index
    %get3A_1594 = arith.constant 0 : index
    %get3A_1595 = vector.load %arg5[%get3A_1591, %get3A_1592, %get3A_1593, %get3A_1594] : memref<128x16x8x128xf32, #tpu.memory_space<vmem>>, vector<128x1x8x128xf32>
    %get3A_1596 = vector.shape_cast %get3A_1595 : vector<128x1x8x128xf32> to vector<128x8x128xf32>
    %jit3A_1597 = arith.constant 1.000000e+10 : f32
    %broadcast_in_dim3A_1598 = vector.broadcast %jit3A_1597 : f32 to vector<128x8x128xf32>
    %select_n3A_1599 = arith.select %eq3A_1590, %broadcast_in_dim3A_1598, %get3A_1596 : vector<128x8x128xi1>, vector<128x8x128xf32>
    %swap3A_1600 = arith.constant 0 : index
    %swap3A_1601 = arith.constant 14 : index
    %swap3A_1602 = arith.constant 0 : index
    %swap3A_1603 = arith.constant 0 : index
    %swap3A_1604 = vector.load %arg5[%swap3A_1600, %swap3A_1601, %swap3A_1602, %swap3A_1603] : memref<128x16x8x128xf32, #tpu.memory_space<vmem>>, vector<128x1x8x128xf32>
    %swap3A_1605 = vector.shape_cast %swap3A_1604 : vector<128x1x8x128xf32> to vector<128x8x128xf32>
    %swap3A_1606 = vector.shape_cast %select_n3A_1599 : vector<128x8x128xf32> to vector<128x1x8x128xf32>
    tpu.vector_store %arg5[%swap3A_1600, %swap3A_1601, %swap3A_1602, %swap3A_1603], %swap3A_1606 {strides = array<i32>} : memref<128x16x8x128xf32, #tpu.memory_space<vmem>>, vector<128x1x8x128xf32>,
    %min3A_1607 = arith.minimumf %min3A_1581, %select_n3A_1599 : vector<128x8x128xf32>
    %mul3A_1608 = arith.constant 128 : i32
    %mul3A_1609 = vector.broadcast %mul3A_1608 : i32 to vector<128x8x128xi32>
    %mul3A_1610 = arith.muli %iota3A_64, %mul3A_1609 : vector<128x8x128xi32>
    %add3A_1611 = arith.constant 120 : i32
    %add3A_1612 = vector.broadcast %add3A_1611 : i32 to vector<128x8x128xi32>
    %add3A_1613 = arith.addi %mul3A_1610, %add3A_1612 : vector<128x8x128xi32>
    %add3A_1614 = arith.addi %add3A_1613, %iota3A : vector<128x8x128xi32>
    %eq3A_1615 = vector.broadcast %broadcast_in_dim3A_1210 : vector<128x1x128xi32> to vector<128x8x128xi32>
    %eq3A_1616 = arith.cmpi eq, %add3A_1614, %eq3A_1615 : vector<128x8x128xi32>
    %get3A_1617 = arith.constant 0 : index
    %get3A_1618 = arith.constant 15 : index
    %get3A_1619 = arith.constant 0 : index
    %get3A_1620 = arith.constant 0 : index
    %get3A_1621 = vector.load %arg5[%get3A_1617, %get3A_1618, %get3A_1619, %get3A_1620] : memref<128x16x8x128xf32, #tpu.memory_space<vmem>>, vector<128x1x8x128xf32>
    %get3A_1622 = vector.shape_cast %get3A_1621 : vector<128x1x8x128xf32> to vector<128x8x128xf32>
    %jit3A_1623 = arith.constant 1.000000e+10 : f32
    %broadcast_in_dim3A_1624 = vector.broadcast %jit3A_1623 : f32 to vector<128x8x128xf32>
    %select_n3A_1625 = arith.select %eq3A_1616, %broadcast_in_dim3A_1624, %get3A_1622 : vector<128x8x128xi1>, vector<128x8x128xf32>
    %swap3A_1626 = arith.constant 0 : index
    %swap3A_1627 = arith.constant 15 : index
    %swap3A_1628 = arith.constant 0 : index
    %swap3A_1629 = arith.constant 0 : index
    %swap3A_1630 = vector.load %arg5[%swap3A_1626, %swap3A_1627, %swap3A_1628, %swap3A_1629] : memref<128x16x8x128xf32, #tpu.memory_space<vmem>>, vector<128x1x8x128xf32>
    %swap3A_1631 = vector.shape_cast %swap3A_1630 : vector<128x1x8x128xf32> to vector<128x8x128xf32>
    %swap3A_1632 = vector.shape_cast %select_n3A_1625 : vector<128x8x128xf32> to vector<128x1x8x128xf32>
    tpu.vector_store %arg5[%swap3A_1626, %swap3A_1627, %swap3A_1628, %swap3A_1629], %swap3A_1632 {strides = array<i32>} : memref<128x16x8x128xf32, #tpu.memory_space<vmem>>, vector<128x1x8x128xf32>,
    %min3A_1633 = arith.minimumf %min3A_1607, %select_n3A_1625 : vector<128x8x128xf32>
    %reduce_min3A_1634 = arith.constant dense<0x7F800000> : vector<128x128xf32>
    %reduce_min3A_1635 = vector.multi_reduction <minimumf>, %min3A_1633, %reduce_min3A_1634 [1] : vector<128x8x128xf32> to vector<128x128xf32>
    %broadcast_in_dim3A_1636 = vector.shape_cast %reduce_min3A_1635 : vector<128x128xf32> to vector<128x1x128xf32>
    %get3A_1637 = arith.constant 0 : index
    %get3A_1638 = arith.constant 0 : index
    %get3A_1639 = arith.constant 0 : index
    %get3A_1640 = arith.constant 0 : index
    %get3A_1641 = vector.load %arg5[%get3A_1637, %get3A_1638, %get3A_1639, %get3A_1640] : memref<128x16x8x128xf32, #tpu.memory_space<vmem>>, vector<128x1x8x128xf32>
    %get3A_1642 = vector.shape_cast %get3A_1641 : vector<128x1x8x128xf32> to vector<128x8x128xf32>
    %eq3A_1643 = vector.broadcast %broadcast_in_dim3A_1636 : vector<128x1x128xf32> to vector<128x8x128xf32>
    %eq3A_1644 = arith.cmpf oeq, %get3A_1642, %eq3A_1643 : vector<128x8x128xf32>
    %mul3A_1645 = arith.constant 128 : i32
    %mul3A_1646 = vector.broadcast %mul3A_1645 : i32 to vector<128x8x128xi32>
    %mul3A_1647 = arith.muli %iota3A_64, %mul3A_1646 : vector<128x8x128xi32>
    %add3A_1648 = arith.constant 0 : i32
    %add3A_1649 = vector.broadcast %add3A_1648 : i32 to vector<128x8x128xi32>
    %add3A_1650 = arith.addi %mul3A_1647, %add3A_1649 : vector<128x8x128xi32>
    %add3A_1651 = arith.addi %add3A_1650, %iota3A : vector<128x8x128xi32>
    %jit3A_1652 = arith.constant 16384 : i32
    %broadcast_in_dim3A_1653 = vector.broadcast %jit3A_1652 : i32 to vector<128x8x128xi32>
    %select_n3A_1654 = arith.select %eq3A_1644, %add3A_1651, %broadcast_in_dim3A_1653 : vector<128x8x128xi1>, vector<128x8x128xi32>
    %get3A_1655 = arith.constant 0 : index
    %get3A_1656 = arith.constant 1 : index
    %get3A_1657 = arith.constant 0 : index
    %get3A_1658 = arith.constant 0 : index
    %get3A_1659 = vector.load %arg5[%get3A_1655, %get3A_1656, %get3A_1657, %get3A_1658] : memref<128x16x8x128xf32, #tpu.memory_space<vmem>>, vector<128x1x8x128xf32>
    %get3A_1660 = vector.shape_cast %get3A_1659 : vector<128x1x8x128xf32> to vector<128x8x128xf32>
    %eq3A_1661 = vector.broadcast %broadcast_in_dim3A_1636 : vector<128x1x128xf32> to vector<128x8x128xf32>
    %eq3A_1662 = arith.cmpf oeq, %get3A_1660, %eq3A_1661 : vector<128x8x128xf32>
    %mul3A_1663 = arith.constant 128 : i32
    %mul3A_1664 = vector.broadcast %mul3A_1663 : i32 to vector<128x8x128xi32>
    %mul3A_1665 = arith.muli %iota3A_64, %mul3A_1664 : vector<128x8x128xi32>
    %add3A_1666 = arith.constant 8 : i32
    %add3A_1667 = vector.broadcast %add3A_1666 : i32 to vector<128x8x128xi32>
    %add3A_1668 = arith.addi %mul3A_1665, %add3A_1667 : vector<128x8x128xi32>
    %add3A_1669 = arith.addi %add3A_1668, %iota3A : vector<128x8x128xi32>
    %jit3A_1670 = arith.constant 16384 : i32
    %broadcast_in_dim3A_1671 = vector.broadcast %jit3A_1670 : i32 to vector<128x8x128xi32>
    %select_n3A_1672 = arith.select %eq3A_1662, %add3A_1669, %broadcast_in_dim3A_1671 : vector<128x8x128xi1>, vector<128x8x128xi32>
    %min3A_1673 = arith.minsi %select_n3A_1654, %select_n3A_1672 : vector<128x8x128xi32>
    %get3A_1674 = arith.constant 0 : index
    %get3A_1675 = arith.constant 2 : index
    %get3A_1676 = arith.constant 0 : index
    %get3A_1677 = arith.constant 0 : index
    %get3A_1678 = vector.load %arg5[%get3A_1674, %get3A_1675, %get3A_1676, %get3A_1677] : memref<128x16x8x128xf32, #tpu.memory_space<vmem>>, vector<128x1x8x128xf32>
    %get3A_1679 = vector.shape_cast %get3A_1678 : vector<128x1x8x128xf32> to vector<128x8x128xf32>
    %eq3A_1680 = vector.broadcast %broadcast_in_dim3A_1636 : vector<128x1x128xf32> to vector<128x8x128xf32>
    %eq3A_1681 = arith.cmpf oeq, %get3A_1679, %eq3A_1680 : vector<128x8x128xf32>
    %mul3A_1682 = arith.constant 128 : i32
    %mul3A_1683 = vector.broadcast %mul3A_1682 : i32 to vector<128x8x128xi32>
    %mul3A_1684 = arith.muli %iota3A_64, %mul3A_1683 : vector<128x8x128xi32>
    %add3A_1685 = arith.constant 16 : i32
    %add3A_1686 = vector.broadcast %add3A_1685 : i32 to vector<128x8x128xi32>
    %add3A_1687 = arith.addi %mul3A_1684, %add3A_1686 : vector<128x8x128xi32>
    %add3A_1688 = arith.addi %add3A_1687, %iota3A : vector<128x8x128xi32>
    %jit3A_1689 = arith.constant 16384 : i32
    %broadcast_in_dim3A_1690 = vector.broadcast %jit3A_1689 : i32 to vector<128x8x128xi32>
    %select_n3A_1691 = arith.select %eq3A_1681, %add3A_1688, %broadcast_in_dim3A_1690 : vector<128x8x128xi1>, vector<128x8x128xi32>
    %min3A_1692 = arith.minsi %min3A_1673, %select_n3A_1691 : vector<128x8x128xi32>
    %get3A_1693 = arith.constant 0 : index
    %get3A_1694 = arith.constant 3 : index
    %get3A_1695 = arith.constant 0 : index
    %get3A_1696 = arith.constant 0 : index
    %get3A_1697 = vector.load %arg5[%get3A_1693, %get3A_1694, %get3A_1695, %get3A_1696] : memref<128x16x8x128xf32, #tpu.memory_space<vmem>>, vector<128x1x8x128xf32>
    %get3A_1698 = vector.shape_cast %get3A_1697 : vector<128x1x8x128xf32> to vector<128x8x128xf32>
    %eq3A_1699 = vector.broadcast %broadcast_in_dim3A_1636 : vector<128x1x128xf32> to vector<128x8x128xf32>
    %eq3A_1700 = arith.cmpf oeq, %get3A_1698, %eq3A_1699 : vector<128x8x128xf32>
    %mul3A_1701 = arith.constant 128 : i32
    %mul3A_1702 = vector.broadcast %mul3A_1701 : i32 to vector<128x8x128xi32>
    %mul3A_1703 = arith.muli %iota3A_64, %mul3A_1702 : vector<128x8x128xi32>
    %add3A_1704 = arith.constant 24 : i32
    %add3A_1705 = vector.broadcast %add3A_1704 : i32 to vector<128x8x128xi32>
    %add3A_1706 = arith.addi %mul3A_1703, %add3A_1705 : vector<128x8x128xi32>
    %add3A_1707 = arith.addi %add3A_1706, %iota3A : vector<128x8x128xi32>
    %jit3A_1708 = arith.constant 16384 : i32
    %broadcast_in_dim3A_1709 = vector.broadcast %jit3A_1708 : i32 to vector<128x8x128xi32>
    %select_n3A_1710 = arith.select %eq3A_1700, %add3A_1707, %broadcast_in_dim3A_1709 : vector<128x8x128xi1>, vector<128x8x128xi32>
    %min3A_1711 = arith.minsi %min3A_1692, %select_n3A_1710 : vector<128x8x128xi32>
    %get3A_1712 = arith.constant 0 : index
    %get3A_1713 = arith.constant 4 : index
    %get3A_1714 = arith.constant 0 : index
    %get3A_1715 = arith.constant 0 : index
    %get3A_1716 = vector.load %arg5[%get3A_1712, %get3A_1713, %get3A_1714, %get3A_1715] : memref<128x16x8x128xf32, #tpu.memory_space<vmem>>, vector<128x1x8x128xf32>
    %get3A_1717 = vector.shape_cast %get3A_1716 : vector<128x1x8x128xf32> to vector<128x8x128xf32>
    %eq3A_1718 = vector.broadcast %broadcast_in_dim3A_1636 : vector<128x1x128xf32> to vector<128x8x128xf32>
    %eq3A_1719 = arith.cmpf oeq, %get3A_1717, %eq3A_1718 : vector<128x8x128xf32>
    %mul3A_1720 = arith.constant 128 : i32
    %mul3A_1721 = vector.broadcast %mul3A_1720 : i32 to vector<128x8x128xi32>
    %mul3A_1722 = arith.muli %iota3A_64, %mul3A_1721 : vector<128x8x128xi32>
    %add3A_1723 = arith.constant 32 : i32
    %add3A_1724 = vector.broadcast %add3A_1723 : i32 to vector<128x8x128xi32>
    %add3A_1725 = arith.addi %mul3A_1722, %add3A_1724 : vector<128x8x128xi32>
    %add3A_1726 = arith.addi %add3A_1725, %iota3A : vector<128x8x128xi32>
    %jit3A_1727 = arith.constant 16384 : i32
    %broadcast_in_dim3A_1728 = vector.broadcast %jit3A_1727 : i32 to vector<128x8x128xi32>
    %select_n3A_1729 = arith.select %eq3A_1719, %add3A_1726, %broadcast_in_dim3A_1728 : vector<128x8x128xi1>, vector<128x8x128xi32>
    %min3A_1730 = arith.minsi %min3A_1711, %select_n3A_1729 : vector<128x8x128xi32>
    %get3A_1731 = arith.constant 0 : index
    %get3A_1732 = arith.constant 5 : index
    %get3A_1733 = arith.constant 0 : index
    %get3A_1734 = arith.constant 0 : index
    %get3A_1735 = vector.load %arg5[%get3A_1731, %get3A_1732, %get3A_1733, %get3A_1734] : memref<128x16x8x128xf32, #tpu.memory_space<vmem>>, vector<128x1x8x128xf32>
    %get3A_1736 = vector.shape_cast %get3A_1735 : vector<128x1x8x128xf32> to vector<128x8x128xf32>
    %eq3A_1737 = vector.broadcast %broadcast_in_dim3A_1636 : vector<128x1x128xf32> to vector<128x8x128xf32>
    %eq3A_1738 = arith.cmpf oeq, %get3A_1736, %eq3A_1737 : vector<128x8x128xf32>
    %mul3A_1739 = arith.constant 128 : i32
    %mul3A_1740 = vector.broadcast %mul3A_1739 : i32 to vector<128x8x128xi32>
    %mul3A_1741 = arith.muli %iota3A_64, %mul3A_1740 : vector<128x8x128xi32>
    %add3A_1742 = arith.constant 40 : i32
    %add3A_1743 = vector.broadcast %add3A_1742 : i32 to vector<128x8x128xi32>
    %add3A_1744 = arith.addi %mul3A_1741, %add3A_1743 : vector<128x8x128xi32>
    %add3A_1745 = arith.addi %add3A_1744, %iota3A : vector<128x8x128xi32>
    %jit3A_1746 = arith.constant 16384 : i32
    %broadcast_in_dim3A_1747 = vector.broadcast %jit3A_1746 : i32 to vector<128x8x128xi32>
    %select_n3A_1748 = arith.select %eq3A_1738, %add3A_1745, %broadcast_in_dim3A_1747 : vector<128x8x128xi1>, vector<128x8x128xi32>
    %min3A_1749 = arith.minsi %min3A_1730, %select_n3A_1748 : vector<128x8x128xi32>
    %get3A_1750 = arith.constant 0 : index
    %get3A_1751 = arith.constant 6 : index
    %get3A_1752 = arith.constant 0 : index
    %get3A_1753 = arith.constant 0 : index
    %get3A_1754 = vector.load %arg5[%get3A_1750, %get3A_1751, %get3A_1752, %get3A_1753] : memref<128x16x8x128xf32, #tpu.memory_space<vmem>>, vector<128x1x8x128xf32>
    %get3A_1755 = vector.shape_cast %get3A_1754 : vector<128x1x8x128xf32> to vector<128x8x128xf32>
    %eq3A_1756 = vector.broadcast %broadcast_in_dim3A_1636 : vector<128x1x128xf32> to vector<128x8x128xf32>
    %eq3A_1757 = arith.cmpf oeq, %get3A_1755, %eq3A_1756 : vector<128x8x128xf32>
    %mul3A_1758 = arith.constant 128 : i32
    %mul3A_1759 = vector.broadcast %mul3A_1758 : i32 to vector<128x8x128xi32>
    %mul3A_1760 = arith.muli %iota3A_64, %mul3A_1759 : vector<128x8x128xi32>
    %add3A_1761 = arith.constant 48 : i32
    %add3A_1762 = vector.broadcast %add3A_1761 : i32 to vector<128x8x128xi32>
    %add3A_1763 = arith.addi %mul3A_1760, %add3A_1762 : vector<128x8x128xi32>
    %add3A_1764 = arith.addi %add3A_1763, %iota3A : vector<128x8x128xi32>
    %jit3A_1765 = arith.constant 16384 : i32
    %broadcast_in_dim3A_1766 = vector.broadcast %jit3A_1765 : i32 to vector<128x8x128xi32>
    %select_n3A_1767 = arith.select %eq3A_1757, %add3A_1764, %broadcast_in_dim3A_1766 : vector<128x8x128xi1>, vector<128x8x128xi32>
    %min3A_1768 = arith.minsi %min3A_1749, %select_n3A_1767 : vector<128x8x128xi32>
    %get3A_1769 = arith.constant 0 : index
    %get3A_1770 = arith.constant 7 : index
    %get3A_1771 = arith.constant 0 : index
    %get3A_1772 = arith.constant 0 : index
    %get3A_1773 = vector.load %arg5[%get3A_1769, %get3A_1770, %get3A_1771, %get3A_1772] : memref<128x16x8x128xf32, #tpu.memory_space<vmem>>, vector<128x1x8x128xf32>
    %get3A_1774 = vector.shape_cast %get3A_1773 : vector<128x1x8x128xf32> to vector<128x8x128xf32>
    %eq3A_1775 = vector.broadcast %broadcast_in_dim3A_1636 : vector<128x1x128xf32> to vector<128x8x128xf32>
    %eq3A_1776 = arith.cmpf oeq, %get3A_1774, %eq3A_1775 : vector<128x8x128xf32>
    %mul3A_1777 = arith.constant 128 : i32
    %mul3A_1778 = vector.broadcast %mul3A_1777 : i32 to vector<128x8x128xi32>
    %mul3A_1779 = arith.muli %iota3A_64, %mul3A_1778 : vector<128x8x128xi32>
    %add3A_1780 = arith.constant 56 : i32
    %add3A_1781 = vector.broadcast %add3A_1780 : i32 to vector<128x8x128xi32>
    %add3A_1782 = arith.addi %mul3A_1779, %add3A_1781 : vector<128x8x128xi32>
    %add3A_1783 = arith.addi %add3A_1782, %iota3A : vector<128x8x128xi32>
    %jit3A_1784 = arith.constant 16384 : i32
    %broadcast_in_dim3A_1785 = vector.broadcast %jit3A_1784 : i32 to vector<128x8x128xi32>
    %select_n3A_1786 = arith.select %eq3A_1776, %add3A_1783, %broadcast_in_dim3A_1785 : vector<128x8x128xi1>, vector<128x8x128xi32>
    %min3A_1787 = arith.minsi %min3A_1768, %select_n3A_1786 : vector<128x8x128xi32>
    %get3A_1788 = arith.constant 0 : index
    %get3A_1789 = arith.constant 8 : index
    %get3A_1790 = arith.constant 0 : index
    %get3A_1791 = arith.constant 0 : index
    %get3A_1792 = vector.load %arg5[%get3A_1788, %get3A_1789, %get3A_1790, %get3A_1791] : memref<128x16x8x128xf32, #tpu.memory_space<vmem>>, vector<128x1x8x128xf32>
    %get3A_1793 = vector.shape_cast %get3A_1792 : vector<128x1x8x128xf32> to vector<128x8x128xf32>
    %eq3A_1794 = vector.broadcast %broadcast_in_dim3A_1636 : vector<128x1x128xf32> to vector<128x8x128xf32>
    %eq3A_1795 = arith.cmpf oeq, %get3A_1793, %eq3A_1794 : vector<128x8x128xf32>
    %mul3A_1796 = arith.constant 128 : i32
    %mul3A_1797 = vector.broadcast %mul3A_1796 : i32 to vector<128x8x128xi32>
    %mul3A_1798 = arith.muli %iota3A_64, %mul3A_1797 : vector<128x8x128xi32>
    %add3A_1799 = arith.constant 64 : i32
    %add3A_1800 = vector.broadcast %add3A_1799 : i32 to vector<128x8x128xi32>
    %add3A_1801 = arith.addi %mul3A_1798, %add3A_1800 : vector<128x8x128xi32>
    %add3A_1802 = arith.addi %add3A_1801, %iota3A : vector<128x8x128xi32>
    %jit3A_1803 = arith.constant 16384 : i32
    %broadcast_in_dim3A_1804 = vector.broadcast %jit3A_1803 : i32 to vector<128x8x128xi32>
    %select_n3A_1805 = arith.select %eq3A_1795, %add3A_1802, %broadcast_in_dim3A_1804 : vector<128x8x128xi1>, vector<128x8x128xi32>
    %min3A_1806 = arith.minsi %min3A_1787, %select_n3A_1805 : vector<128x8x128xi32>
    %get3A_1807 = arith.constant 0 : index
    %get3A_1808 = arith.constant 9 : index
    %get3A_1809 = arith.constant 0 : index
    %get3A_1810 = arith.constant 0 : index
    %get3A_1811 = vector.load %arg5[%get3A_1807, %get3A_1808, %get3A_1809, %get3A_1810] : memref<128x16x8x128xf32, #tpu.memory_space<vmem>>, vector<128x1x8x128xf32>
    %get3A_1812 = vector.shape_cast %get3A_1811 : vector<128x1x8x128xf32> to vector<128x8x128xf32>
    %eq3A_1813 = vector.broadcast %broadcast_in_dim3A_1636 : vector<128x1x128xf32> to vector<128x8x128xf32>
    %eq3A_1814 = arith.cmpf oeq, %get3A_1812, %eq3A_1813 : vector<128x8x128xf32>
    %mul3A_1815 = arith.constant 128 : i32
    %mul3A_1816 = vector.broadcast %mul3A_1815 : i32 to vector<128x8x128xi32>
    %mul3A_1817 = arith.muli %iota3A_64, %mul3A_1816 : vector<128x8x128xi32>
    %add3A_1818 = arith.constant 72 : i32
    %add3A_1819 = vector.broadcast %add3A_1818 : i32 to vector<128x8x128xi32>
    %add3A_1820 = arith.addi %mul3A_1817, %add3A_1819 : vector<128x8x128xi32>
    %add3A_1821 = arith.addi %add3A_1820, %iota3A : vector<128x8x128xi32>
    %jit3A_1822 = arith.constant 16384 : i32
    %broadcast_in_dim3A_1823 = vector.broadcast %jit3A_1822 : i32 to vector<128x8x128xi32>
    %select_n3A_1824 = arith.select %eq3A_1814, %add3A_1821, %broadcast_in_dim3A_1823 : vector<128x8x128xi1>, vector<128x8x128xi32>
    %min3A_1825 = arith.minsi %min3A_1806, %select_n3A_1824 : vector<128x8x128xi32>
    %get3A_1826 = arith.constant 0 : index
    %get3A_1827 = arith.constant 10 : index
    %get3A_1828 = arith.constant 0 : index
    %get3A_1829 = arith.constant 0 : index
    %get3A_1830 = vector.load %arg5[%get3A_1826, %get3A_1827, %get3A_1828, %get3A_1829] : memref<128x16x8x128xf32, #tpu.memory_space<vmem>>, vector<128x1x8x128xf32>
    %get3A_1831 = vector.shape_cast %get3A_1830 : vector<128x1x8x128xf32> to vector<128x8x128xf32>
    %eq3A_1832 = vector.broadcast %broadcast_in_dim3A_1636 : vector<128x1x128xf32> to vector<128x8x128xf32>
    %eq3A_1833 = arith.cmpf oeq, %get3A_1831, %eq3A_1832 : vector<128x8x128xf32>
    %mul3A_1834 = arith.constant 128 : i32
    %mul3A_1835 = vector.broadcast %mul3A_1834 : i32 to vector<128x8x128xi32>
    %mul3A_1836 = arith.muli %iota3A_64, %mul3A_1835 : vector<128x8x128xi32>
    %add3A_1837 = arith.constant 80 : i32
    %add3A_1838 = vector.broadcast %add3A_1837 : i32 to vector<128x8x128xi32>
    %add3A_1839 = arith.addi %mul3A_1836, %add3A_1838 : vector<128x8x128xi32>
    %add3A_1840 = arith.addi %add3A_1839, %iota3A : vector<128x8x128xi32>
    %jit3A_1841 = arith.constant 16384 : i32
    %broadcast_in_dim3A_1842 = vector.broadcast %jit3A_1841 : i32 to vector<128x8x128xi32>
    %select_n3A_1843 = arith.select %eq3A_1833, %add3A_1840, %broadcast_in_dim3A_1842 : vector<128x8x128xi1>, vector<128x8x128xi32>
    %min3A_1844 = arith.minsi %min3A_1825, %select_n3A_1843 : vector<128x8x128xi32>
    %get3A_1845 = arith.constant 0 : index
    %get3A_1846 = arith.constant 11 : index
    %get3A_1847 = arith.constant 0 : index
    %get3A_1848 = arith.constant 0 : index
    %get3A_1849 = vector.load %arg5[%get3A_1845, %get3A_1846, %get3A_1847, %get3A_1848] : memref<128x16x8x128xf32, #tpu.memory_space<vmem>>, vector<128x1x8x128xf32>
    %get3A_1850 = vector.shape_cast %get3A_1849 : vector<128x1x8x128xf32> to vector<128x8x128xf32>
    %eq3A_1851 = vector.broadcast %broadcast_in_dim3A_1636 : vector<128x1x128xf32> to vector<128x8x128xf32>
    %eq3A_1852 = arith.cmpf oeq, %get3A_1850, %eq3A_1851 : vector<128x8x128xf32>
    %mul3A_1853 = arith.constant 128 : i32
    %mul3A_1854 = vector.broadcast %mul3A_1853 : i32 to vector<128x8x128xi32>
    %mul3A_1855 = arith.muli %iota3A_64, %mul3A_1854 : vector<128x8x128xi32>
    %add3A_1856 = arith.constant 88 : i32
    %add3A_1857 = vector.broadcast %add3A_1856 : i32 to vector<128x8x128xi32>
    %add3A_1858 = arith.addi %mul3A_1855, %add3A_1857 : vector<128x8x128xi32>
    %add3A_1859 = arith.addi %add3A_1858, %iota3A : vector<128x8x128xi32>
    %jit3A_1860 = arith.constant 16384 : i32
    %broadcast_in_dim3A_1861 = vector.broadcast %jit3A_1860 : i32 to vector<128x8x128xi32>
    %select_n3A_1862 = arith.select %eq3A_1852, %add3A_1859, %broadcast_in_dim3A_1861 : vector<128x8x128xi1>, vector<128x8x128xi32>
    %min3A_1863 = arith.minsi %min3A_1844, %select_n3A_1862 : vector<128x8x128xi32>
    %get3A_1864 = arith.constant 0 : index
    %get3A_1865 = arith.constant 12 : index
    %get3A_1866 = arith.constant 0 : index
    %get3A_1867 = arith.constant 0 : index
    %get3A_1868 = vector.load %arg5[%get3A_1864, %get3A_1865, %get3A_1866, %get3A_1867] : memref<128x16x8x128xf32, #tpu.memory_space<vmem>>, vector<128x1x8x128xf32>
    %get3A_1869 = vector.shape_cast %get3A_1868 : vector<128x1x8x128xf32> to vector<128x8x128xf32>
    %eq3A_1870 = vector.broadcast %broadcast_in_dim3A_1636 : vector<128x1x128xf32> to vector<128x8x128xf32>
    %eq3A_1871 = arith.cmpf oeq, %get3A_1869, %eq3A_1870 : vector<128x8x128xf32>
    %mul3A_1872 = arith.constant 128 : i32
    %mul3A_1873 = vector.broadcast %mul3A_1872 : i32 to vector<128x8x128xi32>
    %mul3A_1874 = arith.muli %iota3A_64, %mul3A_1873 : vector<128x8x128xi32>
    %add3A_1875 = arith.constant 96 : i32
    %add3A_1876 = vector.broadcast %add3A_1875 : i32 to vector<128x8x128xi32>
    %add3A_1877 = arith.addi %mul3A_1874, %add3A_1876 : vector<128x8x128xi32>
    %add3A_1878 = arith.addi %add3A_1877, %iota3A : vector<128x8x128xi32>
    %jit3A_1879 = arith.constant 16384 : i32
    %broadcast_in_dim3A_1880 = vector.broadcast %jit3A_1879 : i32 to vector<128x8x128xi32>
    %select_n3A_1881 = arith.select %eq3A_1871, %add3A_1878, %broadcast_in_dim3A_1880 : vector<128x8x128xi1>, vector<128x8x128xi32>
    %min3A_1882 = arith.minsi %min3A_1863, %select_n3A_1881 : vector<128x8x128xi32>
    %get3A_1883 = arith.constant 0 : index
    %get3A_1884 = arith.constant 13 : index
    %get3A_1885 = arith.constant 0 : index
    %get3A_1886 = arith.constant 0 : index
    %get3A_1887 = vector.load %arg5[%get3A_1883, %get3A_1884, %get3A_1885, %get3A_1886] : memref<128x16x8x128xf32, #tpu.memory_space<vmem>>, vector<128x1x8x128xf32>
    %get3A_1888 = vector.shape_cast %get3A_1887 : vector<128x1x8x128xf32> to vector<128x8x128xf32>
    %eq3A_1889 = vector.broadcast %broadcast_in_dim3A_1636 : vector<128x1x128xf32> to vector<128x8x128xf32>
    %eq3A_1890 = arith.cmpf oeq, %get3A_1888, %eq3A_1889 : vector<128x8x128xf32>
    %mul3A_1891 = arith.constant 128 : i32
    %mul3A_1892 = vector.broadcast %mul3A_1891 : i32 to vector<128x8x128xi32>
    %mul3A_1893 = arith.muli %iota3A_64, %mul3A_1892 : vector<128x8x128xi32>
    %add3A_1894 = arith.constant 104 : i32
    %add3A_1895 = vector.broadcast %add3A_1894 : i32 to vector<128x8x128xi32>
    %add3A_1896 = arith.addi %mul3A_1893, %add3A_1895 : vector<128x8x128xi32>
    %add3A_1897 = arith.addi %add3A_1896, %iota3A : vector<128x8x128xi32>
    %jit3A_1898 = arith.constant 16384 : i32
    %broadcast_in_dim3A_1899 = vector.broadcast %jit3A_1898 : i32 to vector<128x8x128xi32>
    %select_n3A_1900 = arith.select %eq3A_1890, %add3A_1897, %broadcast_in_dim3A_1899 : vector<128x8x128xi1>, vector<128x8x128xi32>
    %min3A_1901 = arith.minsi %min3A_1882, %select_n3A_1900 : vector<128x8x128xi32>
    %get3A_1902 = arith.constant 0 : index
    %get3A_1903 = arith.constant 14 : index
    %get3A_1904 = arith.constant 0 : index
    %get3A_1905 = arith.constant 0 : index
    %get3A_1906 = vector.load %arg5[%get3A_1902, %get3A_1903, %get3A_1904, %get3A_1905] : memref<128x16x8x128xf32, #tpu.memory_space<vmem>>, vector<128x1x8x128xf32>
    %get3A_1907 = vector.shape_cast %get3A_1906 : vector<128x1x8x128xf32> to vector<128x8x128xf32>
    %eq3A_1908 = vector.broadcast %broadcast_in_dim3A_1636 : vector<128x1x128xf32> to vector<128x8x128xf32>
    %eq3A_1909 = arith.cmpf oeq, %get3A_1907, %eq3A_1908 : vector<128x8x128xf32>
    %mul3A_1910 = arith.constant 128 : i32
    %mul3A_1911 = vector.broadcast %mul3A_1910 : i32 to vector<128x8x128xi32>
    %mul3A_1912 = arith.muli %iota3A_64, %mul3A_1911 : vector<128x8x128xi32>
    %add3A_1913 = arith.constant 112 : i32
    %add3A_1914 = vector.broadcast %add3A_1913 : i32 to vector<128x8x128xi32>
    %add3A_1915 = arith.addi %mul3A_1912, %add3A_1914 : vector<128x8x128xi32>
    %add3A_1916 = arith.addi %add3A_1915, %iota3A : vector<128x8x128xi32>
    %jit3A_1917 = arith.constant 16384 : i32
    %broadcast_in_dim3A_1918 = vector.broadcast %jit3A_1917 : i32 to vector<128x8x128xi32>
    %select_n3A_1919 = arith.select %eq3A_1909, %add3A_1916, %broadcast_in_dim3A_1918 : vector<128x8x128xi1>, vector<128x8x128xi32>
    %min3A_1920 = arith.minsi %min3A_1901, %select_n3A_1919 : vector<128x8x128xi32>
    %get3A_1921 = arith.constant 0 : index
    %get3A_1922 = arith.constant 15 : index
    %get3A_1923 = arith.constant 0 : index
    %get3A_1924 = arith.constant 0 : index
    %get3A_1925 = vector.load %arg5[%get3A_1921, %get3A_1922, %get3A_1923, %get3A_1924] : memref<128x16x8x128xf32, #tpu.memory_space<vmem>>, vector<128x1x8x128xf32>
    %get3A_1926 = vector.shape_cast %get3A_1925 : vector<128x1x8x128xf32> to vector<128x8x128xf32>
    %eq3A_1927 = vector.broadcast %broadcast_in_dim3A_1636 : vector<128x1x128xf32> to vector<128x8x128xf32>
    %eq3A_1928 = arith.cmpf oeq, %get3A_1926, %eq3A_1927 : vector<128x8x128xf32>
    %mul3A_1929 = arith.constant 128 : i32
    %mul3A_1930 = vector.broadcast %mul3A_1929 : i32 to vector<128x8x128xi32>
    %mul3A_1931 = arith.muli %iota3A_64, %mul3A_1930 : vector<128x8x128xi32>
    %add3A_1932 = arith.constant 120 : i32
    %add3A_1933 = vector.broadcast %add3A_1932 : i32 to vector<128x8x128xi32>
    %add3A_1934 = arith.addi %mul3A_1931, %add3A_1933 : vector<128x8x128xi32>
    %add3A_1935 = arith.addi %add3A_1934, %iota3A : vector<128x8x128xi32>
    %jit3A_1936 = arith.constant 16384 : i32
    %broadcast_in_dim3A_1937 = vector.broadcast %jit3A_1936 : i32 to vector<128x8x128xi32>
    %select_n3A_1938 = arith.select %eq3A_1928, %add3A_1935, %broadcast_in_dim3A_1937 : vector<128x8x128xi1>, vector<128x8x128xi32>
    %min3A_1939 = arith.minsi %min3A_1920, %select_n3A_1938 : vector<128x8x128xi32>
    %reduce_min3A_1940 = arith.constant dense<2147483647> : vector<128x128xi32>
    %reduce_min3A_1941 = vector.multi_reduction <minsi>, %min3A_1939, %reduce_min3A_1940 [1] : vector<128x8x128xi32> to vector<128x128xi32>
    %broadcast_in_dim3A_1942 = vector.shape_cast %reduce_min3A_1941 : vector<128x128xi32> to vector<128x1x128xi32>
    %squeeze3A_1943 = vector.shape_cast %broadcast_in_dim3A_1636 : vector<128x1x128xf32> to vector<128x128xf32>
    %swap3A_1944 = arith.constant 0 : index
    %swap3A_1945 = arith.constant 256 : index
    %swap3A_1946 = vector.load %arg6[%swap3A_1944, %swap3A_1945] : memref<128x768xf32, #tpu.memory_space<vmem>>, vector<128x128xf32>
    tpu.vector_store %arg6[%swap3A_1944, %swap3A_1945], %squeeze3A_1943 {strides = array<i32>} : memref<128x768xf32, #tpu.memory_space<vmem>>, vector<128x128xf32>,
    %squeeze3A_1947 = vector.shape_cast %broadcast_in_dim3A_1942 : vector<128x1x128xi32> to vector<128x128xi32>
    %swap3A_1948 = arith.constant 0 : index
    %swap3A_1949 = arith.constant 256 : index
    %swap3A_1950 = vector.load %arg7[%swap3A_1948, %swap3A_1949] : memref<128x768xi32, #tpu.memory_space<vmem>>, vector<128x128xi32>
    tpu.vector_store %arg7[%swap3A_1948, %swap3A_1949], %squeeze3A_1947 {strides = array<i32>} : memref<128x768xi32, #tpu.memory_space<vmem>>, vector<128x128xi32>,
    %mul3A_1951 = arith.constant 128 : i32
    %mul3A_1952 = vector.broadcast %mul3A_1951 : i32 to vector<128x8x128xi32>
    %mul3A_1953 = arith.muli %iota3A_64, %mul3A_1952 : vector<128x8x128xi32>
    %add3A_1954 = arith.constant 0 : i32
    %add3A_1955 = vector.broadcast %add3A_1954 : i32 to vector<128x8x128xi32>
    %add3A_1956 = arith.addi %mul3A_1953, %add3A_1955 : vector<128x8x128xi32>
    %add3A_1957 = arith.addi %add3A_1956, %iota3A : vector<128x8x128xi32>
    %eq3A_1958 = vector.broadcast %broadcast_in_dim3A_1942 : vector<128x1x128xi32> to vector<128x8x128xi32>
    %eq3A_1959 = arith.cmpi eq, %add3A_1957, %eq3A_1958 : vector<128x8x128xi32>
    %get3A_1960 = arith.constant 0 : index
    %get3A_1961 = arith.constant 0 : index
    %get3A_1962 = arith.constant 0 : index
    %get3A_1963 = arith.constant 0 : index
    %get3A_1964 = vector.load %arg5[%get3A_1960, %get3A_1961, %get3A_1962, %get3A_1963] : memref<128x16x8x128xf32, #tpu.memory_space<vmem>>, vector<128x1x8x128xf32>
    %get3A_1965 = vector.shape_cast %get3A_1964 : vector<128x1x8x128xf32> to vector<128x8x128xf32>
    %jit3A_1966 = arith.constant 1.000000e+10 : f32
    %broadcast_in_dim3A_1967 = vector.broadcast %jit3A_1966 : f32 to vector<128x8x128xf32>
    %select_n3A_1968 = arith.select %eq3A_1959, %broadcast_in_dim3A_1967, %get3A_1965 : vector<128x8x128xi1>, vector<128x8x128xf32>
    %swap3A_1969 = arith.constant 0 : index
    %swap3A_1970 = arith.constant 0 : index
    %swap3A_1971 = arith.constant 0 : index
    %swap3A_1972 = arith.constant 0 : index
    %swap3A_1973 = vector.load %arg5[%swap3A_1969, %swap3A_1970, %swap3A_1971, %swap3A_1972] : memref<128x16x8x128xf32, #tpu.memory_space<vmem>>, vector<128x1x8x128xf32>
    %swap3A_1974 = vector.shape_cast %swap3A_1973 : vector<128x1x8x128xf32> to vector<128x8x128xf32>
    %swap3A_1975 = vector.shape_cast %select_n3A_1968 : vector<128x8x128xf32> to vector<128x1x8x128xf32>
    tpu.vector_store %arg5[%swap3A_1969, %swap3A_1970, %swap3A_1971, %swap3A_1972], %swap3A_1975 {strides = array<i32>} : memref<128x16x8x128xf32, #tpu.memory_space<vmem>>, vector<128x1x8x128xf32>,
    %mul3A_1976 = arith.constant 128 : i32
    %mul3A_1977 = vector.broadcast %mul3A_1976 : i32 to vector<128x8x128xi32>
    %mul3A_1978 = arith.muli %iota3A_64, %mul3A_1977 : vector<128x8x128xi32>
    %add3A_1979 = arith.constant 8 : i32
    %add3A_1980 = vector.broadcast %add3A_1979 : i32 to vector<128x8x128xi32>
    %add3A_1981 = arith.addi %mul3A_1978, %add3A_1980 : vector<128x8x128xi32>
    %add3A_1982 = arith.addi %add3A_1981, %iota3A : vector<128x8x128xi32>
    %eq3A_1983 = vector.broadcast %broadcast_in_dim3A_1942 : vector<128x1x128xi32> to vector<128x8x128xi32>
    %eq3A_1984 = arith.cmpi eq, %add3A_1982, %eq3A_1983 : vector<128x8x128xi32>
    %get3A_1985 = arith.constant 0 : index
    %get3A_1986 = arith.constant 1 : index
    %get3A_1987 = arith.constant 0 : index
    %get3A_1988 = arith.constant 0 : index
    %get3A_1989 = vector.load %arg5[%get3A_1985, %get3A_1986, %get3A_1987, %get3A_1988] : memref<128x16x8x128xf32, #tpu.memory_space<vmem>>, vector<128x1x8x128xf32>
    %get3A_1990 = vector.shape_cast %get3A_1989 : vector<128x1x8x128xf32> to vector<128x8x128xf32>
    %jit3A_1991 = arith.constant 1.000000e+10 : f32
    %broadcast_in_dim3A_1992 = vector.broadcast %jit3A_1991 : f32 to vector<128x8x128xf32>
    %select_n3A_1993 = arith.select %eq3A_1984, %broadcast_in_dim3A_1992, %get3A_1990 : vector<128x8x128xi1>, vector<128x8x128xf32>
    %swap3A_1994 = arith.constant 0 : index
    %swap3A_1995 = arith.constant 1 : index
    %swap3A_1996 = arith.constant 0 : index
    %swap3A_1997 = arith.constant 0 : index
    %swap3A_1998 = vector.load %arg5[%swap3A_1994, %swap3A_1995, %swap3A_1996, %swap3A_1997] : memref<128x16x8x128xf32, #tpu.memory_space<vmem>>, vector<128x1x8x128xf32>
    %swap3A_1999 = vector.shape_cast %swap3A_1998 : vector<128x1x8x128xf32> to vector<128x8x128xf32>
    %swap3A_2000 = vector.shape_cast %select_n3A_1993 : vector<128x8x128xf32> to vector<128x1x8x128xf32>
    tpu.vector_store %arg5[%swap3A_1994, %swap3A_1995, %swap3A_1996, %swap3A_1997], %swap3A_2000 {strides = array<i32>} : memref<128x16x8x128xf32, #tpu.memory_space<vmem>>, vector<128x1x8x128xf32>,
    %min3A_2001 = arith.minimumf %select_n3A_1968, %select_n3A_1993 : vector<128x8x128xf32>
    %mul3A_2002 = arith.constant 128 : i32
    %mul3A_2003 = vector.broadcast %mul3A_2002 : i32 to vector<128x8x128xi32>
    %mul3A_2004 = arith.muli %iota3A_64, %mul3A_2003 : vector<128x8x128xi32>
    %add3A_2005 = arith.constant 16 : i32
    %add3A_2006 = vector.broadcast %add3A_2005 : i32 to vector<128x8x128xi32>
    %add3A_2007 = arith.addi %mul3A_2004, %add3A_2006 : vector<128x8x128xi32>
    %add3A_2008 = arith.addi %add3A_2007, %iota3A : vector<128x8x128xi32>
    %eq3A_2009 = vector.broadcast %broadcast_in_dim3A_1942 : vector<128x1x128xi32> to vector<128x8x128xi32>
    %eq3A_2010 = arith.cmpi eq, %add3A_2008, %eq3A_2009 : vector<128x8x128xi32>
    %get3A_2011 = arith.constant 0 : index
    %get3A_2012 = arith.constant 2 : index
    %get3A_2013 = arith.constant 0 : index
    %get3A_2014 = arith.constant 0 : index
    %get3A_2015 = vector.load %arg5[%get3A_2011, %get3A_2012, %get3A_2013, %get3A_2014] : memref<128x16x8x128xf32, #tpu.memory_space<vmem>>, vector<128x1x8x128xf32>
    %get3A_2016 = vector.shape_cast %get3A_2015 : vector<128x1x8x128xf32> to vector<128x8x128xf32>
    %jit3A_2017 = arith.constant 1.000000e+10 : f32
    %broadcast_in_dim3A_2018 = vector.broadcast %jit3A_2017 : f32 to vector<128x8x128xf32>
    %select_n3A_2019 = arith.select %eq3A_2010, %broadcast_in_dim3A_2018, %get3A_2016 : vector<128x8x128xi1>, vector<128x8x128xf32>
    %swap3A_2020 = arith.constant 0 : index
    %swap3A_2021 = arith.constant 2 : index
    %swap3A_2022 = arith.constant 0 : index
    %swap3A_2023 = arith.constant 0 : index
    %swap3A_2024 = vector.load %arg5[%swap3A_2020, %swap3A_2021, %swap3A_2022, %swap3A_2023] : memref<128x16x8x128xf32, #tpu.memory_space<vmem>>, vector<128x1x8x128xf32>
    %swap3A_2025 = vector.shape_cast %swap3A_2024 : vector<128x1x8x128xf32> to vector<128x8x128xf32>
    %swap3A_2026 = vector.shape_cast %select_n3A_2019 : vector<128x8x128xf32> to vector<128x1x8x128xf32>
    tpu.vector_store %arg5[%swap3A_2020, %swap3A_2021, %swap3A_2022, %swap3A_2023], %swap3A_2026 {strides = array<i32>} : memref<128x16x8x128xf32, #tpu.memory_space<vmem>>, vector<128x1x8x128xf32>,
    %min3A_2027 = arith.minimumf %min3A_2001, %select_n3A_2019 : vector<128x8x128xf32>
    %mul3A_2028 = arith.constant 128 : i32
    %mul3A_2029 = vector.broadcast %mul3A_2028 : i32 to vector<128x8x128xi32>
    %mul3A_2030 = arith.muli %iota3A_64, %mul3A_2029 : vector<128x8x128xi32>
    %add3A_2031 = arith.constant 24 : i32
    %add3A_2032 = vector.broadcast %add3A_2031 : i32 to vector<128x8x128xi32>
    %add3A_2033 = arith.addi %mul3A_2030, %add3A_2032 : vector<128x8x128xi32>
    %add3A_2034 = arith.addi %add3A_2033, %iota3A : vector<128x8x128xi32>
    %eq3A_2035 = vector.broadcast %broadcast_in_dim3A_1942 : vector<128x1x128xi32> to vector<128x8x128xi32>
    %eq3A_2036 = arith.cmpi eq, %add3A_2034, %eq3A_2035 : vector<128x8x128xi32>
    %get3A_2037 = arith.constant 0 : index
    %get3A_2038 = arith.constant 3 : index
    %get3A_2039 = arith.constant 0 : index
    %get3A_2040 = arith.constant 0 : index
    %get3A_2041 = vector.load %arg5[%get3A_2037, %get3A_2038, %get3A_2039, %get3A_2040] : memref<128x16x8x128xf32, #tpu.memory_space<vmem>>, vector<128x1x8x128xf32>
    %get3A_2042 = vector.shape_cast %get3A_2041 : vector<128x1x8x128xf32> to vector<128x8x128xf32>
    %jit3A_2043 = arith.constant 1.000000e+10 : f32
    %broadcast_in_dim3A_2044 = vector.broadcast %jit3A_2043 : f32 to vector<128x8x128xf32>
    %select_n3A_2045 = arith.select %eq3A_2036, %broadcast_in_dim3A_2044, %get3A_2042 : vector<128x8x128xi1>, vector<128x8x128xf32>
    %swap3A_2046 = arith.constant 0 : index
    %swap3A_2047 = arith.constant 3 : index
    %swap3A_2048 = arith.constant 0 : index
    %swap3A_2049 = arith.constant 0 : index
    %swap3A_2050 = vector.load %arg5[%swap3A_2046, %swap3A_2047, %swap3A_2048, %swap3A_2049] : memref<128x16x8x128xf32, #tpu.memory_space<vmem>>, vector<128x1x8x128xf32>
    %swap3A_2051 = vector.shape_cast %swap3A_2050 : vector<128x1x8x128xf32> to vector<128x8x128xf32>
    %swap3A_2052 = vector.shape_cast %select_n3A_2045 : vector<128x8x128xf32> to vector<128x1x8x128xf32>
    tpu.vector_store %arg5[%swap3A_2046, %swap3A_2047, %swap3A_2048, %swap3A_2049], %swap3A_2052 {strides = array<i32>} : memref<128x16x8x128xf32, #tpu.memory_space<vmem>>, vector<128x1x8x128xf32>,
    %min3A_2053 = arith.minimumf %min3A_2027, %select_n3A_2045 : vector<128x8x128xf32>
    %mul3A_2054 = arith.constant 128 : i32
    %mul3A_2055 = vector.broadcast %mul3A_2054 : i32 to vector<128x8x128xi32>
    %mul3A_2056 = arith.muli %iota3A_64, %mul3A_2055 : vector<128x8x128xi32>
    %add3A_2057 = arith.constant 32 : i32
    %add3A_2058 = vector.broadcast %add3A_2057 : i32 to vector<128x8x128xi32>
    %add3A_2059 = arith.addi %mul3A_2056, %add3A_2058 : vector<128x8x128xi32>
    %add3A_2060 = arith.addi %add3A_2059, %iota3A : vector<128x8x128xi32>
    %eq3A_2061 = vector.broadcast %broadcast_in_dim3A_1942 : vector<128x1x128xi32> to vector<128x8x128xi32>
    %eq3A_2062 = arith.cmpi eq, %add3A_2060, %eq3A_2061 : vector<128x8x128xi32>
    %get3A_2063 = arith.constant 0 : index
    %get3A_2064 = arith.constant 4 : index
    %get3A_2065 = arith.constant 0 : index
    %get3A_2066 = arith.constant 0 : index
    %get3A_2067 = vector.load %arg5[%get3A_2063, %get3A_2064, %get3A_2065, %get3A_2066] : memref<128x16x8x128xf32, #tpu.memory_space<vmem>>, vector<128x1x8x128xf32>
    %get3A_2068 = vector.shape_cast %get3A_2067 : vector<128x1x8x128xf32> to vector<128x8x128xf32>
    %jit3A_2069 = arith.constant 1.000000e+10 : f32
    %broadcast_in_dim3A_2070 = vector.broadcast %jit3A_2069 : f32 to vector<128x8x128xf32>
    %select_n3A_2071 = arith.select %eq3A_2062, %broadcast_in_dim3A_2070, %get3A_2068 : vector<128x8x128xi1>, vector<128x8x128xf32>
    %swap3A_2072 = arith.constant 0 : index
    %swap3A_2073 = arith.constant 4 : index
    %swap3A_2074 = arith.constant 0 : index
    %swap3A_2075 = arith.constant 0 : index
    %swap3A_2076 = vector.load %arg5[%swap3A_2072, %swap3A_2073, %swap3A_2074, %swap3A_2075] : memref<128x16x8x128xf32, #tpu.memory_space<vmem>>, vector<128x1x8x128xf32>
    %swap3A_2077 = vector.shape_cast %swap3A_2076 : vector<128x1x8x128xf32> to vector<128x8x128xf32>
    %swap3A_2078 = vector.shape_cast %select_n3A_2071 : vector<128x8x128xf32> to vector<128x1x8x128xf32>
    tpu.vector_store %arg5[%swap3A_2072, %swap3A_2073, %swap3A_2074, %swap3A_2075], %swap3A_2078 {strides = array<i32>} : memref<128x16x8x128xf32, #tpu.memory_space<vmem>>, vector<128x1x8x128xf32>,
    %min3A_2079 = arith.minimumf %min3A_2053, %select_n3A_2071 : vector<128x8x128xf32>
    %mul3A_2080 = arith.constant 128 : i32
    %mul3A_2081 = vector.broadcast %mul3A_2080 : i32 to vector<128x8x128xi32>
    %mul3A_2082 = arith.muli %iota3A_64, %mul3A_2081 : vector<128x8x128xi32>
    %add3A_2083 = arith.constant 40 : i32
    %add3A_2084 = vector.broadcast %add3A_2083 : i32 to vector<128x8x128xi32>
    %add3A_2085 = arith.addi %mul3A_2082, %add3A_2084 : vector<128x8x128xi32>
    %add3A_2086 = arith.addi %add3A_2085, %iota3A : vector<128x8x128xi32>
    %eq3A_2087 = vector.broadcast %broadcast_in_dim3A_1942 : vector<128x1x128xi32> to vector<128x8x128xi32>
    %eq3A_2088 = arith.cmpi eq, %add3A_2086, %eq3A_2087 : vector<128x8x128xi32>
    %get3A_2089 = arith.constant 0 : index
    %get3A_2090 = arith.constant 5 : index
    %get3A_2091 = arith.constant 0 : index
    %get3A_2092 = arith.constant 0 : index
    %get3A_2093 = vector.load %arg5[%get3A_2089, %get3A_2090, %get3A_2091, %get3A_2092] : memref<128x16x8x128xf32, #tpu.memory_space<vmem>>, vector<128x1x8x128xf32>
    %get3A_2094 = vector.shape_cast %get3A_2093 : vector<128x1x8x128xf32> to vector<128x8x128xf32>
    %jit3A_2095 = arith.constant 1.000000e+10 : f32
    %broadcast_in_dim3A_2096 = vector.broadcast %jit3A_2095 : f32 to vector<128x8x128xf32>
    %select_n3A_2097 = arith.select %eq3A_2088, %broadcast_in_dim3A_2096, %get3A_2094 : vector<128x8x128xi1>, vector<128x8x128xf32>
    %swap3A_2098 = arith.constant 0 : index
    %swap3A_2099 = arith.constant 5 : index
    %swap3A_2100 = arith.constant 0 : index
    %swap3A_2101 = arith.constant 0 : index
    %swap3A_2102 = vector.load %arg5[%swap3A_2098, %swap3A_2099, %swap3A_2100, %swap3A_2101] : memref<128x16x8x128xf32, #tpu.memory_space<vmem>>, vector<128x1x8x128xf32>
    %swap3A_2103 = vector.shape_cast %swap3A_2102 : vector<128x1x8x128xf32> to vector<128x8x128xf32>
    %swap3A_2104 = vector.shape_cast %select_n3A_2097 : vector<128x8x128xf32> to vector<128x1x8x128xf32>
    tpu.vector_store %arg5[%swap3A_2098, %swap3A_2099, %swap3A_2100, %swap3A_2101], %swap3A_2104 {strides = array<i32>} : memref<128x16x8x128xf32, #tpu.memory_space<vmem>>, vector<128x1x8x128xf32>,
    %min3A_2105 = arith.minimumf %min3A_2079, %select_n3A_2097 : vector<128x8x128xf32>
    %mul3A_2106 = arith.constant 128 : i32
    %mul3A_2107 = vector.broadcast %mul3A_2106 : i32 to vector<128x8x128xi32>
    %mul3A_2108 = arith.muli %iota3A_64, %mul3A_2107 : vector<128x8x128xi32>
    %add3A_2109 = arith.constant 48 : i32
    %add3A_2110 = vector.broadcast %add3A_2109 : i32 to vector<128x8x128xi32>
    %add3A_2111 = arith.addi %mul3A_2108, %add3A_2110 : vector<128x8x128xi32>
    %add3A_2112 = arith.addi %add3A_2111, %iota3A : vector<128x8x128xi32>
    %eq3A_2113 = vector.broadcast %broadcast_in_dim3A_1942 : vector<128x1x128xi32> to vector<128x8x128xi32>
    %eq3A_2114 = arith.cmpi eq, %add3A_2112, %eq3A_2113 : vector<128x8x128xi32>
    %get3A_2115 = arith.constant 0 : index
    %get3A_2116 = arith.constant 6 : index
    %get3A_2117 = arith.constant 0 : index
    %get3A_2118 = arith.constant 0 : index
    %get3A_2119 = vector.load %arg5[%get3A_2115, %get3A_2116, %get3A_2117, %get3A_2118] : memref<128x16x8x128xf32, #tpu.memory_space<vmem>>, vector<128x1x8x128xf32>
    %get3A_2120 = vector.shape_cast %get3A_2119 : vector<128x1x8x128xf32> to vector<128x8x128xf32>
    %jit3A_2121 = arith.constant 1.000000e+10 : f32
    %broadcast_in_dim3A_2122 = vector.broadcast %jit3A_2121 : f32 to vector<128x8x128xf32>
    %select_n3A_2123 = arith.select %eq3A_2114, %broadcast_in_dim3A_2122, %get3A_2120 : vector<128x8x128xi1>, vector<128x8x128xf32>
    %swap3A_2124 = arith.constant 0 : index
    %swap3A_2125 = arith.constant 6 : index
    %swap3A_2126 = arith.constant 0 : index
    %swap3A_2127 = arith.constant 0 : index
    %swap3A_2128 = vector.load %arg5[%swap3A_2124, %swap3A_2125, %swap3A_2126, %swap3A_2127] : memref<128x16x8x128xf32, #tpu.memory_space<vmem>>, vector<128x1x8x128xf32>
    %swap3A_2129 = vector.shape_cast %swap3A_2128 : vector<128x1x8x128xf32> to vector<128x8x128xf32>
    %swap3A_2130 = vector.shape_cast %select_n3A_2123 : vector<128x8x128xf32> to vector<128x1x8x128xf32>
    tpu.vector_store %arg5[%swap3A_2124, %swap3A_2125, %swap3A_2126, %swap3A_2127], %swap3A_2130 {strides = array<i32>} : memref<128x16x8x128xf32, #tpu.memory_space<vmem>>, vector<128x1x8x128xf32>,
    %min3A_2131 = arith.minimumf %min3A_2105, %select_n3A_2123 : vector<128x8x128xf32>
    %mul3A_2132 = arith.constant 128 : i32
    %mul3A_2133 = vector.broadcast %mul3A_2132 : i32 to vector<128x8x128xi32>
    %mul3A_2134 = arith.muli %iota3A_64, %mul3A_2133 : vector<128x8x128xi32>
    %add3A_2135 = arith.constant 56 : i32
    %add3A_2136 = vector.broadcast %add3A_2135 : i32 to vector<128x8x128xi32>
    %add3A_2137 = arith.addi %mul3A_2134, %add3A_2136 : vector<128x8x128xi32>
    %add3A_2138 = arith.addi %add3A_2137, %iota3A : vector<128x8x128xi32>
    %eq3A_2139 = vector.broadcast %broadcast_in_dim3A_1942 : vector<128x1x128xi32> to vector<128x8x128xi32>
    %eq3A_2140 = arith.cmpi eq, %add3A_2138, %eq3A_2139 : vector<128x8x128xi32>
    %get3A_2141 = arith.constant 0 : index
    %get3A_2142 = arith.constant 7 : index
    %get3A_2143 = arith.constant 0 : index
    %get3A_2144 = arith.constant 0 : index
    %get3A_2145 = vector.load %arg5[%get3A_2141, %get3A_2142, %get3A_2143, %get3A_2144] : memref<128x16x8x128xf32, #tpu.memory_space<vmem>>, vector<128x1x8x128xf32>
    %get3A_2146 = vector.shape_cast %get3A_2145 : vector<128x1x8x128xf32> to vector<128x8x128xf32>
    %jit3A_2147 = arith.constant 1.000000e+10 : f32
    %broadcast_in_dim3A_2148 = vector.broadcast %jit3A_2147 : f32 to vector<128x8x128xf32>
    %select_n3A_2149 = arith.select %eq3A_2140, %broadcast_in_dim3A_2148, %get3A_2146 : vector<128x8x128xi1>, vector<128x8x128xf32>
    %swap3A_2150 = arith.constant 0 : index
    %swap3A_2151 = arith.constant 7 : index
    %swap3A_2152 = arith.constant 0 : index
    %swap3A_2153 = arith.constant 0 : index
    %swap3A_2154 = vector.load %arg5[%swap3A_2150, %swap3A_2151, %swap3A_2152, %swap3A_2153] : memref<128x16x8x128xf32, #tpu.memory_space<vmem>>, vector<128x1x8x128xf32>
    %swap3A_2155 = vector.shape_cast %swap3A_2154 : vector<128x1x8x128xf32> to vector<128x8x128xf32>
    %swap3A_2156 = vector.shape_cast %select_n3A_2149 : vector<128x8x128xf32> to vector<128x1x8x128xf32>
    tpu.vector_store %arg5[%swap3A_2150, %swap3A_2151, %swap3A_2152, %swap3A_2153], %swap3A_2156 {strides = array<i32>} : memref<128x16x8x128xf32, #tpu.memory_space<vmem>>, vector<128x1x8x128xf32>,
    %min3A_2157 = arith.minimumf %min3A_2131, %select_n3A_2149 : vector<128x8x128xf32>
    %mul3A_2158 = arith.constant 128 : i32
    %mul3A_2159 = vector.broadcast %mul3A_2158 : i32 to vector<128x8x128xi32>
    %mul3A_2160 = arith.muli %iota3A_64, %mul3A_2159 : vector<128x8x128xi32>
    %add3A_2161 = arith.constant 64 : i32
    %add3A_2162 = vector.broadcast %add3A_2161 : i32 to vector<128x8x128xi32>
    %add3A_2163 = arith.addi %mul3A_2160, %add3A_2162 : vector<128x8x128xi32>
    %add3A_2164 = arith.addi %add3A_2163, %iota3A : vector<128x8x128xi32>
    %eq3A_2165 = vector.broadcast %broadcast_in_dim3A_1942 : vector<128x1x128xi32> to vector<128x8x128xi32>
    %eq3A_2166 = arith.cmpi eq, %add3A_2164, %eq3A_2165 : vector<128x8x128xi32>
    %get3A_2167 = arith.constant 0 : index
    %get3A_2168 = arith.constant 8 : index
    %get3A_2169 = arith.constant 0 : index
    %get3A_2170 = arith.constant 0 : index
    %get3A_2171 = vector.load %arg5[%get3A_2167, %get3A_2168, %get3A_2169, %get3A_2170] : memref<128x16x8x128xf32, #tpu.memory_space<vmem>>, vector<128x1x8x128xf32>
    %get3A_2172 = vector.shape_cast %get3A_2171 : vector<128x1x8x128xf32> to vector<128x8x128xf32>
    %jit3A_2173 = arith.constant 1.000000e+10 : f32
    %broadcast_in_dim3A_2174 = vector.broadcast %jit3A_2173 : f32 to vector<128x8x128xf32>
    %select_n3A_2175 = arith.select %eq3A_2166, %broadcast_in_dim3A_2174, %get3A_2172 : vector<128x8x128xi1>, vector<128x8x128xf32>
    %swap3A_2176 = arith.constant 0 : index
    %swap3A_2177 = arith.constant 8 : index
    %swap3A_2178 = arith.constant 0 : index
    %swap3A_2179 = arith.constant 0 : index
    %swap3A_2180 = vector.load %arg5[%swap3A_2176, %swap3A_2177, %swap3A_2178, %swap3A_2179] : memref<128x16x8x128xf32, #tpu.memory_space<vmem>>, vector<128x1x8x128xf32>
    %swap3A_2181 = vector.shape_cast %swap3A_2180 : vector<128x1x8x128xf32> to vector<128x8x128xf32>
    %swap3A_2182 = vector.shape_cast %select_n3A_2175 : vector<128x8x128xf32> to vector<128x1x8x128xf32>
    tpu.vector_store %arg5[%swap3A_2176, %swap3A_2177, %swap3A_2178, %swap3A_2179], %swap3A_2182 {strides = array<i32>} : memref<128x16x8x128xf32, #tpu.memory_space<vmem>>, vector<128x1x8x128xf32>,
    %min3A_2183 = arith.minimumf %min3A_2157, %select_n3A_2175 : vector<128x8x128xf32>
    %mul3A_2184 = arith.constant 128 : i32
    %mul3A_2185 = vector.broadcast %mul3A_2184 : i32 to vector<128x8x128xi32>
    %mul3A_2186 = arith.muli %iota3A_64, %mul3A_2185 : vector<128x8x128xi32>
    %add3A_2187 = arith.constant 72 : i32
    %add3A_2188 = vector.broadcast %add3A_2187 : i32 to vector<128x8x128xi32>
    %add3A_2189 = arith.addi %mul3A_2186, %add3A_2188 : vector<128x8x128xi32>
    %add3A_2190 = arith.addi %add3A_2189, %iota3A : vector<128x8x128xi32>
    %eq3A_2191 = vector.broadcast %broadcast_in_dim3A_1942 : vector<128x1x128xi32> to vector<128x8x128xi32>
    %eq3A_2192 = arith.cmpi eq, %add3A_2190, %eq3A_2191 : vector<128x8x128xi32>
    %get3A_2193 = arith.constant 0 : index
    %get3A_2194 = arith.constant 9 : index
    %get3A_2195 = arith.constant 0 : index
    %get3A_2196 = arith.constant 0 : index
    %get3A_2197 = vector.load %arg5[%get3A_2193, %get3A_2194, %get3A_2195, %get3A_2196] : memref<128x16x8x128xf32, #tpu.memory_space<vmem>>, vector<128x1x8x128xf32>
    %get3A_2198 = vector.shape_cast %get3A_2197 : vector<128x1x8x128xf32> to vector<128x8x128xf32>
    %jit3A_2199 = arith.constant 1.000000e+10 : f32
    %broadcast_in_dim3A_2200 = vector.broadcast %jit3A_2199 : f32 to vector<128x8x128xf32>
    %select_n3A_2201 = arith.select %eq3A_2192, %broadcast_in_dim3A_2200, %get3A_2198 : vector<128x8x128xi1>, vector<128x8x128xf32>
    %swap3A_2202 = arith.constant 0 : index
    %swap3A_2203 = arith.constant 9 : index
    %swap3A_2204 = arith.constant 0 : index
    %swap3A_2205 = arith.constant 0 : index
    %swap3A_2206 = vector.load %arg5[%swap3A_2202, %swap3A_2203, %swap3A_2204, %swap3A_2205] : memref<128x16x8x128xf32, #tpu.memory_space<vmem>>, vector<128x1x8x128xf32>
    %swap3A_2207 = vector.shape_cast %swap3A_2206 : vector<128x1x8x128xf32> to vector<128x8x128xf32>
    %swap3A_2208 = vector.shape_cast %select_n3A_2201 : vector<128x8x128xf32> to vector<128x1x8x128xf32>
    tpu.vector_store %arg5[%swap3A_2202, %swap3A_2203, %swap3A_2204, %swap3A_2205], %swap3A_2208 {strides = array<i32>} : memref<128x16x8x128xf32, #tpu.memory_space<vmem>>, vector<128x1x8x128xf32>,
    %min3A_2209 = arith.minimumf %min3A_2183, %select_n3A_2201 : vector<128x8x128xf32>
    %mul3A_2210 = arith.constant 128 : i32
    %mul3A_2211 = vector.broadcast %mul3A_2210 : i32 to vector<128x8x128xi32>
    %mul3A_2212 = arith.muli %iota3A_64, %mul3A_2211 : vector<128x8x128xi32>
    %add3A_2213 = arith.constant 80 : i32
    %add3A_2214 = vector.broadcast %add3A_2213 : i32 to vector<128x8x128xi32>
    %add3A_2215 = arith.addi %mul3A_2212, %add3A_2214 : vector<128x8x128xi32>
    %add3A_2216 = arith.addi %add3A_2215, %iota3A : vector<128x8x128xi32>
    %eq3A_2217 = vector.broadcast %broadcast_in_dim3A_1942 : vector<128x1x128xi32> to vector<128x8x128xi32>
    %eq3A_2218 = arith.cmpi eq, %add3A_2216, %eq3A_2217 : vector<128x8x128xi32>
    %get3A_2219 = arith.constant 0 : index
    %get3A_2220 = arith.constant 10 : index
    %get3A_2221 = arith.constant 0 : index
    %get3A_2222 = arith.constant 0 : index
    %get3A_2223 = vector.load %arg5[%get3A_2219, %get3A_2220, %get3A_2221, %get3A_2222] : memref<128x16x8x128xf32, #tpu.memory_space<vmem>>, vector<128x1x8x128xf32>
    %get3A_2224 = vector.shape_cast %get3A_2223 : vector<128x1x8x128xf32> to vector<128x8x128xf32>
    %jit3A_2225 = arith.constant 1.000000e+10 : f32
    %broadcast_in_dim3A_2226 = vector.broadcast %jit3A_2225 : f32 to vector<128x8x128xf32>
    %select_n3A_2227 = arith.select %eq3A_2218, %broadcast_in_dim3A_2226, %get3A_2224 : vector<128x8x128xi1>, vector<128x8x128xf32>
    %swap3A_2228 = arith.constant 0 : index
    %swap3A_2229 = arith.constant 10 : index
    %swap3A_2230 = arith.constant 0 : index
    %swap3A_2231 = arith.constant 0 : index
    %swap3A_2232 = vector.load %arg5[%swap3A_2228, %swap3A_2229, %swap3A_2230, %swap3A_2231] : memref<128x16x8x128xf32, #tpu.memory_space<vmem>>, vector<128x1x8x128xf32>
    %swap3A_2233 = vector.shape_cast %swap3A_2232 : vector<128x1x8x128xf32> to vector<128x8x128xf32>
    %swap3A_2234 = vector.shape_cast %select_n3A_2227 : vector<128x8x128xf32> to vector<128x1x8x128xf32>
    tpu.vector_store %arg5[%swap3A_2228, %swap3A_2229, %swap3A_2230, %swap3A_2231], %swap3A_2234 {strides = array<i32>} : memref<128x16x8x128xf32, #tpu.memory_space<vmem>>, vector<128x1x8x128xf32>,
    %min3A_2235 = arith.minimumf %min3A_2209, %select_n3A_2227 : vector<128x8x128xf32>
    %mul3A_2236 = arith.constant 128 : i32
    %mul3A_2237 = vector.broadcast %mul3A_2236 : i32 to vector<128x8x128xi32>
    %mul3A_2238 = arith.muli %iota3A_64, %mul3A_2237 : vector<128x8x128xi32>
    %add3A_2239 = arith.constant 88 : i32
    %add3A_2240 = vector.broadcast %add3A_2239 : i32 to vector<128x8x128xi32>
    %add3A_2241 = arith.addi %mul3A_2238, %add3A_2240 : vector<128x8x128xi32>
    %add3A_2242 = arith.addi %add3A_2241, %iota3A : vector<128x8x128xi32>
    %eq3A_2243 = vector.broadcast %broadcast_in_dim3A_1942 : vector<128x1x128xi32> to vector<128x8x128xi32>
    %eq3A_2244 = arith.cmpi eq, %add3A_2242, %eq3A_2243 : vector<128x8x128xi32>
    %get3A_2245 = arith.constant 0 : index
    %get3A_2246 = arith.constant 11 : index
    %get3A_2247 = arith.constant 0 : index
    %get3A_2248 = arith.constant 0 : index
    %get3A_2249 = vector.load %arg5[%get3A_2245, %get3A_2246, %get3A_2247, %get3A_2248] : memref<128x16x8x128xf32, #tpu.memory_space<vmem>>, vector<128x1x8x128xf32>
    %get3A_2250 = vector.shape_cast %get3A_2249 : vector<128x1x8x128xf32> to vector<128x8x128xf32>
    %jit3A_2251 = arith.constant 1.000000e+10 : f32
    %broadcast_in_dim3A_2252 = vector.broadcast %jit3A_2251 : f32 to vector<128x8x128xf32>
    %select_n3A_2253 = arith.select %eq3A_2244, %broadcast_in_dim3A_2252, %get3A_2250 : vector<128x8x128xi1>, vector<128x8x128xf32>
    %swap3A_2254 = arith.constant 0 : index
    %swap3A_2255 = arith.constant 11 : index
    %swap3A_2256 = arith.constant 0 : index
    %swap3A_2257 = arith.constant 0 : index
    %swap3A_2258 = vector.load %arg5[%swap3A_2254, %swap3A_2255, %swap3A_2256, %swap3A_2257] : memref<128x16x8x128xf32, #tpu.memory_space<vmem>>, vector<128x1x8x128xf32>
    %swap3A_2259 = vector.shape_cast %swap3A_2258 : vector<128x1x8x128xf32> to vector<128x8x128xf32>
    %swap3A_2260 = vector.shape_cast %select_n3A_2253 : vector<128x8x128xf32> to vector<128x1x8x128xf32>
    tpu.vector_store %arg5[%swap3A_2254, %swap3A_2255, %swap3A_2256, %swap3A_2257], %swap3A_2260 {strides = array<i32>} : memref<128x16x8x128xf32, #tpu.memory_space<vmem>>, vector<128x1x8x128xf32>,
    %min3A_2261 = arith.minimumf %min3A_2235, %select_n3A_2253 : vector<128x8x128xf32>
    %mul3A_2262 = arith.constant 128 : i32
    %mul3A_2263 = vector.broadcast %mul3A_2262 : i32 to vector<128x8x128xi32>
    %mul3A_2264 = arith.muli %iota3A_64, %mul3A_2263 : vector<128x8x128xi32>
    %add3A_2265 = arith.constant 96 : i32
    %add3A_2266 = vector.broadcast %add3A_2265 : i32 to vector<128x8x128xi32>
    %add3A_2267 = arith.addi %mul3A_2264, %add3A_2266 : vector<128x8x128xi32>
    %add3A_2268 = arith.addi %add3A_2267, %iota3A : vector<128x8x128xi32>
    %eq3A_2269 = vector.broadcast %broadcast_in_dim3A_1942 : vector<128x1x128xi32> to vector<128x8x128xi32>
    %eq3A_2270 = arith.cmpi eq, %add3A_2268, %eq3A_2269 : vector<128x8x128xi32>
    %get3A_2271 = arith.constant 0 : index
    %get3A_2272 = arith.constant 12 : index
    %get3A_2273 = arith.constant 0 : index
    %get3A_2274 = arith.constant 0 : index
    %get3A_2275 = vector.load %arg5[%get3A_2271, %get3A_2272, %get3A_2273, %get3A_2274] : memref<128x16x8x128xf32, #tpu.memory_space<vmem>>, vector<128x1x8x128xf32>
    %get3A_2276 = vector.shape_cast %get3A_2275 : vector<128x1x8x128xf32> to vector<128x8x128xf32>
    %jit3A_2277 = arith.constant 1.000000e+10 : f32
    %broadcast_in_dim3A_2278 = vector.broadcast %jit3A_2277 : f32 to vector<128x8x128xf32>
    %select_n3A_2279 = arith.select %eq3A_2270, %broadcast_in_dim3A_2278, %get3A_2276 : vector<128x8x128xi1>, vector<128x8x128xf32>
    %swap3A_2280 = arith.constant 0 : index
    %swap3A_2281 = arith.constant 12 : index
    %swap3A_2282 = arith.constant 0 : index
    %swap3A_2283 = arith.constant 0 : index
    %swap3A_2284 = vector.load %arg5[%swap3A_2280, %swap3A_2281, %swap3A_2282, %swap3A_2283] : memref<128x16x8x128xf32, #tpu.memory_space<vmem>>, vector<128x1x8x128xf32>
    %swap3A_2285 = vector.shape_cast %swap3A_2284 : vector<128x1x8x128xf32> to vector<128x8x128xf32>
    %swap3A_2286 = vector.shape_cast %select_n3A_2279 : vector<128x8x128xf32> to vector<128x1x8x128xf32>
    tpu.vector_store %arg5[%swap3A_2280, %swap3A_2281, %swap3A_2282, %swap3A_2283], %swap3A_2286 {strides = array<i32>} : memref<128x16x8x128xf32, #tpu.memory_space<vmem>>, vector<128x1x8x128xf32>,
    %min3A_2287 = arith.minimumf %min3A_2261, %select_n3A_2279 : vector<128x8x128xf32>
    %mul3A_2288 = arith.constant 128 : i32
    %mul3A_2289 = vector.broadcast %mul3A_2288 : i32 to vector<128x8x128xi32>
    %mul3A_2290 = arith.muli %iota3A_64, %mul3A_2289 : vector<128x8x128xi32>
    %add3A_2291 = arith.constant 104 : i32
    %add3A_2292 = vector.broadcast %add3A_2291 : i32 to vector<128x8x128xi32>
    %add3A_2293 = arith.addi %mul3A_2290, %add3A_2292 : vector<128x8x128xi32>
    %add3A_2294 = arith.addi %add3A_2293, %iota3A : vector<128x8x128xi32>
    %eq3A_2295 = vector.broadcast %broadcast_in_dim3A_1942 : vector<128x1x128xi32> to vector<128x8x128xi32>
    %eq3A_2296 = arith.cmpi eq, %add3A_2294, %eq3A_2295 : vector<128x8x128xi32>
    %get3A_2297 = arith.constant 0 : index
    %get3A_2298 = arith.constant 13 : index
    %get3A_2299 = arith.constant 0 : index
    %get3A_2300 = arith.constant 0 : index
    %get3A_2301 = vector.load %arg5[%get3A_2297, %get3A_2298, %get3A_2299, %get3A_2300] : memref<128x16x8x128xf32, #tpu.memory_space<vmem>>, vector<128x1x8x128xf32>
    %get3A_2302 = vector.shape_cast %get3A_2301 : vector<128x1x8x128xf32> to vector<128x8x128xf32>
    %jit3A_2303 = arith.constant 1.000000e+10 : f32
    %broadcast_in_dim3A_2304 = vector.broadcast %jit3A_2303 : f32 to vector<128x8x128xf32>
    %select_n3A_2305 = arith.select %eq3A_2296, %broadcast_in_dim3A_2304, %get3A_2302 : vector<128x8x128xi1>, vector<128x8x128xf32>
    %swap3A_2306 = arith.constant 0 : index
    %swap3A_2307 = arith.constant 13 : index
    %swap3A_2308 = arith.constant 0 : index
    %swap3A_2309 = arith.constant 0 : index
    %swap3A_2310 = vector.load %arg5[%swap3A_2306, %swap3A_2307, %swap3A_2308, %swap3A_2309] : memref<128x16x8x128xf32, #tpu.memory_space<vmem>>, vector<128x1x8x128xf32>
    %swap3A_2311 = vector.shape_cast %swap3A_2310 : vector<128x1x8x128xf32> to vector<128x8x128xf32>
    %swap3A_2312 = vector.shape_cast %select_n3A_2305 : vector<128x8x128xf32> to vector<128x1x8x128xf32>
    tpu.vector_store %arg5[%swap3A_2306, %swap3A_2307, %swap3A_2308, %swap3A_2309], %swap3A_2312 {strides = array<i32>} : memref<128x16x8x128xf32, #tpu.memory_space<vmem>>, vector<128x1x8x128xf32>,
    %min3A_2313 = arith.minimumf %min3A_2287, %select_n3A_2305 : vector<128x8x128xf32>
    %mul3A_2314 = arith.constant 128 : i32
    %mul3A_2315 = vector.broadcast %mul3A_2314 : i32 to vector<128x8x128xi32>
    %mul3A_2316 = arith.muli %iota3A_64, %mul3A_2315 : vector<128x8x128xi32>
    %add3A_2317 = arith.constant 112 : i32
    %add3A_2318 = vector.broadcast %add3A_2317 : i32 to vector<128x8x128xi32>
    %add3A_2319 = arith.addi %mul3A_2316, %add3A_2318 : vector<128x8x128xi32>
    %add3A_2320 = arith.addi %add3A_2319, %iota3A : vector<128x8x128xi32>
    %eq3A_2321 = vector.broadcast %broadcast_in_dim3A_1942 : vector<128x1x128xi32> to vector<128x8x128xi32>
    %eq3A_2322 = arith.cmpi eq, %add3A_2320, %eq3A_2321 : vector<128x8x128xi32>
    %get3A_2323 = arith.constant 0 : index
    %get3A_2324 = arith.constant 14 : index
    %get3A_2325 = arith.constant 0 : index
    %get3A_2326 = arith.constant 0 : index
    %get3A_2327 = vector.load %arg5[%get3A_2323, %get3A_2324, %get3A_2325, %get3A_2326] : memref<128x16x8x128xf32, #tpu.memory_space<vmem>>, vector<128x1x8x128xf32>
    %get3A_2328 = vector.shape_cast %get3A_2327 : vector<128x1x8x128xf32> to vector<128x8x128xf32>
    %jit3A_2329 = arith.constant 1.000000e+10 : f32
    %broadcast_in_dim3A_2330 = vector.broadcast %jit3A_2329 : f32 to vector<128x8x128xf32>
    %select_n3A_2331 = arith.select %eq3A_2322, %broadcast_in_dim3A_2330, %get3A_2328 : vector<128x8x128xi1>, vector<128x8x128xf32>
    %swap3A_2332 = arith.constant 0 : index
    %swap3A_2333 = arith.constant 14 : index
    %swap3A_2334 = arith.constant 0 : index
    %swap3A_2335 = arith.constant 0 : index
    %swap3A_2336 = vector.load %arg5[%swap3A_2332, %swap3A_2333, %swap3A_2334, %swap3A_2335] : memref<128x16x8x128xf32, #tpu.memory_space<vmem>>, vector<128x1x8x128xf32>
    %swap3A_2337 = vector.shape_cast %swap3A_2336 : vector<128x1x8x128xf32> to vector<128x8x128xf32>
    %swap3A_2338 = vector.shape_cast %select_n3A_2331 : vector<128x8x128xf32> to vector<128x1x8x128xf32>
    tpu.vector_store %arg5[%swap3A_2332, %swap3A_2333, %swap3A_2334, %swap3A_2335], %swap3A_2338 {strides = array<i32>} : memref<128x16x8x128xf32, #tpu.memory_space<vmem>>, vector<128x1x8x128xf32>,
    %min3A_2339 = arith.minimumf %min3A_2313, %select_n3A_2331 : vector<128x8x128xf32>
    %mul3A_2340 = arith.constant 128 : i32
    %mul3A_2341 = vector.broadcast %mul3A_2340 : i32 to vector<128x8x128xi32>
    %mul3A_2342 = arith.muli %iota3A_64, %mul3A_2341 : vector<128x8x128xi32>
    %add3A_2343 = arith.constant 120 : i32
    %add3A_2344 = vector.broadcast %add3A_2343 : i32 to vector<128x8x128xi32>
    %add3A_2345 = arith.addi %mul3A_2342, %add3A_2344 : vector<128x8x128xi32>
    %add3A_2346 = arith.addi %add3A_2345, %iota3A : vector<128x8x128xi32>
    %eq3A_2347 = vector.broadcast %broadcast_in_dim3A_1942 : vector<128x1x128xi32> to vector<128x8x128xi32>
    %eq3A_2348 = arith.cmpi eq, %add3A_2346, %eq3A_2347 : vector<128x8x128xi32>
    %get3A_2349 = arith.constant 0 : index
    %get3A_2350 = arith.constant 15 : index
    %get3A_2351 = arith.constant 0 : index
    %get3A_2352 = arith.constant 0 : index
    %get3A_2353 = vector.load %arg5[%get3A_2349, %get3A_2350, %get3A_2351, %get3A_2352] : memref<128x16x8x128xf32, #tpu.memory_space<vmem>>, vector<128x1x8x128xf32>
    %get3A_2354 = vector.shape_cast %get3A_2353 : vector<128x1x8x128xf32> to vector<128x8x128xf32>
    %jit3A_2355 = arith.constant 1.000000e+10 : f32
    %broadcast_in_dim3A_2356 = vector.broadcast %jit3A_2355 : f32 to vector<128x8x128xf32>
    %select_n3A_2357 = arith.select %eq3A_2348, %broadcast_in_dim3A_2356, %get3A_2354 : vector<128x8x128xi1>, vector<128x8x128xf32>
    %swap3A_2358 = arith.constant 0 : index
    %swap3A_2359 = arith.constant 15 : index
    %swap3A_2360 = arith.constant 0 : index
    %swap3A_2361 = arith.constant 0 : index
    %swap3A_2362 = vector.load %arg5[%swap3A_2358, %swap3A_2359, %swap3A_2360, %swap3A_2361] : memref<128x16x8x128xf32, #tpu.memory_space<vmem>>, vector<128x1x8x128xf32>
    %swap3A_2363 = vector.shape_cast %swap3A_2362 : vector<128x1x8x128xf32> to vector<128x8x128xf32>
    %swap3A_2364 = vector.shape_cast %select_n3A_2357 : vector<128x8x128xf32> to vector<128x1x8x128xf32>
    tpu.vector_store %arg5[%swap3A_2358, %swap3A_2359, %swap3A_2360, %swap3A_2361], %swap3A_2364 {strides = array<i32>} : memref<128x16x8x128xf32, #tpu.memory_space<vmem>>, vector<128x1x8x128xf32>,
    %min3A_2365 = arith.minimumf %min3A_2339, %select_n3A_2357 : vector<128x8x128xf32>
    %reduce_min3A_2366 = arith.constant dense<0x7F800000> : vector<128x128xf32>
    %reduce_min3A_2367 = vector.multi_reduction <minimumf>, %min3A_2365, %reduce_min3A_2366 [1] : vector<128x8x128xf32> to vector<128x128xf32>
    %broadcast_in_dim3A_2368 = vector.shape_cast %reduce_min3A_2367 : vector<128x128xf32> to vector<128x1x128xf32>
    %get3A_2369 = arith.constant 0 : index
    %get3A_2370 = arith.constant 0 : index
    %get3A_2371 = arith.constant 0 : index
    %get3A_2372 = arith.constant 0 : index
    %get3A_2373 = vector.load %arg5[%get3A_2369, %get3A_2370, %get3A_2371, %get3A_2372] : memref<128x16x8x128xf32, #tpu.memory_space<vmem>>, vector<128x1x8x128xf32>
    %get3A_2374 = vector.shape_cast %get3A_2373 : vector<128x1x8x128xf32> to vector<128x8x128xf32>
    %eq3A_2375 = vector.broadcast %broadcast_in_dim3A_2368 : vector<128x1x128xf32> to vector<128x8x128xf32>
    %eq3A_2376 = arith.cmpf oeq, %get3A_2374, %eq3A_2375 : vector<128x8x128xf32>
    %mul3A_2377 = arith.constant 128 : i32
    %mul3A_2378 = vector.broadcast %mul3A_2377 : i32 to vector<128x8x128xi32>
    %mul3A_2379 = arith.muli %iota3A_64, %mul3A_2378 : vector<128x8x128xi32>
    %add3A_2380 = arith.constant 0 : i32
    %add3A_2381 = vector.broadcast %add3A_2380 : i32 to vector<128x8x128xi32>
    %add3A_2382 = arith.addi %mul3A_2379, %add3A_2381 : vector<128x8x128xi32>
    %add3A_2383 = arith.addi %add3A_2382, %iota3A : vector<128x8x128xi32>
    %jit3A_2384 = arith.constant 16384 : i32
    %broadcast_in_dim3A_2385 = vector.broadcast %jit3A_2384 : i32 to vector<128x8x128xi32>
    %select_n3A_2386 = arith.select %eq3A_2376, %add3A_2383, %broadcast_in_dim3A_2385 : vector<128x8x128xi1>, vector<128x8x128xi32>
    %get3A_2387 = arith.constant 0 : index
    %get3A_2388 = arith.constant 1 : index
    %get3A_2389 = arith.constant 0 : index
    %get3A_2390 = arith.constant 0 : index
    %get3A_2391 = vector.load %arg5[%get3A_2387, %get3A_2388, %get3A_2389, %get3A_2390] : memref<128x16x8x128xf32, #tpu.memory_space<vmem>>, vector<128x1x8x128xf32>
    %get3A_2392 = vector.shape_cast %get3A_2391 : vector<128x1x8x128xf32> to vector<128x8x128xf32>
    %eq3A_2393 = vector.broadcast %broadcast_in_dim3A_2368 : vector<128x1x128xf32> to vector<128x8x128xf32>
    %eq3A_2394 = arith.cmpf oeq, %get3A_2392, %eq3A_2393 : vector<128x8x128xf32>
    %mul3A_2395 = arith.constant 128 : i32
    %mul3A_2396 = vector.broadcast %mul3A_2395 : i32 to vector<128x8x128xi32>
    %mul3A_2397 = arith.muli %iota3A_64, %mul3A_2396 : vector<128x8x128xi32>
    %add3A_2398 = arith.constant 8 : i32
    %add3A_2399 = vector.broadcast %add3A_2398 : i32 to vector<128x8x128xi32>
    %add3A_2400 = arith.addi %mul3A_2397, %add3A_2399 : vector<128x8x128xi32>
    %add3A_2401 = arith.addi %add3A_2400, %iota3A : vector<128x8x128xi32>
    %jit3A_2402 = arith.constant 16384 : i32
    %broadcast_in_dim3A_2403 = vector.broadcast %jit3A_2402 : i32 to vector<128x8x128xi32>
    %select_n3A_2404 = arith.select %eq3A_2394, %add3A_2401, %broadcast_in_dim3A_2403 : vector<128x8x128xi1>, vector<128x8x128xi32>
    %min3A_2405 = arith.minsi %select_n3A_2386, %select_n3A_2404 : vector<128x8x128xi32>
    %get3A_2406 = arith.constant 0 : index
    %get3A_2407 = arith.constant 2 : index
    %get3A_2408 = arith.constant 0 : index
    %get3A_2409 = arith.constant 0 : index
    %get3A_2410 = vector.load %arg5[%get3A_2406, %get3A_2407, %get3A_2408, %get3A_2409] : memref<128x16x8x128xf32, #tpu.memory_space<vmem>>, vector<128x1x8x128xf32>
    %get3A_2411 = vector.shape_cast %get3A_2410 : vector<128x1x8x128xf32> to vector<128x8x128xf32>
    %eq3A_2412 = vector.broadcast %broadcast_in_dim3A_2368 : vector<128x1x128xf32> to vector<128x8x128xf32>
    %eq3A_2413 = arith.cmpf oeq, %get3A_2411, %eq3A_2412 : vector<128x8x128xf32>
    %mul3A_2414 = arith.constant 128 : i32
    %mul3A_2415 = vector.broadcast %mul3A_2414 : i32 to vector<128x8x128xi32>
    %mul3A_2416 = arith.muli %iota3A_64, %mul3A_2415 : vector<128x8x128xi32>
    %add3A_2417 = arith.constant 16 : i32
    %add3A_2418 = vector.broadcast %add3A_2417 : i32 to vector<128x8x128xi32>
    %add3A_2419 = arith.addi %mul3A_2416, %add3A_2418 : vector<128x8x128xi32>
    %add3A_2420 = arith.addi %add3A_2419, %iota3A : vector<128x8x128xi32>
    %jit3A_2421 = arith.constant 16384 : i32
    %broadcast_in_dim3A_2422 = vector.broadcast %jit3A_2421 : i32 to vector<128x8x128xi32>
    %select_n3A_2423 = arith.select %eq3A_2413, %add3A_2420, %broadcast_in_dim3A_2422 : vector<128x8x128xi1>, vector<128x8x128xi32>
    %min3A_2424 = arith.minsi %min3A_2405, %select_n3A_2423 : vector<128x8x128xi32>
    %get3A_2425 = arith.constant 0 : index
    %get3A_2426 = arith.constant 3 : index
    %get3A_2427 = arith.constant 0 : index
    %get3A_2428 = arith.constant 0 : index
    %get3A_2429 = vector.load %arg5[%get3A_2425, %get3A_2426, %get3A_2427, %get3A_2428] : memref<128x16x8x128xf32, #tpu.memory_space<vmem>>, vector<128x1x8x128xf32>
    %get3A_2430 = vector.shape_cast %get3A_2429 : vector<128x1x8x128xf32> to vector<128x8x128xf32>
    %eq3A_2431 = vector.broadcast %broadcast_in_dim3A_2368 : vector<128x1x128xf32> to vector<128x8x128xf32>
    %eq3A_2432 = arith.cmpf oeq, %get3A_2430, %eq3A_2431 : vector<128x8x128xf32>
    %mul3A_2433 = arith.constant 128 : i32
    %mul3A_2434 = vector.broadcast %mul3A_2433 : i32 to vector<128x8x128xi32>
    %mul3A_2435 = arith.muli %iota3A_64, %mul3A_2434 : vector<128x8x128xi32>
    %add3A_2436 = arith.constant 24 : i32
    %add3A_2437 = vector.broadcast %add3A_2436 : i32 to vector<128x8x128xi32>
    %add3A_2438 = arith.addi %mul3A_2435, %add3A_2437 : vector<128x8x128xi32>
    %add3A_2439 = arith.addi %add3A_2438, %iota3A : vector<128x8x128xi32>
    %jit3A_2440 = arith.constant 16384 : i32
    %broadcast_in_dim3A_2441 = vector.broadcast %jit3A_2440 : i32 to vector<128x8x128xi32>
    %select_n3A_2442 = arith.select %eq3A_2432, %add3A_2439, %broadcast_in_dim3A_2441 : vector<128x8x128xi1>, vector<128x8x128xi32>
    %min3A_2443 = arith.minsi %min3A_2424, %select_n3A_2442 : vector<128x8x128xi32>
    %get3A_2444 = arith.constant 0 : index
    %get3A_2445 = arith.constant 4 : index
    %get3A_2446 = arith.constant 0 : index
    %get3A_2447 = arith.constant 0 : index
    %get3A_2448 = vector.load %arg5[%get3A_2444, %get3A_2445, %get3A_2446, %get3A_2447] : memref<128x16x8x128xf32, #tpu.memory_space<vmem>>, vector<128x1x8x128xf32>
    %get3A_2449 = vector.shape_cast %get3A_2448 : vector<128x1x8x128xf32> to vector<128x8x128xf32>
    %eq3A_2450 = vector.broadcast %broadcast_in_dim3A_2368 : vector<128x1x128xf32> to vector<128x8x128xf32>
    %eq3A_2451 = arith.cmpf oeq, %get3A_2449, %eq3A_2450 : vector<128x8x128xf32>
    %mul3A_2452 = arith.constant 128 : i32
    %mul3A_2453 = vector.broadcast %mul3A_2452 : i32 to vector<128x8x128xi32>
    %mul3A_2454 = arith.muli %iota3A_64, %mul3A_2453 : vector<128x8x128xi32>
    %add3A_2455 = arith.constant 32 : i32
    %add3A_2456 = vector.broadcast %add3A_2455 : i32 to vector<128x8x128xi32>
    %add3A_2457 = arith.addi %mul3A_2454, %add3A_2456 : vector<128x8x128xi32>
    %add3A_2458 = arith.addi %add3A_2457, %iota3A : vector<128x8x128xi32>
    %jit3A_2459 = arith.constant 16384 : i32
    %broadcast_in_dim3A_2460 = vector.broadcast %jit3A_2459 : i32 to vector<128x8x128xi32>
    %select_n3A_2461 = arith.select %eq3A_2451, %add3A_2458, %broadcast_in_dim3A_2460 : vector<128x8x128xi1>, vector<128x8x128xi32>
    %min3A_2462 = arith.minsi %min3A_2443, %select_n3A_2461 : vector<128x8x128xi32>
    %get3A_2463 = arith.constant 0 : index
    %get3A_2464 = arith.constant 5 : index
    %get3A_2465 = arith.constant 0 : index
    %get3A_2466 = arith.constant 0 : index
    %get3A_2467 = vector.load %arg5[%get3A_2463, %get3A_2464, %get3A_2465, %get3A_2466] : memref<128x16x8x128xf32, #tpu.memory_space<vmem>>, vector<128x1x8x128xf32>
    %get3A_2468 = vector.shape_cast %get3A_2467 : vector<128x1x8x128xf32> to vector<128x8x128xf32>
    %eq3A_2469 = vector.broadcast %broadcast_in_dim3A_2368 : vector<128x1x128xf32> to vector<128x8x128xf32>
    %eq3A_2470 = arith.cmpf oeq, %get3A_2468, %eq3A_2469 : vector<128x8x128xf32>
    %mul3A_2471 = arith.constant 128 : i32
    %mul3A_2472 = vector.broadcast %mul3A_2471 : i32 to vector<128x8x128xi32>
    %mul3A_2473 = arith.muli %iota3A_64, %mul3A_2472 : vector<128x8x128xi32>
    %add3A_2474 = arith.constant 40 : i32
    %add3A_2475 = vector.broadcast %add3A_2474 : i32 to vector<128x8x128xi32>
    %add3A_2476 = arith.addi %mul3A_2473, %add3A_2475 : vector<128x8x128xi32>
    %add3A_2477 = arith.addi %add3A_2476, %iota3A : vector<128x8x128xi32>
    %jit3A_2478 = arith.constant 16384 : i32
    %broadcast_in_dim3A_2479 = vector.broadcast %jit3A_2478 : i32 to vector<128x8x128xi32>
    %select_n3A_2480 = arith.select %eq3A_2470, %add3A_2477, %broadcast_in_dim3A_2479 : vector<128x8x128xi1>, vector<128x8x128xi32>
    %min3A_2481 = arith.minsi %min3A_2462, %select_n3A_2480 : vector<128x8x128xi32>
    %get3A_2482 = arith.constant 0 : index
    %get3A_2483 = arith.constant 6 : index
    %get3A_2484 = arith.constant 0 : index
    %get3A_2485 = arith.constant 0 : index
    %get3A_2486 = vector.load %arg5[%get3A_2482, %get3A_2483, %get3A_2484, %get3A_2485] : memref<128x16x8x128xf32, #tpu.memory_space<vmem>>, vector<128x1x8x128xf32>
    %get3A_2487 = vector.shape_cast %get3A_2486 : vector<128x1x8x128xf32> to vector<128x8x128xf32>
    %eq3A_2488 = vector.broadcast %broadcast_in_dim3A_2368 : vector<128x1x128xf32> to vector<128x8x128xf32>
    %eq3A_2489 = arith.cmpf oeq, %get3A_2487, %eq3A_2488 : vector<128x8x128xf32>
    %mul3A_2490 = arith.constant 128 : i32
    %mul3A_2491 = vector.broadcast %mul3A_2490 : i32 to vector<128x8x128xi32>
    %mul3A_2492 = arith.muli %iota3A_64, %mul3A_2491 : vector<128x8x128xi32>
    %add3A_2493 = arith.constant 48 : i32
    %add3A_2494 = vector.broadcast %add3A_2493 : i32 to vector<128x8x128xi32>
    %add3A_2495 = arith.addi %mul3A_2492, %add3A_2494 : vector<128x8x128xi32>
    %add3A_2496 = arith.addi %add3A_2495, %iota3A : vector<128x8x128xi32>
    %jit3A_2497 = arith.constant 16384 : i32
    %broadcast_in_dim3A_2498 = vector.broadcast %jit3A_2497 : i32 to vector<128x8x128xi32>
    %select_n3A_2499 = arith.select %eq3A_2489, %add3A_2496, %broadcast_in_dim3A_2498 : vector<128x8x128xi1>, vector<128x8x128xi32>
    %min3A_2500 = arith.minsi %min3A_2481, %select_n3A_2499 : vector<128x8x128xi32>
    %get3A_2501 = arith.constant 0 : index
    %get3A_2502 = arith.constant 7 : index
    %get3A_2503 = arith.constant 0 : index
    %get3A_2504 = arith.constant 0 : index
    %get3A_2505 = vector.load %arg5[%get3A_2501, %get3A_2502, %get3A_2503, %get3A_2504] : memref<128x16x8x128xf32, #tpu.memory_space<vmem>>, vector<128x1x8x128xf32>
    %get3A_2506 = vector.shape_cast %get3A_2505 : vector<128x1x8x128xf32> to vector<128x8x128xf32>
    %eq3A_2507 = vector.broadcast %broadcast_in_dim3A_2368 : vector<128x1x128xf32> to vector<128x8x128xf32>
    %eq3A_2508 = arith.cmpf oeq, %get3A_2506, %eq3A_2507 : vector<128x8x128xf32>
    %mul3A_2509 = arith.constant 128 : i32
    %mul3A_2510 = vector.broadcast %mul3A_2509 : i32 to vector<128x8x128xi32>
    %mul3A_2511 = arith.muli %iota3A_64, %mul3A_2510 : vector<128x8x128xi32>
    %add3A_2512 = arith.constant 56 : i32
    %add3A_2513 = vector.broadcast %add3A_2512 : i32 to vector<128x8x128xi32>
    %add3A_2514 = arith.addi %mul3A_2511, %add3A_2513 : vector<128x8x128xi32>
    %add3A_2515 = arith.addi %add3A_2514, %iota3A : vector<128x8x128xi32>
    %jit3A_2516 = arith.constant 16384 : i32
    %broadcast_in_dim3A_2517 = vector.broadcast %jit3A_2516 : i32 to vector<128x8x128xi32>
    %select_n3A_2518 = arith.select %eq3A_2508, %add3A_2515, %broadcast_in_dim3A_2517 : vector<128x8x128xi1>, vector<128x8x128xi32>
    %min3A_2519 = arith.minsi %min3A_2500, %select_n3A_2518 : vector<128x8x128xi32>
    %get3A_2520 = arith.constant 0 : index
    %get3A_2521 = arith.constant 8 : index
    %get3A_2522 = arith.constant 0 : index
    %get3A_2523 = arith.constant 0 : index
    %get3A_2524 = vector.load %arg5[%get3A_2520, %get3A_2521, %get3A_2522, %get3A_2523] : memref<128x16x8x128xf32, #tpu.memory_space<vmem>>, vector<128x1x8x128xf32>
    %get3A_2525 = vector.shape_cast %get3A_2524 : vector<128x1x8x128xf32> to vector<128x8x128xf32>
    %eq3A_2526 = vector.broadcast %broadcast_in_dim3A_2368 : vector<128x1x128xf32> to vector<128x8x128xf32>
    %eq3A_2527 = arith.cmpf oeq, %get3A_2525, %eq3A_2526 : vector<128x8x128xf32>
    %mul3A_2528 = arith.constant 128 : i32
    %mul3A_2529 = vector.broadcast %mul3A_2528 : i32 to vector<128x8x128xi32>
    %mul3A_2530 = arith.muli %iota3A_64, %mul3A_2529 : vector<128x8x128xi32>
    %add3A_2531 = arith.constant 64 : i32
    %add3A_2532 = vector.broadcast %add3A_2531 : i32 to vector<128x8x128xi32>
    %add3A_2533 = arith.addi %mul3A_2530, %add3A_2532 : vector<128x8x128xi32>
    %add3A_2534 = arith.addi %add3A_2533, %iota3A : vector<128x8x128xi32>
    %jit3A_2535 = arith.constant 16384 : i32
    %broadcast_in_dim3A_2536 = vector.broadcast %jit3A_2535 : i32 to vector<128x8x128xi32>
    %select_n3A_2537 = arith.select %eq3A_2527, %add3A_2534, %broadcast_in_dim3A_2536 : vector<128x8x128xi1>, vector<128x8x128xi32>
    %min3A_2538 = arith.minsi %min3A_2519, %select_n3A_2537 : vector<128x8x128xi32>
    %get3A_2539 = arith.constant 0 : index
    %get3A_2540 = arith.constant 9 : index
    %get3A_2541 = arith.constant 0 : index
    %get3A_2542 = arith.constant 0 : index
    %get3A_2543 = vector.load %arg5[%get3A_2539, %get3A_2540, %get3A_2541, %get3A_2542] : memref<128x16x8x128xf32, #tpu.memory_space<vmem>>, vector<128x1x8x128xf32>
    %get3A_2544 = vector.shape_cast %get3A_2543 : vector<128x1x8x128xf32> to vector<128x8x128xf32>
    %eq3A_2545 = vector.broadcast %broadcast_in_dim3A_2368 : vector<128x1x128xf32> to vector<128x8x128xf32>
    %eq3A_2546 = arith.cmpf oeq, %get3A_2544, %eq3A_2545 : vector<128x8x128xf32>
    %mul3A_2547 = arith.constant 128 : i32
    %mul3A_2548 = vector.broadcast %mul3A_2547 : i32 to vector<128x8x128xi32>
    %mul3A_2549 = arith.muli %iota3A_64, %mul3A_2548 : vector<128x8x128xi32>
    %add3A_2550 = arith.constant 72 : i32
    %add3A_2551 = vector.broadcast %add3A_2550 : i32 to vector<128x8x128xi32>
    %add3A_2552 = arith.addi %mul3A_2549, %add3A_2551 : vector<128x8x128xi32>
    %add3A_2553 = arith.addi %add3A_2552, %iota3A : vector<128x8x128xi32>
    %jit3A_2554 = arith.constant 16384 : i32
    %broadcast_in_dim3A_2555 = vector.broadcast %jit3A_2554 : i32 to vector<128x8x128xi32>
    %select_n3A_2556 = arith.select %eq3A_2546, %add3A_2553, %broadcast_in_dim3A_2555 : vector<128x8x128xi1>, vector<128x8x128xi32>
    %min3A_2557 = arith.minsi %min3A_2538, %select_n3A_2556 : vector<128x8x128xi32>
    %get3A_2558 = arith.constant 0 : index
    %get3A_2559 = arith.constant 10 : index
    %get3A_2560 = arith.constant 0 : index
    %get3A_2561 = arith.constant 0 : index
    %get3A_2562 = vector.load %arg5[%get3A_2558, %get3A_2559, %get3A_2560, %get3A_2561] : memref<128x16x8x128xf32, #tpu.memory_space<vmem>>, vector<128x1x8x128xf32>
    %get3A_2563 = vector.shape_cast %get3A_2562 : vector<128x1x8x128xf32> to vector<128x8x128xf32>
    %eq3A_2564 = vector.broadcast %broadcast_in_dim3A_2368 : vector<128x1x128xf32> to vector<128x8x128xf32>
    %eq3A_2565 = arith.cmpf oeq, %get3A_2563, %eq3A_2564 : vector<128x8x128xf32>
    %mul3A_2566 = arith.constant 128 : i32
    %mul3A_2567 = vector.broadcast %mul3A_2566 : i32 to vector<128x8x128xi32>
    %mul3A_2568 = arith.muli %iota3A_64, %mul3A_2567 : vector<128x8x128xi32>
    %add3A_2569 = arith.constant 80 : i32
    %add3A_2570 = vector.broadcast %add3A_2569 : i32 to vector<128x8x128xi32>
    %add3A_2571 = arith.addi %mul3A_2568, %add3A_2570 : vector<128x8x128xi32>
    %add3A_2572 = arith.addi %add3A_2571, %iota3A : vector<128x8x128xi32>
    %jit3A_2573 = arith.constant 16384 : i32
    %broadcast_in_dim3A_2574 = vector.broadcast %jit3A_2573 : i32 to vector<128x8x128xi32>
    %select_n3A_2575 = arith.select %eq3A_2565, %add3A_2572, %broadcast_in_dim3A_2574 : vector<128x8x128xi1>, vector<128x8x128xi32>
    %min3A_2576 = arith.minsi %min3A_2557, %select_n3A_2575 : vector<128x8x128xi32>
    %get3A_2577 = arith.constant 0 : index
    %get3A_2578 = arith.constant 11 : index
    %get3A_2579 = arith.constant 0 : index
    %get3A_2580 = arith.constant 0 : index
    %get3A_2581 = vector.load %arg5[%get3A_2577, %get3A_2578, %get3A_2579, %get3A_2580] : memref<128x16x8x128xf32, #tpu.memory_space<vmem>>, vector<128x1x8x128xf32>
    %get3A_2582 = vector.shape_cast %get3A_2581 : vector<128x1x8x128xf32> to vector<128x8x128xf32>
    %eq3A_2583 = vector.broadcast %broadcast_in_dim3A_2368 : vector<128x1x128xf32> to vector<128x8x128xf32>
    %eq3A_2584 = arith.cmpf oeq, %get3A_2582, %eq3A_2583 : vector<128x8x128xf32>
    %mul3A_2585 = arith.constant 128 : i32
    %mul3A_2586 = vector.broadcast %mul3A_2585 : i32 to vector<128x8x128xi32>
    %mul3A_2587 = arith.muli %iota3A_64, %mul3A_2586 : vector<128x8x128xi32>
    %add3A_2588 = arith.constant 88 : i32
    %add3A_2589 = vector.broadcast %add3A_2588 : i32 to vector<128x8x128xi32>
    %add3A_2590 = arith.addi %mul3A_2587, %add3A_2589 : vector<128x8x128xi32>
    %add3A_2591 = arith.addi %add3A_2590, %iota3A : vector<128x8x128xi32>
    %jit3A_2592 = arith.constant 16384 : i32
    %broadcast_in_dim3A_2593 = vector.broadcast %jit3A_2592 : i32 to vector<128x8x128xi32>
    %select_n3A_2594 = arith.select %eq3A_2584, %add3A_2591, %broadcast_in_dim3A_2593 : vector<128x8x128xi1>, vector<128x8x128xi32>
    %min3A_2595 = arith.minsi %min3A_2576, %select_n3A_2594 : vector<128x8x128xi32>
    %get3A_2596 = arith.constant 0 : index
    %get3A_2597 = arith.constant 12 : index
    %get3A_2598 = arith.constant 0 : index
    %get3A_2599 = arith.constant 0 : index
    %get3A_2600 = vector.load %arg5[%get3A_2596, %get3A_2597, %get3A_2598, %get3A_2599] : memref<128x16x8x128xf32, #tpu.memory_space<vmem>>, vector<128x1x8x128xf32>
    %get3A_2601 = vector.shape_cast %get3A_2600 : vector<128x1x8x128xf32> to vector<128x8x128xf32>
    %eq3A_2602 = vector.broadcast %broadcast_in_dim3A_2368 : vector<128x1x128xf32> to vector<128x8x128xf32>
    %eq3A_2603 = arith.cmpf oeq, %get3A_2601, %eq3A_2602 : vector<128x8x128xf32>
    %mul3A_2604 = arith.constant 128 : i32
    %mul3A_2605 = vector.broadcast %mul3A_2604 : i32 to vector<128x8x128xi32>
    %mul3A_2606 = arith.muli %iota3A_64, %mul3A_2605 : vector<128x8x128xi32>
    %add3A_2607 = arith.constant 96 : i32
    %add3A_2608 = vector.broadcast %add3A_2607 : i32 to vector<128x8x128xi32>
    %add3A_2609 = arith.addi %mul3A_2606, %add3A_2608 : vector<128x8x128xi32>
    %add3A_2610 = arith.addi %add3A_2609, %iota3A : vector<128x8x128xi32>
    %jit3A_2611 = arith.constant 16384 : i32
    %broadcast_in_dim3A_2612 = vector.broadcast %jit3A_2611 : i32 to vector<128x8x128xi32>
    %select_n3A_2613 = arith.select %eq3A_2603, %add3A_2610, %broadcast_in_dim3A_2612 : vector<128x8x128xi1>, vector<128x8x128xi32>
    %min3A_2614 = arith.minsi %min3A_2595, %select_n3A_2613 : vector<128x8x128xi32>
    %get3A_2615 = arith.constant 0 : index
    %get3A_2616 = arith.constant 13 : index
    %get3A_2617 = arith.constant 0 : index
    %get3A_2618 = arith.constant 0 : index
    %get3A_2619 = vector.load %arg5[%get3A_2615, %get3A_2616, %get3A_2617, %get3A_2618] : memref<128x16x8x128xf32, #tpu.memory_space<vmem>>, vector<128x1x8x128xf32>
    %get3A_2620 = vector.shape_cast %get3A_2619 : vector<128x1x8x128xf32> to vector<128x8x128xf32>
    %eq3A_2621 = vector.broadcast %broadcast_in_dim3A_2368 : vector<128x1x128xf32> to vector<128x8x128xf32>
    %eq3A_2622 = arith.cmpf oeq, %get3A_2620, %eq3A_2621 : vector<128x8x128xf32>
    %mul3A_2623 = arith.constant 128 : i32
    %mul3A_2624 = vector.broadcast %mul3A_2623 : i32 to vector<128x8x128xi32>
    %mul3A_2625 = arith.muli %iota3A_64, %mul3A_2624 : vector<128x8x128xi32>
    %add3A_2626 = arith.constant 104 : i32
    %add3A_2627 = vector.broadcast %add3A_2626 : i32 to vector<128x8x128xi32>
    %add3A_2628 = arith.addi %mul3A_2625, %add3A_2627 : vector<128x8x128xi32>
    %add3A_2629 = arith.addi %add3A_2628, %iota3A : vector<128x8x128xi32>
    %jit3A_2630 = arith.constant 16384 : i32
    %broadcast_in_dim3A_2631 = vector.broadcast %jit3A_2630 : i32 to vector<128x8x128xi32>
    %select_n3A_2632 = arith.select %eq3A_2622, %add3A_2629, %broadcast_in_dim3A_2631 : vector<128x8x128xi1>, vector<128x8x128xi32>
    %min3A_2633 = arith.minsi %min3A_2614, %select_n3A_2632 : vector<128x8x128xi32>
    %get3A_2634 = arith.constant 0 : index
    %get3A_2635 = arith.constant 14 : index
    %get3A_2636 = arith.constant 0 : index
    %get3A_2637 = arith.constant 0 : index
    %get3A_2638 = vector.load %arg5[%get3A_2634, %get3A_2635, %get3A_2636, %get3A_2637] : memref<128x16x8x128xf32, #tpu.memory_space<vmem>>, vector<128x1x8x128xf32>
    %get3A_2639 = vector.shape_cast %get3A_2638 : vector<128x1x8x128xf32> to vector<128x8x128xf32>
    %eq3A_2640 = vector.broadcast %broadcast_in_dim3A_2368 : vector<128x1x128xf32> to vector<128x8x128xf32>
    %eq3A_2641 = arith.cmpf oeq, %get3A_2639, %eq3A_2640 : vector<128x8x128xf32>
    %mul3A_2642 = arith.constant 128 : i32
    %mul3A_2643 = vector.broadcast %mul3A_2642 : i32 to vector<128x8x128xi32>
    %mul3A_2644 = arith.muli %iota3A_64, %mul3A_2643 : vector<128x8x128xi32>
    %add3A_2645 = arith.constant 112 : i32
    %add3A_2646 = vector.broadcast %add3A_2645 : i32 to vector<128x8x128xi32>
    %add3A_2647 = arith.addi %mul3A_2644, %add3A_2646 : vector<128x8x128xi32>
    %add3A_2648 = arith.addi %add3A_2647, %iota3A : vector<128x8x128xi32>
    %jit3A_2649 = arith.constant 16384 : i32
    %broadcast_in_dim3A_2650 = vector.broadcast %jit3A_2649 : i32 to vector<128x8x128xi32>
    %select_n3A_2651 = arith.select %eq3A_2641, %add3A_2648, %broadcast_in_dim3A_2650 : vector<128x8x128xi1>, vector<128x8x128xi32>
    %min3A_2652 = arith.minsi %min3A_2633, %select_n3A_2651 : vector<128x8x128xi32>
    %get3A_2653 = arith.constant 0 : index
    %get3A_2654 = arith.constant 15 : index
    %get3A_2655 = arith.constant 0 : index
    %get3A_2656 = arith.constant 0 : index
    %get3A_2657 = vector.load %arg5[%get3A_2653, %get3A_2654, %get3A_2655, %get3A_2656] : memref<128x16x8x128xf32, #tpu.memory_space<vmem>>, vector<128x1x8x128xf32>
    %get3A_2658 = vector.shape_cast %get3A_2657 : vector<128x1x8x128xf32> to vector<128x8x128xf32>
    %eq3A_2659 = vector.broadcast %broadcast_in_dim3A_2368 : vector<128x1x128xf32> to vector<128x8x128xf32>
    %eq3A_2660 = arith.cmpf oeq, %get3A_2658, %eq3A_2659 : vector<128x8x128xf32>
    %mul3A_2661 = arith.constant 128 : i32
    %mul3A_2662 = vector.broadcast %mul3A_2661 : i32 to vector<128x8x128xi32>
    %mul3A_2663 = arith.muli %iota3A_64, %mul3A_2662 : vector<128x8x128xi32>
    %add3A_2664 = arith.constant 120 : i32
    %add3A_2665 = vector.broadcast %add3A_2664 : i32 to vector<128x8x128xi32>
    %add3A_2666 = arith.addi %mul3A_2663, %add3A_2665 : vector<128x8x128xi32>
    %add3A_2667 = arith.addi %add3A_2666, %iota3A : vector<128x8x128xi32>
    %jit3A_2668 = arith.constant 16384 : i32
    %broadcast_in_dim3A_2669 = vector.broadcast %jit3A_2668 : i32 to vector<128x8x128xi32>
    %select_n3A_2670 = arith.select %eq3A_2660, %add3A_2667, %broadcast_in_dim3A_2669 : vector<128x8x128xi1>, vector<128x8x128xi32>
    %min3A_2671 = arith.minsi %min3A_2652, %select_n3A_2670 : vector<128x8x128xi32>
    %reduce_min3A_2672 = arith.constant dense<2147483647> : vector<128x128xi32>
    %reduce_min3A_2673 = vector.multi_reduction <minsi>, %min3A_2671, %reduce_min3A_2672 [1] : vector<128x8x128xi32> to vector<128x128xi32>
    %broadcast_in_dim3A_2674 = vector.shape_cast %reduce_min3A_2673 : vector<128x128xi32> to vector<128x1x128xi32>
    %squeeze3A_2675 = vector.shape_cast %broadcast_in_dim3A_2368 : vector<128x1x128xf32> to vector<128x128xf32>
    %swap3A_2676 = arith.constant 0 : index
    %swap3A_2677 = arith.constant 384 : index
    %swap3A_2678 = vector.load %arg6[%swap3A_2676, %swap3A_2677] : memref<128x768xf32, #tpu.memory_space<vmem>>, vector<128x128xf32>
    tpu.vector_store %arg6[%swap3A_2676, %swap3A_2677], %squeeze3A_2675 {strides = array<i32>} : memref<128x768xf32, #tpu.memory_space<vmem>>, vector<128x128xf32>,
    %squeeze3A_2679 = vector.shape_cast %broadcast_in_dim3A_2674 : vector<128x1x128xi32> to vector<128x128xi32>
    %swap3A_2680 = arith.constant 0 : index
    %swap3A_2681 = arith.constant 384 : index
    %swap3A_2682 = vector.load %arg7[%swap3A_2680, %swap3A_2681] : memref<128x768xi32, #tpu.memory_space<vmem>>, vector<128x128xi32>
    tpu.vector_store %arg7[%swap3A_2680, %swap3A_2681], %squeeze3A_2679 {strides = array<i32>} : memref<128x768xi32, #tpu.memory_space<vmem>>, vector<128x128xi32>,
    %mul3A_2683 = arith.constant 128 : i32
    %mul3A_2684 = vector.broadcast %mul3A_2683 : i32 to vector<128x8x128xi32>
    %mul3A_2685 = arith.muli %iota3A_64, %mul3A_2684 : vector<128x8x128xi32>
    %add3A_2686 = arith.constant 0 : i32
    %add3A_2687 = vector.broadcast %add3A_2686 : i32 to vector<128x8x128xi32>
    %add3A_2688 = arith.addi %mul3A_2685, %add3A_2687 : vector<128x8x128xi32>
    %add3A_2689 = arith.addi %add3A_2688, %iota3A : vector<128x8x128xi32>
    %eq3A_2690 = vector.broadcast %broadcast_in_dim3A_2674 : vector<128x1x128xi32> to vector<128x8x128xi32>
    %eq3A_2691 = arith.cmpi eq, %add3A_2689, %eq3A_2690 : vector<128x8x128xi32>
    %get3A_2692 = arith.constant 0 : index
    %get3A_2693 = arith.constant 0 : index
    %get3A_2694 = arith.constant 0 : index
    %get3A_2695 = arith.constant 0 : index
    %get3A_2696 = vector.load %arg5[%get3A_2692, %get3A_2693, %get3A_2694, %get3A_2695] : memref<128x16x8x128xf32, #tpu.memory_space<vmem>>, vector<128x1x8x128xf32>
    %get3A_2697 = vector.shape_cast %get3A_2696 : vector<128x1x8x128xf32> to vector<128x8x128xf32>
    %jit3A_2698 = arith.constant 1.000000e+10 : f32
    %broadcast_in_dim3A_2699 = vector.broadcast %jit3A_2698 : f32 to vector<128x8x128xf32>
    %select_n3A_2700 = arith.select %eq3A_2691, %broadcast_in_dim3A_2699, %get3A_2697 : vector<128x8x128xi1>, vector<128x8x128xf32>
    %swap3A_2701 = arith.constant 0 : index
    %swap3A_2702 = arith.constant 0 : index
    %swap3A_2703 = arith.constant 0 : index
    %swap3A_2704 = arith.constant 0 : index
    %swap3A_2705 = vector.load %arg5[%swap3A_2701, %swap3A_2702, %swap3A_2703, %swap3A_2704] : memref<128x16x8x128xf32, #tpu.memory_space<vmem>>, vector<128x1x8x128xf32>
    %swap3A_2706 = vector.shape_cast %swap3A_2705 : vector<128x1x8x128xf32> to vector<128x8x128xf32>
    %swap3A_2707 = vector.shape_cast %select_n3A_2700 : vector<128x8x128xf32> to vector<128x1x8x128xf32>
    tpu.vector_store %arg5[%swap3A_2701, %swap3A_2702, %swap3A_2703, %swap3A_2704], %swap3A_2707 {strides = array<i32>} : memref<128x16x8x128xf32, #tpu.memory_space<vmem>>, vector<128x1x8x128xf32>,
    %mul3A_2708 = arith.constant 128 : i32
    %mul3A_2709 = vector.broadcast %mul3A_2708 : i32 to vector<128x8x128xi32>
    %mul3A_2710 = arith.muli %iota3A_64, %mul3A_2709 : vector<128x8x128xi32>
    %add3A_2711 = arith.constant 8 : i32
    %add3A_2712 = vector.broadcast %add3A_2711 : i32 to vector<128x8x128xi32>
    %add3A_2713 = arith.addi %mul3A_2710, %add3A_2712 : vector<128x8x128xi32>
    %add3A_2714 = arith.addi %add3A_2713, %iota3A : vector<128x8x128xi32>
    %eq3A_2715 = vector.broadcast %broadcast_in_dim3A_2674 : vector<128x1x128xi32> to vector<128x8x128xi32>
    %eq3A_2716 = arith.cmpi eq, %add3A_2714, %eq3A_2715 : vector<128x8x128xi32>
    %get3A_2717 = arith.constant 0 : index
    %get3A_2718 = arith.constant 1 : index
    %get3A_2719 = arith.constant 0 : index
    %get3A_2720 = arith.constant 0 : index
    %get3A_2721 = vector.load %arg5[%get3A_2717, %get3A_2718, %get3A_2719, %get3A_2720] : memref<128x16x8x128xf32, #tpu.memory_space<vmem>>, vector<128x1x8x128xf32>
    %get3A_2722 = vector.shape_cast %get3A_2721 : vector<128x1x8x128xf32> to vector<128x8x128xf32>
    %jit3A_2723 = arith.constant 1.000000e+10 : f32
    %broadcast_in_dim3A_2724 = vector.broadcast %jit3A_2723 : f32 to vector<128x8x128xf32>
    %select_n3A_2725 = arith.select %eq3A_2716, %broadcast_in_dim3A_2724, %get3A_2722 : vector<128x8x128xi1>, vector<128x8x128xf32>
    %swap3A_2726 = arith.constant 0 : index
    %swap3A_2727 = arith.constant 1 : index
    %swap3A_2728 = arith.constant 0 : index
    %swap3A_2729 = arith.constant 0 : index
    %swap3A_2730 = vector.load %arg5[%swap3A_2726, %swap3A_2727, %swap3A_2728, %swap3A_2729] : memref<128x16x8x128xf32, #tpu.memory_space<vmem>>, vector<128x1x8x128xf32>
    %swap3A_2731 = vector.shape_cast %swap3A_2730 : vector<128x1x8x128xf32> to vector<128x8x128xf32>
    %swap3A_2732 = vector.shape_cast %select_n3A_2725 : vector<128x8x128xf32> to vector<128x1x8x128xf32>
    tpu.vector_store %arg5[%swap3A_2726, %swap3A_2727, %swap3A_2728, %swap3A_2729], %swap3A_2732 {strides = array<i32>} : memref<128x16x8x128xf32, #tpu.memory_space<vmem>>, vector<128x1x8x128xf32>,
    %min3A_2733 = arith.minimumf %select_n3A_2700, %select_n3A_2725 : vector<128x8x128xf32>
    %mul3A_2734 = arith.constant 128 : i32
    %mul3A_2735 = vector.broadcast %mul3A_2734 : i32 to vector<128x8x128xi32>
    %mul3A_2736 = arith.muli %iota3A_64, %mul3A_2735 : vector<128x8x128xi32>
    %add3A_2737 = arith.constant 16 : i32
    %add3A_2738 = vector.broadcast %add3A_2737 : i32 to vector<128x8x128xi32>
    %add3A_2739 = arith.addi %mul3A_2736, %add3A_2738 : vector<128x8x128xi32>
    %add3A_2740 = arith.addi %add3A_2739, %iota3A : vector<128x8x128xi32>
    %eq3A_2741 = vector.broadcast %broadcast_in_dim3A_2674 : vector<128x1x128xi32> to vector<128x8x128xi32>
    %eq3A_2742 = arith.cmpi eq, %add3A_2740, %eq3A_2741 : vector<128x8x128xi32>
    %get3A_2743 = arith.constant 0 : index
    %get3A_2744 = arith.constant 2 : index
    %get3A_2745 = arith.constant 0 : index
    %get3A_2746 = arith.constant 0 : index
    %get3A_2747 = vector.load %arg5[%get3A_2743, %get3A_2744, %get3A_2745, %get3A_2746] : memref<128x16x8x128xf32, #tpu.memory_space<vmem>>, vector<128x1x8x128xf32>
    %get3A_2748 = vector.shape_cast %get3A_2747 : vector<128x1x8x128xf32> to vector<128x8x128xf32>
    %jit3A_2749 = arith.constant 1.000000e+10 : f32
    %broadcast_in_dim3A_2750 = vector.broadcast %jit3A_2749 : f32 to vector<128x8x128xf32>
    %select_n3A_2751 = arith.select %eq3A_2742, %broadcast_in_dim3A_2750, %get3A_2748 : vector<128x8x128xi1>, vector<128x8x128xf32>
    %swap3A_2752 = arith.constant 0 : index
    %swap3A_2753 = arith.constant 2 : index
    %swap3A_2754 = arith.constant 0 : index
    %swap3A_2755 = arith.constant 0 : index
    %swap3A_2756 = vector.load %arg5[%swap3A_2752, %swap3A_2753, %swap3A_2754, %swap3A_2755] : memref<128x16x8x128xf32, #tpu.memory_space<vmem>>, vector<128x1x8x128xf32>
    %swap3A_2757 = vector.shape_cast %swap3A_2756 : vector<128x1x8x128xf32> to vector<128x8x128xf32>
    %swap3A_2758 = vector.shape_cast %select_n3A_2751 : vector<128x8x128xf32> to vector<128x1x8x128xf32>
    tpu.vector_store %arg5[%swap3A_2752, %swap3A_2753, %swap3A_2754, %swap3A_2755], %swap3A_2758 {strides = array<i32>} : memref<128x16x8x128xf32, #tpu.memory_space<vmem>>, vector<128x1x8x128xf32>,
    %min3A_2759 = arith.minimumf %min3A_2733, %select_n3A_2751 : vector<128x8x128xf32>
    %mul3A_2760 = arith.constant 128 : i32
    %mul3A_2761 = vector.broadcast %mul3A_2760 : i32 to vector<128x8x128xi32>
    %mul3A_2762 = arith.muli %iota3A_64, %mul3A_2761 : vector<128x8x128xi32>
    %add3A_2763 = arith.constant 24 : i32
    %add3A_2764 = vector.broadcast %add3A_2763 : i32 to vector<128x8x128xi32>
    %add3A_2765 = arith.addi %mul3A_2762, %add3A_2764 : vector<128x8x128xi32>
    %add3A_2766 = arith.addi %add3A_2765, %iota3A : vector<128x8x128xi32>
    %eq3A_2767 = vector.broadcast %broadcast_in_dim3A_2674 : vector<128x1x128xi32> to vector<128x8x128xi32>
    %eq3A_2768 = arith.cmpi eq, %add3A_2766, %eq3A_2767 : vector<128x8x128xi32>
    %get3A_2769 = arith.constant 0 : index
    %get3A_2770 = arith.constant 3 : index
    %get3A_2771 = arith.constant 0 : index
    %get3A_2772 = arith.constant 0 : index
    %get3A_2773 = vector.load %arg5[%get3A_2769, %get3A_2770, %get3A_2771, %get3A_2772] : memref<128x16x8x128xf32, #tpu.memory_space<vmem>>, vector<128x1x8x128xf32>
    %get3A_2774 = vector.shape_cast %get3A_2773 : vector<128x1x8x128xf32> to vector<128x8x128xf32>
    %jit3A_2775 = arith.constant 1.000000e+10 : f32
    %broadcast_in_dim3A_2776 = vector.broadcast %jit3A_2775 : f32 to vector<128x8x128xf32>
    %select_n3A_2777 = arith.select %eq3A_2768, %broadcast_in_dim3A_2776, %get3A_2774 : vector<128x8x128xi1>, vector<128x8x128xf32>
    %swap3A_2778 = arith.constant 0 : index
    %swap3A_2779 = arith.constant 3 : index
    %swap3A_2780 = arith.constant 0 : index
    %swap3A_2781 = arith.constant 0 : index
    %swap3A_2782 = vector.load %arg5[%swap3A_2778, %swap3A_2779, %swap3A_2780, %swap3A_2781] : memref<128x16x8x128xf32, #tpu.memory_space<vmem>>, vector<128x1x8x128xf32>
    %swap3A_2783 = vector.shape_cast %swap3A_2782 : vector<128x1x8x128xf32> to vector<128x8x128xf32>
    %swap3A_2784 = vector.shape_cast %select_n3A_2777 : vector<128x8x128xf32> to vector<128x1x8x128xf32>
    tpu.vector_store %arg5[%swap3A_2778, %swap3A_2779, %swap3A_2780, %swap3A_2781], %swap3A_2784 {strides = array<i32>} : memref<128x16x8x128xf32, #tpu.memory_space<vmem>>, vector<128x1x8x128xf32>,
    %min3A_2785 = arith.minimumf %min3A_2759, %select_n3A_2777 : vector<128x8x128xf32>
    %mul3A_2786 = arith.constant 128 : i32
    %mul3A_2787 = vector.broadcast %mul3A_2786 : i32 to vector<128x8x128xi32>
    %mul3A_2788 = arith.muli %iota3A_64, %mul3A_2787 : vector<128x8x128xi32>
    %add3A_2789 = arith.constant 32 : i32
    %add3A_2790 = vector.broadcast %add3A_2789 : i32 to vector<128x8x128xi32>
    %add3A_2791 = arith.addi %mul3A_2788, %add3A_2790 : vector<128x8x128xi32>
    %add3A_2792 = arith.addi %add3A_2791, %iota3A : vector<128x8x128xi32>
    %eq3A_2793 = vector.broadcast %broadcast_in_dim3A_2674 : vector<128x1x128xi32> to vector<128x8x128xi32>
    %eq3A_2794 = arith.cmpi eq, %add3A_2792, %eq3A_2793 : vector<128x8x128xi32>
    %get3A_2795 = arith.constant 0 : index
    %get3A_2796 = arith.constant 4 : index
    %get3A_2797 = arith.constant 0 : index
    %get3A_2798 = arith.constant 0 : index
    %get3A_2799 = vector.load %arg5[%get3A_2795, %get3A_2796, %get3A_2797, %get3A_2798] : memref<128x16x8x128xf32, #tpu.memory_space<vmem>>, vector<128x1x8x128xf32>
    %get3A_2800 = vector.shape_cast %get3A_2799 : vector<128x1x8x128xf32> to vector<128x8x128xf32>
    %jit3A_2801 = arith.constant 1.000000e+10 : f32
    %broadcast_in_dim3A_2802 = vector.broadcast %jit3A_2801 : f32 to vector<128x8x128xf32>
    %select_n3A_2803 = arith.select %eq3A_2794, %broadcast_in_dim3A_2802, %get3A_2800 : vector<128x8x128xi1>, vector<128x8x128xf32>
    %swap3A_2804 = arith.constant 0 : index
    %swap3A_2805 = arith.constant 4 : index
    %swap3A_2806 = arith.constant 0 : index
    %swap3A_2807 = arith.constant 0 : index
    %swap3A_2808 = vector.load %arg5[%swap3A_2804, %swap3A_2805, %swap3A_2806, %swap3A_2807] : memref<128x16x8x128xf32, #tpu.memory_space<vmem>>, vector<128x1x8x128xf32>
    %swap3A_2809 = vector.shape_cast %swap3A_2808 : vector<128x1x8x128xf32> to vector<128x8x128xf32>
    %swap3A_2810 = vector.shape_cast %select_n3A_2803 : vector<128x8x128xf32> to vector<128x1x8x128xf32>
    tpu.vector_store %arg5[%swap3A_2804, %swap3A_2805, %swap3A_2806, %swap3A_2807], %swap3A_2810 {strides = array<i32>} : memref<128x16x8x128xf32, #tpu.memory_space<vmem>>, vector<128x1x8x128xf32>,
    %min3A_2811 = arith.minimumf %min3A_2785, %select_n3A_2803 : vector<128x8x128xf32>
    %mul3A_2812 = arith.constant 128 : i32
    %mul3A_2813 = vector.broadcast %mul3A_2812 : i32 to vector<128x8x128xi32>
    %mul3A_2814 = arith.muli %iota3A_64, %mul3A_2813 : vector<128x8x128xi32>
    %add3A_2815 = arith.constant 40 : i32
    %add3A_2816 = vector.broadcast %add3A_2815 : i32 to vector<128x8x128xi32>
    %add3A_2817 = arith.addi %mul3A_2814, %add3A_2816 : vector<128x8x128xi32>
    %add3A_2818 = arith.addi %add3A_2817, %iota3A : vector<128x8x128xi32>
    %eq3A_2819 = vector.broadcast %broadcast_in_dim3A_2674 : vector<128x1x128xi32> to vector<128x8x128xi32>
    %eq3A_2820 = arith.cmpi eq, %add3A_2818, %eq3A_2819 : vector<128x8x128xi32>
    %get3A_2821 = arith.constant 0 : index
    %get3A_2822 = arith.constant 5 : index
    %get3A_2823 = arith.constant 0 : index
    %get3A_2824 = arith.constant 0 : index
    %get3A_2825 = vector.load %arg5[%get3A_2821, %get3A_2822, %get3A_2823, %get3A_2824] : memref<128x16x8x128xf32, #tpu.memory_space<vmem>>, vector<128x1x8x128xf32>
    %get3A_2826 = vector.shape_cast %get3A_2825 : vector<128x1x8x128xf32> to vector<128x8x128xf32>
    %jit3A_2827 = arith.constant 1.000000e+10 : f32
    %broadcast_in_dim3A_2828 = vector.broadcast %jit3A_2827 : f32 to vector<128x8x128xf32>
    %select_n3A_2829 = arith.select %eq3A_2820, %broadcast_in_dim3A_2828, %get3A_2826 : vector<128x8x128xi1>, vector<128x8x128xf32>
    %swap3A_2830 = arith.constant 0 : index
    %swap3A_2831 = arith.constant 5 : index
    %swap3A_2832 = arith.constant 0 : index
    %swap3A_2833 = arith.constant 0 : index
    %swap3A_2834 = vector.load %arg5[%swap3A_2830, %swap3A_2831, %swap3A_2832, %swap3A_2833] : memref<128x16x8x128xf32, #tpu.memory_space<vmem>>, vector<128x1x8x128xf32>
    %swap3A_2835 = vector.shape_cast %swap3A_2834 : vector<128x1x8x128xf32> to vector<128x8x128xf32>
    %swap3A_2836 = vector.shape_cast %select_n3A_2829 : vector<128x8x128xf32> to vector<128x1x8x128xf32>
    tpu.vector_store %arg5[%swap3A_2830, %swap3A_2831, %swap3A_2832, %swap3A_2833], %swap3A_2836 {strides = array<i32>} : memref<128x16x8x128xf32, #tpu.memory_space<vmem>>, vector<128x1x8x128xf32>,
    %min3A_2837 = arith.minimumf %min3A_2811, %select_n3A_2829 : vector<128x8x128xf32>
    %mul3A_2838 = arith.constant 128 : i32
    %mul3A_2839 = vector.broadcast %mul3A_2838 : i32 to vector<128x8x128xi32>
    %mul3A_2840 = arith.muli %iota3A_64, %mul3A_2839 : vector<128x8x128xi32>
    %add3A_2841 = arith.constant 48 : i32
    %add3A_2842 = vector.broadcast %add3A_2841 : i32 to vector<128x8x128xi32>
    %add3A_2843 = arith.addi %mul3A_2840, %add3A_2842 : vector<128x8x128xi32>
    %add3A_2844 = arith.addi %add3A_2843, %iota3A : vector<128x8x128xi32>
    %eq3A_2845 = vector.broadcast %broadcast_in_dim3A_2674 : vector<128x1x128xi32> to vector<128x8x128xi32>
    %eq3A_2846 = arith.cmpi eq, %add3A_2844, %eq3A_2845 : vector<128x8x128xi32>
    %get3A_2847 = arith.constant 0 : index
    %get3A_2848 = arith.constant 6 : index
    %get3A_2849 = arith.constant 0 : index
    %get3A_2850 = arith.constant 0 : index
    %get3A_2851 = vector.load %arg5[%get3A_2847, %get3A_2848, %get3A_2849, %get3A_2850] : memref<128x16x8x128xf32, #tpu.memory_space<vmem>>, vector<128x1x8x128xf32>
    %get3A_2852 = vector.shape_cast %get3A_2851 : vector<128x1x8x128xf32> to vector<128x8x128xf32>
    %jit3A_2853 = arith.constant 1.000000e+10 : f32
    %broadcast_in_dim3A_2854 = vector.broadcast %jit3A_2853 : f32 to vector<128x8x128xf32>
    %select_n3A_2855 = arith.select %eq3A_2846, %broadcast_in_dim3A_2854, %get3A_2852 : vector<128x8x128xi1>, vector<128x8x128xf32>
    %swap3A_2856 = arith.constant 0 : index
    %swap3A_2857 = arith.constant 6 : index
    %swap3A_2858 = arith.constant 0 : index
    %swap3A_2859 = arith.constant 0 : index
    %swap3A_2860 = vector.load %arg5[%swap3A_2856, %swap3A_2857, %swap3A_2858, %swap3A_2859] : memref<128x16x8x128xf32, #tpu.memory_space<vmem>>, vector<128x1x8x128xf32>
    %swap3A_2861 = vector.shape_cast %swap3A_2860 : vector<128x1x8x128xf32> to vector<128x8x128xf32>
    %swap3A_2862 = vector.shape_cast %select_n3A_2855 : vector<128x8x128xf32> to vector<128x1x8x128xf32>
    tpu.vector_store %arg5[%swap3A_2856, %swap3A_2857, %swap3A_2858, %swap3A_2859], %swap3A_2862 {strides = array<i32>} : memref<128x16x8x128xf32, #tpu.memory_space<vmem>>, vector<128x1x8x128xf32>,
    %min3A_2863 = arith.minimumf %min3A_2837, %select_n3A_2855 : vector<128x8x128xf32>
    %mul3A_2864 = arith.constant 128 : i32
    %mul3A_2865 = vector.broadcast %mul3A_2864 : i32 to vector<128x8x128xi32>
    %mul3A_2866 = arith.muli %iota3A_64, %mul3A_2865 : vector<128x8x128xi32>
    %add3A_2867 = arith.constant 56 : i32
    %add3A_2868 = vector.broadcast %add3A_2867 : i32 to vector<128x8x128xi32>
    %add3A_2869 = arith.addi %mul3A_2866, %add3A_2868 : vector<128x8x128xi32>
    %add3A_2870 = arith.addi %add3A_2869, %iota3A : vector<128x8x128xi32>
    %eq3A_2871 = vector.broadcast %broadcast_in_dim3A_2674 : vector<128x1x128xi32> to vector<128x8x128xi32>
    %eq3A_2872 = arith.cmpi eq, %add3A_2870, %eq3A_2871 : vector<128x8x128xi32>
    %get3A_2873 = arith.constant 0 : index
    %get3A_2874 = arith.constant 7 : index
    %get3A_2875 = arith.constant 0 : index
    %get3A_2876 = arith.constant 0 : index
    %get3A_2877 = vector.load %arg5[%get3A_2873, %get3A_2874, %get3A_2875, %get3A_2876] : memref<128x16x8x128xf32, #tpu.memory_space<vmem>>, vector<128x1x8x128xf32>
    %get3A_2878 = vector.shape_cast %get3A_2877 : vector<128x1x8x128xf32> to vector<128x8x128xf32>
    %jit3A_2879 = arith.constant 1.000000e+10 : f32
    %broadcast_in_dim3A_2880 = vector.broadcast %jit3A_2879 : f32 to vector<128x8x128xf32>
    %select_n3A_2881 = arith.select %eq3A_2872, %broadcast_in_dim3A_2880, %get3A_2878 : vector<128x8x128xi1>, vector<128x8x128xf32>
    %swap3A_2882 = arith.constant 0 : index
    %swap3A_2883 = arith.constant 7 : index
    %swap3A_2884 = arith.constant 0 : index
    %swap3A_2885 = arith.constant 0 : index
    %swap3A_2886 = vector.load %arg5[%swap3A_2882, %swap3A_2883, %swap3A_2884, %swap3A_2885] : memref<128x16x8x128xf32, #tpu.memory_space<vmem>>, vector<128x1x8x128xf32>
    %swap3A_2887 = vector.shape_cast %swap3A_2886 : vector<128x1x8x128xf32> to vector<128x8x128xf32>
    %swap3A_2888 = vector.shape_cast %select_n3A_2881 : vector<128x8x128xf32> to vector<128x1x8x128xf32>
    tpu.vector_store %arg5[%swap3A_2882, %swap3A_2883, %swap3A_2884, %swap3A_2885], %swap3A_2888 {strides = array<i32>} : memref<128x16x8x128xf32, #tpu.memory_space<vmem>>, vector<128x1x8x128xf32>,
    %min3A_2889 = arith.minimumf %min3A_2863, %select_n3A_2881 : vector<128x8x128xf32>
    %mul3A_2890 = arith.constant 128 : i32
    %mul3A_2891 = vector.broadcast %mul3A_2890 : i32 to vector<128x8x128xi32>
    %mul3A_2892 = arith.muli %iota3A_64, %mul3A_2891 : vector<128x8x128xi32>
    %add3A_2893 = arith.constant 64 : i32
    %add3A_2894 = vector.broadcast %add3A_2893 : i32 to vector<128x8x128xi32>
    %add3A_2895 = arith.addi %mul3A_2892, %add3A_2894 : vector<128x8x128xi32>
    %add3A_2896 = arith.addi %add3A_2895, %iota3A : vector<128x8x128xi32>
    %eq3A_2897 = vector.broadcast %broadcast_in_dim3A_2674 : vector<128x1x128xi32> to vector<128x8x128xi32>
    %eq3A_2898 = arith.cmpi eq, %add3A_2896, %eq3A_2897 : vector<128x8x128xi32>
    %get3A_2899 = arith.constant 0 : index
    %get3A_2900 = arith.constant 8 : index
    %get3A_2901 = arith.constant 0 : index
    %get3A_2902 = arith.constant 0 : index
    %get3A_2903 = vector.load %arg5[%get3A_2899, %get3A_2900, %get3A_2901, %get3A_2902] : memref<128x16x8x128xf32, #tpu.memory_space<vmem>>, vector<128x1x8x128xf32>
    %get3A_2904 = vector.shape_cast %get3A_2903 : vector<128x1x8x128xf32> to vector<128x8x128xf32>
    %jit3A_2905 = arith.constant 1.000000e+10 : f32
    %broadcast_in_dim3A_2906 = vector.broadcast %jit3A_2905 : f32 to vector<128x8x128xf32>
    %select_n3A_2907 = arith.select %eq3A_2898, %broadcast_in_dim3A_2906, %get3A_2904 : vector<128x8x128xi1>, vector<128x8x128xf32>
    %swap3A_2908 = arith.constant 0 : index
    %swap3A_2909 = arith.constant 8 : index
    %swap3A_2910 = arith.constant 0 : index
    %swap3A_2911 = arith.constant 0 : index
    %swap3A_2912 = vector.load %arg5[%swap3A_2908, %swap3A_2909, %swap3A_2910, %swap3A_2911] : memref<128x16x8x128xf32, #tpu.memory_space<vmem>>, vector<128x1x8x128xf32>
    %swap3A_2913 = vector.shape_cast %swap3A_2912 : vector<128x1x8x128xf32> to vector<128x8x128xf32>
    %swap3A_2914 = vector.shape_cast %select_n3A_2907 : vector<128x8x128xf32> to vector<128x1x8x128xf32>
    tpu.vector_store %arg5[%swap3A_2908, %swap3A_2909, %swap3A_2910, %swap3A_2911], %swap3A_2914 {strides = array<i32>} : memref<128x16x8x128xf32, #tpu.memory_space<vmem>>, vector<128x1x8x128xf32>,
    %min3A_2915 = arith.minimumf %min3A_2889, %select_n3A_2907 : vector<128x8x128xf32>
    %mul3A_2916 = arith.constant 128 : i32
    %mul3A_2917 = vector.broadcast %mul3A_2916 : i32 to vector<128x8x128xi32>
    %mul3A_2918 = arith.muli %iota3A_64, %mul3A_2917 : vector<128x8x128xi32>
    %add3A_2919 = arith.constant 72 : i32
    %add3A_2920 = vector.broadcast %add3A_2919 : i32 to vector<128x8x128xi32>
    %add3A_2921 = arith.addi %mul3A_2918, %add3A_2920 : vector<128x8x128xi32>
    %add3A_2922 = arith.addi %add3A_2921, %iota3A : vector<128x8x128xi32>
    %eq3A_2923 = vector.broadcast %broadcast_in_dim3A_2674 : vector<128x1x128xi32> to vector<128x8x128xi32>
    %eq3A_2924 = arith.cmpi eq, %add3A_2922, %eq3A_2923 : vector<128x8x128xi32>
    %get3A_2925 = arith.constant 0 : index
    %get3A_2926 = arith.constant 9 : index
    %get3A_2927 = arith.constant 0 : index
    %get3A_2928 = arith.constant 0 : index
    %get3A_2929 = vector.load %arg5[%get3A_2925, %get3A_2926, %get3A_2927, %get3A_2928] : memref<128x16x8x128xf32, #tpu.memory_space<vmem>>, vector<128x1x8x128xf32>
    %get3A_2930 = vector.shape_cast %get3A_2929 : vector<128x1x8x128xf32> to vector<128x8x128xf32>
    %jit3A_2931 = arith.constant 1.000000e+10 : f32
    %broadcast_in_dim3A_2932 = vector.broadcast %jit3A_2931 : f32 to vector<128x8x128xf32>
    %select_n3A_2933 = arith.select %eq3A_2924, %broadcast_in_dim3A_2932, %get3A_2930 : vector<128x8x128xi1>, vector<128x8x128xf32>
    %swap3A_2934 = arith.constant 0 : index
    %swap3A_2935 = arith.constant 9 : index
    %swap3A_2936 = arith.constant 0 : index
    %swap3A_2937 = arith.constant 0 : index
    %swap3A_2938 = vector.load %arg5[%swap3A_2934, %swap3A_2935, %swap3A_2936, %swap3A_2937] : memref<128x16x8x128xf32, #tpu.memory_space<vmem>>, vector<128x1x8x128xf32>
    %swap3A_2939 = vector.shape_cast %swap3A_2938 : vector<128x1x8x128xf32> to vector<128x8x128xf32>
    %swap3A_2940 = vector.shape_cast %select_n3A_2933 : vector<128x8x128xf32> to vector<128x1x8x128xf32>
    tpu.vector_store %arg5[%swap3A_2934, %swap3A_2935, %swap3A_2936, %swap3A_2937], %swap3A_2940 {strides = array<i32>} : memref<128x16x8x128xf32, #tpu.memory_space<vmem>>, vector<128x1x8x128xf32>,
    %min3A_2941 = arith.minimumf %min3A_2915, %select_n3A_2933 : vector<128x8x128xf32>
    %mul3A_2942 = arith.constant 128 : i32
    %mul3A_2943 = vector.broadcast %mul3A_2942 : i32 to vector<128x8x128xi32>
    %mul3A_2944 = arith.muli %iota3A_64, %mul3A_2943 : vector<128x8x128xi32>
    %add3A_2945 = arith.constant 80 : i32
    %add3A_2946 = vector.broadcast %add3A_2945 : i32 to vector<128x8x128xi32>
    %add3A_2947 = arith.addi %mul3A_2944, %add3A_2946 : vector<128x8x128xi32>
    %add3A_2948 = arith.addi %add3A_2947, %iota3A : vector<128x8x128xi32>
    %eq3A_2949 = vector.broadcast %broadcast_in_dim3A_2674 : vector<128x1x128xi32> to vector<128x8x128xi32>
    %eq3A_2950 = arith.cmpi eq, %add3A_2948, %eq3A_2949 : vector<128x8x128xi32>
    %get3A_2951 = arith.constant 0 : index
    %get3A_2952 = arith.constant 10 : index
    %get3A_2953 = arith.constant 0 : index
    %get3A_2954 = arith.constant 0 : index
    %get3A_2955 = vector.load %arg5[%get3A_2951, %get3A_2952, %get3A_2953, %get3A_2954] : memref<128x16x8x128xf32, #tpu.memory_space<vmem>>, vector<128x1x8x128xf32>
    %get3A_2956 = vector.shape_cast %get3A_2955 : vector<128x1x8x128xf32> to vector<128x8x128xf32>
    %jit3A_2957 = arith.constant 1.000000e+10 : f32
    %broadcast_in_dim3A_2958 = vector.broadcast %jit3A_2957 : f32 to vector<128x8x128xf32>
    %select_n3A_2959 = arith.select %eq3A_2950, %broadcast_in_dim3A_2958, %get3A_2956 : vector<128x8x128xi1>, vector<128x8x128xf32>
    %swap3A_2960 = arith.constant 0 : index
    %swap3A_2961 = arith.constant 10 : index
    %swap3A_2962 = arith.constant 0 : index
    %swap3A_2963 = arith.constant 0 : index
    %swap3A_2964 = vector.load %arg5[%swap3A_2960, %swap3A_2961, %swap3A_2962, %swap3A_2963] : memref<128x16x8x128xf32, #tpu.memory_space<vmem>>, vector<128x1x8x128xf32>
    %swap3A_2965 = vector.shape_cast %swap3A_2964 : vector<128x1x8x128xf32> to vector<128x8x128xf32>
    %swap3A_2966 = vector.shape_cast %select_n3A_2959 : vector<128x8x128xf32> to vector<128x1x8x128xf32>
    tpu.vector_store %arg5[%swap3A_2960, %swap3A_2961, %swap3A_2962, %swap3A_2963], %swap3A_2966 {strides = array<i32>} : memref<128x16x8x128xf32, #tpu.memory_space<vmem>>, vector<128x1x8x128xf32>,
    %min3A_2967 = arith.minimumf %min3A_2941, %select_n3A_2959 : vector<128x8x128xf32>
    %mul3A_2968 = arith.constant 128 : i32
    %mul3A_2969 = vector.broadcast %mul3A_2968 : i32 to vector<128x8x128xi32>
    %mul3A_2970 = arith.muli %iota3A_64, %mul3A_2969 : vector<128x8x128xi32>
    %add3A_2971 = arith.constant 88 : i32
    %add3A_2972 = vector.broadcast %add3A_2971 : i32 to vector<128x8x128xi32>
    %add3A_2973 = arith.addi %mul3A_2970, %add3A_2972 : vector<128x8x128xi32>
    %add3A_2974 = arith.addi %add3A_2973, %iota3A : vector<128x8x128xi32>
    %eq3A_2975 = vector.broadcast %broadcast_in_dim3A_2674 : vector<128x1x128xi32> to vector<128x8x128xi32>
    %eq3A_2976 = arith.cmpi eq, %add3A_2974, %eq3A_2975 : vector<128x8x128xi32>
    %get3A_2977 = arith.constant 0 : index
    %get3A_2978 = arith.constant 11 : index
    %get3A_2979 = arith.constant 0 : index
    %get3A_2980 = arith.constant 0 : index
    %get3A_2981 = vector.load %arg5[%get3A_2977, %get3A_2978, %get3A_2979, %get3A_2980] : memref<128x16x8x128xf32, #tpu.memory_space<vmem>>, vector<128x1x8x128xf32>
    %get3A_2982 = vector.shape_cast %get3A_2981 : vector<128x1x8x128xf32> to vector<128x8x128xf32>
    %jit3A_2983 = arith.constant 1.000000e+10 : f32
    %broadcast_in_dim3A_2984 = vector.broadcast %jit3A_2983 : f32 to vector<128x8x128xf32>
    %select_n3A_2985 = arith.select %eq3A_2976, %broadcast_in_dim3A_2984, %get3A_2982 : vector<128x8x128xi1>, vector<128x8x128xf32>
    %swap3A_2986 = arith.constant 0 : index
    %swap3A_2987 = arith.constant 11 : index
    %swap3A_2988 = arith.constant 0 : index
    %swap3A_2989 = arith.constant 0 : index
    %swap3A_2990 = vector.load %arg5[%swap3A_2986, %swap3A_2987, %swap3A_2988, %swap3A_2989] : memref<128x16x8x128xf32, #tpu.memory_space<vmem>>, vector<128x1x8x128xf32>
    %swap3A_2991 = vector.shape_cast %swap3A_2990 : vector<128x1x8x128xf32> to vector<128x8x128xf32>
    %swap3A_2992 = vector.shape_cast %select_n3A_2985 : vector<128x8x128xf32> to vector<128x1x8x128xf32>
    tpu.vector_store %arg5[%swap3A_2986, %swap3A_2987, %swap3A_2988, %swap3A_2989], %swap3A_2992 {strides = array<i32>} : memref<128x16x8x128xf32, #tpu.memory_space<vmem>>, vector<128x1x8x128xf32>,
    %min3A_2993 = arith.minimumf %min3A_2967, %select_n3A_2985 : vector<128x8x128xf32>
    %mul3A_2994 = arith.constant 128 : i32
    %mul3A_2995 = vector.broadcast %mul3A_2994 : i32 to vector<128x8x128xi32>
    %mul3A_2996 = arith.muli %iota3A_64, %mul3A_2995 : vector<128x8x128xi32>
    %add3A_2997 = arith.constant 96 : i32
    %add3A_2998 = vector.broadcast %add3A_2997 : i32 to vector<128x8x128xi32>
    %add3A_2999 = arith.addi %mul3A_2996, %add3A_2998 : vector<128x8x128xi32>
    %add3A_3000 = arith.addi %add3A_2999, %iota3A : vector<128x8x128xi32>
    %eq3A_3001 = vector.broadcast %broadcast_in_dim3A_2674 : vector<128x1x128xi32> to vector<128x8x128xi32>
    %eq3A_3002 = arith.cmpi eq, %add3A_3000, %eq3A_3001 : vector<128x8x128xi32>
    %get3A_3003 = arith.constant 0 : index
    %get3A_3004 = arith.constant 12 : index
    %get3A_3005 = arith.constant 0 : index
    %get3A_3006 = arith.constant 0 : index
    %get3A_3007 = vector.load %arg5[%get3A_3003, %get3A_3004, %get3A_3005, %get3A_3006] : memref<128x16x8x128xf32, #tpu.memory_space<vmem>>, vector<128x1x8x128xf32>
    %get3A_3008 = vector.shape_cast %get3A_3007 : vector<128x1x8x128xf32> to vector<128x8x128xf32>
    %jit3A_3009 = arith.constant 1.000000e+10 : f32
    %broadcast_in_dim3A_3010 = vector.broadcast %jit3A_3009 : f32 to vector<128x8x128xf32>
    %select_n3A_3011 = arith.select %eq3A_3002, %broadcast_in_dim3A_3010, %get3A_3008 : vector<128x8x128xi1>, vector<128x8x128xf32>
    %swap3A_3012 = arith.constant 0 : index
    %swap3A_3013 = arith.constant 12 : index
    %swap3A_3014 = arith.constant 0 : index
    %swap3A_3015 = arith.constant 0 : index
    %swap3A_3016 = vector.load %arg5[%swap3A_3012, %swap3A_3013, %swap3A_3014, %swap3A_3015] : memref<128x16x8x128xf32, #tpu.memory_space<vmem>>, vector<128x1x8x128xf32>
    %swap3A_3017 = vector.shape_cast %swap3A_3016 : vector<128x1x8x128xf32> to vector<128x8x128xf32>
    %swap3A_3018 = vector.shape_cast %select_n3A_3011 : vector<128x8x128xf32> to vector<128x1x8x128xf32>
    tpu.vector_store %arg5[%swap3A_3012, %swap3A_3013, %swap3A_3014, %swap3A_3015], %swap3A_3018 {strides = array<i32>} : memref<128x16x8x128xf32, #tpu.memory_space<vmem>>, vector<128x1x8x128xf32>,
    %min3A_3019 = arith.minimumf %min3A_2993, %select_n3A_3011 : vector<128x8x128xf32>
    %mul3A_3020 = arith.constant 128 : i32
    %mul3A_3021 = vector.broadcast %mul3A_3020 : i32 to vector<128x8x128xi32>
    %mul3A_3022 = arith.muli %iota3A_64, %mul3A_3021 : vector<128x8x128xi32>
    %add3A_3023 = arith.constant 104 : i32
    %add3A_3024 = vector.broadcast %add3A_3023 : i32 to vector<128x8x128xi32>
    %add3A_3025 = arith.addi %mul3A_3022, %add3A_3024 : vector<128x8x128xi32>
    %add3A_3026 = arith.addi %add3A_3025, %iota3A : vector<128x8x128xi32>
    %eq3A_3027 = vector.broadcast %broadcast_in_dim3A_2674 : vector<128x1x128xi32> to vector<128x8x128xi32>
    %eq3A_3028 = arith.cmpi eq, %add3A_3026, %eq3A_3027 : vector<128x8x128xi32>
    %get3A_3029 = arith.constant 0 : index
    %get3A_3030 = arith.constant 13 : index
    %get3A_3031 = arith.constant 0 : index
    %get3A_3032 = arith.constant 0 : index
    %get3A_3033 = vector.load %arg5[%get3A_3029, %get3A_3030, %get3A_3031, %get3A_3032] : memref<128x16x8x128xf32, #tpu.memory_space<vmem>>, vector<128x1x8x128xf32>
    %get3A_3034 = vector.shape_cast %get3A_3033 : vector<128x1x8x128xf32> to vector<128x8x128xf32>
    %jit3A_3035 = arith.constant 1.000000e+10 : f32
    %broadcast_in_dim3A_3036 = vector.broadcast %jit3A_3035 : f32 to vector<128x8x128xf32>
    %select_n3A_3037 = arith.select %eq3A_3028, %broadcast_in_dim3A_3036, %get3A_3034 : vector<128x8x128xi1>, vector<128x8x128xf32>
    %swap3A_3038 = arith.constant 0 : index
    %swap3A_3039 = arith.constant 13 : index
    %swap3A_3040 = arith.constant 0 : index
    %swap3A_3041 = arith.constant 0 : index
    %swap3A_3042 = vector.load %arg5[%swap3A_3038, %swap3A_3039, %swap3A_3040, %swap3A_3041] : memref<128x16x8x128xf32, #tpu.memory_space<vmem>>, vector<128x1x8x128xf32>
    %swap3A_3043 = vector.shape_cast %swap3A_3042 : vector<128x1x8x128xf32> to vector<128x8x128xf32>
    %swap3A_3044 = vector.shape_cast %select_n3A_3037 : vector<128x8x128xf32> to vector<128x1x8x128xf32>
    tpu.vector_store %arg5[%swap3A_3038, %swap3A_3039, %swap3A_3040, %swap3A_3041], %swap3A_3044 {strides = array<i32>} : memref<128x16x8x128xf32, #tpu.memory_space<vmem>>, vector<128x1x8x128xf32>,
    %min3A_3045 = arith.minimumf %min3A_3019, %select_n3A_3037 : vector<128x8x128xf32>
    %mul3A_3046 = arith.constant 128 : i32
    %mul3A_3047 = vector.broadcast %mul3A_3046 : i32 to vector<128x8x128xi32>
    %mul3A_3048 = arith.muli %iota3A_64, %mul3A_3047 : vector<128x8x128xi32>
    %add3A_3049 = arith.constant 112 : i32
    %add3A_3050 = vector.broadcast %add3A_3049 : i32 to vector<128x8x128xi32>
    %add3A_3051 = arith.addi %mul3A_3048, %add3A_3050 : vector<128x8x128xi32>
    %add3A_3052 = arith.addi %add3A_3051, %iota3A : vector<128x8x128xi32>
    %eq3A_3053 = vector.broadcast %broadcast_in_dim3A_2674 : vector<128x1x128xi32> to vector<128x8x128xi32>
    %eq3A_3054 = arith.cmpi eq, %add3A_3052, %eq3A_3053 : vector<128x8x128xi32>
    %get3A_3055 = arith.constant 0 : index
    %get3A_3056 = arith.constant 14 : index
    %get3A_3057 = arith.constant 0 : index
    %get3A_3058 = arith.constant 0 : index
    %get3A_3059 = vector.load %arg5[%get3A_3055, %get3A_3056, %get3A_3057, %get3A_3058] : memref<128x16x8x128xf32, #tpu.memory_space<vmem>>, vector<128x1x8x128xf32>
    %get3A_3060 = vector.shape_cast %get3A_3059 : vector<128x1x8x128xf32> to vector<128x8x128xf32>
    %jit3A_3061 = arith.constant 1.000000e+10 : f32
    %broadcast_in_dim3A_3062 = vector.broadcast %jit3A_3061 : f32 to vector<128x8x128xf32>
    %select_n3A_3063 = arith.select %eq3A_3054, %broadcast_in_dim3A_3062, %get3A_3060 : vector<128x8x128xi1>, vector<128x8x128xf32>
    %swap3A_3064 = arith.constant 0 : index
    %swap3A_3065 = arith.constant 14 : index
    %swap3A_3066 = arith.constant 0 : index
    %swap3A_3067 = arith.constant 0 : index
    %swap3A_3068 = vector.load %arg5[%swap3A_3064, %swap3A_3065, %swap3A_3066, %swap3A_3067] : memref<128x16x8x128xf32, #tpu.memory_space<vmem>>, vector<128x1x8x128xf32>
    %swap3A_3069 = vector.shape_cast %swap3A_3068 : vector<128x1x8x128xf32> to vector<128x8x128xf32>
    %swap3A_3070 = vector.shape_cast %select_n3A_3063 : vector<128x8x128xf32> to vector<128x1x8x128xf32>
    tpu.vector_store %arg5[%swap3A_3064, %swap3A_3065, %swap3A_3066, %swap3A_3067], %swap3A_3070 {strides = array<i32>} : memref<128x16x8x128xf32, #tpu.memory_space<vmem>>, vector<128x1x8x128xf32>,
    %min3A_3071 = arith.minimumf %min3A_3045, %select_n3A_3063 : vector<128x8x128xf32>
    %mul3A_3072 = arith.constant 128 : i32
    %mul3A_3073 = vector.broadcast %mul3A_3072 : i32 to vector<128x8x128xi32>
    %mul3A_3074 = arith.muli %iota3A_64, %mul3A_3073 : vector<128x8x128xi32>
    %add3A_3075 = arith.constant 120 : i32
    %add3A_3076 = vector.broadcast %add3A_3075 : i32 to vector<128x8x128xi32>
    %add3A_3077 = arith.addi %mul3A_3074, %add3A_3076 : vector<128x8x128xi32>
    %add3A_3078 = arith.addi %add3A_3077, %iota3A : vector<128x8x128xi32>
    %eq3A_3079 = vector.broadcast %broadcast_in_dim3A_2674 : vector<128x1x128xi32> to vector<128x8x128xi32>
    %eq3A_3080 = arith.cmpi eq, %add3A_3078, %eq3A_3079 : vector<128x8x128xi32>
    %get3A_3081 = arith.constant 0 : index
    %get3A_3082 = arith.constant 15 : index
    %get3A_3083 = arith.constant 0 : index
    %get3A_3084 = arith.constant 0 : index
    %get3A_3085 = vector.load %arg5[%get3A_3081, %get3A_3082, %get3A_3083, %get3A_3084] : memref<128x16x8x128xf32, #tpu.memory_space<vmem>>, vector<128x1x8x128xf32>
    %get3A_3086 = vector.shape_cast %get3A_3085 : vector<128x1x8x128xf32> to vector<128x8x128xf32>
    %jit3A_3087 = arith.constant 1.000000e+10 : f32
    %broadcast_in_dim3A_3088 = vector.broadcast %jit3A_3087 : f32 to vector<128x8x128xf32>
    %select_n3A_3089 = arith.select %eq3A_3080, %broadcast_in_dim3A_3088, %get3A_3086 : vector<128x8x128xi1>, vector<128x8x128xf32>
    %swap3A_3090 = arith.constant 0 : index
    %swap3A_3091 = arith.constant 15 : index
    %swap3A_3092 = arith.constant 0 : index
    %swap3A_3093 = arith.constant 0 : index
    %swap3A_3094 = vector.load %arg5[%swap3A_3090, %swap3A_3091, %swap3A_3092, %swap3A_3093] : memref<128x16x8x128xf32, #tpu.memory_space<vmem>>, vector<128x1x8x128xf32>
    %swap3A_3095 = vector.shape_cast %swap3A_3094 : vector<128x1x8x128xf32> to vector<128x8x128xf32>
    %swap3A_3096 = vector.shape_cast %select_n3A_3089 : vector<128x8x128xf32> to vector<128x1x8x128xf32>
    tpu.vector_store %arg5[%swap3A_3090, %swap3A_3091, %swap3A_3092, %swap3A_3093], %swap3A_3096 {strides = array<i32>} : memref<128x16x8x128xf32, #tpu.memory_space<vmem>>, vector<128x1x8x128xf32>,
    %min3A_3097 = arith.minimumf %min3A_3071, %select_n3A_3089 : vector<128x8x128xf32>
    %reduce_min3A_3098 = arith.constant dense<0x7F800000> : vector<128x128xf32>
    %reduce_min3A_3099 = vector.multi_reduction <minimumf>, %min3A_3097, %reduce_min3A_3098 [1] : vector<128x8x128xf32> to vector<128x128xf32>
    %broadcast_in_dim3A_3100 = vector.shape_cast %reduce_min3A_3099 : vector<128x128xf32> to vector<128x1x128xf32>
    %get3A_3101 = arith.constant 0 : index
    %get3A_3102 = arith.constant 0 : index
    %get3A_3103 = arith.constant 0 : index
    %get3A_3104 = arith.constant 0 : index
    %get3A_3105 = vector.load %arg5[%get3A_3101, %get3A_3102, %get3A_3103, %get3A_3104] : memref<128x16x8x128xf32, #tpu.memory_space<vmem>>, vector<128x1x8x128xf32>
    %get3A_3106 = vector.shape_cast %get3A_3105 : vector<128x1x8x128xf32> to vector<128x8x128xf32>
    %eq3A_3107 = vector.broadcast %broadcast_in_dim3A_3100 : vector<128x1x128xf32> to vector<128x8x128xf32>
    %eq3A_3108 = arith.cmpf oeq, %get3A_3106, %eq3A_3107 : vector<128x8x128xf32>
    %mul3A_3109 = arith.constant 128 : i32
    %mul3A_3110 = vector.broadcast %mul3A_3109 : i32 to vector<128x8x128xi32>
    %mul3A_3111 = arith.muli %iota3A_64, %mul3A_3110 : vector<128x8x128xi32>
    %add3A_3112 = arith.constant 0 : i32
    %add3A_3113 = vector.broadcast %add3A_3112 : i32 to vector<128x8x128xi32>
    %add3A_3114 = arith.addi %mul3A_3111, %add3A_3113 : vector<128x8x128xi32>
    %add3A_3115 = arith.addi %add3A_3114, %iota3A : vector<128x8x128xi32>
    %jit3A_3116 = arith.constant 16384 : i32
    %broadcast_in_dim3A_3117 = vector.broadcast %jit3A_3116 : i32 to vector<128x8x128xi32>
    %select_n3A_3118 = arith.select %eq3A_3108, %add3A_3115, %broadcast_in_dim3A_3117 : vector<128x8x128xi1>, vector<128x8x128xi32>
    %get3A_3119 = arith.constant 0 : index
    %get3A_3120 = arith.constant 1 : index
    %get3A_3121 = arith.constant 0 : index
    %get3A_3122 = arith.constant 0 : index
    %get3A_3123 = vector.load %arg5[%get3A_3119, %get3A_3120, %get3A_3121, %get3A_3122] : memref<128x16x8x128xf32, #tpu.memory_space<vmem>>, vector<128x1x8x128xf32>
    %get3A_3124 = vector.shape_cast %get3A_3123 : vector<128x1x8x128xf32> to vector<128x8x128xf32>
    %eq3A_3125 = vector.broadcast %broadcast_in_dim3A_3100 : vector<128x1x128xf32> to vector<128x8x128xf32>
    %eq3A_3126 = arith.cmpf oeq, %get3A_3124, %eq3A_3125 : vector<128x8x128xf32>
    %mul3A_3127 = arith.constant 128 : i32
    %mul3A_3128 = vector.broadcast %mul3A_3127 : i32 to vector<128x8x128xi32>
    %mul3A_3129 = arith.muli %iota3A_64, %mul3A_3128 : vector<128x8x128xi32>
    %add3A_3130 = arith.constant 8 : i32
    %add3A_3131 = vector.broadcast %add3A_3130 : i32 to vector<128x8x128xi32>
    %add3A_3132 = arith.addi %mul3A_3129, %add3A_3131 : vector<128x8x128xi32>
    %add3A_3133 = arith.addi %add3A_3132, %iota3A : vector<128x8x128xi32>
    %jit3A_3134 = arith.constant 16384 : i32
    %broadcast_in_dim3A_3135 = vector.broadcast %jit3A_3134 : i32 to vector<128x8x128xi32>
    %select_n3A_3136 = arith.select %eq3A_3126, %add3A_3133, %broadcast_in_dim3A_3135 : vector<128x8x128xi1>, vector<128x8x128xi32>
    %min3A_3137 = arith.minsi %select_n3A_3118, %select_n3A_3136 : vector<128x8x128xi32>
    %get3A_3138 = arith.constant 0 : index
    %get3A_3139 = arith.constant 2 : index
    %get3A_3140 = arith.constant 0 : index
    %get3A_3141 = arith.constant 0 : index
    %get3A_3142 = vector.load %arg5[%get3A_3138, %get3A_3139, %get3A_3140, %get3A_3141] : memref<128x16x8x128xf32, #tpu.memory_space<vmem>>, vector<128x1x8x128xf32>
    %get3A_3143 = vector.shape_cast %get3A_3142 : vector<128x1x8x128xf32> to vector<128x8x128xf32>
    %eq3A_3144 = vector.broadcast %broadcast_in_dim3A_3100 : vector<128x1x128xf32> to vector<128x8x128xf32>
    %eq3A_3145 = arith.cmpf oeq, %get3A_3143, %eq3A_3144 : vector<128x8x128xf32>
    %mul3A_3146 = arith.constant 128 : i32
    %mul3A_3147 = vector.broadcast %mul3A_3146 : i32 to vector<128x8x128xi32>
    %mul3A_3148 = arith.muli %iota3A_64, %mul3A_3147 : vector<128x8x128xi32>
    %add3A_3149 = arith.constant 16 : i32
    %add3A_3150 = vector.broadcast %add3A_3149 : i32 to vector<128x8x128xi32>
    %add3A_3151 = arith.addi %mul3A_3148, %add3A_3150 : vector<128x8x128xi32>
    %add3A_3152 = arith.addi %add3A_3151, %iota3A : vector<128x8x128xi32>
    %jit3A_3153 = arith.constant 16384 : i32
    %broadcast_in_dim3A_3154 = vector.broadcast %jit3A_3153 : i32 to vector<128x8x128xi32>
    %select_n3A_3155 = arith.select %eq3A_3145, %add3A_3152, %broadcast_in_dim3A_3154 : vector<128x8x128xi1>, vector<128x8x128xi32>
    %min3A_3156 = arith.minsi %min3A_3137, %select_n3A_3155 : vector<128x8x128xi32>
    %get3A_3157 = arith.constant 0 : index
    %get3A_3158 = arith.constant 3 : index
    %get3A_3159 = arith.constant 0 : index
    %get3A_3160 = arith.constant 0 : index
    %get3A_3161 = vector.load %arg5[%get3A_3157, %get3A_3158, %get3A_3159, %get3A_3160] : memref<128x16x8x128xf32, #tpu.memory_space<vmem>>, vector<128x1x8x128xf32>
    %get3A_3162 = vector.shape_cast %get3A_3161 : vector<128x1x8x128xf32> to vector<128x8x128xf32>
    %eq3A_3163 = vector.broadcast %broadcast_in_dim3A_3100 : vector<128x1x128xf32> to vector<128x8x128xf32>
    %eq3A_3164 = arith.cmpf oeq, %get3A_3162, %eq3A_3163 : vector<128x8x128xf32>
    %mul3A_3165 = arith.constant 128 : i32
    %mul3A_3166 = vector.broadcast %mul3A_3165 : i32 to vector<128x8x128xi32>
    %mul3A_3167 = arith.muli %iota3A_64, %mul3A_3166 : vector<128x8x128xi32>
    %add3A_3168 = arith.constant 24 : i32
    %add3A_3169 = vector.broadcast %add3A_3168 : i32 to vector<128x8x128xi32>
    %add3A_3170 = arith.addi %mul3A_3167, %add3A_3169 : vector<128x8x128xi32>
    %add3A_3171 = arith.addi %add3A_3170, %iota3A : vector<128x8x128xi32>
    %jit3A_3172 = arith.constant 16384 : i32
    %broadcast_in_dim3A_3173 = vector.broadcast %jit3A_3172 : i32 to vector<128x8x128xi32>
    %select_n3A_3174 = arith.select %eq3A_3164, %add3A_3171, %broadcast_in_dim3A_3173 : vector<128x8x128xi1>, vector<128x8x128xi32>
    %min3A_3175 = arith.minsi %min3A_3156, %select_n3A_3174 : vector<128x8x128xi32>
    %get3A_3176 = arith.constant 0 : index
    %get3A_3177 = arith.constant 4 : index
    %get3A_3178 = arith.constant 0 : index
    %get3A_3179 = arith.constant 0 : index
    %get3A_3180 = vector.load %arg5[%get3A_3176, %get3A_3177, %get3A_3178, %get3A_3179] : memref<128x16x8x128xf32, #tpu.memory_space<vmem>>, vector<128x1x8x128xf32>
    %get3A_3181 = vector.shape_cast %get3A_3180 : vector<128x1x8x128xf32> to vector<128x8x128xf32>
    %eq3A_3182 = vector.broadcast %broadcast_in_dim3A_3100 : vector<128x1x128xf32> to vector<128x8x128xf32>
    %eq3A_3183 = arith.cmpf oeq, %get3A_3181, %eq3A_3182 : vector<128x8x128xf32>
    %mul3A_3184 = arith.constant 128 : i32
    %mul3A_3185 = vector.broadcast %mul3A_3184 : i32 to vector<128x8x128xi32>
    %mul3A_3186 = arith.muli %iota3A_64, %mul3A_3185 : vector<128x8x128xi32>
    %add3A_3187 = arith.constant 32 : i32
    %add3A_3188 = vector.broadcast %add3A_3187 : i32 to vector<128x8x128xi32>
    %add3A_3189 = arith.addi %mul3A_3186, %add3A_3188 : vector<128x8x128xi32>
    %add3A_3190 = arith.addi %add3A_3189, %iota3A : vector<128x8x128xi32>
    %jit3A_3191 = arith.constant 16384 : i32
    %broadcast_in_dim3A_3192 = vector.broadcast %jit3A_3191 : i32 to vector<128x8x128xi32>
    %select_n3A_3193 = arith.select %eq3A_3183, %add3A_3190, %broadcast_in_dim3A_3192 : vector<128x8x128xi1>, vector<128x8x128xi32>
    %min3A_3194 = arith.minsi %min3A_3175, %select_n3A_3193 : vector<128x8x128xi32>
    %get3A_3195 = arith.constant 0 : index
    %get3A_3196 = arith.constant 5 : index
    %get3A_3197 = arith.constant 0 : index
    %get3A_3198 = arith.constant 0 : index
    %get3A_3199 = vector.load %arg5[%get3A_3195, %get3A_3196, %get3A_3197, %get3A_3198] : memref<128x16x8x128xf32, #tpu.memory_space<vmem>>, vector<128x1x8x128xf32>
    %get3A_3200 = vector.shape_cast %get3A_3199 : vector<128x1x8x128xf32> to vector<128x8x128xf32>
    %eq3A_3201 = vector.broadcast %broadcast_in_dim3A_3100 : vector<128x1x128xf32> to vector<128x8x128xf32>
    %eq3A_3202 = arith.cmpf oeq, %get3A_3200, %eq3A_3201 : vector<128x8x128xf32>
    %mul3A_3203 = arith.constant 128 : i32
    %mul3A_3204 = vector.broadcast %mul3A_3203 : i32 to vector<128x8x128xi32>
    %mul3A_3205 = arith.muli %iota3A_64, %mul3A_3204 : vector<128x8x128xi32>
    %add3A_3206 = arith.constant 40 : i32
    %add3A_3207 = vector.broadcast %add3A_3206 : i32 to vector<128x8x128xi32>
    %add3A_3208 = arith.addi %mul3A_3205, %add3A_3207 : vector<128x8x128xi32>
    %add3A_3209 = arith.addi %add3A_3208, %iota3A : vector<128x8x128xi32>
    %jit3A_3210 = arith.constant 16384 : i32
    %broadcast_in_dim3A_3211 = vector.broadcast %jit3A_3210 : i32 to vector<128x8x128xi32>
    %select_n3A_3212 = arith.select %eq3A_3202, %add3A_3209, %broadcast_in_dim3A_3211 : vector<128x8x128xi1>, vector<128x8x128xi32>
    %min3A_3213 = arith.minsi %min3A_3194, %select_n3A_3212 : vector<128x8x128xi32>
    %get3A_3214 = arith.constant 0 : index
    %get3A_3215 = arith.constant 6 : index
    %get3A_3216 = arith.constant 0 : index
    %get3A_3217 = arith.constant 0 : index
    %get3A_3218 = vector.load %arg5[%get3A_3214, %get3A_3215, %get3A_3216, %get3A_3217] : memref<128x16x8x128xf32, #tpu.memory_space<vmem>>, vector<128x1x8x128xf32>
    %get3A_3219 = vector.shape_cast %get3A_3218 : vector<128x1x8x128xf32> to vector<128x8x128xf32>
    %eq3A_3220 = vector.broadcast %broadcast_in_dim3A_3100 : vector<128x1x128xf32> to vector<128x8x128xf32>
    %eq3A_3221 = arith.cmpf oeq, %get3A_3219, %eq3A_3220 : vector<128x8x128xf32>
    %mul3A_3222 = arith.constant 128 : i32
    %mul3A_3223 = vector.broadcast %mul3A_3222 : i32 to vector<128x8x128xi32>
    %mul3A_3224 = arith.muli %iota3A_64, %mul3A_3223 : vector<128x8x128xi32>
    %add3A_3225 = arith.constant 48 : i32
    %add3A_3226 = vector.broadcast %add3A_3225 : i32 to vector<128x8x128xi32>
    %add3A_3227 = arith.addi %mul3A_3224, %add3A_3226 : vector<128x8x128xi32>
    %add3A_3228 = arith.addi %add3A_3227, %iota3A : vector<128x8x128xi32>
    %jit3A_3229 = arith.constant 16384 : i32
    %broadcast_in_dim3A_3230 = vector.broadcast %jit3A_3229 : i32 to vector<128x8x128xi32>
    %select_n3A_3231 = arith.select %eq3A_3221, %add3A_3228, %broadcast_in_dim3A_3230 : vector<128x8x128xi1>, vector<128x8x128xi32>
    %min3A_3232 = arith.minsi %min3A_3213, %select_n3A_3231 : vector<128x8x128xi32>
    %get3A_3233 = arith.constant 0 : index
    %get3A_3234 = arith.constant 7 : index
    %get3A_3235 = arith.constant 0 : index
    %get3A_3236 = arith.constant 0 : index
    %get3A_3237 = vector.load %arg5[%get3A_3233, %get3A_3234, %get3A_3235, %get3A_3236] : memref<128x16x8x128xf32, #tpu.memory_space<vmem>>, vector<128x1x8x128xf32>
    %get3A_3238 = vector.shape_cast %get3A_3237 : vector<128x1x8x128xf32> to vector<128x8x128xf32>
    %eq3A_3239 = vector.broadcast %broadcast_in_dim3A_3100 : vector<128x1x128xf32> to vector<128x8x128xf32>
    %eq3A_3240 = arith.cmpf oeq, %get3A_3238, %eq3A_3239 : vector<128x8x128xf32>
    %mul3A_3241 = arith.constant 128 : i32
    %mul3A_3242 = vector.broadcast %mul3A_3241 : i32 to vector<128x8x128xi32>
    %mul3A_3243 = arith.muli %iota3A_64, %mul3A_3242 : vector<128x8x128xi32>
    %add3A_3244 = arith.constant 56 : i32
    %add3A_3245 = vector.broadcast %add3A_3244 : i32 to vector<128x8x128xi32>
    %add3A_3246 = arith.addi %mul3A_3243, %add3A_3245 : vector<128x8x128xi32>
    %add3A_3247 = arith.addi %add3A_3246, %iota3A : vector<128x8x128xi32>
    %jit3A_3248 = arith.constant 16384 : i32
    %broadcast_in_dim3A_3249 = vector.broadcast %jit3A_3248 : i32 to vector<128x8x128xi32>
    %select_n3A_3250 = arith.select %eq3A_3240, %add3A_3247, %broadcast_in_dim3A_3249 : vector<128x8x128xi1>, vector<128x8x128xi32>
    %min3A_3251 = arith.minsi %min3A_3232, %select_n3A_3250 : vector<128x8x128xi32>
    %get3A_3252 = arith.constant 0 : index
    %get3A_3253 = arith.constant 8 : index
    %get3A_3254 = arith.constant 0 : index
    %get3A_3255 = arith.constant 0 : index
    %get3A_3256 = vector.load %arg5[%get3A_3252, %get3A_3253, %get3A_3254, %get3A_3255] : memref<128x16x8x128xf32, #tpu.memory_space<vmem>>, vector<128x1x8x128xf32>
    %get3A_3257 = vector.shape_cast %get3A_3256 : vector<128x1x8x128xf32> to vector<128x8x128xf32>
    %eq3A_3258 = vector.broadcast %broadcast_in_dim3A_3100 : vector<128x1x128xf32> to vector<128x8x128xf32>
    %eq3A_3259 = arith.cmpf oeq, %get3A_3257, %eq3A_3258 : vector<128x8x128xf32>
    %mul3A_3260 = arith.constant 128 : i32
    %mul3A_3261 = vector.broadcast %mul3A_3260 : i32 to vector<128x8x128xi32>
    %mul3A_3262 = arith.muli %iota3A_64, %mul3A_3261 : vector<128x8x128xi32>
    %add3A_3263 = arith.constant 64 : i32
    %add3A_3264 = vector.broadcast %add3A_3263 : i32 to vector<128x8x128xi32>
    %add3A_3265 = arith.addi %mul3A_3262, %add3A_3264 : vector<128x8x128xi32>
    %add3A_3266 = arith.addi %add3A_3265, %iota3A : vector<128x8x128xi32>
    %jit3A_3267 = arith.constant 16384 : i32
    %broadcast_in_dim3A_3268 = vector.broadcast %jit3A_3267 : i32 to vector<128x8x128xi32>
    %select_n3A_3269 = arith.select %eq3A_3259, %add3A_3266, %broadcast_in_dim3A_3268 : vector<128x8x128xi1>, vector<128x8x128xi32>
    %min3A_3270 = arith.minsi %min3A_3251, %select_n3A_3269 : vector<128x8x128xi32>
    %get3A_3271 = arith.constant 0 : index
    %get3A_3272 = arith.constant 9 : index
    %get3A_3273 = arith.constant 0 : index
    %get3A_3274 = arith.constant 0 : index
    %get3A_3275 = vector.load %arg5[%get3A_3271, %get3A_3272, %get3A_3273, %get3A_3274] : memref<128x16x8x128xf32, #tpu.memory_space<vmem>>, vector<128x1x8x128xf32>
    %get3A_3276 = vector.shape_cast %get3A_3275 : vector<128x1x8x128xf32> to vector<128x8x128xf32>
    %eq3A_3277 = vector.broadcast %broadcast_in_dim3A_3100 : vector<128x1x128xf32> to vector<128x8x128xf32>
    %eq3A_3278 = arith.cmpf oeq, %get3A_3276, %eq3A_3277 : vector<128x8x128xf32>
    %mul3A_3279 = arith.constant 128 : i32
    %mul3A_3280 = vector.broadcast %mul3A_3279 : i32 to vector<128x8x128xi32>
    %mul3A_3281 = arith.muli %iota3A_64, %mul3A_3280 : vector<128x8x128xi32>
    %add3A_3282 = arith.constant 72 : i32
    %add3A_3283 = vector.broadcast %add3A_3282 : i32 to vector<128x8x128xi32>
    %add3A_3284 = arith.addi %mul3A_3281, %add3A_3283 : vector<128x8x128xi32>
    %add3A_3285 = arith.addi %add3A_3284, %iota3A : vector<128x8x128xi32>
    %jit3A_3286 = arith.constant 16384 : i32
    %broadcast_in_dim3A_3287 = vector.broadcast %jit3A_3286 : i32 to vector<128x8x128xi32>
    %select_n3A_3288 = arith.select %eq3A_3278, %add3A_3285, %broadcast_in_dim3A_3287 : vector<128x8x128xi1>, vector<128x8x128xi32>
    %min3A_3289 = arith.minsi %min3A_3270, %select_n3A_3288 : vector<128x8x128xi32>
    %get3A_3290 = arith.constant 0 : index
    %get3A_3291 = arith.constant 10 : index
    %get3A_3292 = arith.constant 0 : index
    %get3A_3293 = arith.constant 0 : index
    %get3A_3294 = vector.load %arg5[%get3A_3290, %get3A_3291, %get3A_3292, %get3A_3293] : memref<128x16x8x128xf32, #tpu.memory_space<vmem>>, vector<128x1x8x128xf32>
    %get3A_3295 = vector.shape_cast %get3A_3294 : vector<128x1x8x128xf32> to vector<128x8x128xf32>
    %eq3A_3296 = vector.broadcast %broadcast_in_dim3A_3100 : vector<128x1x128xf32> to vector<128x8x128xf32>
    %eq3A_3297 = arith.cmpf oeq, %get3A_3295, %eq3A_3296 : vector<128x8x128xf32>
    %mul3A_3298 = arith.constant 128 : i32
    %mul3A_3299 = vector.broadcast %mul3A_3298 : i32 to vector<128x8x128xi32>
    %mul3A_3300 = arith.muli %iota3A_64, %mul3A_3299 : vector<128x8x128xi32>
    %add3A_3301 = arith.constant 80 : i32
    %add3A_3302 = vector.broadcast %add3A_3301 : i32 to vector<128x8x128xi32>
    %add3A_3303 = arith.addi %mul3A_3300, %add3A_3302 : vector<128x8x128xi32>
    %add3A_3304 = arith.addi %add3A_3303, %iota3A : vector<128x8x128xi32>
    %jit3A_3305 = arith.constant 16384 : i32
    %broadcast_in_dim3A_3306 = vector.broadcast %jit3A_3305 : i32 to vector<128x8x128xi32>
    %select_n3A_3307 = arith.select %eq3A_3297, %add3A_3304, %broadcast_in_dim3A_3306 : vector<128x8x128xi1>, vector<128x8x128xi32>
    %min3A_3308 = arith.minsi %min3A_3289, %select_n3A_3307 : vector<128x8x128xi32>
    %get3A_3309 = arith.constant 0 : index
    %get3A_3310 = arith.constant 11 : index
    %get3A_3311 = arith.constant 0 : index
    %get3A_3312 = arith.constant 0 : index
    %get3A_3313 = vector.load %arg5[%get3A_3309, %get3A_3310, %get3A_3311, %get3A_3312] : memref<128x16x8x128xf32, #tpu.memory_space<vmem>>, vector<128x1x8x128xf32>
    %get3A_3314 = vector.shape_cast %get3A_3313 : vector<128x1x8x128xf32> to vector<128x8x128xf32>
    %eq3A_3315 = vector.broadcast %broadcast_in_dim3A_3100 : vector<128x1x128xf32> to vector<128x8x128xf32>
    %eq3A_3316 = arith.cmpf oeq, %get3A_3314, %eq3A_3315 : vector<128x8x128xf32>
    %mul3A_3317 = arith.constant 128 : i32
    %mul3A_3318 = vector.broadcast %mul3A_3317 : i32 to vector<128x8x128xi32>
    %mul3A_3319 = arith.muli %iota3A_64, %mul3A_3318 : vector<128x8x128xi32>
    %add3A_3320 = arith.constant 88 : i32
    %add3A_3321 = vector.broadcast %add3A_3320 : i32 to vector<128x8x128xi32>
    %add3A_3322 = arith.addi %mul3A_3319, %add3A_3321 : vector<128x8x128xi32>
    %add3A_3323 = arith.addi %add3A_3322, %iota3A : vector<128x8x128xi32>
    %jit3A_3324 = arith.constant 16384 : i32
    %broadcast_in_dim3A_3325 = vector.broadcast %jit3A_3324 : i32 to vector<128x8x128xi32>
    %select_n3A_3326 = arith.select %eq3A_3316, %add3A_3323, %broadcast_in_dim3A_3325 : vector<128x8x128xi1>, vector<128x8x128xi32>
    %min3A_3327 = arith.minsi %min3A_3308, %select_n3A_3326 : vector<128x8x128xi32>
    %get3A_3328 = arith.constant 0 : index
    %get3A_3329 = arith.constant 12 : index
    %get3A_3330 = arith.constant 0 : index
    %get3A_3331 = arith.constant 0 : index
    %get3A_3332 = vector.load %arg5[%get3A_3328, %get3A_3329, %get3A_3330, %get3A_3331] : memref<128x16x8x128xf32, #tpu.memory_space<vmem>>, vector<128x1x8x128xf32>
    %get3A_3333 = vector.shape_cast %get3A_3332 : vector<128x1x8x128xf32> to vector<128x8x128xf32>
    %eq3A_3334 = vector.broadcast %broadcast_in_dim3A_3100 : vector<128x1x128xf32> to vector<128x8x128xf32>
    %eq3A_3335 = arith.cmpf oeq, %get3A_3333, %eq3A_3334 : vector<128x8x128xf32>
    %mul3A_3336 = arith.constant 128 : i32
    %mul3A_3337 = vector.broadcast %mul3A_3336 : i32 to vector<128x8x128xi32>
    %mul3A_3338 = arith.muli %iota3A_64, %mul3A_3337 : vector<128x8x128xi32>
    %add3A_3339 = arith.constant 96 : i32
    %add3A_3340 = vector.broadcast %add3A_3339 : i32 to vector<128x8x128xi32>
    %add3A_3341 = arith.addi %mul3A_3338, %add3A_3340 : vector<128x8x128xi32>
    %add3A_3342 = arith.addi %add3A_3341, %iota3A : vector<128x8x128xi32>
    %jit3A_3343 = arith.constant 16384 : i32
    %broadcast_in_dim3A_3344 = vector.broadcast %jit3A_3343 : i32 to vector<128x8x128xi32>
    %select_n3A_3345 = arith.select %eq3A_3335, %add3A_3342, %broadcast_in_dim3A_3344 : vector<128x8x128xi1>, vector<128x8x128xi32>
    %min3A_3346 = arith.minsi %min3A_3327, %select_n3A_3345 : vector<128x8x128xi32>
    %get3A_3347 = arith.constant 0 : index
    %get3A_3348 = arith.constant 13 : index
    %get3A_3349 = arith.constant 0 : index
    %get3A_3350 = arith.constant 0 : index
    %get3A_3351 = vector.load %arg5[%get3A_3347, %get3A_3348, %get3A_3349, %get3A_3350] : memref<128x16x8x128xf32, #tpu.memory_space<vmem>>, vector<128x1x8x128xf32>
    %get3A_3352 = vector.shape_cast %get3A_3351 : vector<128x1x8x128xf32> to vector<128x8x128xf32>
    %eq3A_3353 = vector.broadcast %broadcast_in_dim3A_3100 : vector<128x1x128xf32> to vector<128x8x128xf32>
    %eq3A_3354 = arith.cmpf oeq, %get3A_3352, %eq3A_3353 : vector<128x8x128xf32>
    %mul3A_3355 = arith.constant 128 : i32
    %mul3A_3356 = vector.broadcast %mul3A_3355 : i32 to vector<128x8x128xi32>
    %mul3A_3357 = arith.muli %iota3A_64, %mul3A_3356 : vector<128x8x128xi32>
    %add3A_3358 = arith.constant 104 : i32
    %add3A_3359 = vector.broadcast %add3A_3358 : i32 to vector<128x8x128xi32>
    %add3A_3360 = arith.addi %mul3A_3357, %add3A_3359 : vector<128x8x128xi32>
    %add3A_3361 = arith.addi %add3A_3360, %iota3A : vector<128x8x128xi32>
    %jit3A_3362 = arith.constant 16384 : i32
    %broadcast_in_dim3A_3363 = vector.broadcast %jit3A_3362 : i32 to vector<128x8x128xi32>
    %select_n3A_3364 = arith.select %eq3A_3354, %add3A_3361, %broadcast_in_dim3A_3363 : vector<128x8x128xi1>, vector<128x8x128xi32>
    %min3A_3365 = arith.minsi %min3A_3346, %select_n3A_3364 : vector<128x8x128xi32>
    %get3A_3366 = arith.constant 0 : index
    %get3A_3367 = arith.constant 14 : index
    %get3A_3368 = arith.constant 0 : index
    %get3A_3369 = arith.constant 0 : index
    %get3A_3370 = vector.load %arg5[%get3A_3366, %get3A_3367, %get3A_3368, %get3A_3369] : memref<128x16x8x128xf32, #tpu.memory_space<vmem>>, vector<128x1x8x128xf32>
    %get3A_3371 = vector.shape_cast %get3A_3370 : vector<128x1x8x128xf32> to vector<128x8x128xf32>
    %eq3A_3372 = vector.broadcast %broadcast_in_dim3A_3100 : vector<128x1x128xf32> to vector<128x8x128xf32>
    %eq3A_3373 = arith.cmpf oeq, %get3A_3371, %eq3A_3372 : vector<128x8x128xf32>
    %mul3A_3374 = arith.constant 128 : i32
    %mul3A_3375 = vector.broadcast %mul3A_3374 : i32 to vector<128x8x128xi32>
    %mul3A_3376 = arith.muli %iota3A_64, %mul3A_3375 : vector<128x8x128xi32>
    %add3A_3377 = arith.constant 112 : i32
    %add3A_3378 = vector.broadcast %add3A_3377 : i32 to vector<128x8x128xi32>
    %add3A_3379 = arith.addi %mul3A_3376, %add3A_3378 : vector<128x8x128xi32>
    %add3A_3380 = arith.addi %add3A_3379, %iota3A : vector<128x8x128xi32>
    %jit3A_3381 = arith.constant 16384 : i32
    %broadcast_in_dim3A_3382 = vector.broadcast %jit3A_3381 : i32 to vector<128x8x128xi32>
    %select_n3A_3383 = arith.select %eq3A_3373, %add3A_3380, %broadcast_in_dim3A_3382 : vector<128x8x128xi1>, vector<128x8x128xi32>
    %min3A_3384 = arith.minsi %min3A_3365, %select_n3A_3383 : vector<128x8x128xi32>
    %get3A_3385 = arith.constant 0 : index
    %get3A_3386 = arith.constant 15 : index
    %get3A_3387 = arith.constant 0 : index
    %get3A_3388 = arith.constant 0 : index
    %get3A_3389 = vector.load %arg5[%get3A_3385, %get3A_3386, %get3A_3387, %get3A_3388] : memref<128x16x8x128xf32, #tpu.memory_space<vmem>>, vector<128x1x8x128xf32>
    %get3A_3390 = vector.shape_cast %get3A_3389 : vector<128x1x8x128xf32> to vector<128x8x128xf32>
    %eq3A_3391 = vector.broadcast %broadcast_in_dim3A_3100 : vector<128x1x128xf32> to vector<128x8x128xf32>
    %eq3A_3392 = arith.cmpf oeq, %get3A_3390, %eq3A_3391 : vector<128x8x128xf32>
    %mul3A_3393 = arith.constant 128 : i32
    %mul3A_3394 = vector.broadcast %mul3A_3393 : i32 to vector<128x8x128xi32>
    %mul3A_3395 = arith.muli %iota3A_64, %mul3A_3394 : vector<128x8x128xi32>
    %add3A_3396 = arith.constant 120 : i32
    %add3A_3397 = vector.broadcast %add3A_3396 : i32 to vector<128x8x128xi32>
    %add3A_3398 = arith.addi %mul3A_3395, %add3A_3397 : vector<128x8x128xi32>
    %add3A_3399 = arith.addi %add3A_3398, %iota3A : vector<128x8x128xi32>
    %jit3A_3400 = arith.constant 16384 : i32
    %broadcast_in_dim3A_3401 = vector.broadcast %jit3A_3400 : i32 to vector<128x8x128xi32>
    %select_n3A_3402 = arith.select %eq3A_3392, %add3A_3399, %broadcast_in_dim3A_3401 : vector<128x8x128xi1>, vector<128x8x128xi32>
    %min3A_3403 = arith.minsi %min3A_3384, %select_n3A_3402 : vector<128x8x128xi32>
    %reduce_min3A_3404 = arith.constant dense<2147483647> : vector<128x128xi32>
    %reduce_min3A_3405 = vector.multi_reduction <minsi>, %min3A_3403, %reduce_min3A_3404 [1] : vector<128x8x128xi32> to vector<128x128xi32>
    %broadcast_in_dim3A_3406 = vector.shape_cast %reduce_min3A_3405 : vector<128x128xi32> to vector<128x1x128xi32>
    %squeeze3A_3407 = vector.shape_cast %broadcast_in_dim3A_3100 : vector<128x1x128xf32> to vector<128x128xf32>
    %swap3A_3408 = arith.constant 0 : index
    %swap3A_3409 = arith.constant 512 : index
    %swap3A_3410 = vector.load %arg6[%swap3A_3408, %swap3A_3409] : memref<128x768xf32, #tpu.memory_space<vmem>>, vector<128x128xf32>
    tpu.vector_store %arg6[%swap3A_3408, %swap3A_3409], %squeeze3A_3407 {strides = array<i32>} : memref<128x768xf32, #tpu.memory_space<vmem>>, vector<128x128xf32>,
    %squeeze3A_3411 = vector.shape_cast %broadcast_in_dim3A_3406 : vector<128x1x128xi32> to vector<128x128xi32>
    %swap3A_3412 = arith.constant 0 : index
    %swap3A_3413 = arith.constant 512 : index
    %swap3A_3414 = vector.load %arg7[%swap3A_3412, %swap3A_3413] : memref<128x768xi32, #tpu.memory_space<vmem>>, vector<128x128xi32>
    tpu.vector_store %arg7[%swap3A_3412, %swap3A_3413], %squeeze3A_3411 {strides = array<i32>} : memref<128x768xi32, #tpu.memory_space<vmem>>, vector<128x128xi32>,
    %mul3A_3415 = arith.constant 128 : i32
    %mul3A_3416 = vector.broadcast %mul3A_3415 : i32 to vector<128x8x128xi32>
    %mul3A_3417 = arith.muli %iota3A_64, %mul3A_3416 : vector<128x8x128xi32>
    %add3A_3418 = arith.constant 0 : i32
    %add3A_3419 = vector.broadcast %add3A_3418 : i32 to vector<128x8x128xi32>
    %add3A_3420 = arith.addi %mul3A_3417, %add3A_3419 : vector<128x8x128xi32>
    %add3A_3421 = arith.addi %add3A_3420, %iota3A : vector<128x8x128xi32>
    %eq3A_3422 = vector.broadcast %broadcast_in_dim3A_3406 : vector<128x1x128xi32> to vector<128x8x128xi32>
    %eq3A_3423 = arith.cmpi eq, %add3A_3421, %eq3A_3422 : vector<128x8x128xi32>
    %get3A_3424 = arith.constant 0 : index
    %get3A_3425 = arith.constant 0 : index
    %get3A_3426 = arith.constant 0 : index
    %get3A_3427 = arith.constant 0 : index
    %get3A_3428 = vector.load %arg5[%get3A_3424, %get3A_3425, %get3A_3426, %get3A_3427] : memref<128x16x8x128xf32, #tpu.memory_space<vmem>>, vector<128x1x8x128xf32>
    %get3A_3429 = vector.shape_cast %get3A_3428 : vector<128x1x8x128xf32> to vector<128x8x128xf32>
    %jit3A_3430 = arith.constant 1.000000e+10 : f32
    %broadcast_in_dim3A_3431 = vector.broadcast %jit3A_3430 : f32 to vector<128x8x128xf32>
    %select_n3A_3432 = arith.select %eq3A_3423, %broadcast_in_dim3A_3431, %get3A_3429 : vector<128x8x128xi1>, vector<128x8x128xf32>
    %swap3A_3433 = arith.constant 0 : index
    %swap3A_3434 = arith.constant 0 : index
    %swap3A_3435 = arith.constant 0 : index
    %swap3A_3436 = arith.constant 0 : index
    %swap3A_3437 = vector.load %arg5[%swap3A_3433, %swap3A_3434, %swap3A_3435, %swap3A_3436] : memref<128x16x8x128xf32, #tpu.memory_space<vmem>>, vector<128x1x8x128xf32>
    %swap3A_3438 = vector.shape_cast %swap3A_3437 : vector<128x1x8x128xf32> to vector<128x8x128xf32>
    %swap3A_3439 = vector.shape_cast %select_n3A_3432 : vector<128x8x128xf32> to vector<128x1x8x128xf32>
    tpu.vector_store %arg5[%swap3A_3433, %swap3A_3434, %swap3A_3435, %swap3A_3436], %swap3A_3439 {strides = array<i32>} : memref<128x16x8x128xf32, #tpu.memory_space<vmem>>, vector<128x1x8x128xf32>,
    %mul3A_3440 = arith.constant 128 : i32
    %mul3A_3441 = vector.broadcast %mul3A_3440 : i32 to vector<128x8x128xi32>
    %mul3A_3442 = arith.muli %iota3A_64, %mul3A_3441 : vector<128x8x128xi32>
    %add3A_3443 = arith.constant 8 : i32
    %add3A_3444 = vector.broadcast %add3A_3443 : i32 to vector<128x8x128xi32>
    %add3A_3445 = arith.addi %mul3A_3442, %add3A_3444 : vector<128x8x128xi32>
    %add3A_3446 = arith.addi %add3A_3445, %iota3A : vector<128x8x128xi32>
    %eq3A_3447 = vector.broadcast %broadcast_in_dim3A_3406 : vector<128x1x128xi32> to vector<128x8x128xi32>
    %eq3A_3448 = arith.cmpi eq, %add3A_3446, %eq3A_3447 : vector<128x8x128xi32>
    %get3A_3449 = arith.constant 0 : index
    %get3A_3450 = arith.constant 1 : index
    %get3A_3451 = arith.constant 0 : index
    %get3A_3452 = arith.constant 0 : index
    %get3A_3453 = vector.load %arg5[%get3A_3449, %get3A_3450, %get3A_3451, %get3A_3452] : memref<128x16x8x128xf32, #tpu.memory_space<vmem>>, vector<128x1x8x128xf32>
    %get3A_3454 = vector.shape_cast %get3A_3453 : vector<128x1x8x128xf32> to vector<128x8x128xf32>
    %jit3A_3455 = arith.constant 1.000000e+10 : f32
    %broadcast_in_dim3A_3456 = vector.broadcast %jit3A_3455 : f32 to vector<128x8x128xf32>
    %select_n3A_3457 = arith.select %eq3A_3448, %broadcast_in_dim3A_3456, %get3A_3454 : vector<128x8x128xi1>, vector<128x8x128xf32>
    %swap3A_3458 = arith.constant 0 : index
    %swap3A_3459 = arith.constant 1 : index
    %swap3A_3460 = arith.constant 0 : index
    %swap3A_3461 = arith.constant 0 : index
    %swap3A_3462 = vector.load %arg5[%swap3A_3458, %swap3A_3459, %swap3A_3460, %swap3A_3461] : memref<128x16x8x128xf32, #tpu.memory_space<vmem>>, vector<128x1x8x128xf32>
    %swap3A_3463 = vector.shape_cast %swap3A_3462 : vector<128x1x8x128xf32> to vector<128x8x128xf32>
    %swap3A_3464 = vector.shape_cast %select_n3A_3457 : vector<128x8x128xf32> to vector<128x1x8x128xf32>
    tpu.vector_store %arg5[%swap3A_3458, %swap3A_3459, %swap3A_3460, %swap3A_3461], %swap3A_3464 {strides = array<i32>} : memref<128x16x8x128xf32, #tpu.memory_space<vmem>>, vector<128x1x8x128xf32>,
    %min3A_3465 = arith.minimumf %select_n3A_3432, %select_n3A_3457 : vector<128x8x128xf32>
    %mul3A_3466 = arith.constant 128 : i32
    %mul3A_3467 = vector.broadcast %mul3A_3466 : i32 to vector<128x8x128xi32>
    %mul3A_3468 = arith.muli %iota3A_64, %mul3A_3467 : vector<128x8x128xi32>
    %add3A_3469 = arith.constant 16 : i32
    %add3A_3470 = vector.broadcast %add3A_3469 : i32 to vector<128x8x128xi32>
    %add3A_3471 = arith.addi %mul3A_3468, %add3A_3470 : vector<128x8x128xi32>
    %add3A_3472 = arith.addi %add3A_3471, %iota3A : vector<128x8x128xi32>
    %eq3A_3473 = vector.broadcast %broadcast_in_dim3A_3406 : vector<128x1x128xi32> to vector<128x8x128xi32>
    %eq3A_3474 = arith.cmpi eq, %add3A_3472, %eq3A_3473 : vector<128x8x128xi32>
    %get3A_3475 = arith.constant 0 : index
    %get3A_3476 = arith.constant 2 : index
    %get3A_3477 = arith.constant 0 : index
    %get3A_3478 = arith.constant 0 : index
    %get3A_3479 = vector.load %arg5[%get3A_3475, %get3A_3476, %get3A_3477, %get3A_3478] : memref<128x16x8x128xf32, #tpu.memory_space<vmem>>, vector<128x1x8x128xf32>
    %get3A_3480 = vector.shape_cast %get3A_3479 : vector<128x1x8x128xf32> to vector<128x8x128xf32>
    %jit3A_3481 = arith.constant 1.000000e+10 : f32
    %broadcast_in_dim3A_3482 = vector.broadcast %jit3A_3481 : f32 to vector<128x8x128xf32>
    %select_n3A_3483 = arith.select %eq3A_3474, %broadcast_in_dim3A_3482, %get3A_3480 : vector<128x8x128xi1>, vector<128x8x128xf32>
    %swap3A_3484 = arith.constant 0 : index
    %swap3A_3485 = arith.constant 2 : index
    %swap3A_3486 = arith.constant 0 : index
    %swap3A_3487 = arith.constant 0 : index
    %swap3A_3488 = vector.load %arg5[%swap3A_3484, %swap3A_3485, %swap3A_3486, %swap3A_3487] : memref<128x16x8x128xf32, #tpu.memory_space<vmem>>, vector<128x1x8x128xf32>
    %swap3A_3489 = vector.shape_cast %swap3A_3488 : vector<128x1x8x128xf32> to vector<128x8x128xf32>
    %swap3A_3490 = vector.shape_cast %select_n3A_3483 : vector<128x8x128xf32> to vector<128x1x8x128xf32>
    tpu.vector_store %arg5[%swap3A_3484, %swap3A_3485, %swap3A_3486, %swap3A_3487], %swap3A_3490 {strides = array<i32>} : memref<128x16x8x128xf32, #tpu.memory_space<vmem>>, vector<128x1x8x128xf32>,
    %min3A_3491 = arith.minimumf %min3A_3465, %select_n3A_3483 : vector<128x8x128xf32>
    %mul3A_3492 = arith.constant 128 : i32
    %mul3A_3493 = vector.broadcast %mul3A_3492 : i32 to vector<128x8x128xi32>
    %mul3A_3494 = arith.muli %iota3A_64, %mul3A_3493 : vector<128x8x128xi32>
    %add3A_3495 = arith.constant 24 : i32
    %add3A_3496 = vector.broadcast %add3A_3495 : i32 to vector<128x8x128xi32>
    %add3A_3497 = arith.addi %mul3A_3494, %add3A_3496 : vector<128x8x128xi32>
    %add3A_3498 = arith.addi %add3A_3497, %iota3A : vector<128x8x128xi32>
    %eq3A_3499 = vector.broadcast %broadcast_in_dim3A_3406 : vector<128x1x128xi32> to vector<128x8x128xi32>
    %eq3A_3500 = arith.cmpi eq, %add3A_3498, %eq3A_3499 : vector<128x8x128xi32>
    %get3A_3501 = arith.constant 0 : index
    %get3A_3502 = arith.constant 3 : index
    %get3A_3503 = arith.constant 0 : index
    %get3A_3504 = arith.constant 0 : index
    %get3A_3505 = vector.load %arg5[%get3A_3501, %get3A_3502, %get3A_3503, %get3A_3504] : memref<128x16x8x128xf32, #tpu.memory_space<vmem>>, vector<128x1x8x128xf32>
    %get3A_3506 = vector.shape_cast %get3A_3505 : vector<128x1x8x128xf32> to vector<128x8x128xf32>
    %jit3A_3507 = arith.constant 1.000000e+10 : f32
    %broadcast_in_dim3A_3508 = vector.broadcast %jit3A_3507 : f32 to vector<128x8x128xf32>
    %select_n3A_3509 = arith.select %eq3A_3500, %broadcast_in_dim3A_3508, %get3A_3506 : vector<128x8x128xi1>, vector<128x8x128xf32>
    %swap3A_3510 = arith.constant 0 : index
    %swap3A_3511 = arith.constant 3 : index
    %swap3A_3512 = arith.constant 0 : index
    %swap3A_3513 = arith.constant 0 : index
    %swap3A_3514 = vector.load %arg5[%swap3A_3510, %swap3A_3511, %swap3A_3512, %swap3A_3513] : memref<128x16x8x128xf32, #tpu.memory_space<vmem>>, vector<128x1x8x128xf32>
    %swap3A_3515 = vector.shape_cast %swap3A_3514 : vector<128x1x8x128xf32> to vector<128x8x128xf32>
    %swap3A_3516 = vector.shape_cast %select_n3A_3509 : vector<128x8x128xf32> to vector<128x1x8x128xf32>
    tpu.vector_store %arg5[%swap3A_3510, %swap3A_3511, %swap3A_3512, %swap3A_3513], %swap3A_3516 {strides = array<i32>} : memref<128x16x8x128xf32, #tpu.memory_space<vmem>>, vector<128x1x8x128xf32>,
    %min3A_3517 = arith.minimumf %min3A_3491, %select_n3A_3509 : vector<128x8x128xf32>
    %mul3A_3518 = arith.constant 128 : i32
    %mul3A_3519 = vector.broadcast %mul3A_3518 : i32 to vector<128x8x128xi32>
    %mul3A_3520 = arith.muli %iota3A_64, %mul3A_3519 : vector<128x8x128xi32>
    %add3A_3521 = arith.constant 32 : i32
    %add3A_3522 = vector.broadcast %add3A_3521 : i32 to vector<128x8x128xi32>
    %add3A_3523 = arith.addi %mul3A_3520, %add3A_3522 : vector<128x8x128xi32>
    %add3A_3524 = arith.addi %add3A_3523, %iota3A : vector<128x8x128xi32>
    %eq3A_3525 = vector.broadcast %broadcast_in_dim3A_3406 : vector<128x1x128xi32> to vector<128x8x128xi32>
    %eq3A_3526 = arith.cmpi eq, %add3A_3524, %eq3A_3525 : vector<128x8x128xi32>
    %get3A_3527 = arith.constant 0 : index
    %get3A_3528 = arith.constant 4 : index
    %get3A_3529 = arith.constant 0 : index
    %get3A_3530 = arith.constant 0 : index
    %get3A_3531 = vector.load %arg5[%get3A_3527, %get3A_3528, %get3A_3529, %get3A_3530] : memref<128x16x8x128xf32, #tpu.memory_space<vmem>>, vector<128x1x8x128xf32>
    %get3A_3532 = vector.shape_cast %get3A_3531 : vector<128x1x8x128xf32> to vector<128x8x128xf32>
    %jit3A_3533 = arith.constant 1.000000e+10 : f32
    %broadcast_in_dim3A_3534 = vector.broadcast %jit3A_3533 : f32 to vector<128x8x128xf32>
    %select_n3A_3535 = arith.select %eq3A_3526, %broadcast_in_dim3A_3534, %get3A_3532 : vector<128x8x128xi1>, vector<128x8x128xf32>
    %swap3A_3536 = arith.constant 0 : index
    %swap3A_3537 = arith.constant 4 : index
    %swap3A_3538 = arith.constant 0 : index
    %swap3A_3539 = arith.constant 0 : index
    %swap3A_3540 = vector.load %arg5[%swap3A_3536, %swap3A_3537, %swap3A_3538, %swap3A_3539] : memref<128x16x8x128xf32, #tpu.memory_space<vmem>>, vector<128x1x8x128xf32>
    %swap3A_3541 = vector.shape_cast %swap3A_3540 : vector<128x1x8x128xf32> to vector<128x8x128xf32>
    %swap3A_3542 = vector.shape_cast %select_n3A_3535 : vector<128x8x128xf32> to vector<128x1x8x128xf32>
    tpu.vector_store %arg5[%swap3A_3536, %swap3A_3537, %swap3A_3538, %swap3A_3539], %swap3A_3542 {strides = array<i32>} : memref<128x16x8x128xf32, #tpu.memory_space<vmem>>, vector<128x1x8x128xf32>,
    %min3A_3543 = arith.minimumf %min3A_3517, %select_n3A_3535 : vector<128x8x128xf32>
    %mul3A_3544 = arith.constant 128 : i32
    %mul3A_3545 = vector.broadcast %mul3A_3544 : i32 to vector<128x8x128xi32>
    %mul3A_3546 = arith.muli %iota3A_64, %mul3A_3545 : vector<128x8x128xi32>
    %add3A_3547 = arith.constant 40 : i32
    %add3A_3548 = vector.broadcast %add3A_3547 : i32 to vector<128x8x128xi32>
    %add3A_3549 = arith.addi %mul3A_3546, %add3A_3548 : vector<128x8x128xi32>
    %add3A_3550 = arith.addi %add3A_3549, %iota3A : vector<128x8x128xi32>
    %eq3A_3551 = vector.broadcast %broadcast_in_dim3A_3406 : vector<128x1x128xi32> to vector<128x8x128xi32>
    %eq3A_3552 = arith.cmpi eq, %add3A_3550, %eq3A_3551 : vector<128x8x128xi32>
    %get3A_3553 = arith.constant 0 : index
    %get3A_3554 = arith.constant 5 : index
    %get3A_3555 = arith.constant 0 : index
    %get3A_3556 = arith.constant 0 : index
    %get3A_3557 = vector.load %arg5[%get3A_3553, %get3A_3554, %get3A_3555, %get3A_3556] : memref<128x16x8x128xf32, #tpu.memory_space<vmem>>, vector<128x1x8x128xf32>
    %get3A_3558 = vector.shape_cast %get3A_3557 : vector<128x1x8x128xf32> to vector<128x8x128xf32>
    %jit3A_3559 = arith.constant 1.000000e+10 : f32
    %broadcast_in_dim3A_3560 = vector.broadcast %jit3A_3559 : f32 to vector<128x8x128xf32>
    %select_n3A_3561 = arith.select %eq3A_3552, %broadcast_in_dim3A_3560, %get3A_3558 : vector<128x8x128xi1>, vector<128x8x128xf32>
    %swap3A_3562 = arith.constant 0 : index
    %swap3A_3563 = arith.constant 5 : index
    %swap3A_3564 = arith.constant 0 : index
    %swap3A_3565 = arith.constant 0 : index
    %swap3A_3566 = vector.load %arg5[%swap3A_3562, %swap3A_3563, %swap3A_3564, %swap3A_3565] : memref<128x16x8x128xf32, #tpu.memory_space<vmem>>, vector<128x1x8x128xf32>
    %swap3A_3567 = vector.shape_cast %swap3A_3566 : vector<128x1x8x128xf32> to vector<128x8x128xf32>
    %swap3A_3568 = vector.shape_cast %select_n3A_3561 : vector<128x8x128xf32> to vector<128x1x8x128xf32>
    tpu.vector_store %arg5[%swap3A_3562, %swap3A_3563, %swap3A_3564, %swap3A_3565], %swap3A_3568 {strides = array<i32>} : memref<128x16x8x128xf32, #tpu.memory_space<vmem>>, vector<128x1x8x128xf32>,
    %min3A_3569 = arith.minimumf %min3A_3543, %select_n3A_3561 : vector<128x8x128xf32>
    %mul3A_3570 = arith.constant 128 : i32
    %mul3A_3571 = vector.broadcast %mul3A_3570 : i32 to vector<128x8x128xi32>
    %mul3A_3572 = arith.muli %iota3A_64, %mul3A_3571 : vector<128x8x128xi32>
    %add3A_3573 = arith.constant 48 : i32
    %add3A_3574 = vector.broadcast %add3A_3573 : i32 to vector<128x8x128xi32>
    %add3A_3575 = arith.addi %mul3A_3572, %add3A_3574 : vector<128x8x128xi32>
    %add3A_3576 = arith.addi %add3A_3575, %iota3A : vector<128x8x128xi32>
    %eq3A_3577 = vector.broadcast %broadcast_in_dim3A_3406 : vector<128x1x128xi32> to vector<128x8x128xi32>
    %eq3A_3578 = arith.cmpi eq, %add3A_3576, %eq3A_3577 : vector<128x8x128xi32>
    %get3A_3579 = arith.constant 0 : index
    %get3A_3580 = arith.constant 6 : index
    %get3A_3581 = arith.constant 0 : index
    %get3A_3582 = arith.constant 0 : index
    %get3A_3583 = vector.load %arg5[%get3A_3579, %get3A_3580, %get3A_3581, %get3A_3582] : memref<128x16x8x128xf32, #tpu.memory_space<vmem>>, vector<128x1x8x128xf32>
    %get3A_3584 = vector.shape_cast %get3A_3583 : vector<128x1x8x128xf32> to vector<128x8x128xf32>
    %jit3A_3585 = arith.constant 1.000000e+10 : f32
    %broadcast_in_dim3A_3586 = vector.broadcast %jit3A_3585 : f32 to vector<128x8x128xf32>
    %select_n3A_3587 = arith.select %eq3A_3578, %broadcast_in_dim3A_3586, %get3A_3584 : vector<128x8x128xi1>, vector<128x8x128xf32>
    %swap3A_3588 = arith.constant 0 : index
    %swap3A_3589 = arith.constant 6 : index
    %swap3A_3590 = arith.constant 0 : index
    %swap3A_3591 = arith.constant 0 : index
    %swap3A_3592 = vector.load %arg5[%swap3A_3588, %swap3A_3589, %swap3A_3590, %swap3A_3591] : memref<128x16x8x128xf32, #tpu.memory_space<vmem>>, vector<128x1x8x128xf32>
    %swap3A_3593 = vector.shape_cast %swap3A_3592 : vector<128x1x8x128xf32> to vector<128x8x128xf32>
    %swap3A_3594 = vector.shape_cast %select_n3A_3587 : vector<128x8x128xf32> to vector<128x1x8x128xf32>
    tpu.vector_store %arg5[%swap3A_3588, %swap3A_3589, %swap3A_3590, %swap3A_3591], %swap3A_3594 {strides = array<i32>} : memref<128x16x8x128xf32, #tpu.memory_space<vmem>>, vector<128x1x8x128xf32>,
    %min3A_3595 = arith.minimumf %min3A_3569, %select_n3A_3587 : vector<128x8x128xf32>
    %mul3A_3596 = arith.constant 128 : i32
    %mul3A_3597 = vector.broadcast %mul3A_3596 : i32 to vector<128x8x128xi32>
    %mul3A_3598 = arith.muli %iota3A_64, %mul3A_3597 : vector<128x8x128xi32>
    %add3A_3599 = arith.constant 56 : i32
    %add3A_3600 = vector.broadcast %add3A_3599 : i32 to vector<128x8x128xi32>
    %add3A_3601 = arith.addi %mul3A_3598, %add3A_3600 : vector<128x8x128xi32>
    %add3A_3602 = arith.addi %add3A_3601, %iota3A : vector<128x8x128xi32>
    %eq3A_3603 = vector.broadcast %broadcast_in_dim3A_3406 : vector<128x1x128xi32> to vector<128x8x128xi32>
    %eq3A_3604 = arith.cmpi eq, %add3A_3602, %eq3A_3603 : vector<128x8x128xi32>
    %get3A_3605 = arith.constant 0 : index
    %get3A_3606 = arith.constant 7 : index
    %get3A_3607 = arith.constant 0 : index
    %get3A_3608 = arith.constant 0 : index
    %get3A_3609 = vector.load %arg5[%get3A_3605, %get3A_3606, %get3A_3607, %get3A_3608] : memref<128x16x8x128xf32, #tpu.memory_space<vmem>>, vector<128x1x8x128xf32>
    %get3A_3610 = vector.shape_cast %get3A_3609 : vector<128x1x8x128xf32> to vector<128x8x128xf32>
    %jit3A_3611 = arith.constant 1.000000e+10 : f32
    %broadcast_in_dim3A_3612 = vector.broadcast %jit3A_3611 : f32 to vector<128x8x128xf32>
    %select_n3A_3613 = arith.select %eq3A_3604, %broadcast_in_dim3A_3612, %get3A_3610 : vector<128x8x128xi1>, vector<128x8x128xf32>
    %swap3A_3614 = arith.constant 0 : index
    %swap3A_3615 = arith.constant 7 : index
    %swap3A_3616 = arith.constant 0 : index
    %swap3A_3617 = arith.constant 0 : index
    %swap3A_3618 = vector.load %arg5[%swap3A_3614, %swap3A_3615, %swap3A_3616, %swap3A_3617] : memref<128x16x8x128xf32, #tpu.memory_space<vmem>>, vector<128x1x8x128xf32>
    %swap3A_3619 = vector.shape_cast %swap3A_3618 : vector<128x1x8x128xf32> to vector<128x8x128xf32>
    %swap3A_3620 = vector.shape_cast %select_n3A_3613 : vector<128x8x128xf32> to vector<128x1x8x128xf32>
    tpu.vector_store %arg5[%swap3A_3614, %swap3A_3615, %swap3A_3616, %swap3A_3617], %swap3A_3620 {strides = array<i32>} : memref<128x16x8x128xf32, #tpu.memory_space<vmem>>, vector<128x1x8x128xf32>,
    %min3A_3621 = arith.minimumf %min3A_3595, %select_n3A_3613 : vector<128x8x128xf32>
    %mul3A_3622 = arith.constant 128 : i32
    %mul3A_3623 = vector.broadcast %mul3A_3622 : i32 to vector<128x8x128xi32>
    %mul3A_3624 = arith.muli %iota3A_64, %mul3A_3623 : vector<128x8x128xi32>
    %add3A_3625 = arith.constant 64 : i32
    %add3A_3626 = vector.broadcast %add3A_3625 : i32 to vector<128x8x128xi32>
    %add3A_3627 = arith.addi %mul3A_3624, %add3A_3626 : vector<128x8x128xi32>
    %add3A_3628 = arith.addi %add3A_3627, %iota3A : vector<128x8x128xi32>
    %eq3A_3629 = vector.broadcast %broadcast_in_dim3A_3406 : vector<128x1x128xi32> to vector<128x8x128xi32>
    %eq3A_3630 = arith.cmpi eq, %add3A_3628, %eq3A_3629 : vector<128x8x128xi32>
    %get3A_3631 = arith.constant 0 : index
    %get3A_3632 = arith.constant 8 : index
    %get3A_3633 = arith.constant 0 : index
    %get3A_3634 = arith.constant 0 : index
    %get3A_3635 = vector.load %arg5[%get3A_3631, %get3A_3632, %get3A_3633, %get3A_3634] : memref<128x16x8x128xf32, #tpu.memory_space<vmem>>, vector<128x1x8x128xf32>
    %get3A_3636 = vector.shape_cast %get3A_3635 : vector<128x1x8x128xf32> to vector<128x8x128xf32>
    %jit3A_3637 = arith.constant 1.000000e+10 : f32
    %broadcast_in_dim3A_3638 = vector.broadcast %jit3A_3637 : f32 to vector<128x8x128xf32>
    %select_n3A_3639 = arith.select %eq3A_3630, %broadcast_in_dim3A_3638, %get3A_3636 : vector<128x8x128xi1>, vector<128x8x128xf32>
    %swap3A_3640 = arith.constant 0 : index
    %swap3A_3641 = arith.constant 8 : index
    %swap3A_3642 = arith.constant 0 : index
    %swap3A_3643 = arith.constant 0 : index
    %swap3A_3644 = vector.load %arg5[%swap3A_3640, %swap3A_3641, %swap3A_3642, %swap3A_3643] : memref<128x16x8x128xf32, #tpu.memory_space<vmem>>, vector<128x1x8x128xf32>
    %swap3A_3645 = vector.shape_cast %swap3A_3644 : vector<128x1x8x128xf32> to vector<128x8x128xf32>
    %swap3A_3646 = vector.shape_cast %select_n3A_3639 : vector<128x8x128xf32> to vector<128x1x8x128xf32>
    tpu.vector_store %arg5[%swap3A_3640, %swap3A_3641, %swap3A_3642, %swap3A_3643], %swap3A_3646 {strides = array<i32>} : memref<128x16x8x128xf32, #tpu.memory_space<vmem>>, vector<128x1x8x128xf32>,
    %min3A_3647 = arith.minimumf %min3A_3621, %select_n3A_3639 : vector<128x8x128xf32>
    %mul3A_3648 = arith.constant 128 : i32
    %mul3A_3649 = vector.broadcast %mul3A_3648 : i32 to vector<128x8x128xi32>
    %mul3A_3650 = arith.muli %iota3A_64, %mul3A_3649 : vector<128x8x128xi32>
    %add3A_3651 = arith.constant 72 : i32
    %add3A_3652 = vector.broadcast %add3A_3651 : i32 to vector<128x8x128xi32>
    %add3A_3653 = arith.addi %mul3A_3650, %add3A_3652 : vector<128x8x128xi32>
    %add3A_3654 = arith.addi %add3A_3653, %iota3A : vector<128x8x128xi32>
    %eq3A_3655 = vector.broadcast %broadcast_in_dim3A_3406 : vector<128x1x128xi32> to vector<128x8x128xi32>
    %eq3A_3656 = arith.cmpi eq, %add3A_3654, %eq3A_3655 : vector<128x8x128xi32>
    %get3A_3657 = arith.constant 0 : index
    %get3A_3658 = arith.constant 9 : index
    %get3A_3659 = arith.constant 0 : index
    %get3A_3660 = arith.constant 0 : index
    %get3A_3661 = vector.load %arg5[%get3A_3657, %get3A_3658, %get3A_3659, %get3A_3660] : memref<128x16x8x128xf32, #tpu.memory_space<vmem>>, vector<128x1x8x128xf32>
    %get3A_3662 = vector.shape_cast %get3A_3661 : vector<128x1x8x128xf32> to vector<128x8x128xf32>
    %jit3A_3663 = arith.constant 1.000000e+10 : f32
    %broadcast_in_dim3A_3664 = vector.broadcast %jit3A_3663 : f32 to vector<128x8x128xf32>
    %select_n3A_3665 = arith.select %eq3A_3656, %broadcast_in_dim3A_3664, %get3A_3662 : vector<128x8x128xi1>, vector<128x8x128xf32>
    %swap3A_3666 = arith.constant 0 : index
    %swap3A_3667 = arith.constant 9 : index
    %swap3A_3668 = arith.constant 0 : index
    %swap3A_3669 = arith.constant 0 : index
    %swap3A_3670 = vector.load %arg5[%swap3A_3666, %swap3A_3667, %swap3A_3668, %swap3A_3669] : memref<128x16x8x128xf32, #tpu.memory_space<vmem>>, vector<128x1x8x128xf32>
    %swap3A_3671 = vector.shape_cast %swap3A_3670 : vector<128x1x8x128xf32> to vector<128x8x128xf32>
    %swap3A_3672 = vector.shape_cast %select_n3A_3665 : vector<128x8x128xf32> to vector<128x1x8x128xf32>
    tpu.vector_store %arg5[%swap3A_3666, %swap3A_3667, %swap3A_3668, %swap3A_3669], %swap3A_3672 {strides = array<i32>} : memref<128x16x8x128xf32, #tpu.memory_space<vmem>>, vector<128x1x8x128xf32>,
    %min3A_3673 = arith.minimumf %min3A_3647, %select_n3A_3665 : vector<128x8x128xf32>
    %mul3A_3674 = arith.constant 128 : i32
    %mul3A_3675 = vector.broadcast %mul3A_3674 : i32 to vector<128x8x128xi32>
    %mul3A_3676 = arith.muli %iota3A_64, %mul3A_3675 : vector<128x8x128xi32>
    %add3A_3677 = arith.constant 80 : i32
    %add3A_3678 = vector.broadcast %add3A_3677 : i32 to vector<128x8x128xi32>
    %add3A_3679 = arith.addi %mul3A_3676, %add3A_3678 : vector<128x8x128xi32>
    %add3A_3680 = arith.addi %add3A_3679, %iota3A : vector<128x8x128xi32>
    %eq3A_3681 = vector.broadcast %broadcast_in_dim3A_3406 : vector<128x1x128xi32> to vector<128x8x128xi32>
    %eq3A_3682 = arith.cmpi eq, %add3A_3680, %eq3A_3681 : vector<128x8x128xi32>
    %get3A_3683 = arith.constant 0 : index
    %get3A_3684 = arith.constant 10 : index
    %get3A_3685 = arith.constant 0 : index
    %get3A_3686 = arith.constant 0 : index
    %get3A_3687 = vector.load %arg5[%get3A_3683, %get3A_3684, %get3A_3685, %get3A_3686] : memref<128x16x8x128xf32, #tpu.memory_space<vmem>>, vector<128x1x8x128xf32>
    %get3A_3688 = vector.shape_cast %get3A_3687 : vector<128x1x8x128xf32> to vector<128x8x128xf32>
    %jit3A_3689 = arith.constant 1.000000e+10 : f32
    %broadcast_in_dim3A_3690 = vector.broadcast %jit3A_3689 : f32 to vector<128x8x128xf32>
    %select_n3A_3691 = arith.select %eq3A_3682, %broadcast_in_dim3A_3690, %get3A_3688 : vector<128x8x128xi1>, vector<128x8x128xf32>
    %swap3A_3692 = arith.constant 0 : index
    %swap3A_3693 = arith.constant 10 : index
    %swap3A_3694 = arith.constant 0 : index
    %swap3A_3695 = arith.constant 0 : index
    %swap3A_3696 = vector.load %arg5[%swap3A_3692, %swap3A_3693, %swap3A_3694, %swap3A_3695] : memref<128x16x8x128xf32, #tpu.memory_space<vmem>>, vector<128x1x8x128xf32>
    %swap3A_3697 = vector.shape_cast %swap3A_3696 : vector<128x1x8x128xf32> to vector<128x8x128xf32>
    %swap3A_3698 = vector.shape_cast %select_n3A_3691 : vector<128x8x128xf32> to vector<128x1x8x128xf32>
    tpu.vector_store %arg5[%swap3A_3692, %swap3A_3693, %swap3A_3694, %swap3A_3695], %swap3A_3698 {strides = array<i32>} : memref<128x16x8x128xf32, #tpu.memory_space<vmem>>, vector<128x1x8x128xf32>,
    %min3A_3699 = arith.minimumf %min3A_3673, %select_n3A_3691 : vector<128x8x128xf32>
    %mul3A_3700 = arith.constant 128 : i32
    %mul3A_3701 = vector.broadcast %mul3A_3700 : i32 to vector<128x8x128xi32>
    %mul3A_3702 = arith.muli %iota3A_64, %mul3A_3701 : vector<128x8x128xi32>
    %add3A_3703 = arith.constant 88 : i32
    %add3A_3704 = vector.broadcast %add3A_3703 : i32 to vector<128x8x128xi32>
    %add3A_3705 = arith.addi %mul3A_3702, %add3A_3704 : vector<128x8x128xi32>
    %add3A_3706 = arith.addi %add3A_3705, %iota3A : vector<128x8x128xi32>
    %eq3A_3707 = vector.broadcast %broadcast_in_dim3A_3406 : vector<128x1x128xi32> to vector<128x8x128xi32>
    %eq3A_3708 = arith.cmpi eq, %add3A_3706, %eq3A_3707 : vector<128x8x128xi32>
    %get3A_3709 = arith.constant 0 : index
    %get3A_3710 = arith.constant 11 : index
    %get3A_3711 = arith.constant 0 : index
    %get3A_3712 = arith.constant 0 : index
    %get3A_3713 = vector.load %arg5[%get3A_3709, %get3A_3710, %get3A_3711, %get3A_3712] : memref<128x16x8x128xf32, #tpu.memory_space<vmem>>, vector<128x1x8x128xf32>
    %get3A_3714 = vector.shape_cast %get3A_3713 : vector<128x1x8x128xf32> to vector<128x8x128xf32>
    %jit3A_3715 = arith.constant 1.000000e+10 : f32
    %broadcast_in_dim3A_3716 = vector.broadcast %jit3A_3715 : f32 to vector<128x8x128xf32>
    %select_n3A_3717 = arith.select %eq3A_3708, %broadcast_in_dim3A_3716, %get3A_3714 : vector<128x8x128xi1>, vector<128x8x128xf32>
    %swap3A_3718 = arith.constant 0 : index
    %swap3A_3719 = arith.constant 11 : index
    %swap3A_3720 = arith.constant 0 : index
    %swap3A_3721 = arith.constant 0 : index
    %swap3A_3722 = vector.load %arg5[%swap3A_3718, %swap3A_3719, %swap3A_3720, %swap3A_3721] : memref<128x16x8x128xf32, #tpu.memory_space<vmem>>, vector<128x1x8x128xf32>
    %swap3A_3723 = vector.shape_cast %swap3A_3722 : vector<128x1x8x128xf32> to vector<128x8x128xf32>
    %swap3A_3724 = vector.shape_cast %select_n3A_3717 : vector<128x8x128xf32> to vector<128x1x8x128xf32>
    tpu.vector_store %arg5[%swap3A_3718, %swap3A_3719, %swap3A_3720, %swap3A_3721], %swap3A_3724 {strides = array<i32>} : memref<128x16x8x128xf32, #tpu.memory_space<vmem>>, vector<128x1x8x128xf32>,
    %min3A_3725 = arith.minimumf %min3A_3699, %select_n3A_3717 : vector<128x8x128xf32>
    %mul3A_3726 = arith.constant 128 : i32
    %mul3A_3727 = vector.broadcast %mul3A_3726 : i32 to vector<128x8x128xi32>
    %mul3A_3728 = arith.muli %iota3A_64, %mul3A_3727 : vector<128x8x128xi32>
    %add3A_3729 = arith.constant 96 : i32
    %add3A_3730 = vector.broadcast %add3A_3729 : i32 to vector<128x8x128xi32>
    %add3A_3731 = arith.addi %mul3A_3728, %add3A_3730 : vector<128x8x128xi32>
    %add3A_3732 = arith.addi %add3A_3731, %iota3A : vector<128x8x128xi32>
    %eq3A_3733 = vector.broadcast %broadcast_in_dim3A_3406 : vector<128x1x128xi32> to vector<128x8x128xi32>
    %eq3A_3734 = arith.cmpi eq, %add3A_3732, %eq3A_3733 : vector<128x8x128xi32>
    %get3A_3735 = arith.constant 0 : index
    %get3A_3736 = arith.constant 12 : index
    %get3A_3737 = arith.constant 0 : index
    %get3A_3738 = arith.constant 0 : index
    %get3A_3739 = vector.load %arg5[%get3A_3735, %get3A_3736, %get3A_3737, %get3A_3738] : memref<128x16x8x128xf32, #tpu.memory_space<vmem>>, vector<128x1x8x128xf32>
    %get3A_3740 = vector.shape_cast %get3A_3739 : vector<128x1x8x128xf32> to vector<128x8x128xf32>
    %jit3A_3741 = arith.constant 1.000000e+10 : f32
    %broadcast_in_dim3A_3742 = vector.broadcast %jit3A_3741 : f32 to vector<128x8x128xf32>
    %select_n3A_3743 = arith.select %eq3A_3734, %broadcast_in_dim3A_3742, %get3A_3740 : vector<128x8x128xi1>, vector<128x8x128xf32>
    %swap3A_3744 = arith.constant 0 : index
    %swap3A_3745 = arith.constant 12 : index
    %swap3A_3746 = arith.constant 0 : index
    %swap3A_3747 = arith.constant 0 : index
    %swap3A_3748 = vector.load %arg5[%swap3A_3744, %swap3A_3745, %swap3A_3746, %swap3A_3747] : memref<128x16x8x128xf32, #tpu.memory_space<vmem>>, vector<128x1x8x128xf32>
    %swap3A_3749 = vector.shape_cast %swap3A_3748 : vector<128x1x8x128xf32> to vector<128x8x128xf32>
    %swap3A_3750 = vector.shape_cast %select_n3A_3743 : vector<128x8x128xf32> to vector<128x1x8x128xf32>
    tpu.vector_store %arg5[%swap3A_3744, %swap3A_3745, %swap3A_3746, %swap3A_3747], %swap3A_3750 {strides = array<i32>} : memref<128x16x8x128xf32, #tpu.memory_space<vmem>>, vector<128x1x8x128xf32>,
    %min3A_3751 = arith.minimumf %min3A_3725, %select_n3A_3743 : vector<128x8x128xf32>
    %mul3A_3752 = arith.constant 128 : i32
    %mul3A_3753 = vector.broadcast %mul3A_3752 : i32 to vector<128x8x128xi32>
    %mul3A_3754 = arith.muli %iota3A_64, %mul3A_3753 : vector<128x8x128xi32>
    %add3A_3755 = arith.constant 104 : i32
    %add3A_3756 = vector.broadcast %add3A_3755 : i32 to vector<128x8x128xi32>
    %add3A_3757 = arith.addi %mul3A_3754, %add3A_3756 : vector<128x8x128xi32>
    %add3A_3758 = arith.addi %add3A_3757, %iota3A : vector<128x8x128xi32>
    %eq3A_3759 = vector.broadcast %broadcast_in_dim3A_3406 : vector<128x1x128xi32> to vector<128x8x128xi32>
    %eq3A_3760 = arith.cmpi eq, %add3A_3758, %eq3A_3759 : vector<128x8x128xi32>
    %get3A_3761 = arith.constant 0 : index
    %get3A_3762 = arith.constant 13 : index
    %get3A_3763 = arith.constant 0 : index
    %get3A_3764 = arith.constant 0 : index
    %get3A_3765 = vector.load %arg5[%get3A_3761, %get3A_3762, %get3A_3763, %get3A_3764] : memref<128x16x8x128xf32, #tpu.memory_space<vmem>>, vector<128x1x8x128xf32>
    %get3A_3766 = vector.shape_cast %get3A_3765 : vector<128x1x8x128xf32> to vector<128x8x128xf32>
    %jit3A_3767 = arith.constant 1.000000e+10 : f32
    %broadcast_in_dim3A_3768 = vector.broadcast %jit3A_3767 : f32 to vector<128x8x128xf32>
    %select_n3A_3769 = arith.select %eq3A_3760, %broadcast_in_dim3A_3768, %get3A_3766 : vector<128x8x128xi1>, vector<128x8x128xf32>
    %swap3A_3770 = arith.constant 0 : index
    %swap3A_3771 = arith.constant 13 : index
    %swap3A_3772 = arith.constant 0 : index
    %swap3A_3773 = arith.constant 0 : index
    %swap3A_3774 = vector.load %arg5[%swap3A_3770, %swap3A_3771, %swap3A_3772, %swap3A_3773] : memref<128x16x8x128xf32, #tpu.memory_space<vmem>>, vector<128x1x8x128xf32>
    %swap3A_3775 = vector.shape_cast %swap3A_3774 : vector<128x1x8x128xf32> to vector<128x8x128xf32>
    %swap3A_3776 = vector.shape_cast %select_n3A_3769 : vector<128x8x128xf32> to vector<128x1x8x128xf32>
    tpu.vector_store %arg5[%swap3A_3770, %swap3A_3771, %swap3A_3772, %swap3A_3773], %swap3A_3776 {strides = array<i32>} : memref<128x16x8x128xf32, #tpu.memory_space<vmem>>, vector<128x1x8x128xf32>,
    %min3A_3777 = arith.minimumf %min3A_3751, %select_n3A_3769 : vector<128x8x128xf32>
    %mul3A_3778 = arith.constant 128 : i32
    %mul3A_3779 = vector.broadcast %mul3A_3778 : i32 to vector<128x8x128xi32>
    %mul3A_3780 = arith.muli %iota3A_64, %mul3A_3779 : vector<128x8x128xi32>
    %add3A_3781 = arith.constant 112 : i32
    %add3A_3782 = vector.broadcast %add3A_3781 : i32 to vector<128x8x128xi32>
    %add3A_3783 = arith.addi %mul3A_3780, %add3A_3782 : vector<128x8x128xi32>
    %add3A_3784 = arith.addi %add3A_3783, %iota3A : vector<128x8x128xi32>
    %eq3A_3785 = vector.broadcast %broadcast_in_dim3A_3406 : vector<128x1x128xi32> to vector<128x8x128xi32>
    %eq3A_3786 = arith.cmpi eq, %add3A_3784, %eq3A_3785 : vector<128x8x128xi32>
    %get3A_3787 = arith.constant 0 : index
    %get3A_3788 = arith.constant 14 : index
    %get3A_3789 = arith.constant 0 : index
    %get3A_3790 = arith.constant 0 : index
    %get3A_3791 = vector.load %arg5[%get3A_3787, %get3A_3788, %get3A_3789, %get3A_3790] : memref<128x16x8x128xf32, #tpu.memory_space<vmem>>, vector<128x1x8x128xf32>
    %get3A_3792 = vector.shape_cast %get3A_3791 : vector<128x1x8x128xf32> to vector<128x8x128xf32>
    %jit3A_3793 = arith.constant 1.000000e+10 : f32
    %broadcast_in_dim3A_3794 = vector.broadcast %jit3A_3793 : f32 to vector<128x8x128xf32>
    %select_n3A_3795 = arith.select %eq3A_3786, %broadcast_in_dim3A_3794, %get3A_3792 : vector<128x8x128xi1>, vector<128x8x128xf32>
    %swap3A_3796 = arith.constant 0 : index
    %swap3A_3797 = arith.constant 14 : index
    %swap3A_3798 = arith.constant 0 : index
    %swap3A_3799 = arith.constant 0 : index
    %swap3A_3800 = vector.load %arg5[%swap3A_3796, %swap3A_3797, %swap3A_3798, %swap3A_3799] : memref<128x16x8x128xf32, #tpu.memory_space<vmem>>, vector<128x1x8x128xf32>
    %swap3A_3801 = vector.shape_cast %swap3A_3800 : vector<128x1x8x128xf32> to vector<128x8x128xf32>
    %swap3A_3802 = vector.shape_cast %select_n3A_3795 : vector<128x8x128xf32> to vector<128x1x8x128xf32>
    tpu.vector_store %arg5[%swap3A_3796, %swap3A_3797, %swap3A_3798, %swap3A_3799], %swap3A_3802 {strides = array<i32>} : memref<128x16x8x128xf32, #tpu.memory_space<vmem>>, vector<128x1x8x128xf32>,
    %min3A_3803 = arith.minimumf %min3A_3777, %select_n3A_3795 : vector<128x8x128xf32>
    %mul3A_3804 = arith.constant 128 : i32
    %mul3A_3805 = vector.broadcast %mul3A_3804 : i32 to vector<128x8x128xi32>
    %mul3A_3806 = arith.muli %iota3A_64, %mul3A_3805 : vector<128x8x128xi32>
    %add3A_3807 = arith.constant 120 : i32
    %add3A_3808 = vector.broadcast %add3A_3807 : i32 to vector<128x8x128xi32>
    %add3A_3809 = arith.addi %mul3A_3806, %add3A_3808 : vector<128x8x128xi32>
    %add3A_3810 = arith.addi %add3A_3809, %iota3A : vector<128x8x128xi32>
    %eq3A_3811 = vector.broadcast %broadcast_in_dim3A_3406 : vector<128x1x128xi32> to vector<128x8x128xi32>
    %eq3A_3812 = arith.cmpi eq, %add3A_3810, %eq3A_3811 : vector<128x8x128xi32>
    %get3A_3813 = arith.constant 0 : index
    %get3A_3814 = arith.constant 15 : index
    %get3A_3815 = arith.constant 0 : index
    %get3A_3816 = arith.constant 0 : index
    %get3A_3817 = vector.load %arg5[%get3A_3813, %get3A_3814, %get3A_3815, %get3A_3816] : memref<128x16x8x128xf32, #tpu.memory_space<vmem>>, vector<128x1x8x128xf32>
    %get3A_3818 = vector.shape_cast %get3A_3817 : vector<128x1x8x128xf32> to vector<128x8x128xf32>
    %jit3A_3819 = arith.constant 1.000000e+10 : f32
    %broadcast_in_dim3A_3820 = vector.broadcast %jit3A_3819 : f32 to vector<128x8x128xf32>
    %select_n3A_3821 = arith.select %eq3A_3812, %broadcast_in_dim3A_3820, %get3A_3818 : vector<128x8x128xi1>, vector<128x8x128xf32>
    %swap3A_3822 = arith.constant 0 : index
    %swap3A_3823 = arith.constant 15 : index
    %swap3A_3824 = arith.constant 0 : index
    %swap3A_3825 = arith.constant 0 : index
    %swap3A_3826 = vector.load %arg5[%swap3A_3822, %swap3A_3823, %swap3A_3824, %swap3A_3825] : memref<128x16x8x128xf32, #tpu.memory_space<vmem>>, vector<128x1x8x128xf32>
    %swap3A_3827 = vector.shape_cast %swap3A_3826 : vector<128x1x8x128xf32> to vector<128x8x128xf32>
    %swap3A_3828 = vector.shape_cast %select_n3A_3821 : vector<128x8x128xf32> to vector<128x1x8x128xf32>
    tpu.vector_store %arg5[%swap3A_3822, %swap3A_3823, %swap3A_3824, %swap3A_3825], %swap3A_3828 {strides = array<i32>} : memref<128x16x8x128xf32, #tpu.memory_space<vmem>>, vector<128x1x8x128xf32>,
    %min3A_3829 = arith.minimumf %min3A_3803, %select_n3A_3821 : vector<128x8x128xf32>
    %reduce_min3A_3830 = arith.constant dense<0x7F800000> : vector<128x128xf32>
    %reduce_min3A_3831 = vector.multi_reduction <minimumf>, %min3A_3829, %reduce_min3A_3830 [1] : vector<128x8x128xf32> to vector<128x128xf32>
    %broadcast_in_dim3A_3832 = vector.shape_cast %reduce_min3A_3831 : vector<128x128xf32> to vector<128x1x128xf32>
    %get3A_3833 = arith.constant 0 : index
    %get3A_3834 = arith.constant 0 : index
    %get3A_3835 = arith.constant 0 : index
    %get3A_3836 = arith.constant 0 : index
    %get3A_3837 = vector.load %arg5[%get3A_3833, %get3A_3834, %get3A_3835, %get3A_3836] : memref<128x16x8x128xf32, #tpu.memory_space<vmem>>, vector<128x1x8x128xf32>
    %get3A_3838 = vector.shape_cast %get3A_3837 : vector<128x1x8x128xf32> to vector<128x8x128xf32>
    %eq3A_3839 = vector.broadcast %broadcast_in_dim3A_3832 : vector<128x1x128xf32> to vector<128x8x128xf32>
    %eq3A_3840 = arith.cmpf oeq, %get3A_3838, %eq3A_3839 : vector<128x8x128xf32>
    %mul3A_3841 = arith.constant 128 : i32
    %mul3A_3842 = vector.broadcast %mul3A_3841 : i32 to vector<128x8x128xi32>
    %mul3A_3843 = arith.muli %iota3A_64, %mul3A_3842 : vector<128x8x128xi32>
    %add3A_3844 = arith.constant 0 : i32
    %add3A_3845 = vector.broadcast %add3A_3844 : i32 to vector<128x8x128xi32>
    %add3A_3846 = arith.addi %mul3A_3843, %add3A_3845 : vector<128x8x128xi32>
    %add3A_3847 = arith.addi %add3A_3846, %iota3A : vector<128x8x128xi32>
    %jit3A_3848 = arith.constant 16384 : i32
    %broadcast_in_dim3A_3849 = vector.broadcast %jit3A_3848 : i32 to vector<128x8x128xi32>
    %select_n3A_3850 = arith.select %eq3A_3840, %add3A_3847, %broadcast_in_dim3A_3849 : vector<128x8x128xi1>, vector<128x8x128xi32>
    %get3A_3851 = arith.constant 0 : index
    %get3A_3852 = arith.constant 1 : index
    %get3A_3853 = arith.constant 0 : index
    %get3A_3854 = arith.constant 0 : index
    %get3A_3855 = vector.load %arg5[%get3A_3851, %get3A_3852, %get3A_3853, %get3A_3854] : memref<128x16x8x128xf32, #tpu.memory_space<vmem>>, vector<128x1x8x128xf32>
    %get3A_3856 = vector.shape_cast %get3A_3855 : vector<128x1x8x128xf32> to vector<128x8x128xf32>
    %eq3A_3857 = vector.broadcast %broadcast_in_dim3A_3832 : vector<128x1x128xf32> to vector<128x8x128xf32>
    %eq3A_3858 = arith.cmpf oeq, %get3A_3856, %eq3A_3857 : vector<128x8x128xf32>
    %mul3A_3859 = arith.constant 128 : i32
    %mul3A_3860 = vector.broadcast %mul3A_3859 : i32 to vector<128x8x128xi32>
    %mul3A_3861 = arith.muli %iota3A_64, %mul3A_3860 : vector<128x8x128xi32>
    %add3A_3862 = arith.constant 8 : i32
    %add3A_3863 = vector.broadcast %add3A_3862 : i32 to vector<128x8x128xi32>
    %add3A_3864 = arith.addi %mul3A_3861, %add3A_3863 : vector<128x8x128xi32>
    %add3A_3865 = arith.addi %add3A_3864, %iota3A : vector<128x8x128xi32>
    %jit3A_3866 = arith.constant 16384 : i32
    %broadcast_in_dim3A_3867 = vector.broadcast %jit3A_3866 : i32 to vector<128x8x128xi32>
    %select_n3A_3868 = arith.select %eq3A_3858, %add3A_3865, %broadcast_in_dim3A_3867 : vector<128x8x128xi1>, vector<128x8x128xi32>
    %min3A_3869 = arith.minsi %select_n3A_3850, %select_n3A_3868 : vector<128x8x128xi32>
    %get3A_3870 = arith.constant 0 : index
    %get3A_3871 = arith.constant 2 : index
    %get3A_3872 = arith.constant 0 : index
    %get3A_3873 = arith.constant 0 : index
    %get3A_3874 = vector.load %arg5[%get3A_3870, %get3A_3871, %get3A_3872, %get3A_3873] : memref<128x16x8x128xf32, #tpu.memory_space<vmem>>, vector<128x1x8x128xf32>
    %get3A_3875 = vector.shape_cast %get3A_3874 : vector<128x1x8x128xf32> to vector<128x8x128xf32>
    %eq3A_3876 = vector.broadcast %broadcast_in_dim3A_3832 : vector<128x1x128xf32> to vector<128x8x128xf32>
    %eq3A_3877 = arith.cmpf oeq, %get3A_3875, %eq3A_3876 : vector<128x8x128xf32>
    %mul3A_3878 = arith.constant 128 : i32
    %mul3A_3879 = vector.broadcast %mul3A_3878 : i32 to vector<128x8x128xi32>
    %mul3A_3880 = arith.muli %iota3A_64, %mul3A_3879 : vector<128x8x128xi32>
    %add3A_3881 = arith.constant 16 : i32
    %add3A_3882 = vector.broadcast %add3A_3881 : i32 to vector<128x8x128xi32>
    %add3A_3883 = arith.addi %mul3A_3880, %add3A_3882 : vector<128x8x128xi32>
    %add3A_3884 = arith.addi %add3A_3883, %iota3A : vector<128x8x128xi32>
    %jit3A_3885 = arith.constant 16384 : i32
    %broadcast_in_dim3A_3886 = vector.broadcast %jit3A_3885 : i32 to vector<128x8x128xi32>
    %select_n3A_3887 = arith.select %eq3A_3877, %add3A_3884, %broadcast_in_dim3A_3886 : vector<128x8x128xi1>, vector<128x8x128xi32>
    %min3A_3888 = arith.minsi %min3A_3869, %select_n3A_3887 : vector<128x8x128xi32>
    %get3A_3889 = arith.constant 0 : index
    %get3A_3890 = arith.constant 3 : index
    %get3A_3891 = arith.constant 0 : index
    %get3A_3892 = arith.constant 0 : index
    %get3A_3893 = vector.load %arg5[%get3A_3889, %get3A_3890, %get3A_3891, %get3A_3892] : memref<128x16x8x128xf32, #tpu.memory_space<vmem>>, vector<128x1x8x128xf32>
    %get3A_3894 = vector.shape_cast %get3A_3893 : vector<128x1x8x128xf32> to vector<128x8x128xf32>
    %eq3A_3895 = vector.broadcast %broadcast_in_dim3A_3832 : vector<128x1x128xf32> to vector<128x8x128xf32>
    %eq3A_3896 = arith.cmpf oeq, %get3A_3894, %eq3A_3895 : vector<128x8x128xf32>
    %mul3A_3897 = arith.constant 128 : i32
    %mul3A_3898 = vector.broadcast %mul3A_3897 : i32 to vector<128x8x128xi32>
    %mul3A_3899 = arith.muli %iota3A_64, %mul3A_3898 : vector<128x8x128xi32>
    %add3A_3900 = arith.constant 24 : i32
    %add3A_3901 = vector.broadcast %add3A_3900 : i32 to vector<128x8x128xi32>
    %add3A_3902 = arith.addi %mul3A_3899, %add3A_3901 : vector<128x8x128xi32>
    %add3A_3903 = arith.addi %add3A_3902, %iota3A : vector<128x8x128xi32>
    %jit3A_3904 = arith.constant 16384 : i32
    %broadcast_in_dim3A_3905 = vector.broadcast %jit3A_3904 : i32 to vector<128x8x128xi32>
    %select_n3A_3906 = arith.select %eq3A_3896, %add3A_3903, %broadcast_in_dim3A_3905 : vector<128x8x128xi1>, vector<128x8x128xi32>
    %min3A_3907 = arith.minsi %min3A_3888, %select_n3A_3906 : vector<128x8x128xi32>
    %get3A_3908 = arith.constant 0 : index
    %get3A_3909 = arith.constant 4 : index
    %get3A_3910 = arith.constant 0 : index
    %get3A_3911 = arith.constant 0 : index
    %get3A_3912 = vector.load %arg5[%get3A_3908, %get3A_3909, %get3A_3910, %get3A_3911] : memref<128x16x8x128xf32, #tpu.memory_space<vmem>>, vector<128x1x8x128xf32>
    %get3A_3913 = vector.shape_cast %get3A_3912 : vector<128x1x8x128xf32> to vector<128x8x128xf32>
    %eq3A_3914 = vector.broadcast %broadcast_in_dim3A_3832 : vector<128x1x128xf32> to vector<128x8x128xf32>
    %eq3A_3915 = arith.cmpf oeq, %get3A_3913, %eq3A_3914 : vector<128x8x128xf32>
    %mul3A_3916 = arith.constant 128 : i32
    %mul3A_3917 = vector.broadcast %mul3A_3916 : i32 to vector<128x8x128xi32>
    %mul3A_3918 = arith.muli %iota3A_64, %mul3A_3917 : vector<128x8x128xi32>
    %add3A_3919 = arith.constant 32 : i32
    %add3A_3920 = vector.broadcast %add3A_3919 : i32 to vector<128x8x128xi32>
    %add3A_3921 = arith.addi %mul3A_3918, %add3A_3920 : vector<128x8x128xi32>
    %add3A_3922 = arith.addi %add3A_3921, %iota3A : vector<128x8x128xi32>
    %jit3A_3923 = arith.constant 16384 : i32
    %broadcast_in_dim3A_3924 = vector.broadcast %jit3A_3923 : i32 to vector<128x8x128xi32>
    %select_n3A_3925 = arith.select %eq3A_3915, %add3A_3922, %broadcast_in_dim3A_3924 : vector<128x8x128xi1>, vector<128x8x128xi32>
    %min3A_3926 = arith.minsi %min3A_3907, %select_n3A_3925 : vector<128x8x128xi32>
    %get3A_3927 = arith.constant 0 : index
    %get3A_3928 = arith.constant 5 : index
    %get3A_3929 = arith.constant 0 : index
    %get3A_3930 = arith.constant 0 : index
    %get3A_3931 = vector.load %arg5[%get3A_3927, %get3A_3928, %get3A_3929, %get3A_3930] : memref<128x16x8x128xf32, #tpu.memory_space<vmem>>, vector<128x1x8x128xf32>
    %get3A_3932 = vector.shape_cast %get3A_3931 : vector<128x1x8x128xf32> to vector<128x8x128xf32>
    %eq3A_3933 = vector.broadcast %broadcast_in_dim3A_3832 : vector<128x1x128xf32> to vector<128x8x128xf32>
    %eq3A_3934 = arith.cmpf oeq, %get3A_3932, %eq3A_3933 : vector<128x8x128xf32>
    %mul3A_3935 = arith.constant 128 : i32
    %mul3A_3936 = vector.broadcast %mul3A_3935 : i32 to vector<128x8x128xi32>
    %mul3A_3937 = arith.muli %iota3A_64, %mul3A_3936 : vector<128x8x128xi32>
    %add3A_3938 = arith.constant 40 : i32
    %add3A_3939 = vector.broadcast %add3A_3938 : i32 to vector<128x8x128xi32>
    %add3A_3940 = arith.addi %mul3A_3937, %add3A_3939 : vector<128x8x128xi32>
    %add3A_3941 = arith.addi %add3A_3940, %iota3A : vector<128x8x128xi32>
    %jit3A_3942 = arith.constant 16384 : i32
    %broadcast_in_dim3A_3943 = vector.broadcast %jit3A_3942 : i32 to vector<128x8x128xi32>
    %select_n3A_3944 = arith.select %eq3A_3934, %add3A_3941, %broadcast_in_dim3A_3943 : vector<128x8x128xi1>, vector<128x8x128xi32>
    %min3A_3945 = arith.minsi %min3A_3926, %select_n3A_3944 : vector<128x8x128xi32>
    %get3A_3946 = arith.constant 0 : index
    %get3A_3947 = arith.constant 6 : index
    %get3A_3948 = arith.constant 0 : index
    %get3A_3949 = arith.constant 0 : index
    %get3A_3950 = vector.load %arg5[%get3A_3946, %get3A_3947, %get3A_3948, %get3A_3949] : memref<128x16x8x128xf32, #tpu.memory_space<vmem>>, vector<128x1x8x128xf32>
    %get3A_3951 = vector.shape_cast %get3A_3950 : vector<128x1x8x128xf32> to vector<128x8x128xf32>
    %eq3A_3952 = vector.broadcast %broadcast_in_dim3A_3832 : vector<128x1x128xf32> to vector<128x8x128xf32>
    %eq3A_3953 = arith.cmpf oeq, %get3A_3951, %eq3A_3952 : vector<128x8x128xf32>
    %mul3A_3954 = arith.constant 128 : i32
    %mul3A_3955 = vector.broadcast %mul3A_3954 : i32 to vector<128x8x128xi32>
    %mul3A_3956 = arith.muli %iota3A_64, %mul3A_3955 : vector<128x8x128xi32>
    %add3A_3957 = arith.constant 48 : i32
    %add3A_3958 = vector.broadcast %add3A_3957 : i32 to vector<128x8x128xi32>
    %add3A_3959 = arith.addi %mul3A_3956, %add3A_3958 : vector<128x8x128xi32>
    %add3A_3960 = arith.addi %add3A_3959, %iota3A : vector<128x8x128xi32>
    %jit3A_3961 = arith.constant 16384 : i32
    %broadcast_in_dim3A_3962 = vector.broadcast %jit3A_3961 : i32 to vector<128x8x128xi32>
    %select_n3A_3963 = arith.select %eq3A_3953, %add3A_3960, %broadcast_in_dim3A_3962 : vector<128x8x128xi1>, vector<128x8x128xi32>
    %min3A_3964 = arith.minsi %min3A_3945, %select_n3A_3963 : vector<128x8x128xi32>
    %get3A_3965 = arith.constant 0 : index
    %get3A_3966 = arith.constant 7 : index
    %get3A_3967 = arith.constant 0 : index
    %get3A_3968 = arith.constant 0 : index
    %get3A_3969 = vector.load %arg5[%get3A_3965, %get3A_3966, %get3A_3967, %get3A_3968] : memref<128x16x8x128xf32, #tpu.memory_space<vmem>>, vector<128x1x8x128xf32>
    %get3A_3970 = vector.shape_cast %get3A_3969 : vector<128x1x8x128xf32> to vector<128x8x128xf32>
    %eq3A_3971 = vector.broadcast %broadcast_in_dim3A_3832 : vector<128x1x128xf32> to vector<128x8x128xf32>
    %eq3A_3972 = arith.cmpf oeq, %get3A_3970, %eq3A_3971 : vector<128x8x128xf32>
    %mul3A_3973 = arith.constant 128 : i32
    %mul3A_3974 = vector.broadcast %mul3A_3973 : i32 to vector<128x8x128xi32>
    %mul3A_3975 = arith.muli %iota3A_64, %mul3A_3974 : vector<128x8x128xi32>
    %add3A_3976 = arith.constant 56 : i32
    %add3A_3977 = vector.broadcast %add3A_3976 : i32 to vector<128x8x128xi32>
    %add3A_3978 = arith.addi %mul3A_3975, %add3A_3977 : vector<128x8x128xi32>
    %add3A_3979 = arith.addi %add3A_3978, %iota3A : vector<128x8x128xi32>
    %jit3A_3980 = arith.constant 16384 : i32
    %broadcast_in_dim3A_3981 = vector.broadcast %jit3A_3980 : i32 to vector<128x8x128xi32>
    %select_n3A_3982 = arith.select %eq3A_3972, %add3A_3979, %broadcast_in_dim3A_3981 : vector<128x8x128xi1>, vector<128x8x128xi32>
    %min3A_3983 = arith.minsi %min3A_3964, %select_n3A_3982 : vector<128x8x128xi32>
    %get3A_3984 = arith.constant 0 : index
    %get3A_3985 = arith.constant 8 : index
    %get3A_3986 = arith.constant 0 : index
    %get3A_3987 = arith.constant 0 : index
    %get3A_3988 = vector.load %arg5[%get3A_3984, %get3A_3985, %get3A_3986, %get3A_3987] : memref<128x16x8x128xf32, #tpu.memory_space<vmem>>, vector<128x1x8x128xf32>
    %get3A_3989 = vector.shape_cast %get3A_3988 : vector<128x1x8x128xf32> to vector<128x8x128xf32>
    %eq3A_3990 = vector.broadcast %broadcast_in_dim3A_3832 : vector<128x1x128xf32> to vector<128x8x128xf32>
    %eq3A_3991 = arith.cmpf oeq, %get3A_3989, %eq3A_3990 : vector<128x8x128xf32>
    %mul3A_3992 = arith.constant 128 : i32
    %mul3A_3993 = vector.broadcast %mul3A_3992 : i32 to vector<128x8x128xi32>
    %mul3A_3994 = arith.muli %iota3A_64, %mul3A_3993 : vector<128x8x128xi32>
    %add3A_3995 = arith.constant 64 : i32
    %add3A_3996 = vector.broadcast %add3A_3995 : i32 to vector<128x8x128xi32>
    %add3A_3997 = arith.addi %mul3A_3994, %add3A_3996 : vector<128x8x128xi32>
    %add3A_3998 = arith.addi %add3A_3997, %iota3A : vector<128x8x128xi32>
    %jit3A_3999 = arith.constant 16384 : i32
    %broadcast_in_dim3A_4000 = vector.broadcast %jit3A_3999 : i32 to vector<128x8x128xi32>
    %select_n3A_4001 = arith.select %eq3A_3991, %add3A_3998, %broadcast_in_dim3A_4000 : vector<128x8x128xi1>, vector<128x8x128xi32>
    %min3A_4002 = arith.minsi %min3A_3983, %select_n3A_4001 : vector<128x8x128xi32>
    %get3A_4003 = arith.constant 0 : index
    %get3A_4004 = arith.constant 9 : index
    %get3A_4005 = arith.constant 0 : index
    %get3A_4006 = arith.constant 0 : index
    %get3A_4007 = vector.load %arg5[%get3A_4003, %get3A_4004, %get3A_4005, %get3A_4006] : memref<128x16x8x128xf32, #tpu.memory_space<vmem>>, vector<128x1x8x128xf32>
    %get3A_4008 = vector.shape_cast %get3A_4007 : vector<128x1x8x128xf32> to vector<128x8x128xf32>
    %eq3A_4009 = vector.broadcast %broadcast_in_dim3A_3832 : vector<128x1x128xf32> to vector<128x8x128xf32>
    %eq3A_4010 = arith.cmpf oeq, %get3A_4008, %eq3A_4009 : vector<128x8x128xf32>
    %mul3A_4011 = arith.constant 128 : i32
    %mul3A_4012 = vector.broadcast %mul3A_4011 : i32 to vector<128x8x128xi32>
    %mul3A_4013 = arith.muli %iota3A_64, %mul3A_4012 : vector<128x8x128xi32>
    %add3A_4014 = arith.constant 72 : i32
    %add3A_4015 = vector.broadcast %add3A_4014 : i32 to vector<128x8x128xi32>
    %add3A_4016 = arith.addi %mul3A_4013, %add3A_4015 : vector<128x8x128xi32>
    %add3A_4017 = arith.addi %add3A_4016, %iota3A : vector<128x8x128xi32>
    %jit3A_4018 = arith.constant 16384 : i32
    %broadcast_in_dim3A_4019 = vector.broadcast %jit3A_4018 : i32 to vector<128x8x128xi32>
    %select_n3A_4020 = arith.select %eq3A_4010, %add3A_4017, %broadcast_in_dim3A_4019 : vector<128x8x128xi1>, vector<128x8x128xi32>
    %min3A_4021 = arith.minsi %min3A_4002, %select_n3A_4020 : vector<128x8x128xi32>
    %get3A_4022 = arith.constant 0 : index
    %get3A_4023 = arith.constant 10 : index
    %get3A_4024 = arith.constant 0 : index
    %get3A_4025 = arith.constant 0 : index
    %get3A_4026 = vector.load %arg5[%get3A_4022, %get3A_4023, %get3A_4024, %get3A_4025] : memref<128x16x8x128xf32, #tpu.memory_space<vmem>>, vector<128x1x8x128xf32>
    %get3A_4027 = vector.shape_cast %get3A_4026 : vector<128x1x8x128xf32> to vector<128x8x128xf32>
    %eq3A_4028 = vector.broadcast %broadcast_in_dim3A_3832 : vector<128x1x128xf32> to vector<128x8x128xf32>
    %eq3A_4029 = arith.cmpf oeq, %get3A_4027, %eq3A_4028 : vector<128x8x128xf32>
    %mul3A_4030 = arith.constant 128 : i32
    %mul3A_4031 = vector.broadcast %mul3A_4030 : i32 to vector<128x8x128xi32>
    %mul3A_4032 = arith.muli %iota3A_64, %mul3A_4031 : vector<128x8x128xi32>
    %add3A_4033 = arith.constant 80 : i32
    %add3A_4034 = vector.broadcast %add3A_4033 : i32 to vector<128x8x128xi32>
    %add3A_4035 = arith.addi %mul3A_4032, %add3A_4034 : vector<128x8x128xi32>
    %add3A_4036 = arith.addi %add3A_4035, %iota3A : vector<128x8x128xi32>
    %jit3A_4037 = arith.constant 16384 : i32
    %broadcast_in_dim3A_4038 = vector.broadcast %jit3A_4037 : i32 to vector<128x8x128xi32>
    %select_n3A_4039 = arith.select %eq3A_4029, %add3A_4036, %broadcast_in_dim3A_4038 : vector<128x8x128xi1>, vector<128x8x128xi32>
    %min3A_4040 = arith.minsi %min3A_4021, %select_n3A_4039 : vector<128x8x128xi32>
    %get3A_4041 = arith.constant 0 : index
    %get3A_4042 = arith.constant 11 : index
    %get3A_4043 = arith.constant 0 : index
    %get3A_4044 = arith.constant 0 : index
    %get3A_4045 = vector.load %arg5[%get3A_4041, %get3A_4042, %get3A_4043, %get3A_4044] : memref<128x16x8x128xf32, #tpu.memory_space<vmem>>, vector<128x1x8x128xf32>
    %get3A_4046 = vector.shape_cast %get3A_4045 : vector<128x1x8x128xf32> to vector<128x8x128xf32>
    %eq3A_4047 = vector.broadcast %broadcast_in_dim3A_3832 : vector<128x1x128xf32> to vector<128x8x128xf32>
    %eq3A_4048 = arith.cmpf oeq, %get3A_4046, %eq3A_4047 : vector<128x8x128xf32>
    %mul3A_4049 = arith.constant 128 : i32
    %mul3A_4050 = vector.broadcast %mul3A_4049 : i32 to vector<128x8x128xi32>
    %mul3A_4051 = arith.muli %iota3A_64, %mul3A_4050 : vector<128x8x128xi32>
    %add3A_4052 = arith.constant 88 : i32
    %add3A_4053 = vector.broadcast %add3A_4052 : i32 to vector<128x8x128xi32>
    %add3A_4054 = arith.addi %mul3A_4051, %add3A_4053 : vector<128x8x128xi32>
    %add3A_4055 = arith.addi %add3A_4054, %iota3A : vector<128x8x128xi32>
    %jit3A_4056 = arith.constant 16384 : i32
    %broadcast_in_dim3A_4057 = vector.broadcast %jit3A_4056 : i32 to vector<128x8x128xi32>
    %select_n3A_4058 = arith.select %eq3A_4048, %add3A_4055, %broadcast_in_dim3A_4057 : vector<128x8x128xi1>, vector<128x8x128xi32>
    %min3A_4059 = arith.minsi %min3A_4040, %select_n3A_4058 : vector<128x8x128xi32>
    %get3A_4060 = arith.constant 0 : index
    %get3A_4061 = arith.constant 12 : index
    %get3A_4062 = arith.constant 0 : index
    %get3A_4063 = arith.constant 0 : index
    %get3A_4064 = vector.load %arg5[%get3A_4060, %get3A_4061, %get3A_4062, %get3A_4063] : memref<128x16x8x128xf32, #tpu.memory_space<vmem>>, vector<128x1x8x128xf32>
    %get3A_4065 = vector.shape_cast %get3A_4064 : vector<128x1x8x128xf32> to vector<128x8x128xf32>
    %eq3A_4066 = vector.broadcast %broadcast_in_dim3A_3832 : vector<128x1x128xf32> to vector<128x8x128xf32>
    %eq3A_4067 = arith.cmpf oeq, %get3A_4065, %eq3A_4066 : vector<128x8x128xf32>
    %mul3A_4068 = arith.constant 128 : i32
    %mul3A_4069 = vector.broadcast %mul3A_4068 : i32 to vector<128x8x128xi32>
    %mul3A_4070 = arith.muli %iota3A_64, %mul3A_4069 : vector<128x8x128xi32>
    %add3A_4071 = arith.constant 96 : i32
    %add3A_4072 = vector.broadcast %add3A_4071 : i32 to vector<128x8x128xi32>
    %add3A_4073 = arith.addi %mul3A_4070, %add3A_4072 : vector<128x8x128xi32>
    %add3A_4074 = arith.addi %add3A_4073, %iota3A : vector<128x8x128xi32>
    %jit3A_4075 = arith.constant 16384 : i32
    %broadcast_in_dim3A_4076 = vector.broadcast %jit3A_4075 : i32 to vector<128x8x128xi32>
    %select_n3A_4077 = arith.select %eq3A_4067, %add3A_4074, %broadcast_in_dim3A_4076 : vector<128x8x128xi1>, vector<128x8x128xi32>
    %min3A_4078 = arith.minsi %min3A_4059, %select_n3A_4077 : vector<128x8x128xi32>
    %get3A_4079 = arith.constant 0 : index
    %get3A_4080 = arith.constant 13 : index
    %get3A_4081 = arith.constant 0 : index
    %get3A_4082 = arith.constant 0 : index
    %get3A_4083 = vector.load %arg5[%get3A_4079, %get3A_4080, %get3A_4081, %get3A_4082] : memref<128x16x8x128xf32, #tpu.memory_space<vmem>>, vector<128x1x8x128xf32>
    %get3A_4084 = vector.shape_cast %get3A_4083 : vector<128x1x8x128xf32> to vector<128x8x128xf32>
    %eq3A_4085 = vector.broadcast %broadcast_in_dim3A_3832 : vector<128x1x128xf32> to vector<128x8x128xf32>
    %eq3A_4086 = arith.cmpf oeq, %get3A_4084, %eq3A_4085 : vector<128x8x128xf32>
    %mul3A_4087 = arith.constant 128 : i32
    %mul3A_4088 = vector.broadcast %mul3A_4087 : i32 to vector<128x8x128xi32>
    %mul3A_4089 = arith.muli %iota3A_64, %mul3A_4088 : vector<128x8x128xi32>
    %add3A_4090 = arith.constant 104 : i32
    %add3A_4091 = vector.broadcast %add3A_4090 : i32 to vector<128x8x128xi32>
    %add3A_4092 = arith.addi %mul3A_4089, %add3A_4091 : vector<128x8x128xi32>
    %add3A_4093 = arith.addi %add3A_4092, %iota3A : vector<128x8x128xi32>
    %jit3A_4094 = arith.constant 16384 : i32
    %broadcast_in_dim3A_4095 = vector.broadcast %jit3A_4094 : i32 to vector<128x8x128xi32>
    %select_n3A_4096 = arith.select %eq3A_4086, %add3A_4093, %broadcast_in_dim3A_4095 : vector<128x8x128xi1>, vector<128x8x128xi32>
    %min3A_4097 = arith.minsi %min3A_4078, %select_n3A_4096 : vector<128x8x128xi32>
    %get3A_4098 = arith.constant 0 : index
    %get3A_4099 = arith.constant 14 : index
    %get3A_4100 = arith.constant 0 : index
    %get3A_4101 = arith.constant 0 : index
    %get3A_4102 = vector.load %arg5[%get3A_4098, %get3A_4099, %get3A_4100, %get3A_4101] : memref<128x16x8x128xf32, #tpu.memory_space<vmem>>, vector<128x1x8x128xf32>
    %get3A_4103 = vector.shape_cast %get3A_4102 : vector<128x1x8x128xf32> to vector<128x8x128xf32>
    %eq3A_4104 = vector.broadcast %broadcast_in_dim3A_3832 : vector<128x1x128xf32> to vector<128x8x128xf32>
    %eq3A_4105 = arith.cmpf oeq, %get3A_4103, %eq3A_4104 : vector<128x8x128xf32>
    %mul3A_4106 = arith.constant 128 : i32
    %mul3A_4107 = vector.broadcast %mul3A_4106 : i32 to vector<128x8x128xi32>
    %mul3A_4108 = arith.muli %iota3A_64, %mul3A_4107 : vector<128x8x128xi32>
    %add3A_4109 = arith.constant 112 : i32
    %add3A_4110 = vector.broadcast %add3A_4109 : i32 to vector<128x8x128xi32>
    %add3A_4111 = arith.addi %mul3A_4108, %add3A_4110 : vector<128x8x128xi32>
    %add3A_4112 = arith.addi %add3A_4111, %iota3A : vector<128x8x128xi32>
    %jit3A_4113 = arith.constant 16384 : i32
    %broadcast_in_dim3A_4114 = vector.broadcast %jit3A_4113 : i32 to vector<128x8x128xi32>
    %select_n3A_4115 = arith.select %eq3A_4105, %add3A_4112, %broadcast_in_dim3A_4114 : vector<128x8x128xi1>, vector<128x8x128xi32>
    %min3A_4116 = arith.minsi %min3A_4097, %select_n3A_4115 : vector<128x8x128xi32>
    %get3A_4117 = arith.constant 0 : index
    %get3A_4118 = arith.constant 15 : index
    %get3A_4119 = arith.constant 0 : index
    %get3A_4120 = arith.constant 0 : index
    %get3A_4121 = vector.load %arg5[%get3A_4117, %get3A_4118, %get3A_4119, %get3A_4120] : memref<128x16x8x128xf32, #tpu.memory_space<vmem>>, vector<128x1x8x128xf32>
    %get3A_4122 = vector.shape_cast %get3A_4121 : vector<128x1x8x128xf32> to vector<128x8x128xf32>
    %eq3A_4123 = vector.broadcast %broadcast_in_dim3A_3832 : vector<128x1x128xf32> to vector<128x8x128xf32>
    %eq3A_4124 = arith.cmpf oeq, %get3A_4122, %eq3A_4123 : vector<128x8x128xf32>
    %mul3A_4125 = arith.constant 128 : i32
    %mul3A_4126 = vector.broadcast %mul3A_4125 : i32 to vector<128x8x128xi32>
    %mul3A_4127 = arith.muli %iota3A_64, %mul3A_4126 : vector<128x8x128xi32>
    %add3A_4128 = arith.constant 120 : i32
    %add3A_4129 = vector.broadcast %add3A_4128 : i32 to vector<128x8x128xi32>
    %add3A_4130 = arith.addi %mul3A_4127, %add3A_4129 : vector<128x8x128xi32>
    %add3A_4131 = arith.addi %add3A_4130, %iota3A : vector<128x8x128xi32>
    %jit3A_4132 = arith.constant 16384 : i32
    %broadcast_in_dim3A_4133 = vector.broadcast %jit3A_4132 : i32 to vector<128x8x128xi32>
    %select_n3A_4134 = arith.select %eq3A_4124, %add3A_4131, %broadcast_in_dim3A_4133 : vector<128x8x128xi1>, vector<128x8x128xi32>
    %min3A_4135 = arith.minsi %min3A_4116, %select_n3A_4134 : vector<128x8x128xi32>
    %reduce_min3A_4136 = arith.constant dense<2147483647> : vector<128x128xi32>
    %reduce_min3A_4137 = vector.multi_reduction <minsi>, %min3A_4135, %reduce_min3A_4136 [1] : vector<128x8x128xi32> to vector<128x128xi32>
    %broadcast_in_dim3A_4138 = vector.shape_cast %reduce_min3A_4137 : vector<128x128xi32> to vector<128x1x128xi32>
    %squeeze3A_4139 = vector.shape_cast %broadcast_in_dim3A_3832 : vector<128x1x128xf32> to vector<128x128xf32>
    %swap3A_4140 = arith.constant 0 : index
    %swap3A_4141 = arith.constant 640 : index
    %swap3A_4142 = vector.load %arg6[%swap3A_4140, %swap3A_4141] : memref<128x768xf32, #tpu.memory_space<vmem>>, vector<128x128xf32>
    tpu.vector_store %arg6[%swap3A_4140, %swap3A_4141], %squeeze3A_4139 {strides = array<i32>} : memref<128x768xf32, #tpu.memory_space<vmem>>, vector<128x128xf32>,
    %squeeze3A_4143 = vector.shape_cast %broadcast_in_dim3A_4138 : vector<128x1x128xi32> to vector<128x128xi32>
    %swap3A_4144 = arith.constant 0 : index
    %swap3A_4145 = arith.constant 640 : index
    %swap3A_4146 = vector.load %arg7[%swap3A_4144, %swap3A_4145] : memref<128x768xi32, #tpu.memory_space<vmem>>, vector<128x128xi32>
    tpu.vector_store %arg7[%swap3A_4144, %swap3A_4145], %squeeze3A_4143 {strides = array<i32>} : memref<128x768xi32, #tpu.memory_space<vmem>>, vector<128x128xi32>,
    %get3A_4147 = arith.constant 0 : index
    %get3A_4148 = arith.constant 640 : index
    %get3A_4149 = vector.load %arg6[%get3A_4147, %get3A_4148] : memref<128x768xf32, #tpu.memory_space<vmem>>, vector<128x128xf32>
    %get3A_4150 = arith.constant 0 : index
    %get3A_4151 = arith.constant 640 : index
    %get3A_4152 = vector.load %arg7[%get3A_4150, %get3A_4151] : memref<128x768xi32, #tpu.memory_space<vmem>>, vector<128x128xi32>
    %broadcast_in_dim3A_4153 = arith.constant 0.000000e+00 : f32
    %broadcast_in_dim3A_4154 = vector.broadcast %broadcast_in_dim3A_4153 : f32 to vector<128x1xf32>
    %broadcast_in_dim3A_4155 = arith.constant 0 : i32
    %broadcast_in_dim3A_4156 = vector.broadcast %broadcast_in_dim3A_4155 : i32 to vector<128x1xi32>
    %scan3A = arith.constant 16384 : i32
    %scan3A_4157 = arith.constant 0 : i32
    %scan3A_4158 = arith.constant 32 : i32
    %scan3A_4159 = arith.addi %scan3A_4157, %scan3A_4158 : i32
    %scan3A_4160 = arith.constant 1 : i32
    %scan3A_4161:2 = scf.for %scan3A_4178 = %scan3A_4157 to %scan3A_4159 step %scan3A_4160 iter_args(%scan3A_4179 = %broadcast_in_dim3A_4154, %scan3A_4180 = %broadcast_in_dim3A_4156) -> (vector<128x1xf32>, vector<128x1xi32>)  : i32 {
      %get3A_4181 = arith.constant 0 : index
      %get3A_4182 = arith.constant 0 : index
      %get3A_4183 = vector.load %arg6[%get3A_4181, %get3A_4182] : memref<128x768xf32, #tpu.memory_space<vmem>>, vector<128x768xf32>
      %get3A_4184 = arith.constant 0 : index
      %get3A_4185 = arith.constant 0 : index
      %get3A_4186 = vector.load %arg7[%get3A_4184, %get3A_4185] : memref<128x768xi32, #tpu.memory_space<vmem>>, vector<128x768xi32>
      %reduce_min3A_4187 = arith.constant dense<0x7F800000> : vector<128xf32>
      %reduce_min3A_4188 = vector.multi_reduction <minimumf>, %get3A_4183, %reduce_min3A_4187 [1] : vector<128x768xf32> to vector<128xf32>
      %broadcast_in_dim3A_4189 = vector.shape_cast %reduce_min3A_4188 : vector<128xf32> to vector<128x1xf32>
      %eq3A_4190 = vector.broadcast %broadcast_in_dim3A_4189 : vector<128x1xf32> to vector<128x768xf32>
      %eq3A_4191 = arith.cmpf oeq, %get3A_4183, %eq3A_4190 : vector<128x768xf32>
      %broadcast_in_dim3A_4192 = vector.broadcast %scan3A : i32 to vector<128x768xi32>
      %select_n3A_4193 = arith.select %eq3A_4191, %get3A_4186, %broadcast_in_dim3A_4192 : vector<128x768xi1>, vector<128x768xi32>
      %reduce_min3A_4194 = arith.constant dense<2147483647> : vector<128xi32>
      %reduce_min3A_4195 = vector.multi_reduction <minsi>, %select_n3A_4193, %reduce_min3A_4194 [1] : vector<128x768xi32> to vector<128xi32>
      %broadcast_in_dim3A_4196 = vector.shape_cast %reduce_min3A_4195 : vector<128xi32> to vector<128x1xi32>
      %eq3A_4197 = vector.broadcast %scan3A_4178 : i32 to vector<128x32xi32>
      %eq3A_4198 = arith.cmpi eq, %iota3A_65, %eq3A_4197 : vector<128x32xi32>
      %get3A_4199 = arith.constant 0 : index
      %get3A_4200 = arith.constant 0 : index
      %get3A_4201 = arith.constant 0 : index
      %get3A_4202 = vector.load %arg4[%get3A_4199, %get3A_4200, %get3A_4201] : memref<1x128x32xi32, #tpu.memory_space<vmem>>, vector<1x128x32xi32>
      %get3A_4203 = vector.shape_cast %get3A_4202 : vector<1x128x32xi32> to vector<128x32xi32>
      %broadcast_in_dim3A_4204 = vector.shape_cast %broadcast_in_dim3A_4196 : vector<128x1xi32> to vector<128x1xi32>
      %broadcast_in_dim3A_4205 = vector.broadcast %broadcast_in_dim3A_4204 : vector<128x1xi32> to vector<128x32xi32>
      %select_n3A_4206 = arith.select %eq3A_4198, %broadcast_in_dim3A_4205, %get3A_4203 : vector<128x32xi1>, vector<128x32xi32>
      %swap3A_4207 = arith.constant 0 : index
      %swap3A_4208 = arith.constant 0 : index
      %swap3A_4209 = arith.constant 0 : index
      %swap3A_4210 = vector.load %arg4[%swap3A_4207, %swap3A_4208, %swap3A_4209] : memref<1x128x32xi32, #tpu.memory_space<vmem>>, vector<1x128x32xi32>
      %swap3A_4211 = vector.shape_cast %swap3A_4210 : vector<1x128x32xi32> to vector<128x32xi32>
      %swap3A_4212 = vector.shape_cast %select_n3A_4206 : vector<128x32xi32> to vector<1x128x32xi32>
      tpu.vector_store %arg4[%swap3A_4207, %swap3A_4208, %swap3A_4209], %swap3A_4212 {strides = array<i32>} : memref<1x128x32xi32, #tpu.memory_space<vmem>>, vector<1x128x32xi32>,
      %eq3A_4213 = vector.broadcast %broadcast_in_dim3A_4196 : vector<128x1xi32> to vector<128x768xi32>
      %eq3A_4214 = arith.cmpi eq, %get3A_4186, %eq3A_4213 : vector<128x768xi32>
      %jit3A_4215 = arith.constant 1.000000e+10 : f32
      %broadcast_in_dim3A_4216 = vector.broadcast %jit3A_4215 : f32 to vector<128x768xf32>
      %select_n3A_4217 = arith.select %eq3A_4214, %broadcast_in_dim3A_4216, %get3A_4183 : vector<128x768xi1>, vector<128x768xf32>
      %swap3A_4218 = arith.constant 0 : index
      %swap3A_4219 = arith.constant 0 : index
      %swap3A_4220 = vector.load %arg6[%swap3A_4218, %swap3A_4219] : memref<128x768xf32, #tpu.memory_space<vmem>>, vector<128x768xf32>
      tpu.vector_store %arg6[%swap3A_4218, %swap3A_4219], %select_n3A_4217 {strides = array<i32>} : memref<128x768xf32, #tpu.memory_space<vmem>>, vector<128x768xf32>,
      scf.yield %broadcast_in_dim3A_4189, %broadcast_in_dim3A_4196 : vector<128x1xf32>, vector<128x1xi32>
    }
    %scan3A_4162 = arith.constant 32 : i32
    %lt3A = vector.broadcast %scan3A_4161#0 : vector<128x1xf32> to vector<128x128xf32>
    %lt3A_4163 = arith.cmpf olt, %get3A_4149, %lt3A : vector<128x128xf32>
    %eq3A_4164 = vector.broadcast %scan3A_4161#0 : vector<128x1xf32> to vector<128x128xf32>
    %eq3A_4165 = arith.cmpf oeq, %get3A_4149, %eq3A_4164 : vector<128x128xf32>
    %le3A = vector.broadcast %scan3A_4161#1 : vector<128x1xi32> to vector<128x128xi32>
    %le3A_4166 = arith.cmpi sle, %get3A_4152, %le3A : vector<128x128xi32>
    %and3A = arith.andi %eq3A_4165, %le3A_4166 : vector<128x128xi1>
    %or3A = arith.ori %lt3A_4163, %and3A : vector<128x128xi1>
    %convert_element_type3A_4167 = arith.extui %or3A : vector<128x128xi1> to vector<128x128xi32>
    %reduce_sum3A = arith.constant dense<0> : vector<128xi32>
    %reduce_sum3A_4168 = vector.multi_reduction <add>, %convert_element_type3A_4167, %reduce_sum3A [1] : vector<128x128xi32> to vector<128xi32>
    %broadcast_in_dim3A_4169 = vector.shape_cast %reduce_sum3A_4168 : vector<128xi32> to vector<128x1xi32>
    %reduce_sum3A_4170 = arith.constant dense<0> : vector<1xi32>
    %reduce_sum3A_4171 = vector.multi_reduction <add>, %broadcast_in_dim3A_4169, %reduce_sum3A_4170 [0] : vector<128x1xi32> to vector<1xi32>
    %broadcast_in_dim3A_4172 = vector.shape_cast %reduce_sum3A_4171 : vector<1xi32> to vector<1x1xi32>
    %squeeze3A_4173 = vector.extract %broadcast_in_dim3A_4172[0, 0] : i32 from vector<1x1xi32>
    %gt3A = arith.constant 0 : i32
    %gt3A_4174 = arith.cmpi sgt, %squeeze3A_4173, %gt3A : i32
    %convert_element_type3A_4175 = arith.extui %gt3A_4174 : i1 to i32
    %cond3A = arith.constant 16384 : i32
    %cond3A_4176 = arith.constant 0 : i32
    %cond3A_4177 = arith.cmpi ne, %convert_element_type3A_4175, %cond3A_4176 : i32
    scf.if %cond3A_4177 {
      %swap3A_4178 = arith.constant 0 : index
      %swap3A_4179 = arith.constant 0 : index
      %swap3A_4180 = arith.constant 0 : index
      %swap3A_4181 = arith.constant 0 : index
      %swap3A_4182 = vector.load %arg5[%swap3A_4178, %swap3A_4179, %swap3A_4180, %swap3A_4181] : memref<128x16x8x128xf32, #tpu.memory_space<vmem>>, vector<128x16x8x128xf32>
      tpu.vector_store %arg5[%swap3A_4178, %swap3A_4179, %swap3A_4180, %swap3A_4181], %add3A_59 {strides = array<i32>} : memref<128x16x8x128xf32, #tpu.memory_space<vmem>>, vector<128x16x8x128xf32>,
      %iota3A_4183 = tpu.iota {dimensions = array<i32: 3>} : vector<128x16x8x128xi32>
      %iota3A_4184 = tpu.iota {dimensions = array<i32: 1>} : vector<128x16x8x128xi32>
      %iota3A_4185 = tpu.iota {dimensions = array<i32: 2>} : vector<128x16x8x128xi32>
      %mul3A_4186 = arith.constant 128 : i32
      %mul3A_4187 = vector.broadcast %mul3A_4186 : i32 to vector<128x16x8x128xi32>
      %mul3A_4188 = arith.muli %iota3A_4183, %mul3A_4187 : vector<128x16x8x128xi32>
      %mul3A_4189 = arith.constant 8 : i32
      %mul3A_4190 = vector.broadcast %mul3A_4189 : i32 to vector<128x16x8x128xi32>
      %mul3A_4191 = arith.muli %iota3A_4184, %mul3A_4190 : vector<128x16x8x128xi32>
      %add3A_4192 = arith.addi %mul3A_4188, %mul3A_4191 : vector<128x16x8x128xi32>
      %add3A_4193 = arith.addi %add3A_4192, %iota3A_4185 : vector<128x16x8x128xi32>
      %reduce_min3A_4194 = arith.constant dense<0x7F800000> : vector<128x16x128xf32>
      %reduce_min3A_4195 = vector.multi_reduction <minimumf>, %add3A_59, %reduce_min3A_4194 [2] : vector<128x16x8x128xf32> to vector<128x16x128xf32>
      %broadcast_in_dim3A_4196 = vector.shape_cast %reduce_min3A_4195 : vector<128x16x128xf32> to vector<128x16x1x128xf32>
      %reduce_min3A_4197 = arith.constant dense<0x7F800000> : vector<128x1x128xf32>
      %reduce_min3A_4198 = vector.multi_reduction <minimumf>, %broadcast_in_dim3A_4196, %reduce_min3A_4197 [1] : vector<128x16x1x128xf32> to vector<128x1x128xf32>
      %broadcast_in_dim3A_4199 = vector.shape_cast %reduce_min3A_4198 : vector<128x1x128xf32> to vector<128x1x1x128xf32>
      %reduce_min3A_4200 = arith.constant dense<0x7F800000> : vector<128x1x1xf32>
      %reduce_min3A_4201 = vector.multi_reduction <minimumf>, %broadcast_in_dim3A_4199, %reduce_min3A_4200 [3] : vector<128x1x1x128xf32> to vector<128x1x1xf32>
      %broadcast_in_dim3A_4202 = vector.shape_cast %reduce_min3A_4201 : vector<128x1x1xf32> to vector<128x1x1x1xf32>
      %scan3A_4203 = arith.constant 0 : i32
      %scan3A_4204 = arith.constant 32 : i32
      %scan3A_4205 = arith.addi %scan3A_4203, %scan3A_4204 : i32
      %scan3A_4206 = arith.constant 1 : i32
      %scan3A_4207 = scf.for %scan3A_4209 = %scan3A_4203 to %scan3A_4205 step %scan3A_4206 iter_args(%scan3A_4210 = %broadcast_in_dim3A_4202) -> (vector<128x1x1x1xf32>)  : i32 {
        %get3A_4211 = arith.constant 0 : index
        %get3A_4212 = arith.constant 0 : index
        %get3A_4213 = arith.constant 0 : index
        %get3A_4214 = arith.constant 0 : index
        %get3A_4215 = vector.load %arg5[%get3A_4211, %get3A_4212, %get3A_4213, %get3A_4214] : memref<128x16x8x128xf32, #tpu.memory_space<vmem>>, vector<128x16x8x128xf32>
        %eq3A_4216 = vector.broadcast %scan3A_4210 : vector<128x1x1x1xf32> to vector<128x16x8x128xf32>
        %eq3A_4217 = arith.cmpf oeq, %get3A_4215, %eq3A_4216 : vector<128x16x8x128xf32>
        %broadcast_in_dim3A_4218 = vector.broadcast %cond3A : i32 to vector<128x16x8x128xi32>
        %select_n3A_4219 = arith.select %eq3A_4217, %add3A_4193, %broadcast_in_dim3A_4218 : vector<128x16x8x128xi1>, vector<128x16x8x128xi32>
        %reduce_min3A_4220 = arith.constant dense<2147483647> : vector<128x16x128xi32>
        %reduce_min3A_4221 = vector.multi_reduction <minsi>, %select_n3A_4219, %reduce_min3A_4220 [2] : vector<128x16x8x128xi32> to vector<128x16x128xi32>
        %broadcast_in_dim3A_4222 = vector.shape_cast %reduce_min3A_4221 : vector<128x16x128xi32> to vector<128x16x1x128xi32>
        %reduce_min3A_4223 = arith.constant dense<2147483647> : vector<128x1x128xi32>
        %reduce_min3A_4224 = vector.multi_reduction <minsi>, %broadcast_in_dim3A_4222, %reduce_min3A_4223 [1] : vector<128x16x1x128xi32> to vector<128x1x128xi32>
        %broadcast_in_dim3A_4225 = vector.shape_cast %reduce_min3A_4224 : vector<128x1x128xi32> to vector<128x1x1x128xi32>
        %reduce_min3A_4226 = arith.constant dense<2147483647> : vector<128x1x1xi32>
        %reduce_min3A_4227 = vector.multi_reduction <minsi>, %broadcast_in_dim3A_4225, %reduce_min3A_4226 [3] : vector<128x1x1x128xi32> to vector<128x1x1xi32>
        %broadcast_in_dim3A_4228 = vector.shape_cast %reduce_min3A_4227 : vector<128x1x1xi32> to vector<128x1x1x1xi32>
        %eq3A_4229 = vector.broadcast %scan3A_4209 : i32 to vector<128x32xi32>
        %eq3A_4230 = arith.cmpi eq, %iota3A_65, %eq3A_4229 : vector<128x32xi32>
        %squeeze3A_4231 = vector.shape_cast %broadcast_in_dim3A_4228 : vector<128x1x1x1xi32> to vector<128x1xi32>
        %get3A_4232 = arith.constant 0 : index
        %get3A_4233 = arith.constant 0 : index
        %get3A_4234 = arith.constant 0 : index
        %get3A_4235 = vector.load %arg4[%get3A_4232, %get3A_4233, %get3A_4234] : memref<1x128x32xi32, #tpu.memory_space<vmem>>, vector<1x128x32xi32>
        %get3A_4236 = vector.shape_cast %get3A_4235 : vector<1x128x32xi32> to vector<128x32xi32>
        %broadcast_in_dim3A_4237 = vector.shape_cast %squeeze3A_4231 : vector<128x1xi32> to vector<128x1xi32>
        %broadcast_in_dim3A_4238 = vector.broadcast %broadcast_in_dim3A_4237 : vector<128x1xi32> to vector<128x32xi32>
        %select_n3A_4239 = arith.select %eq3A_4230, %broadcast_in_dim3A_4238, %get3A_4236 : vector<128x32xi1>, vector<128x32xi32>
        %swap3A_4240 = arith.constant 0 : index
        %swap3A_4241 = arith.constant 0 : index
        %swap3A_4242 = arith.constant 0 : index
        %swap3A_4243 = vector.load %arg4[%swap3A_4240, %swap3A_4241, %swap3A_4242] : memref<1x128x32xi32, #tpu.memory_space<vmem>>, vector<1x128x32xi32>
        %swap3A_4244 = vector.shape_cast %swap3A_4243 : vector<1x128x32xi32> to vector<128x32xi32>
        %swap3A_4245 = vector.shape_cast %select_n3A_4239 : vector<128x32xi32> to vector<1x128x32xi32>
        tpu.vector_store %arg4[%swap3A_4240, %swap3A_4241, %swap3A_4242], %swap3A_4245 {strides = array<i32>} : memref<1x128x32xi32, #tpu.memory_space<vmem>>, vector<1x128x32xi32>,
        %eq3A_4246 = vector.broadcast %broadcast_in_dim3A_4228 : vector<128x1x1x1xi32> to vector<128x16x8x128xi32>
        %eq3A_4247 = arith.cmpi eq, %add3A_4193, %eq3A_4246 : vector<128x16x8x128xi32>
        %jit3A_4248 = arith.constant 1.000000e+10 : f32
        %broadcast_in_dim3A_4249 = vector.broadcast %jit3A_4248 : f32 to vector<128x16x8x128xf32>
        %select_n3A_4250 = arith.select %eq3A_4247, %broadcast_in_dim3A_4249, %get3A_4215 : vector<128x16x8x128xi1>, vector<128x16x8x128xf32>
        %swap3A_4251 = arith.constant 0 : index
        %swap3A_4252 = arith.constant 0 : index
        %swap3A_4253 = arith.constant 0 : index
        %swap3A_4254 = arith.constant 0 : index
        %swap3A_4255 = vector.load %arg5[%swap3A_4251, %swap3A_4252, %swap3A_4253, %swap3A_4254] : memref<128x16x8x128xf32, #tpu.memory_space<vmem>>, vector<128x16x8x128xf32>
        tpu.vector_store %arg5[%swap3A_4251, %swap3A_4252, %swap3A_4253, %swap3A_4254], %select_n3A_4250 {strides = array<i32>} : memref<128x16x8x128xf32, #tpu.memory_space<vmem>>, vector<128x16x8x128xf32>,
        %reduce_min3A_4256 = arith.constant dense<0x7F800000> : vector<128x16x128xf32>
        %reduce_min3A_4257 = vector.multi_reduction <minimumf>, %select_n3A_4250, %reduce_min3A_4256 [2] : vector<128x16x8x128xf32> to vector<128x16x128xf32>
        %broadcast_in_dim3A_4258 = vector.shape_cast %reduce_min3A_4257 : vector<128x16x128xf32> to vector<128x16x1x128xf32>
        %reduce_min3A_4259 = arith.constant dense<0x7F800000> : vector<128x1x128xf32>
        %reduce_min3A_4260 = vector.multi_reduction <minimumf>, %broadcast_in_dim3A_4258, %reduce_min3A_4259 [1] : vector<128x16x1x128xf32> to vector<128x1x128xf32>
        %broadcast_in_dim3A_4261 = vector.shape_cast %reduce_min3A_4260 : vector<128x1x128xf32> to vector<128x1x1x128xf32>
        %reduce_min3A_4262 = arith.constant dense<0x7F800000> : vector<128x1x1xf32>
        %reduce_min3A_4263 = vector.multi_reduction <minimumf>, %broadcast_in_dim3A_4261, %reduce_min3A_4262 [3] : vector<128x1x1x128xf32> to vector<128x1x1xf32>
        %broadcast_in_dim3A_4264 = vector.shape_cast %reduce_min3A_4263 : vector<128x1x1xf32> to vector<128x1x1x1xf32>
        scf.yield %broadcast_in_dim3A_4264 : vector<128x1x1x1xf32>
      }
      %scan3A_4208 = arith.constant 32 : i32
    } else {
    }
    return
  }
  func.func @transform_0(%arg0: i32, %arg1: i32) -> (i32, i32, i32) {
    %c0_i32 = arith.constant 0 : i32
    %c0_i32_0 = arith.constant 0 : i32
    return %arg0, %arg1, %c0_i32 : i32, i32, i32
  }
  func.func @transform_1(%arg0: i32, %arg1: i32) -> (i32, i32, i32, i32) {
    %c0_i32 = arith.constant 0 : i32
    %c0_i32_0 = arith.constant 0 : i32
    %c0_i32_1 = arith.constant 0 : i32
    %c0_i32_2 = arith.constant 0 : i32
    return %arg0, %c0_i32, %c0_i32_0, %c0_i32_1 : i32, i32, i32, i32
  }
  func.func @transform_2(%arg0: i32, %arg1: i32) -> (i32, i32, i32) {
    %c0_i32 = arith.constant 0 : i32
    %c0_i32_0 = arith.constant 0 : i32
    return %arg0, %arg1, %c0_i32 : i32, i32, i32
  }
}

</mosaic_0001>

<sc_bundles>
// kernel: kernel.5.cloned.1.call-start
scs
__scs_entry_jumppad:
0x0: {  	(pc) =	sbr.rel $0x88, $3  }
0x1: {  	(tag) =	ssettag $0x0;
	lr =	simm.s32 $0x1  }
0x2: {  	[smem:$0x3F9F] =	sst lr;
	_ =	strace $0xD0000000  }
0x3: {  	_ = 	snop  }
0x4: {  	_ = 	snop  }
0x5: {  	_ = 	snop  }
0x6: {  	_ = 	snop  }
0x7: {  	_ = 	snop  }
__scs_overlays_trampoline_lowered:
0x8: {  	[smem:$0x3FAE] =	sst s0  }
0x9: {  	[smem:$0x3FAF] =	sst s1  }
0xa: {  	[smem:$0x3FB0] =	sst s2  }
0xb: {  	[smem:$0x3FB1] =	sst s3  }
0xc: {  	[smem:$0x3FB2] =	sst s4  }
0xd: {  	[smem:$0x3FB3] =	sst s5  }
0xe: {  	[smem:$0x3FB4] =	sst s6  }
0xf: {  	[smem:$0x3FB5] =	sst s7  }
0x10: {  	[smem:$0x3FB6] =	sst s8  }
0x11: {  	[smem:$0x3FB7] =	sst s9;
	s0 =	simm.s32 @!p0 $0x0  }
0x12: {  	s1 =	sld [smem:$0x3F9D];
	s0 =	simm.s32 @p0 $0x1  }
0x13: {  	[smem:$0x3FB8] =	sst s0;
	s0 =	simm.s32 @!p1 $0x0  }
0x14: {  	s2 =	sld [smem:$0x3F9C];
	s0 =	simm.s32 @p1 $0x1  }
0x15: {  	[smem:$0x3FB9] =	sst s0;
	s0 =	simm.s32 @!p2 $0x0  }
0x16: {  	s3 =	sld [smem:$0x3FDB];
	s0 =	simm.s32 @p2 $0x1  }
0x17: {  	s4 =	simm.s32 $0x1BF5;
	[smem:$0x3FBB] =	sst s0  }
0x18: {  	s0 =	sld [smem:$0x3F9E];
	_ =	swait.ge [sflag:s4], $0x0  }
0x19: {  	s7 =	sld [smem:$0x3F9F]  }
0x1a: {  	s8 =	sadd.s32 $0xFFFFE003, lr  }
0x1b: {  	s9 =	sadd.s32 $0xFFFFFEF7, lr;
	s5 =	simm.s32 $0xFFFFFFFF;
	p2 =	slt.u32 s8, $0xFFFFF086  }
0x1c: {  	p1 =	slt.u32 s9, $0xF7A;
	s5 =	simm.s32 @!p2 $0x0  }
0x1d: {  	s5 =	simm.s32 @p1 $0x1;
	p0 =	seq.s32 s7, s2  }
0x1e: {  	s7 =	smul.u32 @!p0 $0xF7A, s2;
	p2 =	seq.s32 @!p0 s5, $0x0  }
0x1f: {  	s9 =	smul.u32 $0xF7A, s1;
	s8 =	simm.s32 @!p0 $0x1BF5;
	p2 =	por !p2, p0  }
0x20: {  	[sflag:s8] =	ssyncset.s32 @!p0 $0xFFFFF086;
	s6 =	sadd.s32 @!p0 s3, s7;
	s7 =	simm.s32 @!p0 $0x108  }
0x21: {  	s3 =	sadd.s32 s3, s9;
	s6 =	sadd.s32 @!p0 $0x88, s6;
	s7 =	simm.s32 @p2 $0x1082  }
0x22: {  	[simem:s7], [sflag:s8] =	dma.local @!p0 [hbm:s6], $0xF7A  }
0x23: {  	s9 =	sor.u32 $0xD0000000, s2;
	s6 =	simm.s32 $0x108;
	_ =	swait.ge @!p0 [sflag:s8], $0x0  }
0x24: {  	s3 =	sadd.s32 $0x88, s3;
	s6 =	simm.s32 @!p1 $0x1082;
	[sflag:s4] =	ssyncset.s32 $0xFFFFF086  }
0x25: {  	[simem:s6], [sflag:s4] =	dma.local [hbm:s3], $0xF7A  }
0x26: {  	[smem:$0x3F9F] =	sst s1;
	(tag) =	ssettag s2;
	_ =	strace s9  }
0x27: {  	s1 =	sld [smem:$0x3FAF]  }
0x28: {  	s2 =	sld [smem:$0x3FB0]  }
0x29: {  	s4 =	sld [smem:$0x3FB2]  }
0x2a: {  	p0 =	seq.s32 s5, $0x0;
	s5 =	sld [smem:$0x3FB3]  }
0x2b: {  	s6 =	sld [smem:$0x3FB4]  }
0x2c: {  	s7 =	sld [smem:$0x3FB5]  }
0x2d: {  	s3 =	simm.s32 $0x108;
	s8 =	sld [smem:$0x3FB6]  }
0x2e: {  	s3 =	simm.s32 @!p0 $0x1082;
	s9 =	sld [smem:$0x3FB7]  }
0x2f: {  	lr =	sadd.s32 s0, s3;
	s0 =	sld [smem:$0x3FAE]  }
0x30: {  	s3 =	sld [smem:$0x3FB1]  }
0x31: {  	[smem:$0x3FBA] =	sst s10  }
0x32: {  	s10 =	sld [smem:$0x3FB8];
	_ =	sdelay $0x3  }
0x33: {  	p0 =	seq.s32 s10, $0x1;
	s10 =	sld [smem:$0x3FBA];
	_ =	sdelay $0x3  }
0x34: {  	[smem:$0x3FBA] =	sst s10  }
0x35: {  	s10 =	sld [smem:$0x3FB9];
	_ =	sdelay $0x3  }
0x36: {  	p1 =	seq.s32 s10, $0x1;
	s10 =	sld [smem:$0x3FBA];
	_ =	sdelay $0x3  }
0x37: {  	[smem:$0x3FBA] =	sst s10  }
0x38: {  	s10 =	sld [smem:$0x3FBB]  }
0x39: {  	_ = 	snop;
	(pc) =	sbr.ind lr, $3  }
0x3a: {  	_ = 	snop  }
0x3b: {  	_ = 	snop  }
0x3c: {  	p2 =	seq.s32 s10, $0x1;
	s10 =	sld [smem:$0x3FBA]  }
0x3d: {  	_ =	shalt  }
0x3e: {  	_ =	shalt  }
0x3f: {  	_ =	shalt  }
0x40: {  	_ =	shalt  }
0x41: {  	_ =	shalt  }
0x42: {  	_ =	shalt  }
0x43: {  	_ =	shalt  }
0x44: {  	_ =	shalt  }
0x45: {  	_ =	shalt  }
0x46: {  	_ =	shalt  }
0x47: {  	_ =	shalt  }
0x48: {  	_ =	shalt  }
0x49: {  	_ =	shalt  }
0x4a: {  	_ =	shalt  }
0x4b: {  	_ =	shalt  }
0x4c: {  	_ =	shalt  }
0x4d: {  	_ =	shalt  }
0x4e: {  	_ =	shalt  }
0x4f: {  	_ =	shalt  }
0x50: {  	_ =	shalt  }
0x51: {  	_ =	shalt  }
0x52: {  	_ =	shalt  }
0x53: {  	_ =	shalt  }
0x54: {  	_ =	shalt  }
0x55: {  	_ =	shalt  }
0x56: {  	_ =	shalt  }
0x57: {  	_ =	shalt  }
0x58: {  	_ =	shalt  }
0x59: {  	_ =	shalt  }
0x5a: {  	_ =	shalt  }
0x5b: {  	_ =	shalt  }
0x5c: {  	_ =	shalt  }
0x5d: {  	_ =	shalt  }
0x5e: {  	_ =	shalt  }
0x5f: {  	_ =	shalt  }
0x60: {  	_ =	shalt  }
0x61: {  	_ =	shalt  }
0x62: {  	_ =	shalt  }
0x63: {  	_ =	shalt  }
0x64: {  	_ =	shalt  }
0x65: {  	_ =	shalt  }
0x66: {  	_ =	shalt  }
0x67: {  	_ =	shalt  }
0x68: {  	_ =	shalt  }
0x69: {  	_ =	shalt  }
0x6a: {  	_ =	shalt  }
0x6b: {  	_ =	shalt  }
0x6c: {  	_ =	shalt  }
0x6d: {  	_ =	shalt  }
0x6e: {  	_ =	shalt  }
0x6f: {  	_ =	shalt  }
0x70: {  	_ =	shalt  }
0x71: {  	_ =	shalt  }
0x72: {  	_ =	shalt  }
0x73: {  	_ =	shalt  }
0x74: {  	_ =	shalt  }
0x75: {  	_ =	shalt  }
0x76: {  	_ =	shalt  }
0x77: {  	_ =	shalt  }
0x78: {  	_ =	shalt  }
0x79: {  	_ =	shalt  }
0x7a: {  	_ =	shalt  }
0x7b: {  	_ =	shalt  }
0x7c: {  	_ =	shalt  }
0x7d: {  	_ =	shalt  }
0x7e: {  	_ =	shalt  }
0x7f: {  	_ =	shalt  }
0x80: {  	_ =	shalt  }
0x81: {  	_ =	shalt  }
0x82: {  	_ =	shalt  }
0x83: {  	_ =	shalt  }
0x84: {  	_ =	shalt  }
0x85: {  	_ =	shalt  }
0x86: {  	_ =	shalt  }
0x87: {  	_ =	shalt  }
.Lfunc_end0:
.L_simem_size_0:
called_computation.1_lowered:
.L_overlay_start_0:
0x88: {  	s2 =	sld [smem:$0x3FD9]  }
0x89: {  	s3 =	sld [smem:$0x3FFE];
	_ =	sdelay $0x1  }
0x8a: {  	s1 =	srdreg.scid  }
0x8b: {  	s0 =	sand.u32 $0x1, s1  }
0x8c: {  	s14 =	sshll.u32 s0, $0xA;
	s2 =	sadd.s32 s3, s2  }
0x8d: {  	s2 =	sadd.s32 s2, s14  }
0x8e: {  	[smem:$0x3FC6] =	sst s2  }
0x8f: {  	_ = 	snop  }
0x90: {  	s2 =	sld [smem:$0x3FD0];
	_ =	sdelay $0x2  }
0x91: {  	s15 =	simm.s32 $0xA;
	s4 =	simm.s32 $0x10  }
0x92: {  	[smem:s4], [sflag:s15] =	dma.local [hbm:s2], $0x1  }
0x93: {  	_ =	swait.eq [sflag:s15], $0x1  }
0x94: {  	s16 =	sld [smem:$0x10]  }
0x95: {  	s17 =	sld [smem:$0x11];
	[sflag:s15] =	ssyncset.done $0x0  }
0x96: {  	s5 =	sld [smem:$0x12];
	[sflag:s15] =	ssyncadd.s32 $0xFFFFFFFF  }
0x97: {  	s18 =	sld [smem:$0x13];
	(tm) =	ssettm $0x1  }
0x98: {  	s6 =	sld [smem:$0x3FFB];
	_ =	sdelay $0x3  }
0x99: {  	_ =	strace s6  }
0x9a: {  	s6 =	sld [smem:$0x3FFC];
	_ =	sdelay $0x3  }
0x9b: {  	_ =	strace s6  }
0x9c: {  	s6 =	sld [smem:$0x3FFD];
	_ =	sdelay $0x3  }
0x9d: {  	_ =	strace s6  }
0x9e: {  	_ =	strace $0x8FFFFFFF  }
0x9f: {  	s19 =	sld [smem:$0x3FDB];
	_ =	sdelay $0x1  }
0xa0: {  	s7 =	simm.s32 $_scs_section_size  }
0xa1: {  	s8 =	simm.s32 $_size__tile_overlayer_lowered;
	s9 =	simm.s32 $_tile_overlayer_lowered  }
0xa2: {  	s22 =	simm.s32 $0x1BFF;
	s21 =	sshll.u32 s9, $0x1;
	s6 =	sadd.s32 s7, s19  }
0xa3: {  	s10 =	simm.s32 $0x0;
	s20 =	sshll.u32 s8, $0x1;
	s8 =	sadd.s32 s21, s6  }
0xa4: {  	[timem:s10], [sflag:s22] =	dma.local [hbm:s8], s20  }
0xa5: {  	_ =	swait.ge [sflag:s22], s20  }
0xa6: {  	s7 =	ssub.s32 $0x0, s20;
	[sflag:s22] =	ssyncset.done $0x0  }
0xa7: {  	[sflag:s22] =	ssyncadd.s32 s7;
	_ =	sdelay $0x1  }
0xa8: {  	s23 =	simm.s32 $0x1B8B  }
0xa9: {  	_ =	swait.ge [sflag:s23], $0x1  }
0xaa: {  	[sflag:s23] =	ssyncset.done $0x0  }
0xab: {  	s25 =	simm.s32 $0x1B8E;
	s24 =	sld [smem:$0x3FFE];
	[sflag:s23] =	ssyncadd.s32 $0xFFFFFFFF  }
0xac: {  	s26 =	simm.s32 $execute0_lowered;
	[smem:$0x3FD2] =	sst s25  }
0xad: {  	s8 =	sshll.u32 s26, $0x1;
	_ =	strace $0x80000046;
	[dreg:$0x1] =	wrdreg $0xFFFFFFFF  }
0xae: {  	s28 =	simm.s32 $_size_execute0_lowered;
	s6 =	sadd.s32 s6, s8;
	[dreg:$0x0] =	wrdreg $0x0  }
0xaf: {  	s8 =	sshll.u32 s28, $0x1;
	[dreg:$0x2] =	wrdreg s6  }
0xb0: {  	[dreg:$0x3] =	wrdreg s8  }
0xb1: {  	[dreg:$0x4] =	wrdreg $0xC0  }
0xb2: {  	_ =	task [dreg:s10], $0x5FFFF  }
0xb3: {  	[dreg:$0x1] =	wrdreg $0xFFFFFFFF  }
0xb4: {  	[dreg:$0x0] =	wrdreg $0x60  }
0xb5: {  	[dreg:$0x2] =	wrdreg s24  }
0xb6: {  	[dreg:$0x3] =	wrdreg s16  }
0xb7: {  	[dreg:$0x4] =	wrdreg s5  }
0xb8: {  	[dreg:$0x5] =	wrdreg s17  }
0xb9: {  	[dreg:$0x6] =	wrdreg s18  }
0xba: {  	[dreg:$0x7] =	wrdreg $0x9  }
0xbb: {  	_ =	task.clear_ibuf [dreg:s10], $0x8FFFF;
	_ =	strace $0x90000046  }
0xbc: {  	s29 =	simm.s32 $0x9;
	_ =	strace $0x80000048  }
0xbd: {  	_ =	swait.ge [sflag:s29], $0x1  }
0xbe: {  	[sflag:s29] =	ssyncadd.s32 $0xFFFFFFFF  }
0xbf: {  	_ =	strace $0x90000048  }
0xc0: {  	_ =	sfence  }
0xc1: {  	s30 =	sld [smem:$0x0];
	_ =	sdelay $0x2  }
0xc2: {  	s31 =	sshll.u32 s1, $0xD;
	s1 =	sshrl.u32 s1, $0x2  }
0xc3: {  	s3 =	sand.u32 $0x4000, s31;
	s1 =	sadd.s32 s1, s30  }
0xc4: {  	s0 =	sor.u32 s3, s0;
	s1 =	sshll.u32 s1, $0x11  }
0xc5: {  	s0 =	sor.u32 s1, s0  }
0xc6: {  	s0 =	sadd.s32 $0x8F2B, s0  }
0xc7: {  	[sflag:s0] =	ssyncadd.remote.s32 $0x1  }
0xc8: {  	_ =	sfence.sel $0xFFFF  }
0xc9: {  	[dreg:$0x0] =	wrdreg $0xFFFFFFFF;
	(pc) =	sbr.abs _section_cstart, $3  }
0xca: {  	[dreg:$0x1] =	wrdreg $0xFFFFFFFF  }
0xcb: {  	_ =	task.clear_ibuf [dreg:s10], $0x2FFFF;
	_ =	strace $0x9FFFFFFF  }
0xcc: {  	(tm) =	ssettm $0x7FFFFFFF  }
0xcd: {  	_ =	shalt  }
tec
execute0_lowered:
.L_overlay_start_1:
0x0: {  	(tag) =	ssettag $0x1  }
0x1: {  	s5 =	rddreg [dreg:$0x0]  }
0x2: {  	s6 =	rddreg [dreg:$0x1]  }
0x3: {  	s7 =	rddreg [dreg:$0x2]  }
0x4: {  	s8 =	rddreg [dreg:$0x3]  }
0x5: {  	s9 =	rddreg [dreg:$0x4]  }
0x6: {  	s0 =	rddreg [dreg:$0x5]  }
0x7: {  	s1 =	simm.s32 $0x0;
	s2 =	srdreg.scid;
	s16 =	simm.s32 $0x2  }
0x8: {  	s17 =	simm.s32 $0x0;
	[smem:$0x7FF] =	sst s1;
	s3 =	sadd.s32 $0x112800, s5  }
0x9: {  	s10 =	sand.u32 $0x1, s2;
	s4 =	sadd.s32 $0x2800, s5;
	s2 =	stileid.u32  }
0xa: {  	_ =	strace $0x80000047;
	s11 =	ssub.s32 $0x2, s10;
	s12 =	sshll.u32 s2, $0xE  }
0xb: {  	s14 =	sshll.u32 s2, $0x1;
	s29 =	sshll.u32 s2, $0x10;
	s30 =	sshll.u32 s10, $0xD  }
0xc: {  	s13 =	sshrl.u32 s11, $0x1;
	s12 =	sadd.s32 s12, s5;
	s26 =	sor.u32 s10, s14  }
0xd: {  	s9 =	sadd.s32 s29, s9;
	s10 =	sshll.u32 s10, $0xF;
	s11 =	ssub.s32 s11, s13  }
0xe: {  	s28 =	sshll.u32 s26, $0x4;
	s14 =	sshll.u32 s26, $0xA;
	s15 =	sshll.u32 s26, $0x9  }
0xf: {  	s31 =	sadd.s32 s30, s12;
	s9 =	sadd.s32 s10, s9;
	s12 =	simm.s32 $0x80  }
0x10: {  	s13 =	simm.s32 $0x1;
	s5 =	sadd.s32 s6, s28;
	s6 =	sadd.s32 s8, s14  }
0x11: {  	s7 =	sadd.s32 s7, s15;
	s8 =	smax.u32 s11, $0x1;
	s10 =	sadd.s32 $0x22800, s31  }
0x12: {  	s11 =	simm.s32 $0x3;
	s14 =	simm.s32 $0x3080;
	s15 =	simm.s32 $0x3880  }
.LBB2_1:
0x13: {  	[tilespmem:s1], [sflag:$0x3] =	stream.linear.gather [hbm4b:s5+s1], $0x80, $0x38;
	[tilespmem:$0x5880] =	vst v63  }
0x14: {  	_ =	swait.ge [sflag:s11], $0x80  }
0x15: {  	[sflag:s11] =	ssyncset.done $0x0  }
0x16: {  	[sflag:s11] =	ssyncadd.s32 $0xFFFFFF80  }
0x17: {  	[tilespmem:s12], [sflag:$0x1] =	stream.indirect.gather [hbm4b:s3+s12], $0x40, s1, s12, $0xb8;
	[tilespmem:$0x5880] =	vst v63  }
0x18: {  	_ =	swait.ge [sflag:s13], $0x2000  }
0x19: {  	[sflag:s13] =	ssyncset.done $0x0  }
0x1a: {  	[sflag:s13] =	ssyncadd.s32 $0xFFFFE000  }
0x1b: {  	[hbm4b:s6+s1] =	stream.linear.scatter [tilespmem:s12], [sflag:$0x3], $0x2000, $0x38;
	[tilespmem:$0x5880] =	vst v63  }
0x1c: {  	_ =	swait.ge [sflag:s11], $0x2000  }
0x1d: {  	[sflag:s11] =	ssyncset.done $0x0  }
0x1e: {  	s18 =	simm.s32 $0x2080;
	[sflag:s11] =	ssyncadd.s32 $0xFFFFE000  }
0x1f: {  	[tilespmem:s18], [sflag:$0x3] =	stream.linear.gather [hbm4b:s7+s1], $0x1000, $0x38;
	[tilespmem:$0x5880] =	vst v63  }
0x20: {  	_ =	swait.ge [sflag:s11], $0x1000  }
0x21: {  	[sflag:s11] =	ssyncset.done $0x0  }
0x22: {  	[sflag:s11] =	ssyncadd.s32 $0xFFFFF000  }
0x23: {  	[tilespmem:s14], [sflag:$0x1] =	stream.indirect.gather [hbm4b:s4+s12], $0x10, s18, s12, $0xb8;
	[tilespmem:$0x5880] =	vst v63  }
0x24: {  	_ = 	snop  }
0x25: {  	[tilespmem:s15], [sflag:$0x2] =	stream.indirect.gather [hbm4b:s3+s12], $0x40, s18, s12, $0xb8;
	[tilespmem:$0x5880] =	vst v63  }
0x26: {  	_ =	swait.ge [sflag:s13], $0x800  }
0x27: {  	[sflag:s13] =	ssyncset.done $0x0  }
0x28: {  	[sflag:s13] =	ssyncadd.s32 $0xFFFFF800  }
0x29: {  	_ =	swait.ge [sflag:s16], $0x2000  }
0x2a: {  	[sflag:s16] =	ssyncset.done $0x0  }
0x2b: {  	s19 =	sadd.s32 $0x0, s10;
	[sflag:s16] =	ssyncadd.s32 $0xFFFFE000  }
0x2c: {  	[hbm4b:s19+s1] =	stream.linear.scatter [tilespmem:s14], [sflag:$0x3], $0x800, $0x38;
	[tilespmem:$0x5880] =	vst v63  }
0x2d: {  	_ =	swait.ge [sflag:s11], $0x800  }
0x2e: {  	[sflag:s11] =	ssyncset.done $0x0  }
0x2f: {  	[sflag:s11] =	ssyncadd.s32 $0xFFFFF800  }
0x30: {  	[hbm4b:s9+s1] =	stream.linear.scatter [tilespmem:s15], [sflag:$0x3], $0x2000, $0x38;
	[tilespmem:$0x5880] =	vst v63  }
0x31: {  	_ =	swait.ge [sflag:s11], $0x2000  }
0x32: {  	s20 =	smov.u32 s9;
	s19 =	simm.s32 $0x100;
	[sflag:s11] =	ssyncset.done $0x0  }
.LBB2_2:
0x33: {  	[sflag:s11] =	ssyncadd.s32 $0xFFFFE000;
	s20 =	sadd.s32 $0x400, s20;
	s18 =	sadd.s32 $0x80, s18  }
0x34: {  	[tilespmem:s14], [sflag:$0x1] =	stream.indirect.gather [hbm4b:s4+s12], $0x10, s18, s12, $0xb8;
	[tilespmem:$0x5880] =	vst v63  }
0x35: {  	p0 =	sne.s32 s19, $0x1F00;
	s21 =	smov.u32 s19;
	s19 =	sadd.s32 $0x100, s19  }
0x36: {  	[tilespmem:s15], [sflag:$0x2] =	stream.indirect.gather [hbm4b:s3+s12], $0x40, s18, s12, $0xb8;
	[tilespmem:$0x5880] =	vst v63  }
0x37: {  	_ =	swait.ge [sflag:s13], $0x800  }
0x38: {  	[sflag:s13] =	ssyncset.done $0x0  }
0x39: {  	[sflag:s13] =	ssyncadd.s32 $0xFFFFF800  }
0x3a: {  	_ =	swait.ge [sflag:s16], $0x2000  }
0x3b: {  	[sflag:s16] =	ssyncset.done $0x0  }
0x3c: {  	s21 =	sadd.s32 s21, s10;
	[sflag:s16] =	ssyncadd.s32 $0xFFFFE000  }
0x3d: {  	[hbm4b:s21+s1] =	stream.linear.scatter [tilespmem:s14], [sflag:$0x3], $0x800, $0x38;
	[tilespmem:$0x5880] =	vst v63  }
0x3e: {  	_ =	swait.ge [sflag:s11], $0x800  }
.Ltmp0:
0x3f: {  	[sflag:s11] =	ssyncset.done $0x0;
	(pc) =	sbr.rel @p0 .LBB2_2-.Ltmp0, $4  }
0x40: {  	[sflag:s11] =	ssyncadd.s32 $0xFFFFF800  }
0x41: {  	[hbm4b:s20+s1] =	stream.linear.scatter [tilespmem:s15], [sflag:$0x3], $0x2000, $0x38;
	[tilespmem:$0x5880] =	vst v63  }
0x42: {  	_ =	swait.ge [sflag:s11], $0x2000  }
0x43: {  	[sflag:s11] =	ssyncset.done $0x0  }
0x44: {  	s17 =	sadd.s32 $0x1, s17  }
0x45: {  	p0 =	sne.s32 s17, s8  }
.Ltmp1:
0x46: {  	_ = 	snop;
	(pc) =	sbr.rel @p0 .LBB2_1-.Ltmp1, $2  }
0x47: {  	_ =	sdelay $0x2  }
0x48: {  	[sflag:s11] =	ssyncadd.s32 $0xFFFFE000  }
0x49: {  	_ =	sfence.sel $0x180000  }
0x4a: {  	[bflag:$0x0] =	sbarrier.arrive $0xFFFF  }
0x4b: {  	p0 =	sne.s32 s2, $0x0;
	_ =	strace $0x90000047  }
0x4c: {  	s0 =	sadd.s32 @!p0 $0x100000, s0;
	[bflag:$0x2] =	sbarrier.arrive $0xFFFF  }
0x4d: {  	[sflag:s0] =	ssyncadd.tile.s32 @!p0 $0x1;
	_ =	shalt  }
.Lfunc_end2:
_tile_overlayer_lowered:
.L_overlay_start_2:
0x4e: {  	(tag) =	ssettag $0x2  }
0x4f: {  	s0 =	rddreg [dreg:$0x0];
	s2 =	stileid.u32  }
0x50: {  	s1 =	rddreg [dreg:$0x1];
	p0 =	sne.s32 s2, $0x0  }
0x51: {  	s3 =	rddreg [dreg:$0x2];
	[bflag:$0x3] =	sbarrier.arrive $0xFFFF;
	s2 =	simm.s32 @!p0 $0x1C03  }
0x52: {  	[timem:s3], [sflag:s2] =	dma.local @!p0 [hbm:s0], s1  }
0x53: {  	s0 =	simm.s32 @!p0 $0x3  }
0x54: {  	_ =	swait.ge @!p0 [sflag:s0], s1  }
0x55: {  	s1 =	ssub.s32 @!p0 $0x0, s1;
	[sflag:s0] =	ssyncset.done @!p0 $0x0  }
0x56: {  	[sflag:s0] =	ssyncadd.s32 @!p0 s1  }
0x57: {  	[bflag:$0x3] =	sbarrier.arrive $0xFFFF  }
0x58: {  	_ =	shalt  }

// kernel: sparse-core-data-format-call.cloned.1.call-start
scs
called_computation_lowered:
.L_overlay_start_0:
0x0: {  	s2 =	sld [smem:$0x3FD9]  }
0x1: {  	s3 =	sld [smem:$0x3FFE];
	_ =	sdelay $0x1  }
0x2: {  	s1 =	srdreg.scid  }
0x3: {  	s0 =	sand.u32 $0x1, s1  }
0x4: {  	s15 =	sshll.u32 s0, $0xA;
	s2 =	sadd.s32 s3, s2  }
0x5: {  	s2 =	sadd.s32 s2, s15  }
0x6: {  	[smem:$0x3FC6] =	sst s2  }
0x7: {  	_ = 	snop  }
0x8: {  	s2 =	sld [smem:$0x3FD0];
	_ =	sdelay $0x2  }
0x9: {  	s16 =	simm.s32 $0xA;
	s4 =	simm.s32 $0x10  }
0xa: {  	[smem:s4], [sflag:s16] =	dma.local [hbm:s2], $0x1  }
0xb: {  	_ =	swait.eq [sflag:s16], $0x1  }
0xc: {  	[sflag:s16] =	ssyncset.done $0x0  }
0xd: {  	[sflag:s16] =	ssyncadd.s32 $0xFFFFFFFF  }
0xe: {  	s17 =	sld [smem:$0x13];
	(tm) =	ssettm $0x1  }
0xf: {  	s18 =	sld [smem:$0x3FFB];
	_ =	sdelay $0x3  }
0x10: {  	_ =	strace s18  }
0x11: {  	s3 =	sld [smem:$0x3FFC];
	_ =	sdelay $0x3  }
0x12: {  	_ =	strace s3  }
0x13: {  	s3 =	sld [smem:$0x3FFD];
	_ =	sdelay $0x3  }
0x14: {  	_ =	strace s3  }
0x15: {  	_ =	strace $0x8FFFFFFF  }
0x16: {  	s19 =	sld [smem:$0x3FDB];
	_ =	sdelay $0x1  }
0x17: {  	s20 =	simm.s32 $_scs_section_size  }
0x18: {  	s5 =	simm.s32 $_size__tile_overlayer_lowered;
	s6 =	simm.s32 $_tile_overlayer_lowered  }
0x19: {  	s23 =	simm.s32 $0x1BFF;
	s22 =	sshll.u32 s6, $0x1;
	s3 =	sadd.s32 s20, s19  }
0x1a: {  	s7 =	simm.s32 $0x0;
	s21 =	sshll.u32 s5, $0x1;
	s5 =	sadd.s32 s22, s3  }
0x1b: {  	[timem:s7], [sflag:s23] =	dma.local [hbm:s5], s21  }
0x1c: {  	_ =	swait.ge [sflag:s23], s21  }
0x1d: {  	s4 =	ssub.s32 $0x0, s21;
	[sflag:s23] =	ssyncset.done $0x0  }
0x1e: {  	[sflag:s23] =	ssyncadd.s32 s4;
	_ =	sdelay $0x1  }
0x1f: {  	s24 =	simm.s32 $0x1B8B  }
0x20: {  	_ =	swait.ge [sflag:s24], $0x1  }
0x21: {  	[sflag:s24] =	ssyncset.done $0x0  }
0x22: {  	s26 =	simm.s32 $0x1B8E;
	s25 =	sld [smem:$0x3FFE];
	[sflag:s24] =	ssyncadd.s32 $0xFFFFFFFF  }
0x23: {  	s27 =	simm.s32 $execute0_lowered;
	[smem:$0x3FD2] =	sst s26  }
0x24: {  	s5 =	sshll.u32 s27, $0x1;
	_ =	strace $0x80000049;
	[dreg:$0x1] =	wrdreg $0xFFFFFFFF  }
0x25: {  	s28 =	simm.s32 $_size_execute0_lowered;
	s3 =	sadd.s32 s3, s5;
	[dreg:$0x0] =	wrdreg $0x0  }
0x26: {  	s5 =	sshll.u32 s28, $0x1;
	[dreg:$0x2] =	wrdreg s3  }
0x27: {  	[dreg:$0x3] =	wrdreg s5  }
0x28: {  	[dreg:$0x4] =	wrdreg $0xC0  }
0x29: {  	_ =	task [dreg:s7], $0x5FFFF  }
0x2a: {  	[dreg:$0x1] =	wrdreg $0xFFFFFFFF  }
0x2b: {  	[dreg:$0x0] =	wrdreg $0x60  }
0x2c: {  	[dreg:$0x2] =	wrdreg s25  }
0x2d: {  	[dreg:$0x3] =	wrdreg s17  }
0x2e: {  	[dreg:$0x4] =	wrdreg $0x9  }
0x2f: {  	_ =	task.clear_ibuf [dreg:s7], $0x5FFFF;
	_ =	strace $0x90000049  }
0x30: {  	s29 =	simm.s32 $0x9;
	_ =	strace $0x8000004B  }
0x31: {  	_ =	swait.ge [sflag:s29], $0x1  }
0x32: {  	[sflag:s29] =	ssyncadd.s32 $0xFFFFFFFF  }
0x33: {  	_ =	strace $0x9000004B  }
0x34: {  	_ =	sfence  }
0x35: {  	s30 =	sld [smem:$0x0];
	_ =	sdelay $0x2  }
0x36: {  	s31 =	sshll.u32 s1, $0xD;
	s1 =	sshrl.u32 s1, $0x2  }
0x37: {  	s3 =	sand.u32 $0x4000, s31;
	s1 =	sadd.s32 s1, s30  }
0x38: {  	s0 =	sor.u32 s3, s0;
	s1 =	sshll.u32 s1, $0x11  }
0x39: {  	s0 =	sor.u32 s1, s0  }
0x3a: {  	s0 =	sadd.s32 $0x8F2B, s0  }
0x3b: {  	[sflag:s0] =	ssyncadd.remote.s32 $0x1  }
0x3c: {  	_ =	sfence.sel $0xFFFF  }
0x3d: {  	[dreg:$0x0] =	wrdreg $0xFFFFFFFF;
	(pc) =	sbr.abs _section_cstart, $3  }
0x3e: {  	[dreg:$0x1] =	wrdreg $0xFFFFFFFF  }
0x3f: {  	_ =	task.clear_ibuf [dreg:s7], $0x2FFFF;
	_ =	strace $0x9FFFFFFF  }
0x40: {  	(tm) =	ssettm $0x7FFFFFFF  }
0x41: {  	_ =	shalt  }
tec
execute0_lowered:
.L_overlay_start_1:
0x0: {  	(tag) =	ssettag $0x1  }
0x1: {  	s0 =	stileid.u32;
	s4 =	rddreg [dreg:$0x0]  }
0x2: {  	s1 =	srdreg.scid;
	s3 =	rddreg [dreg:$0x1];
	s7 =	simm.s32 $0x1  }
0x3: {  	s31 =	simm.s32 $0x2;
	s2 =	sshll.u32 s0, $0x5;
	s1 =	sshll.u32 s1, $0x9  }
0x4: {  	s15 =	simm.s32 $0x0;
	s9 =	simm.s32 $0x2000;
	s1 =	sor.u32 s2, s1  }
0x5: {  	s14 =	simm.s32 $0x0;
	s16 =	simm.s32 $0x0;
	s2 =	sand.u32 $0x380, s1  }
0x6: {  	s10 =	simm.s32 $0x0;
	s13 =	simm.s32 $0x0;
	s5 =	ssub.s32 $0x400, s2  }
0x7: {  	s4 =	sadd.s32 $0x112800, s4;
	s1 =	rddreg [dreg:$0x2];
	s6 =	sand.u32 $0x380, s5  }
.Ltmp0:
0x8: {  	_ =	strace $0x8000004A;
	p0 =	sne.s32 s6, $0x0;
	(pc) =	sbr.rel .LBB1_1-.Ltmp0, $4  }
0x9: {  	s11 =	smov.u32 s2;
	s8 =	sshrl.u32 s5, $0xA;
	s7 =	simm.s32 @!p0 $0x0  }
0xa: {  	s5 =	sand.u32 $0x3, s0;
	s6 =	simm.s32 $0x1;
	s7 =	sadd.s32 s7, s8  }
0xb: {  	s12 =	smov.u32 s5;
	[sflag:s6] =	ssyncpa.u1 $0x0;
	s7 =	sshll.u32 s7, $0x5  }
0xc: {  	p0 =	por $0x0, $0x0;
	[sflag:s31] =	ssyncpa.u1 $0x0;
	s8 =	sor.u32 $0x1, s7  }
.LBB1_4:
0xd: {  	s16 =	sshll.u32 s16, $0x12  }
0xe: {  	s19 =	sand.u32 $0x1F80, s14;
	s15 =	sshll.u32 s15, $0xD;
	s16 =	sadd.s32 s3, s16  }
0xf: {  	[tilespmem:s18+$0x810 ss:$0x81] =	vst.msk $0xffff, v2;
	s20 =	sshrl.u32 s14, $0x3;
	s30 =	sand.u32 $0x7, s14;
	s16 =	sadd.s32 s19, s16  }
0x10: {  	[tilespmem:s18+$0x1020 ss:$0x81] =	vst.msk $0xffff, v0;
	s31 =	sand.u32 $0xF, s20;
	s14 =	sshll.u32 s30, $0x12;
	s15 =	sadd.s32 s15, s16  }
0x11: {  	[tilespmem:s18+$0x0 ss:$0x81] =	vst.msk $0xffff, v1;
	s14 =	sor.u32 $0x400, s14;
	s15 =	sadd.s32 s31, s15  }
0x12: {  	[hbm4b:s15+s14] =	stream.strided.scatter [tilespmem:s17], [sflag:$0x2], $0x2000, s9, s14, $0x20;
	[tilespmem:$0x8080] =	vst v63  }
.LBB1_5:
0x13: {  	s17 =	sadd.s32 $0x1, s10  }
0x14: {  	s14 =	sadd.s32 $0x400, s11;
	s18 =	smov.u32 s11;
	p2 =	sgt.s32 s17, $0x1F  }
0x15: {  	s18 =	smov.u32 @p2 s14  }
0x16: {  	s20 =	smov.u32 s12;
	s14 =	sadd.s32 $0x4, s12;
	p3 =	sgt.s32 s18, $0x3FF  }
0x17: {  	s20 =	smov.u32 @p3 s14  }
0x18: {  	s17 =	simm.s32 @p2 $0x0;
	p2 =	sgt.s32 s20, $0x3  }
0x19: {  	p1 =	slt.u32 s13, $0x2;
	s20 =	smov.u32 @p2 s5;
	p2 =	sne.s32 s13, s8  }
.Ltmp1:
0x1a: {  	s19 =	simm.s32 @!p1 $0x2;
	(pc) =	sbr.rel @!p2 .LBB1_6-.Ltmp1, $4  }
0x1b: {  	s15 =	smov.u32 s10;
	s16 =	smov.u32 s12;
	_ =	swait.ge @!p1 [sflag:s19], $0x2000  }
0x1c: {  	p0 =	por !p0, !p0;
	[sflag:s19] =	ssyncset.done @!p1 $0x0;
	s10 =	smov.u32 s17  }
0x1d: {  	s18 =	smov.u32 @p3 s2;
	s14 =	smov.u32 s11;
	[sflag:s19] =	ssyncadd.s32 @!p1 $0xFFFFE000  }
0x1e: {  	s11 =	smov.u32 s18;
	s13 =	sadd.s32 $0x1, s13;
	s12 =	smov.u32 s20  }
.LBB1_1:
0x1f: {  	p1 =	sge.u32 s13, s7;
	s31 =	sadd.s32 $0xFFFFFFFF, s13  }
0x20: {  	s17 =	sxor.u32 @!p1 $0xFFFFFFFF, s13;
	s18 =	sshll.u32 @!p1 s12, $0x13;
	s19 =	sshll.u32 @!p1 s11, $0x9  }
0x21: {  	s20 =	sshll.u32 @!p1 s10, $0x4;
	s17 =	sshll.u32 @!p1 s17, $0xD;
	s18 =	sadd.s32 @!p1 s4, s18  }
0x22: {  	s20 =	sand.u32 @!p1 $0x1F0, s20;
	s17 =	sand.u32 @!p1 $0x2000, s17;
	s18 =	sadd.s32 @!p1 s19, s18  }
0x23: {  	s19 =	simm.s32 @!p1 $0x40;
	s18 =	sadd.s32 @!p1 s20, s18;
	s20 =	simm.s32 @!p1 $0x1000  }
0x24: {  	[tilespmem:s17], [sflag:$0x1] =	stream.strided.gather @!p1 [hbm4b:s18+s19], $0x2000, s20, s19, $0x38;
	[tilespmem:$0x8080] =	vst v63  }
0x25: {  	p1 =	sge.u32 s31, s7  }
.Ltmp2:
0x26: {  	_ = 	snop;
	(pc) =	sbr.rel @p1 .LBB1_5-.Ltmp2, $1  }
0x27: {  	_ =	sdelay $0x3  }
0x28: {  	s17 =	simm.s32 $0x1  }
0x29: {  	_ =	swait.ge [sflag:s6], $0x2000;
	s17 =	simm.s32 @!p0 $0x0  }
0x2a: {  	[sflag:s6] =	ssyncset.done $0x0;
	s18 =	sshll.u32 s17, $0xD  }
0x2b: {  	[sflag:s6] =	ssyncadd.s32 $0xFFFFE000;
	s21 =	sor.u32 $0x20, s18  }
0x2c: {  	s17 =	smul.u32 $0x8100, s17;
	v3 =	vld [tilespmem:s21+$0x10]  }
0x2d: {  	s30 =	sand.u32 $0x1, s13;
	v2 =	vld [tilespmem:s21+$0xFFFFFFF0]  }
0x2e: {  	s18 =	smul.u32 $0x8100, s30;
	s17 =	sshrl.u32 s17, $0x2;
	v0 =	vld [tilespmem:s21+$0x0]  }
0x2f: {  	v1 =	vld [tilespmem:s21+$0xFFFFFFE0];
	s19 =	sor.u32 $0x4000, s17  }
0x30: {  	s31 =	sshrl.u32 s18, $0x2;
	s18 =	sadd.s32 $0x0, s19  }
0x31: {  	s20 =	simm.s32 $0x4;
	s21 =	sadd.s32 $0x40, s21;
	s17 =	sor.u32 $0x4000, s31;
	[tilespmem:s18+$0x1830 ss:$0x81] =	vst.msk $0xffff, v3  }
.LBB1_3:
0x32: {  	v3 =	vld [tilespmem:s21+$0x10];
	p1 =	sne.s32 s20, $0x1FC;
	[tilespmem:s18+$0x810 ss:$0x81] =	vst.msk $0xffff, v2;
	s22 =	smov.u32 s20;
	s20 =	sadd.s32 $0x4, s20  }
.Ltmp3:
0x33: {  	v2 =	vld [tilespmem:s21+$0xFFFFFFF0];
	[tilespmem:s18+$0x1020 ss:$0x81] =	vst.msk $0xffff, v0;
	(pc) =	sbr.rel @p1 .LBB1_3-.Ltmp3, $4  }
0x34: {  	v0 =	vld [tilespmem:s21+$0x0];
	[tilespmem:s18+$0x0 ss:$0x81] =	vst.msk $0xffff, v1  }
0x35: {  	s18 =	sshra.s32 s22, $0x2;
	v1 =	vld [tilespmem:s21+$0xFFFFFFE0]  }
0x36: {  	s18 =	sadd.s32 s18, s19  }
0x37: {  	s21 =	sadd.s32 $0x40, s21;
	[tilespmem:s18+$0x1830 ss:$0x81] =	vst.msk $0xffff, v3  }
.Ltmp4:
0x38: {  	_ = 	snop;
	(pc) =	sbr.rel .LBB1_4-.Ltmp4, $1  }
0x39: {  	_ =	sdelay $0x3  }
.LBB1_6:
0x3a: {  	_ =	sfence.sel $0x180000  }
0x3b: {  	s2 =	simm.s32 $0x1;
	[bflag:$0x0] =	sbarrier.arrive $0xFFFF  }
0x3c: {  	s31 =	simm.s32 $0x2;
	[sflag:s2] =	ssyncpa.u1 $0x1  }
0x3d: {  	[sflag:s31] =	ssyncpa.u1 $0x1  }
0x3e: {  	p0 =	sne.s32 s0, $0x0;
	_ =	strace $0x9000004A  }
0x3f: {  	s0 =	sadd.s32 @!p0 $0x100000, s1;
	[bflag:$0x2] =	sbarrier.arrive $0xFFFF  }
0x40: {  	[sflag:s0] =	ssyncadd.tile.s32 @!p0 $0x1;
	_ =	shalt  }
.Lfunc_end1:
_tile_overlayer_lowered:
.L_overlay_start_2:
0x41: {  	(tag) =	ssettag $0x2  }
0x42: {  	s0 =	rddreg [dreg:$0x0];
	s2 =	stileid.u32  }
0x43: {  	s1 =	rddreg [dreg:$0x1];
	p0 =	sne.s32 s2, $0x0  }
0x44: {  	s3 =	rddreg [dreg:$0x2];
	[bflag:$0x3] =	sbarrier.arrive $0xFFFF;
	s2 =	simm.s32 @!p0 $0x1C01  }
0x45: {  	[timem:s3], [sflag:s2] =	dma.local @!p0 [hbm:s0], s1  }
0x46: {  	s0 =	simm.s32 @!p0 $0x1  }
0x47: {  	_ =	swait.ge @!p0 [sflag:s0], s1  }
0x48: {  	s1 =	ssub.s32 @!p0 $0x0, s1;
	[sflag:s0] =	ssyncset.done @!p0 $0x0  }
0x49: {  	[sflag:s0] =	ssyncadd.s32 @!p0 s1  }
0x4a: {  	[bflag:$0x3] =	sbarrier.arrive $0xFFFF  }
0x4b: {  	_ =	shalt  }

</sc_bundles>
